<compile_context>
chip_gen: v7x
topology: tpu7x:2x2x1
jax: 0.10.2.dev20260603
libtpu: 0.0.44.dev20260713+nightly
codegen_flags: <defaults>
</compile_context>

<pallas_src>
import functools

import jax
import jax.numpy as jnp
from jax import lax
from jax.experimental import pallas as pl
from jax.experimental.pallas import tpu as pltpu
from jax.experimental.pallas import tpu_sc as plsc

_NUM_ROWS = 1000000
_DIM = 32
_BATCH = 16384
_HIST = 50
_NW = 32
_BJ_W = 4
_NBLK = _HIST * _BJ_W

_mesh = plsc.VectorSubcoreMesh(core_axis_name="c", subcore_axis_name="s")


@functools.partial(
    pl.kernel,
    mesh=_mesh,
    out_type=jax.ShapeDtypeStruct((_HIST, 4, 128, 8, 128), jnp.float32),
    scratch_types=[
        pltpu.VMEM((_HIST, 512), jnp.int32),
        pltpu.VMEM((128, _DIM), jnp.float32),
        pltpu.VMEM((128, _DIM), jnp.float32),
        pltpu.VMEM((128, _DIM), jnp.float32),
        pltpu.VMEM((128, _DIM), jnp.float32),
        pltpu.VMEM((_DIM, 128), jnp.float32),
        pltpu.VMEM((_DIM, 128), jnp.float32),
        pltpu.SemaphoreType.DMA,
        pltpu.SemaphoreType.DMA,
        pltpu.SemaphoreType.DMA,
        pltpu.SemaphoreType.DMA,
        pltpu.SemaphoreType.DMA,
        pltpu.SemaphoreType.DMA,
    ],
    compiler_params=pltpu.CompilerParams(
        use_tc_tiling_on_sc=False, needs_layout_passes=False
    ),
)
def _gather_kernel(
    weight_hbm, xt_hbm, out_hbm,
    idx_v, rows0, rows1, rows2, rows3, tblk0, tblk1,
    gsem0, gsem1, gsem2, gsem3, wsem0, wsem1,
):
    wid = lax.axis_index("s") * 2 + lax.axis_index("c")
    col_base = wid * 512
    rows = (rows0, rows1, rows2, rows3)
    tblk = (tblk0, tblk1)
    gsem = (gsem0, gsem1, gsem2, gsem3)
    wsem = (wsem0, wsem1)
    rowvecs = [lax.iota(jnp.int32, 16) + l0 for l0 in range(0, 128, 16)]

    pltpu.sync_copy(xt_hbm.at[:, pl.ds(col_base, 512)], idx_v)

    def fire(k, b):
        h = k % _HIST
        bj = k // _HIST
        pltpu.async_copy(
            weight_hbm.at[idx_v.at[h, pl.ds(bj * 128, 128)]], rows[b], gsem[b]
        )

    def drain(b):
        pltpu.make_async_copy(
            weight_hbm.at[pl.ds(0, 128)], rows[b], gsem[b]
        ).wait()

    def transpose(b, t):
        src = rows[b]
        dst = tblk[t]

        def col_body(c, carry):
            cols = jnp.full((16,), c, jnp.int32)
            for i, rv in enumerate(rowvecs):
                dst[c, pl.ds(i * 16, 16)] = plsc.load_gather(src, [rv, cols])
            return carry

        lax.fori_loop(0, _DIM, col_body, 0)

    def start_wb(k, t):
        h = k % _HIST
        bj = k // _HIST
        for ci in range(4):
            pltpu.async_copy(
                tblk[t].at[pl.ds(ci * 8, 8)],
                out_hbm.at[h, ci, wid * _BJ_W + bj],
                wsem[t],
            )

    def wait_wb(t):
        for ci in range(4):
            pltpu.make_async_copy(
                tblk[t].at[pl.ds(ci * 8, 8)],
                out_hbm.at[0, ci, 0],
                wsem[t],
            ).wait()

    def step(k, b, t, do_wait_wb, do_fire):
        drain(b)
        if do_wait_wb:
            wait_wb(t)
        transpose(b, t)
        if do_fire:
            fire(k + 4, b)
        start_wb(k, t)

    for k in range(4):
        fire(k, k)

    step(0, 0, 0, False, True)
    step(1, 1, 1, False, True)

    def quad_body(p, carry):
        for j in range(4):
            k = 4 * p + 2 + j
            step(k, (2 + j) % 4, j % 2, True, True)
        return carry

    lax.fori_loop(0, (_NBLK - 8) // 4, quad_body, 0)

    for k in range(_NBLK - 6, _NBLK):
        step(k, k % 4, k % 2, True, k + 4 < _NBLK)
    wait_wb(0)
    wait_wb(1)


def kernel(x, weight):
    xt = x.astype(jnp.int32).T
    o5 = _gather_kernel(weight, xt)
    return o5.transpose(2, 4, 0, 1, 3).reshape(_BATCH, _HIST, _DIM)

# --- scband reference (transcript-rebuilt; emitter-appended) ---
"""Pipeline reference for scband-meta-embedding-25563645345861 (READ-ONLY COPY).

The authoritative reference and input builder live on the scoring server;
editing this copy changes nothing except your own understanding.
"""

import jax, jax.numpy as jnp
import numpy as np

NUM_ROWS = 1000000
DIM = 32
BATCH = 16384
HIST = 50

def setup_inputs(seed: int = 0) -> dict:
    key = jax.random.key(seed)
    k1, k2 = jax.random.split(key)
    x = jax.random.randint(k1, (BATCH, HIST), 0, NUM_ROWS, dtype=jnp.int64 if jax.config.jax_enable_x64 else jnp.int32)
    weight = jax.random.normal(k2, (NUM_ROWS, DIM), dtype=jnp.float32)
    return {"x": x, "weight": weight}

def reference(x, weight):
    # F.embedding with padding_idx=None is a pure row gather
    return jnp.take(weight, x, axis=0)

if __name__ == "__main__":
    import jax
    _d = setup_inputs()
    print(jax.jit(kernel)(*tuple(_d.values())))

</pallas_src>

<mosaic_0001>
#map = affine_map<(d0, d1) -> (0, 0)>
#map1 = affine_map<(d0, d1) -> (0, 0, 0, 0, 0)>
module attributes {stable_mosaic.version = 14 : i64} {
  func.func @_gather_kernel(%arg0: i32, %arg1: i32, %arg2: memref<1000000x32xf32, #tpu.memory_space<hbm>>, %arg3: memref<50x16384xi32, #tpu.memory_space<hbm>>, %arg4: memref<50x4x128x8x128xf32, #tpu.memory_space<hbm>>, %arg5: memref<50x512xi32, #tpu.memory_space<vmem>>, %arg6: memref<128x32xf32, #tpu.memory_space<vmem>>, %arg7: memref<128x32xf32, #tpu.memory_space<vmem>>, %arg8: memref<128x32xf32, #tpu.memory_space<vmem>>, %arg9: memref<128x32xf32, #tpu.memory_space<vmem>>, %arg10: memref<32x128xf32, #tpu.memory_space<vmem>>, %arg11: memref<32x128xf32, #tpu.memory_space<vmem>>, %arg12: memref<!tpu.dma_semaphore, #tpu.memory_space<semaphore_mem>>, %arg13: memref<!tpu.dma_semaphore, #tpu.memory_space<semaphore_mem>>, %arg14: memref<!tpu.dma_semaphore, #tpu.memory_space<semaphore_mem>>, %arg15: memref<!tpu.dma_semaphore, #tpu.memory_space<semaphore_mem>>, %arg16: memref<!tpu.dma_semaphore, #tpu.memory_space<semaphore_mem>>, %arg17: memref<!tpu.dma_semaphore, #tpu.memory_space<semaphore_mem>>) attributes {dimension_semantics = [#tpu.dimension_semantics<core_parallel>, #tpu.dimension_semantics<subcore_parallel>], iteration_bounds = array<i64: 2, 16>, scalar_prefetch = 0 : i64, scratch_operands = 13 : i64, tpu.core_type = #tpu.core_type<sc_vector_subcore>, window_params = [{transform_indices = #map}, {transform_indices = #map}, {transform_indices = #map1}]} {
    %mul3A = arith.constant 2 : i32
    %mul3A_0 = arith.muli %arg1, %mul3A : i32
    %add3A = arith.addi %mul3A_0, %arg0 : i32
    %mul3A_1 = arith.constant 512 : i32
    %mul3A_2 = arith.muli %add3A, %mul3A_1 : i32
    %iota3A = tpu.iota {dimensions = array<i32: 0>} : vector<16xi32>
    %add3A_3 = arith.constant 0 : i32
    %add3A_4 = vector.broadcast %add3A_3 : i32 to vector<16xi32>
    %add3A_5 = arith.addi %iota3A, %add3A_4 : vector<16xi32>
    %iota3A_6 = tpu.iota {dimensions = array<i32: 0>} : vector<16xi32>
    %add3A_7 = arith.constant 16 : i32
    %add3A_8 = vector.broadcast %add3A_7 : i32 to vector<16xi32>
    %add3A_9 = arith.addi %iota3A_6, %add3A_8 : vector<16xi32>
    %iota3A_10 = tpu.iota {dimensions = array<i32: 0>} : vector<16xi32>
    %add3A_11 = arith.constant 32 : i32
    %add3A_12 = vector.broadcast %add3A_11 : i32 to vector<16xi32>
    %add3A_13 = arith.addi %iota3A_10, %add3A_12 : vector<16xi32>
    %iota3A_14 = tpu.iota {dimensions = array<i32: 0>} : vector<16xi32>
    %add3A_15 = arith.constant 48 : i32
    %add3A_16 = vector.broadcast %add3A_15 : i32 to vector<16xi32>
    %add3A_17 = arith.addi %iota3A_14, %add3A_16 : vector<16xi32>
    %iota3A_18 = tpu.iota {dimensions = array<i32: 0>} : vector<16xi32>
    %add3A_19 = arith.constant 64 : i32
    %add3A_20 = vector.broadcast %add3A_19 : i32 to vector<16xi32>
    %add3A_21 = arith.addi %iota3A_18, %add3A_20 : vector<16xi32>
    %iota3A_22 = tpu.iota {dimensions = array<i32: 0>} : vector<16xi32>
    %add3A_23 = arith.constant 80 : i32
    %add3A_24 = vector.broadcast %add3A_23 : i32 to vector<16xi32>
    %add3A_25 = arith.addi %iota3A_22, %add3A_24 : vector<16xi32>
    %iota3A_26 = tpu.iota {dimensions = array<i32: 0>} : vector<16xi32>
    %add3A_27 = arith.constant 96 : i32
    %add3A_28 = vector.broadcast %add3A_27 : i32 to vector<16xi32>
    %add3A_29 = arith.addi %iota3A_26, %add3A_28 : vector<16xi32>
    %iota3A_30 = tpu.iota {dimensions = array<i32: 0>} : vector<16xi32>
    %add3A_31 = arith.constant 112 : i32
    %add3A_32 = vector.broadcast %add3A_31 : i32 to vector<16xi32>
    %add3A_33 = arith.addi %iota3A_30, %add3A_32 : vector<16xi32>
    "tpu.region"() ({
      %run_scoped3A = tpu.sem_alloc : memref<!tpu.dma_semaphore, #tpu.memory_space<semaphore_mem>>
      %dma_start3A_1373 = arith.constant 0 : i32
      %dma_start3A_1374 = tpu.memref_slice %arg3[%dma_start3A_1373, %mul3A_2] : memref<50x16384xi32, #tpu.memory_space<hbm>> -> memref<50x512xi32, #tpu.memory_space<hbm>>
      %dma_start3A_1375 = arith.constant 0 : i32
      %dma_start3A_1376 = tpu.memref_slice %arg3[%dma_start3A_1375, %mul3A_2] : memref<50x16384xi32, #tpu.memory_space<hbm>> -> memref<50x512xi32, #tpu.memory_space<hbm>>
      tpu.enqueue_dma source(%dma_start3A_1376 : memref<50x512xi32, #tpu.memory_space<hbm>>) target(%arg5 : memref<50x512xi32, #tpu.memory_space<vmem>>) target_semaphore(%run_scoped3A : memref<!tpu.dma_semaphore, #tpu.memory_space<semaphore_mem>>)
      %dma_wait3A_1377 = arith.constant 0 : i32
      %dma_wait3A_1378 = tpu.memref_slice %arg3[%dma_wait3A_1377, %mul3A_2] : memref<50x16384xi32, #tpu.memory_space<hbm>> -> memref<50x512xi32, #tpu.memory_space<hbm>>
      %dma_wait3A_1379 = arith.constant 0 : i32
      %dma_wait3A_1380 = tpu.memref_slice %arg3[%dma_wait3A_1379, %mul3A_2] : memref<50x16384xi32, #tpu.memory_space<hbm>> -> memref<50x512xi32, #tpu.memory_space<hbm>>
      tpu.wait_dma2 semaphore(%run_scoped3A : memref<!tpu.dma_semaphore, #tpu.memory_space<semaphore_mem>>) src(%dma_wait3A_1380 : memref<50x512xi32, #tpu.memory_space<hbm>>) dst(%arg5 : memref<50x512xi32, #tpu.memory_space<vmem>>)
      tpu.yield
    }) : () -> ()
    %dma_start3A = arith.constant 0 : i32
    %dma_start3A_34 = arith.constant 0 : i32
    %dma_start3A_35 = tpu.memref_slice %arg5[%dma_start3A, %dma_start3A_34] : memref<50x512xi32, #tpu.memory_space<vmem>> -> memref<1x128xi32, #tpu.memory_space<vmem>>
    %dma_start3A_36 = tpu.memref_squeeze %dma_start3A_35 : memref<1x128xi32, #tpu.memory_space<vmem>> -> memref<128xi32, #tpu.memory_space<vmem>>
    %dma_start3A_37 = arith.constant 0 : i32
    %dma_start3A_38 = arith.constant 0 : i32
    %dma_start3A_39 = tpu.memref_slice %arg2[%dma_start3A_37, %dma_start3A_38] : memref<1000000x32xf32, #tpu.memory_space<hbm>> -> memref<1000000x32xf32, #tpu.memory_space<hbm>>
    tpu.enqueue_indirect_dma source(%dma_start3A_39 : memref<1000000x32xf32, #tpu.memory_space<hbm>>) target(%arg6 : memref<128x32xf32, #tpu.memory_space<vmem>>) offsets(%dma_start3A_36 : memref<128xi32, #tpu.memory_space<vmem>>) semaphore(%arg12 : memref<!tpu.dma_semaphore, #tpu.memory_space<semaphore_mem>>)
    %dma_start3A_40 = arith.constant 1 : i32
    %dma_start3A_41 = arith.constant 0 : i32
    %dma_start3A_42 = tpu.memref_slice %arg5[%dma_start3A_40, %dma_start3A_41] : memref<50x512xi32, #tpu.memory_space<vmem>> -> memref<1x128xi32, #tpu.memory_space<vmem>>
    %dma_start3A_43 = tpu.memref_squeeze %dma_start3A_42 : memref<1x128xi32, #tpu.memory_space<vmem>> -> memref<128xi32, #tpu.memory_space<vmem>>
    %dma_start3A_44 = arith.constant 0 : i32
    %dma_start3A_45 = arith.constant 0 : i32
    %dma_start3A_46 = tpu.memref_slice %arg2[%dma_start3A_44, %dma_start3A_45] : memref<1000000x32xf32, #tpu.memory_space<hbm>> -> memref<1000000x32xf32, #tpu.memory_space<hbm>>
    tpu.enqueue_indirect_dma source(%dma_start3A_46 : memref<1000000x32xf32, #tpu.memory_space<hbm>>) target(%arg7 : memref<128x32xf32, #tpu.memory_space<vmem>>) offsets(%dma_start3A_43 : memref<128xi32, #tpu.memory_space<vmem>>) semaphore(%arg13 : memref<!tpu.dma_semaphore, #tpu.memory_space<semaphore_mem>>)
    %dma_start3A_47 = arith.constant 2 : i32
    %dma_start3A_48 = arith.constant 0 : i32
    %dma_start3A_49 = tpu.memref_slice %arg5[%dma_start3A_47, %dma_start3A_48] : memref<50x512xi32, #tpu.memory_space<vmem>> -> memref<1x128xi32, #tpu.memory_space<vmem>>
    %dma_start3A_50 = tpu.memref_squeeze %dma_start3A_49 : memref<1x128xi32, #tpu.memory_space<vmem>> -> memref<128xi32, #tpu.memory_space<vmem>>
    %dma_start3A_51 = arith.constant 0 : i32
    %dma_start3A_52 = arith.constant 0 : i32
    %dma_start3A_53 = tpu.memref_slice %arg2[%dma_start3A_51, %dma_start3A_52] : memref<1000000x32xf32, #tpu.memory_space<hbm>> -> memref<1000000x32xf32, #tpu.memory_space<hbm>>
    tpu.enqueue_indirect_dma source(%dma_start3A_53 : memref<1000000x32xf32, #tpu.memory_space<hbm>>) target(%arg8 : memref<128x32xf32, #tpu.memory_space<vmem>>) offsets(%dma_start3A_50 : memref<128xi32, #tpu.memory_space<vmem>>) semaphore(%arg14 : memref<!tpu.dma_semaphore, #tpu.memory_space<semaphore_mem>>)
    %dma_start3A_54 = arith.constant 3 : i32
    %dma_start3A_55 = arith.constant 0 : i32
    %dma_start3A_56 = tpu.memref_slice %arg5[%dma_start3A_54, %dma_start3A_55] : memref<50x512xi32, #tpu.memory_space<vmem>> -> memref<1x128xi32, #tpu.memory_space<vmem>>
    %dma_start3A_57 = tpu.memref_squeeze %dma_start3A_56 : memref<1x128xi32, #tpu.memory_space<vmem>> -> memref<128xi32, #tpu.memory_space<vmem>>
    %dma_start3A_58 = arith.constant 0 : i32
    %dma_start3A_59 = arith.constant 0 : i32
    %dma_start3A_60 = tpu.memref_slice %arg2[%dma_start3A_58, %dma_start3A_59] : memref<1000000x32xf32, #tpu.memory_space<hbm>> -> memref<1000000x32xf32, #tpu.memory_space<hbm>>
    tpu.enqueue_indirect_dma source(%dma_start3A_60 : memref<1000000x32xf32, #tpu.memory_space<hbm>>) target(%arg9 : memref<128x32xf32, #tpu.memory_space<vmem>>) offsets(%dma_start3A_57 : memref<128xi32, #tpu.memory_space<vmem>>) semaphore(%arg15 : memref<!tpu.dma_semaphore, #tpu.memory_space<semaphore_mem>>)
    %dma_wait3A = arith.constant 0 : i32
    %dma_wait3A_61 = arith.constant 0 : i32
    %dma_wait3A_62 = tpu.memref_slice %arg2[%dma_wait3A, %dma_wait3A_61] : memref<1000000x32xf32, #tpu.memory_space<hbm>> -> memref<128x32xf32, #tpu.memory_space<hbm>>
    %dma_wait3A_63 = arith.constant 0 : i32
    %dma_wait3A_64 = arith.constant 0 : i32
    %dma_wait3A_65 = tpu.memref_slice %arg2[%dma_wait3A_63, %dma_wait3A_64] : memref<1000000x32xf32, #tpu.memory_space<hbm>> -> memref<128x32xf32, #tpu.memory_space<hbm>>
    tpu.wait_dma2 semaphore(%arg12 : memref<!tpu.dma_semaphore, #tpu.memory_space<semaphore_mem>>) src(%dma_wait3A_65 : memref<128x32xf32, #tpu.memory_space<hbm>>) dst(%arg6 : memref<128x32xf32, #tpu.memory_space<vmem>>)
    %scan3A = arith.constant 0 : i32
    %scan3A_66 = arith.constant 0 : i32
    %scan3A_67 = arith.constant 32 : i32
    %scan3A_68 = arith.addi %scan3A_66, %scan3A_67 : i32
    %scan3A_69 = arith.constant 1 : i32
    scf.for %scan3A_1373 = %scan3A_66 to %scan3A_68 step %scan3A_69  : i32 {
      %broadcast_in_dim3A = vector.broadcast %scan3A_1373 : i32 to vector<16xi32>
      %gather3A = tpu.vector_load_idx %arg6[%add3A_5, %broadcast_in_dim3A] : memref<128x32xf32, #tpu.memory_space<vmem>>[vector<16xi32>, vector<16xi32>], vector<16xf32>,
      %swap3A = arith.index_cast %scan3A_1373 : i32 to index
      %swap3A_1374 = arith.constant 0 : index
      %swap3A_1375 = tpu.vector_load %arg10[%swap3A, %swap3A_1374] {strides = array<i32>} : memref<32x128xf32, #tpu.memory_space<vmem>>, vector<16xf32>,
      tpu.vector_store %arg10[%swap3A, %swap3A_1374], %gather3A {strides = array<i32>} : memref<32x128xf32, #tpu.memory_space<vmem>>, vector<16xf32>,
      %gather3A_1376 = tpu.vector_load_idx %arg6[%add3A_9, %broadcast_in_dim3A] : memref<128x32xf32, #tpu.memory_space<vmem>>[vector<16xi32>, vector<16xi32>], vector<16xf32>,
      %swap3A_1377 = arith.index_cast %scan3A_1373 : i32 to index
      %swap3A_1378 = arith.constant 16 : index
      %swap3A_1379 = tpu.vector_load %arg10[%swap3A_1377, %swap3A_1378] {strides = array<i32>} : memref<32x128xf32, #tpu.memory_space<vmem>>, vector<16xf32>,
      tpu.vector_store %arg10[%swap3A_1377, %swap3A_1378], %gather3A_1376 {strides = array<i32>} : memref<32x128xf32, #tpu.memory_space<vmem>>, vector<16xf32>,
      %gather3A_1380 = tpu.vector_load_idx %arg6[%add3A_13, %broadcast_in_dim3A] : memref<128x32xf32, #tpu.memory_space<vmem>>[vector<16xi32>, vector<16xi32>], vector<16xf32>,
      %swap3A_1381 = arith.index_cast %scan3A_1373 : i32 to index
      %swap3A_1382 = arith.constant 32 : index
      %swap3A_1383 = tpu.vector_load %arg10[%swap3A_1381, %swap3A_1382] {strides = array<i32>} : memref<32x128xf32, #tpu.memory_space<vmem>>, vector<16xf32>,
      tpu.vector_store %arg10[%swap3A_1381, %swap3A_1382], %gather3A_1380 {strides = array<i32>} : memref<32x128xf32, #tpu.memory_space<vmem>>, vector<16xf32>,
      %gather3A_1384 = tpu.vector_load_idx %arg6[%add3A_17, %broadcast_in_dim3A] : memref<128x32xf32, #tpu.memory_space<vmem>>[vector<16xi32>, vector<16xi32>], vector<16xf32>,
      %swap3A_1385 = arith.index_cast %scan3A_1373 : i32 to index
      %swap3A_1386 = arith.constant 48 : index
      %swap3A_1387 = tpu.vector_load %arg10[%swap3A_1385, %swap3A_1386] {strides = array<i32>} : memref<32x128xf32, #tpu.memory_space<vmem>>, vector<16xf32>,
      tpu.vector_store %arg10[%swap3A_1385, %swap3A_1386], %gather3A_1384 {strides = array<i32>} : memref<32x128xf32, #tpu.memory_space<vmem>>, vector<16xf32>,
      %gather3A_1388 = tpu.vector_load_idx %arg6[%add3A_21, %broadcast_in_dim3A] : memref<128x32xf32, #tpu.memory_space<vmem>>[vector<16xi32>, vector<16xi32>], vector<16xf32>,
      %swap3A_1389 = arith.index_cast %scan3A_1373 : i32 to index
      %swap3A_1390 = arith.constant 64 : index
      %swap3A_1391 = tpu.vector_load %arg10[%swap3A_1389, %swap3A_1390] {strides = array<i32>} : memref<32x128xf32, #tpu.memory_space<vmem>>, vector<16xf32>,
      tpu.vector_store %arg10[%swap3A_1389, %swap3A_1390], %gather3A_1388 {strides = array<i32>} : memref<32x128xf32, #tpu.memory_space<vmem>>, vector<16xf32>,
      %gather3A_1392 = tpu.vector_load_idx %arg6[%add3A_25, %broadcast_in_dim3A] : memref<128x32xf32, #tpu.memory_space<vmem>>[vector<16xi32>, vector<16xi32>], vector<16xf32>,
      %swap3A_1393 = arith.index_cast %scan3A_1373 : i32 to index
      %swap3A_1394 = arith.constant 80 : index
      %swap3A_1395 = tpu.vector_load %arg10[%swap3A_1393, %swap3A_1394] {strides = array<i32>} : memref<32x128xf32, #tpu.memory_space<vmem>>, vector<16xf32>,
      tpu.vector_store %arg10[%swap3A_1393, %swap3A_1394], %gather3A_1392 {strides = array<i32>} : memref<32x128xf32, #tpu.memory_space<vmem>>, vector<16xf32>,
      %gather3A_1396 = tpu.vector_load_idx %arg6[%add3A_29, %broadcast_in_dim3A] : memref<128x32xf32, #tpu.memory_space<vmem>>[vector<16xi32>, vector<16xi32>], vector<16xf32>,
      %swap3A_1397 = arith.index_cast %scan3A_1373 : i32 to index
      %swap3A_1398 = arith.constant 96 : index
      %swap3A_1399 = tpu.vector_load %arg10[%swap3A_1397, %swap3A_1398] {strides = array<i32>} : memref<32x128xf32, #tpu.memory_space<vmem>>, vector<16xf32>,
      tpu.vector_store %arg10[%swap3A_1397, %swap3A_1398], %gather3A_1396 {strides = array<i32>} : memref<32x128xf32, #tpu.memory_space<vmem>>, vector<16xf32>,
      %gather3A_1400 = tpu.vector_load_idx %arg6[%add3A_33, %broadcast_in_dim3A] : memref<128x32xf32, #tpu.memory_space<vmem>>[vector<16xi32>, vector<16xi32>], vector<16xf32>,
      %swap3A_1401 = arith.index_cast %scan3A_1373 : i32 to index
      %swap3A_1402 = arith.constant 112 : index
      %swap3A_1403 = tpu.vector_load %arg10[%swap3A_1401, %swap3A_1402] {strides = array<i32>} : memref<32x128xf32, #tpu.memory_space<vmem>>, vector<16xf32>,
      tpu.vector_store %arg10[%swap3A_1401, %swap3A_1402], %gather3A_1400 {strides = array<i32>} : memref<32x128xf32, #tpu.memory_space<vmem>>, vector<16xf32>,
    }
    %scan3A_70 = arith.constant 32 : i32
    %dma_start3A_71 = arith.constant 4 : i32
    %dma_start3A_72 = arith.constant 0 : i32
    %dma_start3A_73 = tpu.memref_slice %arg5[%dma_start3A_71, %dma_start3A_72] : memref<50x512xi32, #tpu.memory_space<vmem>> -> memref<1x128xi32, #tpu.memory_space<vmem>>
    %dma_start3A_74 = tpu.memref_squeeze %dma_start3A_73 : memref<1x128xi32, #tpu.memory_space<vmem>> -> memref<128xi32, #tpu.memory_space<vmem>>
    %dma_start3A_75 = arith.constant 0 : i32
    %dma_start3A_76 = arith.constant 0 : i32
    %dma_start3A_77 = tpu.memref_slice %arg2[%dma_start3A_75, %dma_start3A_76] : memref<1000000x32xf32, #tpu.memory_space<hbm>> -> memref<1000000x32xf32, #tpu.memory_space<hbm>>
    tpu.enqueue_indirect_dma source(%dma_start3A_77 : memref<1000000x32xf32, #tpu.memory_space<hbm>>) target(%arg6 : memref<128x32xf32, #tpu.memory_space<vmem>>) offsets(%dma_start3A_74 : memref<128xi32, #tpu.memory_space<vmem>>) semaphore(%arg12 : memref<!tpu.dma_semaphore, #tpu.memory_space<semaphore_mem>>)
    %mul3A_78 = arith.constant 4 : i32
    %mul3A_79 = arith.muli %add3A, %mul3A_78 : i32
    %add3A_80 = arith.constant 0 : i32
    %add3A_81 = arith.addi %mul3A_79, %add3A_80 : i32
    %dma_start3A_82 = arith.constant 0 : i32
    %dma_start3A_83 = arith.constant 0 : i32
    %dma_start3A_84 = arith.constant 0 : i32
    %dma_start3A_85 = arith.constant 0 : i32
    %dma_start3A_86 = tpu.memref_slice %arg10[%dma_start3A_84, %dma_start3A_85] : memref<32x128xf32, #tpu.memory_space<vmem>> -> memref<8x128xf32, #tpu.memory_space<vmem>>
    %dma_start3A_87 = arith.constant 0 : i32
    %dma_start3A_88 = arith.constant 0 : i32
    %dma_start3A_89 = tpu.memref_slice %arg4[%dma_start3A_82, %dma_start3A_83, %add3A_81, %dma_start3A_87, %dma_start3A_88] : memref<50x4x128x8x128xf32, #tpu.memory_space<hbm>> -> memref<1x1x1x8x128xf32, #tpu.memory_space<hbm>>
    %dma_start3A_90 = tpu.memref_squeeze %dma_start3A_89 : memref<1x1x1x8x128xf32, #tpu.memory_space<hbm>> -> memref<8x128xf32, #tpu.memory_space<hbm>>
    %dma_start3A_91 = arith.constant 0 : i32
    %dma_start3A_92 = arith.constant 0 : i32
    %dma_start3A_93 = tpu.memref_slice %arg4[%dma_start3A_82, %dma_start3A_83, %add3A_81, %dma_start3A_91, %dma_start3A_92] : memref<50x4x128x8x128xf32, #tpu.memory_space<hbm>> -> memref<1x1x1x8x128xf32, #tpu.memory_space<hbm>>
    %dma_start3A_94 = tpu.memref_squeeze %dma_start3A_93 : memref<1x1x1x8x128xf32, #tpu.memory_space<hbm>> -> memref<8x128xf32, #tpu.memory_space<hbm>>
    %dma_start3A_95 = arith.constant 0 : i32
    %dma_start3A_96 = arith.constant 0 : i32
    %dma_start3A_97 = tpu.memref_slice %arg10[%dma_start3A_95, %dma_start3A_96] : memref<32x128xf32, #tpu.memory_space<vmem>> -> memref<8x128xf32, #tpu.memory_space<vmem>>
    tpu.enqueue_dma source(%dma_start3A_97 : memref<8x128xf32, #tpu.memory_space<vmem>>) target(%dma_start3A_94 : memref<8x128xf32, #tpu.memory_space<hbm>>) target_semaphore(%arg16 : memref<!tpu.dma_semaphore, #tpu.memory_space<semaphore_mem>>)
    %mul3A_98 = arith.constant 4 : i32
    %mul3A_99 = arith.muli %add3A, %mul3A_98 : i32
    %add3A_100 = arith.constant 0 : i32
    %add3A_101 = arith.addi %mul3A_99, %add3A_100 : i32
    %dma_start3A_102 = arith.constant 0 : i32
    %dma_start3A_103 = arith.constant 1 : i32
    %dma_start3A_104 = arith.constant 8 : i32
    %dma_start3A_105 = arith.constant 0 : i32
    %dma_start3A_106 = tpu.memref_slice %arg10[%dma_start3A_104, %dma_start3A_105] : memref<32x128xf32, #tpu.memory_space<vmem>> -> memref<8x128xf32, #tpu.memory_space<vmem>>
    %dma_start3A_107 = arith.constant 0 : i32
    %dma_start3A_108 = arith.constant 0 : i32
    %dma_start3A_109 = tpu.memref_slice %arg4[%dma_start3A_102, %dma_start3A_103, %add3A_101, %dma_start3A_107, %dma_start3A_108] : memref<50x4x128x8x128xf32, #tpu.memory_space<hbm>> -> memref<1x1x1x8x128xf32, #tpu.memory_space<hbm>>
    %dma_start3A_110 = tpu.memref_squeeze %dma_start3A_109 : memref<1x1x1x8x128xf32, #tpu.memory_space<hbm>> -> memref<8x128xf32, #tpu.memory_space<hbm>>
    %dma_start3A_111 = arith.constant 0 : i32
    %dma_start3A_112 = arith.constant 0 : i32
    %dma_start3A_113 = tpu.memref_slice %arg4[%dma_start3A_102, %dma_start3A_103, %add3A_101, %dma_start3A_111, %dma_start3A_112] : memref<50x4x128x8x128xf32, #tpu.memory_space<hbm>> -> memref<1x1x1x8x128xf32, #tpu.memory_space<hbm>>
    %dma_start3A_114 = tpu.memref_squeeze %dma_start3A_113 : memref<1x1x1x8x128xf32, #tpu.memory_space<hbm>> -> memref<8x128xf32, #tpu.memory_space<hbm>>
    %dma_start3A_115 = arith.constant 8 : i32
    %dma_start3A_116 = arith.constant 0 : i32
    %dma_start3A_117 = tpu.memref_slice %arg10[%dma_start3A_115, %dma_start3A_116] : memref<32x128xf32, #tpu.memory_space<vmem>> -> memref<8x128xf32, #tpu.memory_space<vmem>>
    tpu.enqueue_dma source(%dma_start3A_117 : memref<8x128xf32, #tpu.memory_space<vmem>>) target(%dma_start3A_114 : memref<8x128xf32, #tpu.memory_space<hbm>>) target_semaphore(%arg16 : memref<!tpu.dma_semaphore, #tpu.memory_space<semaphore_mem>>)
    %mul3A_118 = arith.constant 4 : i32
    %mul3A_119 = arith.muli %add3A, %mul3A_118 : i32
    %add3A_120 = arith.constant 0 : i32
    %add3A_121 = arith.addi %mul3A_119, %add3A_120 : i32
    %dma_start3A_122 = arith.constant 0 : i32
    %dma_start3A_123 = arith.constant 2 : i32
    %dma_start3A_124 = arith.constant 16 : i32
    %dma_start3A_125 = arith.constant 0 : i32
    %dma_start3A_126 = tpu.memref_slice %arg10[%dma_start3A_124, %dma_start3A_125] : memref<32x128xf32, #tpu.memory_space<vmem>> -> memref<8x128xf32, #tpu.memory_space<vmem>>
    %dma_start3A_127 = arith.constant 0 : i32
    %dma_start3A_128 = arith.constant 0 : i32
    %dma_start3A_129 = tpu.memref_slice %arg4[%dma_start3A_122, %dma_start3A_123, %add3A_121, %dma_start3A_127, %dma_start3A_128] : memref<50x4x128x8x128xf32, #tpu.memory_space<hbm>> -> memref<1x1x1x8x128xf32, #tpu.memory_space<hbm>>
    %dma_start3A_130 = tpu.memref_squeeze %dma_start3A_129 : memref<1x1x1x8x128xf32, #tpu.memory_space<hbm>> -> memref<8x128xf32, #tpu.memory_space<hbm>>
    %dma_start3A_131 = arith.constant 0 : i32
    %dma_start3A_132 = arith.constant 0 : i32
    %dma_start3A_133 = tpu.memref_slice %arg4[%dma_start3A_122, %dma_start3A_123, %add3A_121, %dma_start3A_131, %dma_start3A_132] : memref<50x4x128x8x128xf32, #tpu.memory_space<hbm>> -> memref<1x1x1x8x128xf32, #tpu.memory_space<hbm>>
    %dma_start3A_134 = tpu.memref_squeeze %dma_start3A_133 : memref<1x1x1x8x128xf32, #tpu.memory_space<hbm>> -> memref<8x128xf32, #tpu.memory_space<hbm>>
    %dma_start3A_135 = arith.constant 16 : i32
    %dma_start3A_136 = arith.constant 0 : i32
    %dma_start3A_137 = tpu.memref_slice %arg10[%dma_start3A_135, %dma_start3A_136] : memref<32x128xf32, #tpu.memory_space<vmem>> -> memref<8x128xf32, #tpu.memory_space<vmem>>
    tpu.enqueue_dma source(%dma_start3A_137 : memref<8x128xf32, #tpu.memory_space<vmem>>) target(%dma_start3A_134 : memref<8x128xf32, #tpu.memory_space<hbm>>) target_semaphore(%arg16 : memref<!tpu.dma_semaphore, #tpu.memory_space<semaphore_mem>>)
    %mul3A_138 = arith.constant 4 : i32
    %mul3A_139 = arith.muli %add3A, %mul3A_138 : i32
    %add3A_140 = arith.constant 0 : i32
    %add3A_141 = arith.addi %mul3A_139, %add3A_140 : i32
    %dma_start3A_142 = arith.constant 0 : i32
    %dma_start3A_143 = arith.constant 3 : i32
    %dma_start3A_144 = arith.constant 24 : i32
    %dma_start3A_145 = arith.constant 0 : i32
    %dma_start3A_146 = tpu.memref_slice %arg10[%dma_start3A_144, %dma_start3A_145] : memref<32x128xf32, #tpu.memory_space<vmem>> -> memref<8x128xf32, #tpu.memory_space<vmem>>
    %dma_start3A_147 = arith.constant 0 : i32
    %dma_start3A_148 = arith.constant 0 : i32
    %dma_start3A_149 = tpu.memref_slice %arg4[%dma_start3A_142, %dma_start3A_143, %add3A_141, %dma_start3A_147, %dma_start3A_148] : memref<50x4x128x8x128xf32, #tpu.memory_space<hbm>> -> memref<1x1x1x8x128xf32, #tpu.memory_space<hbm>>
    %dma_start3A_150 = tpu.memref_squeeze %dma_start3A_149 : memref<1x1x1x8x128xf32, #tpu.memory_space<hbm>> -> memref<8x128xf32, #tpu.memory_space<hbm>>
    %dma_start3A_151 = arith.constant 0 : i32
    %dma_start3A_152 = arith.constant 0 : i32
    %dma_start3A_153 = tpu.memref_slice %arg4[%dma_start3A_142, %dma_start3A_143, %add3A_141, %dma_start3A_151, %dma_start3A_152] : memref<50x4x128x8x128xf32, #tpu.memory_space<hbm>> -> memref<1x1x1x8x128xf32, #tpu.memory_space<hbm>>
    %dma_start3A_154 = tpu.memref_squeeze %dma_start3A_153 : memref<1x1x1x8x128xf32, #tpu.memory_space<hbm>> -> memref<8x128xf32, #tpu.memory_space<hbm>>
    %dma_start3A_155 = arith.constant 24 : i32
    %dma_start3A_156 = arith.constant 0 : i32
    %dma_start3A_157 = tpu.memref_slice %arg10[%dma_start3A_155, %dma_start3A_156] : memref<32x128xf32, #tpu.memory_space<vmem>> -> memref<8x128xf32, #tpu.memory_space<vmem>>
    tpu.enqueue_dma source(%dma_start3A_157 : memref<8x128xf32, #tpu.memory_space<vmem>>) target(%dma_start3A_154 : memref<8x128xf32, #tpu.memory_space<hbm>>) target_semaphore(%arg16 : memref<!tpu.dma_semaphore, #tpu.memory_space<semaphore_mem>>)
    %dma_wait3A_158 = arith.constant 0 : i32
    %dma_wait3A_159 = arith.constant 0 : i32
    %dma_wait3A_160 = tpu.memref_slice %arg2[%dma_wait3A_158, %dma_wait3A_159] : memref<1000000x32xf32, #tpu.memory_space<hbm>> -> memref<128x32xf32, #tpu.memory_space<hbm>>
    %dma_wait3A_161 = arith.constant 0 : i32
    %dma_wait3A_162 = arith.constant 0 : i32
    %dma_wait3A_163 = tpu.memref_slice %arg2[%dma_wait3A_161, %dma_wait3A_162] : memref<1000000x32xf32, #tpu.memory_space<hbm>> -> memref<128x32xf32, #tpu.memory_space<hbm>>
    tpu.wait_dma2 semaphore(%arg13 : memref<!tpu.dma_semaphore, #tpu.memory_space<semaphore_mem>>) src(%dma_wait3A_163 : memref<128x32xf32, #tpu.memory_space<hbm>>) dst(%arg7 : memref<128x32xf32, #tpu.memory_space<vmem>>)
    %scan3A_164 = arith.constant 0 : i32
    %scan3A_165 = arith.constant 0 : i32
    %scan3A_166 = arith.constant 32 : i32
    %scan3A_167 = arith.addi %scan3A_165, %scan3A_166 : i32
    %scan3A_168 = arith.constant 1 : i32
    scf.for %scan3A_1373 = %scan3A_165 to %scan3A_167 step %scan3A_168  : i32 {
      %broadcast_in_dim3A = vector.broadcast %scan3A_1373 : i32 to vector<16xi32>
      %gather3A = tpu.vector_load_idx %arg7[%add3A_5, %broadcast_in_dim3A] : memref<128x32xf32, #tpu.memory_space<vmem>>[vector<16xi32>, vector<16xi32>], vector<16xf32>,
      %swap3A = arith.index_cast %scan3A_1373 : i32 to index
      %swap3A_1374 = arith.constant 0 : index
      %swap3A_1375 = tpu.vector_load %arg11[%swap3A, %swap3A_1374] {strides = array<i32>} : memref<32x128xf32, #tpu.memory_space<vmem>>, vector<16xf32>,
      tpu.vector_store %arg11[%swap3A, %swap3A_1374], %gather3A {strides = array<i32>} : memref<32x128xf32, #tpu.memory_space<vmem>>, vector<16xf32>,
      %gather3A_1376 = tpu.vector_load_idx %arg7[%add3A_9, %broadcast_in_dim3A] : memref<128x32xf32, #tpu.memory_space<vmem>>[vector<16xi32>, vector<16xi32>], vector<16xf32>,
      %swap3A_1377 = arith.index_cast %scan3A_1373 : i32 to index
      %swap3A_1378 = arith.constant 16 : index
      %swap3A_1379 = tpu.vector_load %arg11[%swap3A_1377, %swap3A_1378] {strides = array<i32>} : memref<32x128xf32, #tpu.memory_space<vmem>>, vector<16xf32>,
      tpu.vector_store %arg11[%swap3A_1377, %swap3A_1378], %gather3A_1376 {strides = array<i32>} : memref<32x128xf32, #tpu.memory_space<vmem>>, vector<16xf32>,
      %gather3A_1380 = tpu.vector_load_idx %arg7[%add3A_13, %broadcast_in_dim3A] : memref<128x32xf32, #tpu.memory_space<vmem>>[vector<16xi32>, vector<16xi32>], vector<16xf32>,
      %swap3A_1381 = arith.index_cast %scan3A_1373 : i32 to index
      %swap3A_1382 = arith.constant 32 : index
      %swap3A_1383 = tpu.vector_load %arg11[%swap3A_1381, %swap3A_1382] {strides = array<i32>} : memref<32x128xf32, #tpu.memory_space<vmem>>, vector<16xf32>,
      tpu.vector_store %arg11[%swap3A_1381, %swap3A_1382], %gather3A_1380 {strides = array<i32>} : memref<32x128xf32, #tpu.memory_space<vmem>>, vector<16xf32>,
      %gather3A_1384 = tpu.vector_load_idx %arg7[%add3A_17, %broadcast_in_dim3A] : memref<128x32xf32, #tpu.memory_space<vmem>>[vector<16xi32>, vector<16xi32>], vector<16xf32>,
      %swap3A_1385 = arith.index_cast %scan3A_1373 : i32 to index
      %swap3A_1386 = arith.constant 48 : index
      %swap3A_1387 = tpu.vector_load %arg11[%swap3A_1385, %swap3A_1386] {strides = array<i32>} : memref<32x128xf32, #tpu.memory_space<vmem>>, vector<16xf32>,
      tpu.vector_store %arg11[%swap3A_1385, %swap3A_1386], %gather3A_1384 {strides = array<i32>} : memref<32x128xf32, #tpu.memory_space<vmem>>, vector<16xf32>,
      %gather3A_1388 = tpu.vector_load_idx %arg7[%add3A_21, %broadcast_in_dim3A] : memref<128x32xf32, #tpu.memory_space<vmem>>[vector<16xi32>, vector<16xi32>], vector<16xf32>,
      %swap3A_1389 = arith.index_cast %scan3A_1373 : i32 to index
      %swap3A_1390 = arith.constant 64 : index
      %swap3A_1391 = tpu.vector_load %arg11[%swap3A_1389, %swap3A_1390] {strides = array<i32>} : memref<32x128xf32, #tpu.memory_space<vmem>>, vector<16xf32>,
      tpu.vector_store %arg11[%swap3A_1389, %swap3A_1390], %gather3A_1388 {strides = array<i32>} : memref<32x128xf32, #tpu.memory_space<vmem>>, vector<16xf32>,
      %gather3A_1392 = tpu.vector_load_idx %arg7[%add3A_25, %broadcast_in_dim3A] : memref<128x32xf32, #tpu.memory_space<vmem>>[vector<16xi32>, vector<16xi32>], vector<16xf32>,
      %swap3A_1393 = arith.index_cast %scan3A_1373 : i32 to index
      %swap3A_1394 = arith.constant 80 : index
      %swap3A_1395 = tpu.vector_load %arg11[%swap3A_1393, %swap3A_1394] {strides = array<i32>} : memref<32x128xf32, #tpu.memory_space<vmem>>, vector<16xf32>,
      tpu.vector_store %arg11[%swap3A_1393, %swap3A_1394], %gather3A_1392 {strides = array<i32>} : memref<32x128xf32, #tpu.memory_space<vmem>>, vector<16xf32>,
      %gather3A_1396 = tpu.vector_load_idx %arg7[%add3A_29, %broadcast_in_dim3A] : memref<128x32xf32, #tpu.memory_space<vmem>>[vector<16xi32>, vector<16xi32>], vector<16xf32>,
      %swap3A_1397 = arith.index_cast %scan3A_1373 : i32 to index
      %swap3A_1398 = arith.constant 96 : index
      %swap3A_1399 = tpu.vector_load %arg11[%swap3A_1397, %swap3A_1398] {strides = array<i32>} : memref<32x128xf32, #tpu.memory_space<vmem>>, vector<16xf32>,
      tpu.vector_store %arg11[%swap3A_1397, %swap3A_1398], %gather3A_1396 {strides = array<i32>} : memref<32x128xf32, #tpu.memory_space<vmem>>, vector<16xf32>,
      %gather3A_1400 = tpu.vector_load_idx %arg7[%add3A_33, %broadcast_in_dim3A] : memref<128x32xf32, #tpu.memory_space<vmem>>[vector<16xi32>, vector<16xi32>], vector<16xf32>,
      %swap3A_1401 = arith.index_cast %scan3A_1373 : i32 to index
      %swap3A_1402 = arith.constant 112 : index
      %swap3A_1403 = tpu.vector_load %arg11[%swap3A_1401, %swap3A_1402] {strides = array<i32>} : memref<32x128xf32, #tpu.memory_space<vmem>>, vector<16xf32>,
      tpu.vector_store %arg11[%swap3A_1401, %swap3A_1402], %gather3A_1400 {strides = array<i32>} : memref<32x128xf32, #tpu.memory_space<vmem>>, vector<16xf32>,
    }
    %scan3A_169 = arith.constant 32 : i32
    %dma_start3A_170 = arith.constant 5 : i32
    %dma_start3A_171 = arith.constant 0 : i32
    %dma_start3A_172 = tpu.memref_slice %arg5[%dma_start3A_170, %dma_start3A_171] : memref<50x512xi32, #tpu.memory_space<vmem>> -> memref<1x128xi32, #tpu.memory_space<vmem>>
    %dma_start3A_173 = tpu.memref_squeeze %dma_start3A_172 : memref<1x128xi32, #tpu.memory_space<vmem>> -> memref<128xi32, #tpu.memory_space<vmem>>
    %dma_start3A_174 = arith.constant 0 : i32
    %dma_start3A_175 = arith.constant 0 : i32
    %dma_start3A_176 = tpu.memref_slice %arg2[%dma_start3A_174, %dma_start3A_175] : memref<1000000x32xf32, #tpu.memory_space<hbm>> -> memref<1000000x32xf32, #tpu.memory_space<hbm>>
    tpu.enqueue_indirect_dma source(%dma_start3A_176 : memref<1000000x32xf32, #tpu.memory_space<hbm>>) target(%arg7 : memref<128x32xf32, #tpu.memory_space<vmem>>) offsets(%dma_start3A_173 : memref<128xi32, #tpu.memory_space<vmem>>) semaphore(%arg13 : memref<!tpu.dma_semaphore, #tpu.memory_space<semaphore_mem>>)
    %mul3A_177 = arith.constant 4 : i32
    %mul3A_178 = arith.muli %add3A, %mul3A_177 : i32
    %add3A_179 = arith.constant 0 : i32
    %add3A_180 = arith.addi %mul3A_178, %add3A_179 : i32
    %dma_start3A_181 = arith.constant 1 : i32
    %dma_start3A_182 = arith.constant 0 : i32
    %dma_start3A_183 = arith.constant 0 : i32
    %dma_start3A_184 = arith.constant 0 : i32
    %dma_start3A_185 = tpu.memref_slice %arg11[%dma_start3A_183, %dma_start3A_184] : memref<32x128xf32, #tpu.memory_space<vmem>> -> memref<8x128xf32, #tpu.memory_space<vmem>>
    %dma_start3A_186 = arith.constant 0 : i32
    %dma_start3A_187 = arith.constant 0 : i32
    %dma_start3A_188 = tpu.memref_slice %arg4[%dma_start3A_181, %dma_start3A_182, %add3A_180, %dma_start3A_186, %dma_start3A_187] : memref<50x4x128x8x128xf32, #tpu.memory_space<hbm>> -> memref<1x1x1x8x128xf32, #tpu.memory_space<hbm>>
    %dma_start3A_189 = tpu.memref_squeeze %dma_start3A_188 : memref<1x1x1x8x128xf32, #tpu.memory_space<hbm>> -> memref<8x128xf32, #tpu.memory_space<hbm>>
    %dma_start3A_190 = arith.constant 0 : i32
    %dma_start3A_191 = arith.constant 0 : i32
    %dma_start3A_192 = tpu.memref_slice %arg4[%dma_start3A_181, %dma_start3A_182, %add3A_180, %dma_start3A_190, %dma_start3A_191] : memref<50x4x128x8x128xf32, #tpu.memory_space<hbm>> -> memref<1x1x1x8x128xf32, #tpu.memory_space<hbm>>
    %dma_start3A_193 = tpu.memref_squeeze %dma_start3A_192 : memref<1x1x1x8x128xf32, #tpu.memory_space<hbm>> -> memref<8x128xf32, #tpu.memory_space<hbm>>
    %dma_start3A_194 = arith.constant 0 : i32
    %dma_start3A_195 = arith.constant 0 : i32
    %dma_start3A_196 = tpu.memref_slice %arg11[%dma_start3A_194, %dma_start3A_195] : memref<32x128xf32, #tpu.memory_space<vmem>> -> memref<8x128xf32, #tpu.memory_space<vmem>>
    tpu.enqueue_dma source(%dma_start3A_196 : memref<8x128xf32, #tpu.memory_space<vmem>>) target(%dma_start3A_193 : memref<8x128xf32, #tpu.memory_space<hbm>>) target_semaphore(%arg17 : memref<!tpu.dma_semaphore, #tpu.memory_space<semaphore_mem>>)
    %mul3A_197 = arith.constant 4 : i32
    %mul3A_198 = arith.muli %add3A, %mul3A_197 : i32
    %add3A_199 = arith.constant 0 : i32
    %add3A_200 = arith.addi %mul3A_198, %add3A_199 : i32
    %dma_start3A_201 = arith.constant 1 : i32
    %dma_start3A_202 = arith.constant 1 : i32
    %dma_start3A_203 = arith.constant 8 : i32
    %dma_start3A_204 = arith.constant 0 : i32
    %dma_start3A_205 = tpu.memref_slice %arg11[%dma_start3A_203, %dma_start3A_204] : memref<32x128xf32, #tpu.memory_space<vmem>> -> memref<8x128xf32, #tpu.memory_space<vmem>>
    %dma_start3A_206 = arith.constant 0 : i32
    %dma_start3A_207 = arith.constant 0 : i32
    %dma_start3A_208 = tpu.memref_slice %arg4[%dma_start3A_201, %dma_start3A_202, %add3A_200, %dma_start3A_206, %dma_start3A_207] : memref<50x4x128x8x128xf32, #tpu.memory_space<hbm>> -> memref<1x1x1x8x128xf32, #tpu.memory_space<hbm>>
    %dma_start3A_209 = tpu.memref_squeeze %dma_start3A_208 : memref<1x1x1x8x128xf32, #tpu.memory_space<hbm>> -> memref<8x128xf32, #tpu.memory_space<hbm>>
    %dma_start3A_210 = arith.constant 0 : i32
    %dma_start3A_211 = arith.constant 0 : i32
    %dma_start3A_212 = tpu.memref_slice %arg4[%dma_start3A_201, %dma_start3A_202, %add3A_200, %dma_start3A_210, %dma_start3A_211] : memref<50x4x128x8x128xf32, #tpu.memory_space<hbm>> -> memref<1x1x1x8x128xf32, #tpu.memory_space<hbm>>
    %dma_start3A_213 = tpu.memref_squeeze %dma_start3A_212 : memref<1x1x1x8x128xf32, #tpu.memory_space<hbm>> -> memref<8x128xf32, #tpu.memory_space<hbm>>
    %dma_start3A_214 = arith.constant 8 : i32
    %dma_start3A_215 = arith.constant 0 : i32
    %dma_start3A_216 = tpu.memref_slice %arg11[%dma_start3A_214, %dma_start3A_215] : memref<32x128xf32, #tpu.memory_space<vmem>> -> memref<8x128xf32, #tpu.memory_space<vmem>>
    tpu.enqueue_dma source(%dma_start3A_216 : memref<8x128xf32, #tpu.memory_space<vmem>>) target(%dma_start3A_213 : memref<8x128xf32, #tpu.memory_space<hbm>>) target_semaphore(%arg17 : memref<!tpu.dma_semaphore, #tpu.memory_space<semaphore_mem>>)
    %mul3A_217 = arith.constant 4 : i32
    %mul3A_218 = arith.muli %add3A, %mul3A_217 : i32
    %add3A_219 = arith.constant 0 : i32
    %add3A_220 = arith.addi %mul3A_218, %add3A_219 : i32
    %dma_start3A_221 = arith.constant 1 : i32
    %dma_start3A_222 = arith.constant 2 : i32
    %dma_start3A_223 = arith.constant 16 : i32
    %dma_start3A_224 = arith.constant 0 : i32
    %dma_start3A_225 = tpu.memref_slice %arg11[%dma_start3A_223, %dma_start3A_224] : memref<32x128xf32, #tpu.memory_space<vmem>> -> memref<8x128xf32, #tpu.memory_space<vmem>>
    %dma_start3A_226 = arith.constant 0 : i32
    %dma_start3A_227 = arith.constant 0 : i32
    %dma_start3A_228 = tpu.memref_slice %arg4[%dma_start3A_221, %dma_start3A_222, %add3A_220, %dma_start3A_226, %dma_start3A_227] : memref<50x4x128x8x128xf32, #tpu.memory_space<hbm>> -> memref<1x1x1x8x128xf32, #tpu.memory_space<hbm>>
    %dma_start3A_229 = tpu.memref_squeeze %dma_start3A_228 : memref<1x1x1x8x128xf32, #tpu.memory_space<hbm>> -> memref<8x128xf32, #tpu.memory_space<hbm>>
    %dma_start3A_230 = arith.constant 0 : i32
    %dma_start3A_231 = arith.constant 0 : i32
    %dma_start3A_232 = tpu.memref_slice %arg4[%dma_start3A_221, %dma_start3A_222, %add3A_220, %dma_start3A_230, %dma_start3A_231] : memref<50x4x128x8x128xf32, #tpu.memory_space<hbm>> -> memref<1x1x1x8x128xf32, #tpu.memory_space<hbm>>
    %dma_start3A_233 = tpu.memref_squeeze %dma_start3A_232 : memref<1x1x1x8x128xf32, #tpu.memory_space<hbm>> -> memref<8x128xf32, #tpu.memory_space<hbm>>
    %dma_start3A_234 = arith.constant 16 : i32
    %dma_start3A_235 = arith.constant 0 : i32
    %dma_start3A_236 = tpu.memref_slice %arg11[%dma_start3A_234, %dma_start3A_235] : memref<32x128xf32, #tpu.memory_space<vmem>> -> memref<8x128xf32, #tpu.memory_space<vmem>>
    tpu.enqueue_dma source(%dma_start3A_236 : memref<8x128xf32, #tpu.memory_space<vmem>>) target(%dma_start3A_233 : memref<8x128xf32, #tpu.memory_space<hbm>>) target_semaphore(%arg17 : memref<!tpu.dma_semaphore, #tpu.memory_space<semaphore_mem>>)
    %mul3A_237 = arith.constant 4 : i32
    %mul3A_238 = arith.muli %add3A, %mul3A_237 : i32
    %add3A_239 = arith.constant 0 : i32
    %add3A_240 = arith.addi %mul3A_238, %add3A_239 : i32
    %dma_start3A_241 = arith.constant 1 : i32
    %dma_start3A_242 = arith.constant 3 : i32
    %dma_start3A_243 = arith.constant 24 : i32
    %dma_start3A_244 = arith.constant 0 : i32
    %dma_start3A_245 = tpu.memref_slice %arg11[%dma_start3A_243, %dma_start3A_244] : memref<32x128xf32, #tpu.memory_space<vmem>> -> memref<8x128xf32, #tpu.memory_space<vmem>>
    %dma_start3A_246 = arith.constant 0 : i32
    %dma_start3A_247 = arith.constant 0 : i32
    %dma_start3A_248 = tpu.memref_slice %arg4[%dma_start3A_241, %dma_start3A_242, %add3A_240, %dma_start3A_246, %dma_start3A_247] : memref<50x4x128x8x128xf32, #tpu.memory_space<hbm>> -> memref<1x1x1x8x128xf32, #tpu.memory_space<hbm>>
    %dma_start3A_249 = tpu.memref_squeeze %dma_start3A_248 : memref<1x1x1x8x128xf32, #tpu.memory_space<hbm>> -> memref<8x128xf32, #tpu.memory_space<hbm>>
    %dma_start3A_250 = arith.constant 0 : i32
    %dma_start3A_251 = arith.constant 0 : i32
    %dma_start3A_252 = tpu.memref_slice %arg4[%dma_start3A_241, %dma_start3A_242, %add3A_240, %dma_start3A_250, %dma_start3A_251] : memref<50x4x128x8x128xf32, #tpu.memory_space<hbm>> -> memref<1x1x1x8x128xf32, #tpu.memory_space<hbm>>
    %dma_start3A_253 = tpu.memref_squeeze %dma_start3A_252 : memref<1x1x1x8x128xf32, #tpu.memory_space<hbm>> -> memref<8x128xf32, #tpu.memory_space<hbm>>
    %dma_start3A_254 = arith.constant 24 : i32
    %dma_start3A_255 = arith.constant 0 : i32
    %dma_start3A_256 = tpu.memref_slice %arg11[%dma_start3A_254, %dma_start3A_255] : memref<32x128xf32, #tpu.memory_space<vmem>> -> memref<8x128xf32, #tpu.memory_space<vmem>>
    tpu.enqueue_dma source(%dma_start3A_256 : memref<8x128xf32, #tpu.memory_space<vmem>>) target(%dma_start3A_253 : memref<8x128xf32, #tpu.memory_space<hbm>>) target_semaphore(%arg17 : memref<!tpu.dma_semaphore, #tpu.memory_space<semaphore_mem>>)
    %scan3A_257 = arith.constant 0 : i32
    %scan3A_258 = arith.constant 0 : i32
    %scan3A_259 = arith.constant 48 : i32
    %scan3A_260 = arith.addi %scan3A_258, %scan3A_259 : i32
    %scan3A_261 = arith.constant 1 : i32
    scf.for %scan3A_1373 = %scan3A_258 to %scan3A_260 step %scan3A_261  : i32 {
      %mul3A_1374 = arith.constant 4 : i32
      %mul3A_1375 = arith.muli %mul3A_1374, %scan3A_1373 : i32
      %add3A_1376 = arith.constant 2 : i32
      %add3A_1377 = arith.addi %mul3A_1375, %add3A_1376 : i32
      %add3A_1378 = arith.constant 0 : i32
      %add3A_1379 = arith.addi %add3A_1377, %add3A_1378 : i32
      %dma_wait3A_1380 = arith.constant 0 : i32
      %dma_wait3A_1381 = arith.constant 0 : i32
      %dma_wait3A_1382 = tpu.memref_slice %arg2[%dma_wait3A_1380, %dma_wait3A_1381] : memref<1000000x32xf32, #tpu.memory_space<hbm>> -> memref<128x32xf32, #tpu.memory_space<hbm>>
      %dma_wait3A_1383 = arith.constant 0 : i32
      %dma_wait3A_1384 = arith.constant 0 : i32
      %dma_wait3A_1385 = tpu.memref_slice %arg2[%dma_wait3A_1383, %dma_wait3A_1384] : memref<1000000x32xf32, #tpu.memory_space<hbm>> -> memref<128x32xf32, #tpu.memory_space<hbm>>
      tpu.wait_dma2 semaphore(%arg14 : memref<!tpu.dma_semaphore, #tpu.memory_space<semaphore_mem>>) src(%dma_wait3A_1385 : memref<128x32xf32, #tpu.memory_space<hbm>>) dst(%arg8 : memref<128x32xf32, #tpu.memory_space<vmem>>)
      %dma_wait3A_1386 = arith.constant 0 : i32
      %dma_wait3A_1387 = arith.constant 0 : i32
      %dma_wait3A_1388 = arith.constant 0 : i32
      %dma_wait3A_1389 = arith.constant 0 : i32
      %dma_wait3A_1390 = arith.constant 0 : i32
      %dma_wait3A_1391 = tpu.memref_slice %arg10[%dma_wait3A_1389, %dma_wait3A_1390] : memref<32x128xf32, #tpu.memory_space<vmem>> -> memref<8x128xf32, #tpu.memory_space<vmem>>
      %dma_wait3A_1392 = arith.constant 0 : i32
      %dma_wait3A_1393 = arith.constant 0 : i32
      %dma_wait3A_1394 = tpu.memref_slice %arg4[%dma_wait3A_1386, %dma_wait3A_1387, %dma_wait3A_1388, %dma_wait3A_1392, %dma_wait3A_1393] : memref<50x4x128x8x128xf32, #tpu.memory_space<hbm>> -> memref<1x1x1x8x128xf32, #tpu.memory_space<hbm>>
      %dma_wait3A_1395 = tpu.memref_squeeze %dma_wait3A_1394 : memref<1x1x1x8x128xf32, #tpu.memory_space<hbm>> -> memref<8x128xf32, #tpu.memory_space<hbm>>
      %dma_wait3A_1396 = arith.constant 0 : i32
      %dma_wait3A_1397 = arith.constant 0 : i32
      %dma_wait3A_1398 = tpu.memref_slice %arg4[%dma_wait3A_1386, %dma_wait3A_1387, %dma_wait3A_1388, %dma_wait3A_1396, %dma_wait3A_1397] : memref<50x4x128x8x128xf32, #tpu.memory_space<hbm>> -> memref<1x1x1x8x128xf32, #tpu.memory_space<hbm>>
      %dma_wait3A_1399 = tpu.memref_squeeze %dma_wait3A_1398 : memref<1x1x1x8x128xf32, #tpu.memory_space<hbm>> -> memref<8x128xf32, #tpu.memory_space<hbm>>
      %dma_wait3A_1400 = arith.constant 0 : i32
      %dma_wait3A_1401 = arith.constant 0 : i32
      %dma_wait3A_1402 = tpu.memref_slice %arg10[%dma_wait3A_1400, %dma_wait3A_1401] : memref<32x128xf32, #tpu.memory_space<vmem>> -> memref<8x128xf32, #tpu.memory_space<vmem>>
      tpu.wait_dma2 semaphore(%arg16 : memref<!tpu.dma_semaphore, #tpu.memory_space<semaphore_mem>>) src(%dma_wait3A_1402 : memref<8x128xf32, #tpu.memory_space<vmem>>) dst(%dma_wait3A_1399 : memref<8x128xf32, #tpu.memory_space<hbm>>)
      %dma_wait3A_1403 = arith.constant 0 : i32
      %dma_wait3A_1404 = arith.constant 1 : i32
      %dma_wait3A_1405 = arith.constant 0 : i32
      %dma_wait3A_1406 = arith.constant 8 : i32
      %dma_wait3A_1407 = arith.constant 0 : i32
      %dma_wait3A_1408 = tpu.memref_slice %arg10[%dma_wait3A_1406, %dma_wait3A_1407] : memref<32x128xf32, #tpu.memory_space<vmem>> -> memref<8x128xf32, #tpu.memory_space<vmem>>
      %dma_wait3A_1409 = arith.constant 0 : i32
      %dma_wait3A_1410 = arith.constant 0 : i32
      %dma_wait3A_1411 = tpu.memref_slice %arg4[%dma_wait3A_1403, %dma_wait3A_1404, %dma_wait3A_1405, %dma_wait3A_1409, %dma_wait3A_1410] : memref<50x4x128x8x128xf32, #tpu.memory_space<hbm>> -> memref<1x1x1x8x128xf32, #tpu.memory_space<hbm>>
      %dma_wait3A_1412 = tpu.memref_squeeze %dma_wait3A_1411 : memref<1x1x1x8x128xf32, #tpu.memory_space<hbm>> -> memref<8x128xf32, #tpu.memory_space<hbm>>
      %dma_wait3A_1413 = arith.constant 0 : i32
      %dma_wait3A_1414 = arith.constant 0 : i32
      %dma_wait3A_1415 = tpu.memref_slice %arg4[%dma_wait3A_1403, %dma_wait3A_1404, %dma_wait3A_1405, %dma_wait3A_1413, %dma_wait3A_1414] : memref<50x4x128x8x128xf32, #tpu.memory_space<hbm>> -> memref<1x1x1x8x128xf32, #tpu.memory_space<hbm>>
      %dma_wait3A_1416 = tpu.memref_squeeze %dma_wait3A_1415 : memref<1x1x1x8x128xf32, #tpu.memory_space<hbm>> -> memref<8x128xf32, #tpu.memory_space<hbm>>
      %dma_wait3A_1417 = arith.constant 8 : i32
      %dma_wait3A_1418 = arith.constant 0 : i32
      %dma_wait3A_1419 = tpu.memref_slice %arg10[%dma_wait3A_1417, %dma_wait3A_1418] : memref<32x128xf32, #tpu.memory_space<vmem>> -> memref<8x128xf32, #tpu.memory_space<vmem>>
      tpu.wait_dma2 semaphore(%arg16 : memref<!tpu.dma_semaphore, #tpu.memory_space<semaphore_mem>>) src(%dma_wait3A_1419 : memref<8x128xf32, #tpu.memory_space<vmem>>) dst(%dma_wait3A_1416 : memref<8x128xf32, #tpu.memory_space<hbm>>)
      %dma_wait3A_1420 = arith.constant 0 : i32
      %dma_wait3A_1421 = arith.constant 2 : i32
      %dma_wait3A_1422 = arith.constant 0 : i32
      %dma_wait3A_1423 = arith.constant 16 : i32
      %dma_wait3A_1424 = arith.constant 0 : i32
      %dma_wait3A_1425 = tpu.memref_slice %arg10[%dma_wait3A_1423, %dma_wait3A_1424] : memref<32x128xf32, #tpu.memory_space<vmem>> -> memref<8x128xf32, #tpu.memory_space<vmem>>
      %dma_wait3A_1426 = arith.constant 0 : i32
      %dma_wait3A_1427 = arith.constant 0 : i32
      %dma_wait3A_1428 = tpu.memref_slice %arg4[%dma_wait3A_1420, %dma_wait3A_1421, %dma_wait3A_1422, %dma_wait3A_1426, %dma_wait3A_1427] : memref<50x4x128x8x128xf32, #tpu.memory_space<hbm>> -> memref<1x1x1x8x128xf32, #tpu.memory_space<hbm>>
      %dma_wait3A_1429 = tpu.memref_squeeze %dma_wait3A_1428 : memref<1x1x1x8x128xf32, #tpu.memory_space<hbm>> -> memref<8x128xf32, #tpu.memory_space<hbm>>
      %dma_wait3A_1430 = arith.constant 0 : i32
      %dma_wait3A_1431 = arith.constant 0 : i32
      %dma_wait3A_1432 = tpu.memref_slice %arg4[%dma_wait3A_1420, %dma_wait3A_1421, %dma_wait3A_1422, %dma_wait3A_1430, %dma_wait3A_1431] : memref<50x4x128x8x128xf32, #tpu.memory_space<hbm>> -> memref<1x1x1x8x128xf32, #tpu.memory_space<hbm>>
      %dma_wait3A_1433 = tpu.memref_squeeze %dma_wait3A_1432 : memref<1x1x1x8x128xf32, #tpu.memory_space<hbm>> -> memref<8x128xf32, #tpu.memory_space<hbm>>
      %dma_wait3A_1434 = arith.constant 16 : i32
      %dma_wait3A_1435 = arith.constant 0 : i32
      %dma_wait3A_1436 = tpu.memref_slice %arg10[%dma_wait3A_1434, %dma_wait3A_1435] : memref<32x128xf32, #tpu.memory_space<vmem>> -> memref<8x128xf32, #tpu.memory_space<vmem>>
      tpu.wait_dma2 semaphore(%arg16 : memref<!tpu.dma_semaphore, #tpu.memory_space<semaphore_mem>>) src(%dma_wait3A_1436 : memref<8x128xf32, #tpu.memory_space<vmem>>) dst(%dma_wait3A_1433 : memref<8x128xf32, #tpu.memory_space<hbm>>)
      %dma_wait3A_1437 = arith.constant 0 : i32
      %dma_wait3A_1438 = arith.constant 3 : i32
      %dma_wait3A_1439 = arith.constant 0 : i32
      %dma_wait3A_1440 = arith.constant 24 : i32
      %dma_wait3A_1441 = arith.constant 0 : i32
      %dma_wait3A_1442 = tpu.memref_slice %arg10[%dma_wait3A_1440, %dma_wait3A_1441] : memref<32x128xf32, #tpu.memory_space<vmem>> -> memref<8x128xf32, #tpu.memory_space<vmem>>
      %dma_wait3A_1443 = arith.constant 0 : i32
      %dma_wait3A_1444 = arith.constant 0 : i32
      %dma_wait3A_1445 = tpu.memref_slice %arg4[%dma_wait3A_1437, %dma_wait3A_1438, %dma_wait3A_1439, %dma_wait3A_1443, %dma_wait3A_1444] : memref<50x4x128x8x128xf32, #tpu.memory_space<hbm>> -> memref<1x1x1x8x128xf32, #tpu.memory_space<hbm>>
      %dma_wait3A_1446 = tpu.memref_squeeze %dma_wait3A_1445 : memref<1x1x1x8x128xf32, #tpu.memory_space<hbm>> -> memref<8x128xf32, #tpu.memory_space<hbm>>
      %dma_wait3A_1447 = arith.constant 0 : i32
      %dma_wait3A_1448 = arith.constant 0 : i32
      %dma_wait3A_1449 = tpu.memref_slice %arg4[%dma_wait3A_1437, %dma_wait3A_1438, %dma_wait3A_1439, %dma_wait3A_1447, %dma_wait3A_1448] : memref<50x4x128x8x128xf32, #tpu.memory_space<hbm>> -> memref<1x1x1x8x128xf32, #tpu.memory_space<hbm>>
      %dma_wait3A_1450 = tpu.memref_squeeze %dma_wait3A_1449 : memref<1x1x1x8x128xf32, #tpu.memory_space<hbm>> -> memref<8x128xf32, #tpu.memory_space<hbm>>
      %dma_wait3A_1451 = arith.constant 24 : i32
      %dma_wait3A_1452 = arith.constant 0 : i32
      %dma_wait3A_1453 = tpu.memref_slice %arg10[%dma_wait3A_1451, %dma_wait3A_1452] : memref<32x128xf32, #tpu.memory_space<vmem>> -> memref<8x128xf32, #tpu.memory_space<vmem>>
      tpu.wait_dma2 semaphore(%arg16 : memref<!tpu.dma_semaphore, #tpu.memory_space<semaphore_mem>>) src(%dma_wait3A_1453 : memref<8x128xf32, #tpu.memory_space<vmem>>) dst(%dma_wait3A_1450 : memref<8x128xf32, #tpu.memory_space<hbm>>)
      %scan3A_1454 = arith.constant 0 : i32
      %scan3A_1455 = arith.constant 0 : i32
      %scan3A_1456 = arith.constant 32 : i32
      %scan3A_1457 = arith.addi %scan3A_1455, %scan3A_1456 : i32
      %scan3A_1458 = arith.constant 1 : i32
      scf.for %scan3A_2352 = %scan3A_1455 to %scan3A_1457 step %scan3A_1458  : i32 {
        %broadcast_in_dim3A = vector.broadcast %scan3A_2352 : i32 to vector<16xi32>
        %gather3A = tpu.vector_load_idx %arg8[%add3A_5, %broadcast_in_dim3A] : memref<128x32xf32, #tpu.memory_space<vmem>>[vector<16xi32>, vector<16xi32>], vector<16xf32>,
        %swap3A = arith.index_cast %scan3A_2352 : i32 to index
        %swap3A_2353 = arith.constant 0 : index
        %swap3A_2354 = tpu.vector_load %arg10[%swap3A, %swap3A_2353] {strides = array<i32>} : memref<32x128xf32, #tpu.memory_space<vmem>>, vector<16xf32>,
        tpu.vector_store %arg10[%swap3A, %swap3A_2353], %gather3A {strides = array<i32>} : memref<32x128xf32, #tpu.memory_space<vmem>>, vector<16xf32>,
        %gather3A_2355 = tpu.vector_load_idx %arg8[%add3A_9, %broadcast_in_dim3A] : memref<128x32xf32, #tpu.memory_space<vmem>>[vector<16xi32>, vector<16xi32>], vector<16xf32>,
        %swap3A_2356 = arith.index_cast %scan3A_2352 : i32 to index
        %swap3A_2357 = arith.constant 16 : index
        %swap3A_2358 = tpu.vector_load %arg10[%swap3A_2356, %swap3A_2357] {strides = array<i32>} : memref<32x128xf32, #tpu.memory_space<vmem>>, vector<16xf32>,
        tpu.vector_store %arg10[%swap3A_2356, %swap3A_2357], %gather3A_2355 {strides = array<i32>} : memref<32x128xf32, #tpu.memory_space<vmem>>, vector<16xf32>,
        %gather3A_2359 = tpu.vector_load_idx %arg8[%add3A_13, %broadcast_in_dim3A] : memref<128x32xf32, #tpu.memory_space<vmem>>[vector<16xi32>, vector<16xi32>], vector<16xf32>,
        %swap3A_2360 = arith.index_cast %scan3A_2352 : i32 to index
        %swap3A_2361 = arith.constant 32 : index
        %swap3A_2362 = tpu.vector_load %arg10[%swap3A_2360, %swap3A_2361] {strides = array<i32>} : memref<32x128xf32, #tpu.memory_space<vmem>>, vector<16xf32>,
        tpu.vector_store %arg10[%swap3A_2360, %swap3A_2361], %gather3A_2359 {strides = array<i32>} : memref<32x128xf32, #tpu.memory_space<vmem>>, vector<16xf32>,
        %gather3A_2363 = tpu.vector_load_idx %arg8[%add3A_17, %broadcast_in_dim3A] : memref<128x32xf32, #tpu.memory_space<vmem>>[vector<16xi32>, vector<16xi32>], vector<16xf32>,
        %swap3A_2364 = arith.index_cast %scan3A_2352 : i32 to index
        %swap3A_2365 = arith.constant 48 : index
        %swap3A_2366 = tpu.vector_load %arg10[%swap3A_2364, %swap3A_2365] {strides = array<i32>} : memref<32x128xf32, #tpu.memory_space<vmem>>, vector<16xf32>,
        tpu.vector_store %arg10[%swap3A_2364, %swap3A_2365], %gather3A_2363 {strides = array<i32>} : memref<32x128xf32, #tpu.memory_space<vmem>>, vector<16xf32>,
        %gather3A_2367 = tpu.vector_load_idx %arg8[%add3A_21, %broadcast_in_dim3A] : memref<128x32xf32, #tpu.memory_space<vmem>>[vector<16xi32>, vector<16xi32>], vector<16xf32>,
        %swap3A_2368 = arith.index_cast %scan3A_2352 : i32 to index
        %swap3A_2369 = arith.constant 64 : index
        %swap3A_2370 = tpu.vector_load %arg10[%swap3A_2368, %swap3A_2369] {strides = array<i32>} : memref<32x128xf32, #tpu.memory_space<vmem>>, vector<16xf32>,
        tpu.vector_store %arg10[%swap3A_2368, %swap3A_2369], %gather3A_2367 {strides = array<i32>} : memref<32x128xf32, #tpu.memory_space<vmem>>, vector<16xf32>,
        %gather3A_2371 = tpu.vector_load_idx %arg8[%add3A_25, %broadcast_in_dim3A] : memref<128x32xf32, #tpu.memory_space<vmem>>[vector<16xi32>, vector<16xi32>], vector<16xf32>,
        %swap3A_2372 = arith.index_cast %scan3A_2352 : i32 to index
        %swap3A_2373 = arith.constant 80 : index
        %swap3A_2374 = tpu.vector_load %arg10[%swap3A_2372, %swap3A_2373] {strides = array<i32>} : memref<32x128xf32, #tpu.memory_space<vmem>>, vector<16xf32>,
        tpu.vector_store %arg10[%swap3A_2372, %swap3A_2373], %gather3A_2371 {strides = array<i32>} : memref<32x128xf32, #tpu.memory_space<vmem>>, vector<16xf32>,
        %gather3A_2375 = tpu.vector_load_idx %arg8[%add3A_29, %broadcast_in_dim3A] : memref<128x32xf32, #tpu.memory_space<vmem>>[vector<16xi32>, vector<16xi32>], vector<16xf32>,
        %swap3A_2376 = arith.index_cast %scan3A_2352 : i32 to index
        %swap3A_2377 = arith.constant 96 : index
        %swap3A_2378 = tpu.vector_load %arg10[%swap3A_2376, %swap3A_2377] {strides = array<i32>} : memref<32x128xf32, #tpu.memory_space<vmem>>, vector<16xf32>,
        tpu.vector_store %arg10[%swap3A_2376, %swap3A_2377], %gather3A_2375 {strides = array<i32>} : memref<32x128xf32, #tpu.memory_space<vmem>>, vector<16xf32>,
        %gather3A_2379 = tpu.vector_load_idx %arg8[%add3A_33, %broadcast_in_dim3A] : memref<128x32xf32, #tpu.memory_space<vmem>>[vector<16xi32>, vector<16xi32>], vector<16xf32>,
        %swap3A_2380 = arith.index_cast %scan3A_2352 : i32 to index
        %swap3A_2381 = arith.constant 112 : index
        %swap3A_2382 = tpu.vector_load %arg10[%swap3A_2380, %swap3A_2381] {strides = array<i32>} : memref<32x128xf32, #tpu.memory_space<vmem>>, vector<16xf32>,
        tpu.vector_store %arg10[%swap3A_2380, %swap3A_2381], %gather3A_2379 {strides = array<i32>} : memref<32x128xf32, #tpu.memory_space<vmem>>, vector<16xf32>,
      }
      %scan3A_1459 = arith.constant 32 : i32
      %add3A_1460 = arith.constant 4 : i32
      %add3A_1461 = arith.addi %add3A_1379, %add3A_1460 : i32
      %jit3A = arith.constant 50 : i32
      %eq3A = arith.constant 0 : i32
      %eq3A_1462 = arith.cmpi eq, %jit3A, %eq3A : i32
      %jit3A_1463 = arith.constant 1 : i32
      %select_n3A = arith.select %eq3A_1462, %jit3A_1463, %jit3A : i32
      %rem3A = arith.remsi %add3A_1461, %select_n3A : i32
      %ne3A = arith.constant 0 : i32
      %ne3A_1464 = arith.cmpi ne, %rem3A, %ne3A : i32
      %lt3A = arith.constant 0 : i32
      %lt3A_1465 = arith.cmpi slt, %rem3A, %lt3A : i32
      %lt3A_1466 = arith.constant 0 : i32
      %lt3A_1467 = arith.cmpi slt, %select_n3A, %lt3A_1466 : i32
      %ne3A_1468 = arith.xori %lt3A_1465, %lt3A_1467 : i1
      %and3A = arith.andi %ne3A_1468, %ne3A_1464 : i1
      %add3A_1469 = arith.addi %rem3A, %select_n3A : i32
      %select_n3A_1470 = arith.select %and3A, %add3A_1469, %rem3A : i32
      %jit3A_1471 = arith.constant 50 : i32
      %div3A = arith.divsi %add3A_1461, %jit3A_1471 : i32
      %sign3A = arith.constant 0 : i32
      %sign3A_1472 = arith.cmpi sgt, %add3A_1461, %sign3A : i32
      %sign3A_1473 = arith.extui %sign3A_1472 : i1 to i32
      %sign3A_1474 = arith.constant 0 : i32
      %sign3A_1475 = arith.cmpi slt, %add3A_1461, %sign3A_1474 : i32
      %sign3A_1476 = arith.extui %sign3A_1475 : i1 to i32
      %sign3A_1477 = arith.subi %sign3A_1473, %sign3A_1476 : i32
      %sign3A_1478 = arith.constant 0 : i32
      %sign3A_1479 = arith.cmpi sgt, %jit3A_1471, %sign3A_1478 : i32
      %sign3A_1480 = arith.extui %sign3A_1479 : i1 to i32
      %sign3A_1481 = arith.constant 0 : i32
      %sign3A_1482 = arith.cmpi slt, %jit3A_1471, %sign3A_1481 : i32
      %sign3A_1483 = arith.extui %sign3A_1482 : i1 to i32
      %sign3A_1484 = arith.subi %sign3A_1480, %sign3A_1483 : i32
      %ne3A_1485 = arith.cmpi ne, %sign3A_1477, %sign3A_1484 : i32
      %rem3A_1486 = arith.remsi %add3A_1461, %jit3A_1471 : i32
      %ne3A_1487 = arith.constant 0 : i32
      %ne3A_1488 = arith.cmpi ne, %rem3A_1486, %ne3A_1487 : i32
      %and3A_1489 = arith.andi %ne3A_1485, %ne3A_1488 : i1
      %sub3A = arith.constant 1 : i32
      %sub3A_1490 = arith.subi %div3A, %sub3A : i32
      %select_n3A_1491 = arith.select %and3A_1489, %sub3A_1490, %div3A : i32
      %mul3A_1492 = arith.constant 128 : i32
      %mul3A_1493 = arith.muli %select_n3A_1491, %mul3A_1492 : i32
      %dma_start3A_1494 = tpu.memref_slice %arg5[%select_n3A_1470, %mul3A_1493] : memref<50x512xi32, #tpu.memory_space<vmem>> -> memref<1x128xi32, #tpu.memory_space<vmem>>
      %dma_start3A_1495 = tpu.memref_squeeze %dma_start3A_1494 : memref<1x128xi32, #tpu.memory_space<vmem>> -> memref<128xi32, #tpu.memory_space<vmem>>
      %dma_start3A_1496 = arith.constant 0 : i32
      %dma_start3A_1497 = arith.constant 0 : i32
      %dma_start3A_1498 = tpu.memref_slice %arg2[%dma_start3A_1496, %dma_start3A_1497] : memref<1000000x32xf32, #tpu.memory_space<hbm>> -> memref<1000000x32xf32, #tpu.memory_space<hbm>>
      tpu.enqueue_indirect_dma source(%dma_start3A_1498 : memref<1000000x32xf32, #tpu.memory_space<hbm>>) target(%arg8 : memref<128x32xf32, #tpu.memory_space<vmem>>) offsets(%dma_start3A_1495 : memref<128xi32, #tpu.memory_space<vmem>>) semaphore(%arg14 : memref<!tpu.dma_semaphore, #tpu.memory_space<semaphore_mem>>)
      %jit3A_1499 = arith.constant 50 : i32
      %eq3A_1500 = arith.constant 0 : i32
      %eq3A_1501 = arith.cmpi eq, %jit3A_1499, %eq3A_1500 : i32
      %jit3A_1502 = arith.constant 1 : i32
      %select_n3A_1503 = arith.select %eq3A_1501, %jit3A_1502, %jit3A_1499 : i32
      %rem3A_1504 = arith.remsi %add3A_1379, %select_n3A_1503 : i32
      %ne3A_1505 = arith.constant 0 : i32
      %ne3A_1506 = arith.cmpi ne, %rem3A_1504, %ne3A_1505 : i32
      %lt3A_1507 = arith.constant 0 : i32
      %lt3A_1508 = arith.cmpi slt, %rem3A_1504, %lt3A_1507 : i32
      %lt3A_1509 = arith.constant 0 : i32
      %lt3A_1510 = arith.cmpi slt, %select_n3A_1503, %lt3A_1509 : i32
      %ne3A_1511 = arith.xori %lt3A_1508, %lt3A_1510 : i1
      %and3A_1512 = arith.andi %ne3A_1511, %ne3A_1506 : i1
      %add3A_1513 = arith.addi %rem3A_1504, %select_n3A_1503 : i32
      %select_n3A_1514 = arith.select %and3A_1512, %add3A_1513, %rem3A_1504 : i32
      %jit3A_1515 = arith.constant 50 : i32
      %div3A_1516 = arith.divsi %add3A_1379, %jit3A_1515 : i32
      %sign3A_1517 = arith.constant 0 : i32
      %sign3A_1518 = arith.cmpi sgt, %add3A_1379, %sign3A_1517 : i32
      %sign3A_1519 = arith.extui %sign3A_1518 : i1 to i32
      %sign3A_1520 = arith.constant 0 : i32
      %sign3A_1521 = arith.cmpi slt, %add3A_1379, %sign3A_1520 : i32
      %sign3A_1522 = arith.extui %sign3A_1521 : i1 to i32
      %sign3A_1523 = arith.subi %sign3A_1519, %sign3A_1522 : i32
      %sign3A_1524 = arith.constant 0 : i32
      %sign3A_1525 = arith.cmpi sgt, %jit3A_1515, %sign3A_1524 : i32
      %sign3A_1526 = arith.extui %sign3A_1525 : i1 to i32
      %sign3A_1527 = arith.constant 0 : i32
      %sign3A_1528 = arith.cmpi slt, %jit3A_1515, %sign3A_1527 : i32
      %sign3A_1529 = arith.extui %sign3A_1528 : i1 to i32
      %sign3A_1530 = arith.subi %sign3A_1526, %sign3A_1529 : i32
      %ne3A_1531 = arith.cmpi ne, %sign3A_1523, %sign3A_1530 : i32
      %rem3A_1532 = arith.remsi %add3A_1379, %jit3A_1515 : i32
      %ne3A_1533 = arith.constant 0 : i32
      %ne3A_1534 = arith.cmpi ne, %rem3A_1532, %ne3A_1533 : i32
      %and3A_1535 = arith.andi %ne3A_1531, %ne3A_1534 : i1
      %sub3A_1536 = arith.constant 1 : i32
      %sub3A_1537 = arith.subi %div3A_1516, %sub3A_1536 : i32
      %select_n3A_1538 = arith.select %and3A_1535, %sub3A_1537, %div3A_1516 : i32
      %mul3A_1539 = arith.constant 4 : i32
      %mul3A_1540 = arith.muli %add3A, %mul3A_1539 : i32
      %add3A_1541 = arith.addi %mul3A_1540, %select_n3A_1538 : i32
      %dma_start3A_1542 = arith.constant 0 : i32
      %dma_start3A_1543 = arith.constant 0 : i32
      %dma_start3A_1544 = arith.constant 0 : i32
      %dma_start3A_1545 = tpu.memref_slice %arg10[%dma_start3A_1543, %dma_start3A_1544] : memref<32x128xf32, #tpu.memory_space<vmem>> -> memref<8x128xf32, #tpu.memory_space<vmem>>
      %dma_start3A_1546 = arith.constant 0 : i32
      %dma_start3A_1547 = arith.constant 0 : i32
      %dma_start3A_1548 = tpu.memref_slice %arg4[%select_n3A_1514, %dma_start3A_1542, %add3A_1541, %dma_start3A_1546, %dma_start3A_1547] : memref<50x4x128x8x128xf32, #tpu.memory_space<hbm>> -> memref<1x1x1x8x128xf32, #tpu.memory_space<hbm>>
      %dma_start3A_1549 = tpu.memref_squeeze %dma_start3A_1548 : memref<1x1x1x8x128xf32, #tpu.memory_space<hbm>> -> memref<8x128xf32, #tpu.memory_space<hbm>>
      %dma_start3A_1550 = arith.constant 0 : i32
      %dma_start3A_1551 = arith.constant 0 : i32
      %dma_start3A_1552 = tpu.memref_slice %arg4[%select_n3A_1514, %dma_start3A_1542, %add3A_1541, %dma_start3A_1550, %dma_start3A_1551] : memref<50x4x128x8x128xf32, #tpu.memory_space<hbm>> -> memref<1x1x1x8x128xf32, #tpu.memory_space<hbm>>
      %dma_start3A_1553 = tpu.memref_squeeze %dma_start3A_1552 : memref<1x1x1x8x128xf32, #tpu.memory_space<hbm>> -> memref<8x128xf32, #tpu.memory_space<hbm>>
      %dma_start3A_1554 = arith.constant 0 : i32
      %dma_start3A_1555 = arith.constant 0 : i32
      %dma_start3A_1556 = tpu.memref_slice %arg10[%dma_start3A_1554, %dma_start3A_1555] : memref<32x128xf32, #tpu.memory_space<vmem>> -> memref<8x128xf32, #tpu.memory_space<vmem>>
      tpu.enqueue_dma source(%dma_start3A_1556 : memref<8x128xf32, #tpu.memory_space<vmem>>) target(%dma_start3A_1553 : memref<8x128xf32, #tpu.memory_space<hbm>>) target_semaphore(%arg16 : memref<!tpu.dma_semaphore, #tpu.memory_space<semaphore_mem>>)
      %mul3A_1557 = arith.constant 4 : i32
      %mul3A_1558 = arith.muli %add3A, %mul3A_1557 : i32
      %add3A_1559 = arith.addi %mul3A_1558, %select_n3A_1538 : i32
      %dma_start3A_1560 = arith.constant 1 : i32
      %dma_start3A_1561 = arith.constant 8 : i32
      %dma_start3A_1562 = arith.constant 0 : i32
      %dma_start3A_1563 = tpu.memref_slice %arg10[%dma_start3A_1561, %dma_start3A_1562] : memref<32x128xf32, #tpu.memory_space<vmem>> -> memref<8x128xf32, #tpu.memory_space<vmem>>
      %dma_start3A_1564 = arith.constant 0 : i32
      %dma_start3A_1565 = arith.constant 0 : i32
      %dma_start3A_1566 = tpu.memref_slice %arg4[%select_n3A_1514, %dma_start3A_1560, %add3A_1559, %dma_start3A_1564, %dma_start3A_1565] : memref<50x4x128x8x128xf32, #tpu.memory_space<hbm>> -> memref<1x1x1x8x128xf32, #tpu.memory_space<hbm>>
      %dma_start3A_1567 = tpu.memref_squeeze %dma_start3A_1566 : memref<1x1x1x8x128xf32, #tpu.memory_space<hbm>> -> memref<8x128xf32, #tpu.memory_space<hbm>>
      %dma_start3A_1568 = arith.constant 0 : i32
      %dma_start3A_1569 = arith.constant 0 : i32
      %dma_start3A_1570 = tpu.memref_slice %arg4[%select_n3A_1514, %dma_start3A_1560, %add3A_1559, %dma_start3A_1568, %dma_start3A_1569] : memref<50x4x128x8x128xf32, #tpu.memory_space<hbm>> -> memref<1x1x1x8x128xf32, #tpu.memory_space<hbm>>
      %dma_start3A_1571 = tpu.memref_squeeze %dma_start3A_1570 : memref<1x1x1x8x128xf32, #tpu.memory_space<hbm>> -> memref<8x128xf32, #tpu.memory_space<hbm>>
      %dma_start3A_1572 = arith.constant 8 : i32
      %dma_start3A_1573 = arith.constant 0 : i32
      %dma_start3A_1574 = tpu.memref_slice %arg10[%dma_start3A_1572, %dma_start3A_1573] : memref<32x128xf32, #tpu.memory_space<vmem>> -> memref<8x128xf32, #tpu.memory_space<vmem>>
      tpu.enqueue_dma source(%dma_start3A_1574 : memref<8x128xf32, #tpu.memory_space<vmem>>) target(%dma_start3A_1571 : memref<8x128xf32, #tpu.memory_space<hbm>>) target_semaphore(%arg16 : memref<!tpu.dma_semaphore, #tpu.memory_space<semaphore_mem>>)
      %mul3A_1575 = arith.constant 4 : i32
      %mul3A_1576 = arith.muli %add3A, %mul3A_1575 : i32
      %add3A_1577 = arith.addi %mul3A_1576, %select_n3A_1538 : i32
      %dma_start3A_1578 = arith.constant 2 : i32
      %dma_start3A_1579 = arith.constant 16 : i32
      %dma_start3A_1580 = arith.constant 0 : i32
      %dma_start3A_1581 = tpu.memref_slice %arg10[%dma_start3A_1579, %dma_start3A_1580] : memref<32x128xf32, #tpu.memory_space<vmem>> -> memref<8x128xf32, #tpu.memory_space<vmem>>
      %dma_start3A_1582 = arith.constant 0 : i32
      %dma_start3A_1583 = arith.constant 0 : i32
      %dma_start3A_1584 = tpu.memref_slice %arg4[%select_n3A_1514, %dma_start3A_1578, %add3A_1577, %dma_start3A_1582, %dma_start3A_1583] : memref<50x4x128x8x128xf32, #tpu.memory_space<hbm>> -> memref<1x1x1x8x128xf32, #tpu.memory_space<hbm>>
      %dma_start3A_1585 = tpu.memref_squeeze %dma_start3A_1584 : memref<1x1x1x8x128xf32, #tpu.memory_space<hbm>> -> memref<8x128xf32, #tpu.memory_space<hbm>>
      %dma_start3A_1586 = arith.constant 0 : i32
      %dma_start3A_1587 = arith.constant 0 : i32
      %dma_start3A_1588 = tpu.memref_slice %arg4[%select_n3A_1514, %dma_start3A_1578, %add3A_1577, %dma_start3A_1586, %dma_start3A_1587] : memref<50x4x128x8x128xf32, #tpu.memory_space<hbm>> -> memref<1x1x1x8x128xf32, #tpu.memory_space<hbm>>
      %dma_start3A_1589 = tpu.memref_squeeze %dma_start3A_1588 : memref<1x1x1x8x128xf32, #tpu.memory_space<hbm>> -> memref<8x128xf32, #tpu.memory_space<hbm>>
      %dma_start3A_1590 = arith.constant 16 : i32
      %dma_start3A_1591 = arith.constant 0 : i32
      %dma_start3A_1592 = tpu.memref_slice %arg10[%dma_start3A_1590, %dma_start3A_1591] : memref<32x128xf32, #tpu.memory_space<vmem>> -> memref<8x128xf32, #tpu.memory_space<vmem>>
      tpu.enqueue_dma source(%dma_start3A_1592 : memref<8x128xf32, #tpu.memory_space<vmem>>) target(%dma_start3A_1589 : memref<8x128xf32, #tpu.memory_space<hbm>>) target_semaphore(%arg16 : memref<!tpu.dma_semaphore, #tpu.memory_space<semaphore_mem>>)
      %mul3A_1593 = arith.constant 4 : i32
      %mul3A_1594 = arith.muli %add3A, %mul3A_1593 : i32
      %add3A_1595 = arith.addi %mul3A_1594, %select_n3A_1538 : i32
      %dma_start3A_1596 = arith.constant 3 : i32
      %dma_start3A_1597 = arith.constant 24 : i32
      %dma_start3A_1598 = arith.constant 0 : i32
      %dma_start3A_1599 = tpu.memref_slice %arg10[%dma_start3A_1597, %dma_start3A_1598] : memref<32x128xf32, #tpu.memory_space<vmem>> -> memref<8x128xf32, #tpu.memory_space<vmem>>
      %dma_start3A_1600 = arith.constant 0 : i32
      %dma_start3A_1601 = arith.constant 0 : i32
      %dma_start3A_1602 = tpu.memref_slice %arg4[%select_n3A_1514, %dma_start3A_1596, %add3A_1595, %dma_start3A_1600, %dma_start3A_1601] : memref<50x4x128x8x128xf32, #tpu.memory_space<hbm>> -> memref<1x1x1x8x128xf32, #tpu.memory_space<hbm>>
      %dma_start3A_1603 = tpu.memref_squeeze %dma_start3A_1602 : memref<1x1x1x8x128xf32, #tpu.memory_space<hbm>> -> memref<8x128xf32, #tpu.memory_space<hbm>>
      %dma_start3A_1604 = arith.constant 0 : i32
      %dma_start3A_1605 = arith.constant 0 : i32
      %dma_start3A_1606 = tpu.memref_slice %arg4[%select_n3A_1514, %dma_start3A_1596, %add3A_1595, %dma_start3A_1604, %dma_start3A_1605] : memref<50x4x128x8x128xf32, #tpu.memory_space<hbm>> -> memref<1x1x1x8x128xf32, #tpu.memory_space<hbm>>
      %dma_start3A_1607 = tpu.memref_squeeze %dma_start3A_1606 : memref<1x1x1x8x128xf32, #tpu.memory_space<hbm>> -> memref<8x128xf32, #tpu.memory_space<hbm>>
      %dma_start3A_1608 = arith.constant 24 : i32
      %dma_start3A_1609 = arith.constant 0 : i32
      %dma_start3A_1610 = tpu.memref_slice %arg10[%dma_start3A_1608, %dma_start3A_1609] : memref<32x128xf32, #tpu.memory_space<vmem>> -> memref<8x128xf32, #tpu.memory_space<vmem>>
      tpu.enqueue_dma source(%dma_start3A_1610 : memref<8x128xf32, #tpu.memory_space<vmem>>) target(%dma_start3A_1607 : memref<8x128xf32, #tpu.memory_space<hbm>>) target_semaphore(%arg16 : memref<!tpu.dma_semaphore, #tpu.memory_space<semaphore_mem>>)
      %mul3A_1611 = arith.constant 4 : i32
      %mul3A_1612 = arith.muli %mul3A_1611, %scan3A_1373 : i32
      %add3A_1613 = arith.constant 2 : i32
      %add3A_1614 = arith.addi %mul3A_1612, %add3A_1613 : i32
      %add3A_1615 = arith.constant 1 : i32
      %add3A_1616 = arith.addi %add3A_1614, %add3A_1615 : i32
      %dma_wait3A_1617 = arith.constant 0 : i32
      %dma_wait3A_1618 = arith.constant 0 : i32
      %dma_wait3A_1619 = tpu.memref_slice %arg2[%dma_wait3A_1617, %dma_wait3A_1618] : memref<1000000x32xf32, #tpu.memory_space<hbm>> -> memref<128x32xf32, #tpu.memory_space<hbm>>
      %dma_wait3A_1620 = arith.constant 0 : i32
      %dma_wait3A_1621 = arith.constant 0 : i32
      %dma_wait3A_1622 = tpu.memref_slice %arg2[%dma_wait3A_1620, %dma_wait3A_1621] : memref<1000000x32xf32, #tpu.memory_space<hbm>> -> memref<128x32xf32, #tpu.memory_space<hbm>>
      tpu.wait_dma2 semaphore(%arg15 : memref<!tpu.dma_semaphore, #tpu.memory_space<semaphore_mem>>) src(%dma_wait3A_1622 : memref<128x32xf32, #tpu.memory_space<hbm>>) dst(%arg9 : memref<128x32xf32, #tpu.memory_space<vmem>>)
      %dma_wait3A_1623 = arith.constant 0 : i32
      %dma_wait3A_1624 = arith.constant 0 : i32
      %dma_wait3A_1625 = arith.constant 0 : i32
      %dma_wait3A_1626 = arith.constant 0 : i32
      %dma_wait3A_1627 = arith.constant 0 : i32
      %dma_wait3A_1628 = tpu.memref_slice %arg11[%dma_wait3A_1626, %dma_wait3A_1627] : memref<32x128xf32, #tpu.memory_space<vmem>> -> memref<8x128xf32, #tpu.memory_space<vmem>>
      %dma_wait3A_1629 = arith.constant 0 : i32
      %dma_wait3A_1630 = arith.constant 0 : i32
      %dma_wait3A_1631 = tpu.memref_slice %arg4[%dma_wait3A_1623, %dma_wait3A_1624, %dma_wait3A_1625, %dma_wait3A_1629, %dma_wait3A_1630] : memref<50x4x128x8x128xf32, #tpu.memory_space<hbm>> -> memref<1x1x1x8x128xf32, #tpu.memory_space<hbm>>
      %dma_wait3A_1632 = tpu.memref_squeeze %dma_wait3A_1631 : memref<1x1x1x8x128xf32, #tpu.memory_space<hbm>> -> memref<8x128xf32, #tpu.memory_space<hbm>>
      %dma_wait3A_1633 = arith.constant 0 : i32
      %dma_wait3A_1634 = arith.constant 0 : i32
      %dma_wait3A_1635 = tpu.memref_slice %arg4[%dma_wait3A_1623, %dma_wait3A_1624, %dma_wait3A_1625, %dma_wait3A_1633, %dma_wait3A_1634] : memref<50x4x128x8x128xf32, #tpu.memory_space<hbm>> -> memref<1x1x1x8x128xf32, #tpu.memory_space<hbm>>
      %dma_wait3A_1636 = tpu.memref_squeeze %dma_wait3A_1635 : memref<1x1x1x8x128xf32, #tpu.memory_space<hbm>> -> memref<8x128xf32, #tpu.memory_space<hbm>>
      %dma_wait3A_1637 = arith.constant 0 : i32
      %dma_wait3A_1638 = arith.constant 0 : i32
      %dma_wait3A_1639 = tpu.memref_slice %arg11[%dma_wait3A_1637, %dma_wait3A_1638] : memref<32x128xf32, #tpu.memory_space<vmem>> -> memref<8x128xf32, #tpu.memory_space<vmem>>
      tpu.wait_dma2 semaphore(%arg17 : memref<!tpu.dma_semaphore, #tpu.memory_space<semaphore_mem>>) src(%dma_wait3A_1639 : memref<8x128xf32, #tpu.memory_space<vmem>>) dst(%dma_wait3A_1636 : memref<8x128xf32, #tpu.memory_space<hbm>>)
      %dma_wait3A_1640 = arith.constant 0 : i32
      %dma_wait3A_1641 = arith.constant 1 : i32
      %dma_wait3A_1642 = arith.constant 0 : i32
      %dma_wait3A_1643 = arith.constant 8 : i32
      %dma_wait3A_1644 = arith.constant 0 : i32
      %dma_wait3A_1645 = tpu.memref_slice %arg11[%dma_wait3A_1643, %dma_wait3A_1644] : memref<32x128xf32, #tpu.memory_space<vmem>> -> memref<8x128xf32, #tpu.memory_space<vmem>>
      %dma_wait3A_1646 = arith.constant 0 : i32
      %dma_wait3A_1647 = arith.constant 0 : i32
      %dma_wait3A_1648 = tpu.memref_slice %arg4[%dma_wait3A_1640, %dma_wait3A_1641, %dma_wait3A_1642, %dma_wait3A_1646, %dma_wait3A_1647] : memref<50x4x128x8x128xf32, #tpu.memory_space<hbm>> -> memref<1x1x1x8x128xf32, #tpu.memory_space<hbm>>
      %dma_wait3A_1649 = tpu.memref_squeeze %dma_wait3A_1648 : memref<1x1x1x8x128xf32, #tpu.memory_space<hbm>> -> memref<8x128xf32, #tpu.memory_space<hbm>>
      %dma_wait3A_1650 = arith.constant 0 : i32
      %dma_wait3A_1651 = arith.constant 0 : i32
      %dma_wait3A_1652 = tpu.memref_slice %arg4[%dma_wait3A_1640, %dma_wait3A_1641, %dma_wait3A_1642, %dma_wait3A_1650, %dma_wait3A_1651] : memref<50x4x128x8x128xf32, #tpu.memory_space<hbm>> -> memref<1x1x1x8x128xf32, #tpu.memory_space<hbm>>
      %dma_wait3A_1653 = tpu.memref_squeeze %dma_wait3A_1652 : memref<1x1x1x8x128xf32, #tpu.memory_space<hbm>> -> memref<8x128xf32, #tpu.memory_space<hbm>>
      %dma_wait3A_1654 = arith.constant 8 : i32
      %dma_wait3A_1655 = arith.constant 0 : i32
      %dma_wait3A_1656 = tpu.memref_slice %arg11[%dma_wait3A_1654, %dma_wait3A_1655] : memref<32x128xf32, #tpu.memory_space<vmem>> -> memref<8x128xf32, #tpu.memory_space<vmem>>
      tpu.wait_dma2 semaphore(%arg17 : memref<!tpu.dma_semaphore, #tpu.memory_space<semaphore_mem>>) src(%dma_wait3A_1656 : memref<8x128xf32, #tpu.memory_space<vmem>>) dst(%dma_wait3A_1653 : memref<8x128xf32, #tpu.memory_space<hbm>>)
      %dma_wait3A_1657 = arith.constant 0 : i32
      %dma_wait3A_1658 = arith.constant 2 : i32
      %dma_wait3A_1659 = arith.constant 0 : i32
      %dma_wait3A_1660 = arith.constant 16 : i32
      %dma_wait3A_1661 = arith.constant 0 : i32
      %dma_wait3A_1662 = tpu.memref_slice %arg11[%dma_wait3A_1660, %dma_wait3A_1661] : memref<32x128xf32, #tpu.memory_space<vmem>> -> memref<8x128xf32, #tpu.memory_space<vmem>>
      %dma_wait3A_1663 = arith.constant 0 : i32
      %dma_wait3A_1664 = arith.constant 0 : i32
      %dma_wait3A_1665 = tpu.memref_slice %arg4[%dma_wait3A_1657, %dma_wait3A_1658, %dma_wait3A_1659, %dma_wait3A_1663, %dma_wait3A_1664] : memref<50x4x128x8x128xf32, #tpu.memory_space<hbm>> -> memref<1x1x1x8x128xf32, #tpu.memory_space<hbm>>
      %dma_wait3A_1666 = tpu.memref_squeeze %dma_wait3A_1665 : memref<1x1x1x8x128xf32, #tpu.memory_space<hbm>> -> memref<8x128xf32, #tpu.memory_space<hbm>>
      %dma_wait3A_1667 = arith.constant 0 : i32
      %dma_wait3A_1668 = arith.constant 0 : i32
      %dma_wait3A_1669 = tpu.memref_slice %arg4[%dma_wait3A_1657, %dma_wait3A_1658, %dma_wait3A_1659, %dma_wait3A_1667, %dma_wait3A_1668] : memref<50x4x128x8x128xf32, #tpu.memory_space<hbm>> -> memref<1x1x1x8x128xf32, #tpu.memory_space<hbm>>
      %dma_wait3A_1670 = tpu.memref_squeeze %dma_wait3A_1669 : memref<1x1x1x8x128xf32, #tpu.memory_space<hbm>> -> memref<8x128xf32, #tpu.memory_space<hbm>>
      %dma_wait3A_1671 = arith.constant 16 : i32
      %dma_wait3A_1672 = arith.constant 0 : i32
      %dma_wait3A_1673 = tpu.memref_slice %arg11[%dma_wait3A_1671, %dma_wait3A_1672] : memref<32x128xf32, #tpu.memory_space<vmem>> -> memref<8x128xf32, #tpu.memory_space<vmem>>
      tpu.wait_dma2 semaphore(%arg17 : memref<!tpu.dma_semaphore, #tpu.memory_space<semaphore_mem>>) src(%dma_wait3A_1673 : memref<8x128xf32, #tpu.memory_space<vmem>>) dst(%dma_wait3A_1670 : memref<8x128xf32, #tpu.memory_space<hbm>>)
      %dma_wait3A_1674 = arith.constant 0 : i32
      %dma_wait3A_1675 = arith.constant 3 : i32
      %dma_wait3A_1676 = arith.constant 0 : i32
      %dma_wait3A_1677 = arith.constant 24 : i32
      %dma_wait3A_1678 = arith.constant 0 : i32
      %dma_wait3A_1679 = tpu.memref_slice %arg11[%dma_wait3A_1677, %dma_wait3A_1678] : memref<32x128xf32, #tpu.memory_space<vmem>> -> memref<8x128xf32, #tpu.memory_space<vmem>>
      %dma_wait3A_1680 = arith.constant 0 : i32
      %dma_wait3A_1681 = arith.constant 0 : i32
      %dma_wait3A_1682 = tpu.memref_slice %arg4[%dma_wait3A_1674, %dma_wait3A_1675, %dma_wait3A_1676, %dma_wait3A_1680, %dma_wait3A_1681] : memref<50x4x128x8x128xf32, #tpu.memory_space<hbm>> -> memref<1x1x1x8x128xf32, #tpu.memory_space<hbm>>
      %dma_wait3A_1683 = tpu.memref_squeeze %dma_wait3A_1682 : memref<1x1x1x8x128xf32, #tpu.memory_space<hbm>> -> memref<8x128xf32, #tpu.memory_space<hbm>>
      %dma_wait3A_1684 = arith.constant 0 : i32
      %dma_wait3A_1685 = arith.constant 0 : i32
      %dma_wait3A_1686 = tpu.memref_slice %arg4[%dma_wait3A_1674, %dma_wait3A_1675, %dma_wait3A_1676, %dma_wait3A_1684, %dma_wait3A_1685] : memref<50x4x128x8x128xf32, #tpu.memory_space<hbm>> -> memref<1x1x1x8x128xf32, #tpu.memory_space<hbm>>
      %dma_wait3A_1687 = tpu.memref_squeeze %dma_wait3A_1686 : memref<1x1x1x8x128xf32, #tpu.memory_space<hbm>> -> memref<8x128xf32, #tpu.memory_space<hbm>>
      %dma_wait3A_1688 = arith.constant 24 : i32
      %dma_wait3A_1689 = arith.constant 0 : i32
      %dma_wait3A_1690 = tpu.memref_slice %arg11[%dma_wait3A_1688, %dma_wait3A_1689] : memref<32x128xf32, #tpu.memory_space<vmem>> -> memref<8x128xf32, #tpu.memory_space<vmem>>
      tpu.wait_dma2 semaphore(%arg17 : memref<!tpu.dma_semaphore, #tpu.memory_space<semaphore_mem>>) src(%dma_wait3A_1690 : memref<8x128xf32, #tpu.memory_space<vmem>>) dst(%dma_wait3A_1687 : memref<8x128xf32, #tpu.memory_space<hbm>>)
      %scan3A_1691 = arith.constant 0 : i32
      %scan3A_1692 = arith.constant 0 : i32
      %scan3A_1693 = arith.constant 32 : i32
      %scan3A_1694 = arith.addi %scan3A_1692, %scan3A_1693 : i32
      %scan3A_1695 = arith.constant 1 : i32
      scf.for %scan3A_2352 = %scan3A_1692 to %scan3A_1694 step %scan3A_1695  : i32 {
        %broadcast_in_dim3A = vector.broadcast %scan3A_2352 : i32 to vector<16xi32>
        %gather3A = tpu.vector_load_idx %arg9[%add3A_5, %broadcast_in_dim3A] : memref<128x32xf32, #tpu.memory_space<vmem>>[vector<16xi32>, vector<16xi32>], vector<16xf32>,
        %swap3A = arith.index_cast %scan3A_2352 : i32 to index
        %swap3A_2353 = arith.constant 0 : index
        %swap3A_2354 = tpu.vector_load %arg11[%swap3A, %swap3A_2353] {strides = array<i32>} : memref<32x128xf32, #tpu.memory_space<vmem>>, vector<16xf32>,
        tpu.vector_store %arg11[%swap3A, %swap3A_2353], %gather3A {strides = array<i32>} : memref<32x128xf32, #tpu.memory_space<vmem>>, vector<16xf32>,
        %gather3A_2355 = tpu.vector_load_idx %arg9[%add3A_9, %broadcast_in_dim3A] : memref<128x32xf32, #tpu.memory_space<vmem>>[vector<16xi32>, vector<16xi32>], vector<16xf32>,
        %swap3A_2356 = arith.index_cast %scan3A_2352 : i32 to index
        %swap3A_2357 = arith.constant 16 : index
        %swap3A_2358 = tpu.vector_load %arg11[%swap3A_2356, %swap3A_2357] {strides = array<i32>} : memref<32x128xf32, #tpu.memory_space<vmem>>, vector<16xf32>,
        tpu.vector_store %arg11[%swap3A_2356, %swap3A_2357], %gather3A_2355 {strides = array<i32>} : memref<32x128xf32, #tpu.memory_space<vmem>>, vector<16xf32>,
        %gather3A_2359 = tpu.vector_load_idx %arg9[%add3A_13, %broadcast_in_dim3A] : memref<128x32xf32, #tpu.memory_space<vmem>>[vector<16xi32>, vector<16xi32>], vector<16xf32>,
        %swap3A_2360 = arith.index_cast %scan3A_2352 : i32 to index
        %swap3A_2361 = arith.constant 32 : index
        %swap3A_2362 = tpu.vector_load %arg11[%swap3A_2360, %swap3A_2361] {strides = array<i32>} : memref<32x128xf32, #tpu.memory_space<vmem>>, vector<16xf32>,
        tpu.vector_store %arg11[%swap3A_2360, %swap3A_2361], %gather3A_2359 {strides = array<i32>} : memref<32x128xf32, #tpu.memory_space<vmem>>, vector<16xf32>,
        %gather3A_2363 = tpu.vector_load_idx %arg9[%add3A_17, %broadcast_in_dim3A] : memref<128x32xf32, #tpu.memory_space<vmem>>[vector<16xi32>, vector<16xi32>], vector<16xf32>,
        %swap3A_2364 = arith.index_cast %scan3A_2352 : i32 to index
        %swap3A_2365 = arith.constant 48 : index
        %swap3A_2366 = tpu.vector_load %arg11[%swap3A_2364, %swap3A_2365] {strides = array<i32>} : memref<32x128xf32, #tpu.memory_space<vmem>>, vector<16xf32>,
        tpu.vector_store %arg11[%swap3A_2364, %swap3A_2365], %gather3A_2363 {strides = array<i32>} : memref<32x128xf32, #tpu.memory_space<vmem>>, vector<16xf32>,
        %gather3A_2367 = tpu.vector_load_idx %arg9[%add3A_21, %broadcast_in_dim3A] : memref<128x32xf32, #tpu.memory_space<vmem>>[vector<16xi32>, vector<16xi32>], vector<16xf32>,
        %swap3A_2368 = arith.index_cast %scan3A_2352 : i32 to index
        %swap3A_2369 = arith.constant 64 : index
        %swap3A_2370 = tpu.vector_load %arg11[%swap3A_2368, %swap3A_2369] {strides = array<i32>} : memref<32x128xf32, #tpu.memory_space<vmem>>, vector<16xf32>,
        tpu.vector_store %arg11[%swap3A_2368, %swap3A_2369], %gather3A_2367 {strides = array<i32>} : memref<32x128xf32, #tpu.memory_space<vmem>>, vector<16xf32>,
        %gather3A_2371 = tpu.vector_load_idx %arg9[%add3A_25, %broadcast_in_dim3A] : memref<128x32xf32, #tpu.memory_space<vmem>>[vector<16xi32>, vector<16xi32>], vector<16xf32>,
        %swap3A_2372 = arith.index_cast %scan3A_2352 : i32 to index
        %swap3A_2373 = arith.constant 80 : index
        %swap3A_2374 = tpu.vector_load %arg11[%swap3A_2372, %swap3A_2373] {strides = array<i32>} : memref<32x128xf32, #tpu.memory_space<vmem>>, vector<16xf32>,
        tpu.vector_store %arg11[%swap3A_2372, %swap3A_2373], %gather3A_2371 {strides = array<i32>} : memref<32x128xf32, #tpu.memory_space<vmem>>, vector<16xf32>,
        %gather3A_2375 = tpu.vector_load_idx %arg9[%add3A_29, %broadcast_in_dim3A] : memref<128x32xf32, #tpu.memory_space<vmem>>[vector<16xi32>, vector<16xi32>], vector<16xf32>,
        %swap3A_2376 = arith.index_cast %scan3A_2352 : i32 to index
        %swap3A_2377 = arith.constant 96 : index
        %swap3A_2378 = tpu.vector_load %arg11[%swap3A_2376, %swap3A_2377] {strides = array<i32>} : memref<32x128xf32, #tpu.memory_space<vmem>>, vector<16xf32>,
        tpu.vector_store %arg11[%swap3A_2376, %swap3A_2377], %gather3A_2375 {strides = array<i32>} : memref<32x128xf32, #tpu.memory_space<vmem>>, vector<16xf32>,
        %gather3A_2379 = tpu.vector_load_idx %arg9[%add3A_33, %broadcast_in_dim3A] : memref<128x32xf32, #tpu.memory_space<vmem>>[vector<16xi32>, vector<16xi32>], vector<16xf32>,
        %swap3A_2380 = arith.index_cast %scan3A_2352 : i32 to index
        %swap3A_2381 = arith.constant 112 : index
        %swap3A_2382 = tpu.vector_load %arg11[%swap3A_2380, %swap3A_2381] {strides = array<i32>} : memref<32x128xf32, #tpu.memory_space<vmem>>, vector<16xf32>,
        tpu.vector_store %arg11[%swap3A_2380, %swap3A_2381], %gather3A_2379 {strides = array<i32>} : memref<32x128xf32, #tpu.memory_space<vmem>>, vector<16xf32>,
      }
      %scan3A_1696 = arith.constant 32 : i32
      %add3A_1697 = arith.constant 4 : i32
      %add3A_1698 = arith.addi %add3A_1616, %add3A_1697 : i32
      %jit3A_1699 = arith.constant 50 : i32
      %eq3A_1700 = arith.constant 0 : i32
      %eq3A_1701 = arith.cmpi eq, %jit3A_1699, %eq3A_1700 : i32
      %jit3A_1702 = arith.constant 1 : i32
      %select_n3A_1703 = arith.select %eq3A_1701, %jit3A_1702, %jit3A_1699 : i32
      %rem3A_1704 = arith.remsi %add3A_1698, %select_n3A_1703 : i32
      %ne3A_1705 = arith.constant 0 : i32
      %ne3A_1706 = arith.cmpi ne, %rem3A_1704, %ne3A_1705 : i32
      %lt3A_1707 = arith.constant 0 : i32
      %lt3A_1708 = arith.cmpi slt, %rem3A_1704, %lt3A_1707 : i32
      %lt3A_1709 = arith.constant 0 : i32
      %lt3A_1710 = arith.cmpi slt, %select_n3A_1703, %lt3A_1709 : i32
      %ne3A_1711 = arith.xori %lt3A_1708, %lt3A_1710 : i1
      %and3A_1712 = arith.andi %ne3A_1711, %ne3A_1706 : i1
      %add3A_1713 = arith.addi %rem3A_1704, %select_n3A_1703 : i32
      %select_n3A_1714 = arith.select %and3A_1712, %add3A_1713, %rem3A_1704 : i32
      %jit3A_1715 = arith.constant 50 : i32
      %div3A_1716 = arith.divsi %add3A_1698, %jit3A_1715 : i32
      %sign3A_1717 = arith.constant 0 : i32
      %sign3A_1718 = arith.cmpi sgt, %add3A_1698, %sign3A_1717 : i32
      %sign3A_1719 = arith.extui %sign3A_1718 : i1 to i32
      %sign3A_1720 = arith.constant 0 : i32
      %sign3A_1721 = arith.cmpi slt, %add3A_1698, %sign3A_1720 : i32
      %sign3A_1722 = arith.extui %sign3A_1721 : i1 to i32
      %sign3A_1723 = arith.subi %sign3A_1719, %sign3A_1722 : i32
      %sign3A_1724 = arith.constant 0 : i32
      %sign3A_1725 = arith.cmpi sgt, %jit3A_1715, %sign3A_1724 : i32
      %sign3A_1726 = arith.extui %sign3A_1725 : i1 to i32
      %sign3A_1727 = arith.constant 0 : i32
      %sign3A_1728 = arith.cmpi slt, %jit3A_1715, %sign3A_1727 : i32
      %sign3A_1729 = arith.extui %sign3A_1728 : i1 to i32
      %sign3A_1730 = arith.subi %sign3A_1726, %sign3A_1729 : i32
      %ne3A_1731 = arith.cmpi ne, %sign3A_1723, %sign3A_1730 : i32
      %rem3A_1732 = arith.remsi %add3A_1698, %jit3A_1715 : i32
      %ne3A_1733 = arith.constant 0 : i32
      %ne3A_1734 = arith.cmpi ne, %rem3A_1732, %ne3A_1733 : i32
      %and3A_1735 = arith.andi %ne3A_1731, %ne3A_1734 : i1
      %sub3A_1736 = arith.constant 1 : i32
      %sub3A_1737 = arith.subi %div3A_1716, %sub3A_1736 : i32
      %select_n3A_1738 = arith.select %and3A_1735, %sub3A_1737, %div3A_1716 : i32
      %mul3A_1739 = arith.constant 128 : i32
      %mul3A_1740 = arith.muli %select_n3A_1738, %mul3A_1739 : i32
      %dma_start3A_1741 = tpu.memref_slice %arg5[%select_n3A_1714, %mul3A_1740] : memref<50x512xi32, #tpu.memory_space<vmem>> -> memref<1x128xi32, #tpu.memory_space<vmem>>
      %dma_start3A_1742 = tpu.memref_squeeze %dma_start3A_1741 : memref<1x128xi32, #tpu.memory_space<vmem>> -> memref<128xi32, #tpu.memory_space<vmem>>
      %dma_start3A_1743 = arith.constant 0 : i32
      %dma_start3A_1744 = arith.constant 0 : i32
      %dma_start3A_1745 = tpu.memref_slice %arg2[%dma_start3A_1743, %dma_start3A_1744] : memref<1000000x32xf32, #tpu.memory_space<hbm>> -> memref<1000000x32xf32, #tpu.memory_space<hbm>>
      tpu.enqueue_indirect_dma source(%dma_start3A_1745 : memref<1000000x32xf32, #tpu.memory_space<hbm>>) target(%arg9 : memref<128x32xf32, #tpu.memory_space<vmem>>) offsets(%dma_start3A_1742 : memref<128xi32, #tpu.memory_space<vmem>>) semaphore(%arg15 : memref<!tpu.dma_semaphore, #tpu.memory_space<semaphore_mem>>)
      %jit3A_1746 = arith.constant 50 : i32
      %eq3A_1747 = arith.constant 0 : i32
      %eq3A_1748 = arith.cmpi eq, %jit3A_1746, %eq3A_1747 : i32
      %jit3A_1749 = arith.constant 1 : i32
      %select_n3A_1750 = arith.select %eq3A_1748, %jit3A_1749, %jit3A_1746 : i32
      %rem3A_1751 = arith.remsi %add3A_1616, %select_n3A_1750 : i32
      %ne3A_1752 = arith.constant 0 : i32
      %ne3A_1753 = arith.cmpi ne, %rem3A_1751, %ne3A_1752 : i32
      %lt3A_1754 = arith.constant 0 : i32
      %lt3A_1755 = arith.cmpi slt, %rem3A_1751, %lt3A_1754 : i32
      %lt3A_1756 = arith.constant 0 : i32
      %lt3A_1757 = arith.cmpi slt, %select_n3A_1750, %lt3A_1756 : i32
      %ne3A_1758 = arith.xori %lt3A_1755, %lt3A_1757 : i1
      %and3A_1759 = arith.andi %ne3A_1758, %ne3A_1753 : i1
      %add3A_1760 = arith.addi %rem3A_1751, %select_n3A_1750 : i32
      %select_n3A_1761 = arith.select %and3A_1759, %add3A_1760, %rem3A_1751 : i32
      %jit3A_1762 = arith.constant 50 : i32
      %div3A_1763 = arith.divsi %add3A_1616, %jit3A_1762 : i32
      %sign3A_1764 = arith.constant 0 : i32
      %sign3A_1765 = arith.cmpi sgt, %add3A_1616, %sign3A_1764 : i32
      %sign3A_1766 = arith.extui %sign3A_1765 : i1 to i32
      %sign3A_1767 = arith.constant 0 : i32
      %sign3A_1768 = arith.cmpi slt, %add3A_1616, %sign3A_1767 : i32
      %sign3A_1769 = arith.extui %sign3A_1768 : i1 to i32
      %sign3A_1770 = arith.subi %sign3A_1766, %sign3A_1769 : i32
      %sign3A_1771 = arith.constant 0 : i32
      %sign3A_1772 = arith.cmpi sgt, %jit3A_1762, %sign3A_1771 : i32
      %sign3A_1773 = arith.extui %sign3A_1772 : i1 to i32
      %sign3A_1774 = arith.constant 0 : i32
      %sign3A_1775 = arith.cmpi slt, %jit3A_1762, %sign3A_1774 : i32
      %sign3A_1776 = arith.extui %sign3A_1775 : i1 to i32
      %sign3A_1777 = arith.subi %sign3A_1773, %sign3A_1776 : i32
      %ne3A_1778 = arith.cmpi ne, %sign3A_1770, %sign3A_1777 : i32
      %rem3A_1779 = arith.remsi %add3A_1616, %jit3A_1762 : i32
      %ne3A_1780 = arith.constant 0 : i32
      %ne3A_1781 = arith.cmpi ne, %rem3A_1779, %ne3A_1780 : i32
      %and3A_1782 = arith.andi %ne3A_1778, %ne3A_1781 : i1
      %sub3A_1783 = arith.constant 1 : i32
      %sub3A_1784 = arith.subi %div3A_1763, %sub3A_1783 : i32
      %select_n3A_1785 = arith.select %and3A_1782, %sub3A_1784, %div3A_1763 : i32
      %mul3A_1786 = arith.constant 4 : i32
      %mul3A_1787 = arith.muli %add3A, %mul3A_1786 : i32
      %add3A_1788 = arith.addi %mul3A_1787, %select_n3A_1785 : i32
      %dma_start3A_1789 = arith.constant 0 : i32
      %dma_start3A_1790 = arith.constant 0 : i32
      %dma_start3A_1791 = arith.constant 0 : i32
      %dma_start3A_1792 = tpu.memref_slice %arg11[%dma_start3A_1790, %dma_start3A_1791] : memref<32x128xf32, #tpu.memory_space<vmem>> -> memref<8x128xf32, #tpu.memory_space<vmem>>
      %dma_start3A_1793 = arith.constant 0 : i32
      %dma_start3A_1794 = arith.constant 0 : i32
      %dma_start3A_1795 = tpu.memref_slice %arg4[%select_n3A_1761, %dma_start3A_1789, %add3A_1788, %dma_start3A_1793, %dma_start3A_1794] : memref<50x4x128x8x128xf32, #tpu.memory_space<hbm>> -> memref<1x1x1x8x128xf32, #tpu.memory_space<hbm>>
      %dma_start3A_1796 = tpu.memref_squeeze %dma_start3A_1795 : memref<1x1x1x8x128xf32, #tpu.memory_space<hbm>> -> memref<8x128xf32, #tpu.memory_space<hbm>>
      %dma_start3A_1797 = arith.constant 0 : i32
      %dma_start3A_1798 = arith.constant 0 : i32
      %dma_start3A_1799 = tpu.memref_slice %arg4[%select_n3A_1761, %dma_start3A_1789, %add3A_1788, %dma_start3A_1797, %dma_start3A_1798] : memref<50x4x128x8x128xf32, #tpu.memory_space<hbm>> -> memref<1x1x1x8x128xf32, #tpu.memory_space<hbm>>
      %dma_start3A_1800 = tpu.memref_squeeze %dma_start3A_1799 : memref<1x1x1x8x128xf32, #tpu.memory_space<hbm>> -> memref<8x128xf32, #tpu.memory_space<hbm>>
      %dma_start3A_1801 = arith.constant 0 : i32
      %dma_start3A_1802 = arith.constant 0 : i32
      %dma_start3A_1803 = tpu.memref_slice %arg11[%dma_start3A_1801, %dma_start3A_1802] : memref<32x128xf32, #tpu.memory_space<vmem>> -> memref<8x128xf32, #tpu.memory_space<vmem>>
      tpu.enqueue_dma source(%dma_start3A_1803 : memref<8x128xf32, #tpu.memory_space<vmem>>) target(%dma_start3A_1800 : memref<8x128xf32, #tpu.memory_space<hbm>>) target_semaphore(%arg17 : memref<!tpu.dma_semaphore, #tpu.memory_space<semaphore_mem>>)
      %mul3A_1804 = arith.constant 4 : i32
      %mul3A_1805 = arith.muli %add3A, %mul3A_1804 : i32
      %add3A_1806 = arith.addi %mul3A_1805, %select_n3A_1785 : i32
      %dma_start3A_1807 = arith.constant 1 : i32
      %dma_start3A_1808 = arith.constant 8 : i32
      %dma_start3A_1809 = arith.constant 0 : i32
      %dma_start3A_1810 = tpu.memref_slice %arg11[%dma_start3A_1808, %dma_start3A_1809] : memref<32x128xf32, #tpu.memory_space<vmem>> -> memref<8x128xf32, #tpu.memory_space<vmem>>
      %dma_start3A_1811 = arith.constant 0 : i32
      %dma_start3A_1812 = arith.constant 0 : i32
      %dma_start3A_1813 = tpu.memref_slice %arg4[%select_n3A_1761, %dma_start3A_1807, %add3A_1806, %dma_start3A_1811, %dma_start3A_1812] : memref<50x4x128x8x128xf32, #tpu.memory_space<hbm>> -> memref<1x1x1x8x128xf32, #tpu.memory_space<hbm>>
      %dma_start3A_1814 = tpu.memref_squeeze %dma_start3A_1813 : memref<1x1x1x8x128xf32, #tpu.memory_space<hbm>> -> memref<8x128xf32, #tpu.memory_space<hbm>>
      %dma_start3A_1815 = arith.constant 0 : i32
      %dma_start3A_1816 = arith.constant 0 : i32
      %dma_start3A_1817 = tpu.memref_slice %arg4[%select_n3A_1761, %dma_start3A_1807, %add3A_1806, %dma_start3A_1815, %dma_start3A_1816] : memref<50x4x128x8x128xf32, #tpu.memory_space<hbm>> -> memref<1x1x1x8x128xf32, #tpu.memory_space<hbm>>
      %dma_start3A_1818 = tpu.memref_squeeze %dma_start3A_1817 : memref<1x1x1x8x128xf32, #tpu.memory_space<hbm>> -> memref<8x128xf32, #tpu.memory_space<hbm>>
      %dma_start3A_1819 = arith.constant 8 : i32
      %dma_start3A_1820 = arith.constant 0 : i32
      %dma_start3A_1821 = tpu.memref_slice %arg11[%dma_start3A_1819, %dma_start3A_1820] : memref<32x128xf32, #tpu.memory_space<vmem>> -> memref<8x128xf32, #tpu.memory_space<vmem>>
      tpu.enqueue_dma source(%dma_start3A_1821 : memref<8x128xf32, #tpu.memory_space<vmem>>) target(%dma_start3A_1818 : memref<8x128xf32, #tpu.memory_space<hbm>>) target_semaphore(%arg17 : memref<!tpu.dma_semaphore, #tpu.memory_space<semaphore_mem>>)
      %mul3A_1822 = arith.constant 4 : i32
      %mul3A_1823 = arith.muli %add3A, %mul3A_1822 : i32
      %add3A_1824 = arith.addi %mul3A_1823, %select_n3A_1785 : i32
      %dma_start3A_1825 = arith.constant 2 : i32
      %dma_start3A_1826 = arith.constant 16 : i32
      %dma_start3A_1827 = arith.constant 0 : i32
      %dma_start3A_1828 = tpu.memref_slice %arg11[%dma_start3A_1826, %dma_start3A_1827] : memref<32x128xf32, #tpu.memory_space<vmem>> -> memref<8x128xf32, #tpu.memory_space<vmem>>
      %dma_start3A_1829 = arith.constant 0 : i32
      %dma_start3A_1830 = arith.constant 0 : i32
      %dma_start3A_1831 = tpu.memref_slice %arg4[%select_n3A_1761, %dma_start3A_1825, %add3A_1824, %dma_start3A_1829, %dma_start3A_1830] : memref<50x4x128x8x128xf32, #tpu.memory_space<hbm>> -> memref<1x1x1x8x128xf32, #tpu.memory_space<hbm>>
      %dma_start3A_1832 = tpu.memref_squeeze %dma_start3A_1831 : memref<1x1x1x8x128xf32, #tpu.memory_space<hbm>> -> memref<8x128xf32, #tpu.memory_space<hbm>>
      %dma_start3A_1833 = arith.constant 0 : i32
      %dma_start3A_1834 = arith.constant 0 : i32
      %dma_start3A_1835 = tpu.memref_slice %arg4[%select_n3A_1761, %dma_start3A_1825, %add3A_1824, %dma_start3A_1833, %dma_start3A_1834] : memref<50x4x128x8x128xf32, #tpu.memory_space<hbm>> -> memref<1x1x1x8x128xf32, #tpu.memory_space<hbm>>
      %dma_start3A_1836 = tpu.memref_squeeze %dma_start3A_1835 : memref<1x1x1x8x128xf32, #tpu.memory_space<hbm>> -> memref<8x128xf32, #tpu.memory_space<hbm>>
      %dma_start3A_1837 = arith.constant 16 : i32
      %dma_start3A_1838 = arith.constant 0 : i32
      %dma_start3A_1839 = tpu.memref_slice %arg11[%dma_start3A_1837, %dma_start3A_1838] : memref<32x128xf32, #tpu.memory_space<vmem>> -> memref<8x128xf32, #tpu.memory_space<vmem>>
      tpu.enqueue_dma source(%dma_start3A_1839 : memref<8x128xf32, #tpu.memory_space<vmem>>) target(%dma_start3A_1836 : memref<8x128xf32, #tpu.memory_space<hbm>>) target_semaphore(%arg17 : memref<!tpu.dma_semaphore, #tpu.memory_space<semaphore_mem>>)
      %mul3A_1840 = arith.constant 4 : i32
      %mul3A_1841 = arith.muli %add3A, %mul3A_1840 : i32
      %add3A_1842 = arith.addi %mul3A_1841, %select_n3A_1785 : i32
      %dma_start3A_1843 = arith.constant 3 : i32
      %dma_start3A_1844 = arith.constant 24 : i32
      %dma_start3A_1845 = arith.constant 0 : i32
      %dma_start3A_1846 = tpu.memref_slice %arg11[%dma_start3A_1844, %dma_start3A_1845] : memref<32x128xf32, #tpu.memory_space<vmem>> -> memref<8x128xf32, #tpu.memory_space<vmem>>
      %dma_start3A_1847 = arith.constant 0 : i32
      %dma_start3A_1848 = arith.constant 0 : i32
      %dma_start3A_1849 = tpu.memref_slice %arg4[%select_n3A_1761, %dma_start3A_1843, %add3A_1842, %dma_start3A_1847, %dma_start3A_1848] : memref<50x4x128x8x128xf32, #tpu.memory_space<hbm>> -> memref<1x1x1x8x128xf32, #tpu.memory_space<hbm>>
      %dma_start3A_1850 = tpu.memref_squeeze %dma_start3A_1849 : memref<1x1x1x8x128xf32, #tpu.memory_space<hbm>> -> memref<8x128xf32, #tpu.memory_space<hbm>>
      %dma_start3A_1851 = arith.constant 0 : i32
      %dma_start3A_1852 = arith.constant 0 : i32
      %dma_start3A_1853 = tpu.memref_slice %arg4[%select_n3A_1761, %dma_start3A_1843, %add3A_1842, %dma_start3A_1851, %dma_start3A_1852] : memref<50x4x128x8x128xf32, #tpu.memory_space<hbm>> -> memref<1x1x1x8x128xf32, #tpu.memory_space<hbm>>
      %dma_start3A_1854 = tpu.memref_squeeze %dma_start3A_1853 : memref<1x1x1x8x128xf32, #tpu.memory_space<hbm>> -> memref<8x128xf32, #tpu.memory_space<hbm>>
      %dma_start3A_1855 = arith.constant 24 : i32
      %dma_start3A_1856 = arith.constant 0 : i32
      %dma_start3A_1857 = tpu.memref_slice %arg11[%dma_start3A_1855, %dma_start3A_1856] : memref<32x128xf32, #tpu.memory_space<vmem>> -> memref<8x128xf32, #tpu.memory_space<vmem>>
      tpu.enqueue_dma source(%dma_start3A_1857 : memref<8x128xf32, #tpu.memory_space<vmem>>) target(%dma_start3A_1854 : memref<8x128xf32, #tpu.memory_space<hbm>>) target_semaphore(%arg17 : memref<!tpu.dma_semaphore, #tpu.memory_space<semaphore_mem>>)
      %mul3A_1858 = arith.constant 4 : i32
      %mul3A_1859 = arith.muli %mul3A_1858, %scan3A_1373 : i32
      %add3A_1860 = arith.constant 2 : i32
      %add3A_1861 = arith.addi %mul3A_1859, %add3A_1860 : i32
      %add3A_1862 = arith.constant 2 : i32
      %add3A_1863 = arith.addi %add3A_1861, %add3A_1862 : i32
      %dma_wait3A_1864 = arith.constant 0 : i32
      %dma_wait3A_1865 = arith.constant 0 : i32
      %dma_wait3A_1866 = tpu.memref_slice %arg2[%dma_wait3A_1864, %dma_wait3A_1865] : memref<1000000x32xf32, #tpu.memory_space<hbm>> -> memref<128x32xf32, #tpu.memory_space<hbm>>
      %dma_wait3A_1867 = arith.constant 0 : i32
      %dma_wait3A_1868 = arith.constant 0 : i32
      %dma_wait3A_1869 = tpu.memref_slice %arg2[%dma_wait3A_1867, %dma_wait3A_1868] : memref<1000000x32xf32, #tpu.memory_space<hbm>> -> memref<128x32xf32, #tpu.memory_space<hbm>>
      tpu.wait_dma2 semaphore(%arg12 : memref<!tpu.dma_semaphore, #tpu.memory_space<semaphore_mem>>) src(%dma_wait3A_1869 : memref<128x32xf32, #tpu.memory_space<hbm>>) dst(%arg6 : memref<128x32xf32, #tpu.memory_space<vmem>>)
      %dma_wait3A_1870 = arith.constant 0 : i32
      %dma_wait3A_1871 = arith.constant 0 : i32
      %dma_wait3A_1872 = arith.constant 0 : i32
      %dma_wait3A_1873 = arith.constant 0 : i32
      %dma_wait3A_1874 = arith.constant 0 : i32
      %dma_wait3A_1875 = tpu.memref_slice %arg10[%dma_wait3A_1873, %dma_wait3A_1874] : memref<32x128xf32, #tpu.memory_space<vmem>> -> memref<8x128xf32, #tpu.memory_space<vmem>>
      %dma_wait3A_1876 = arith.constant 0 : i32
      %dma_wait3A_1877 = arith.constant 0 : i32
      %dma_wait3A_1878 = tpu.memref_slice %arg4[%dma_wait3A_1870, %dma_wait3A_1871, %dma_wait3A_1872, %dma_wait3A_1876, %dma_wait3A_1877] : memref<50x4x128x8x128xf32, #tpu.memory_space<hbm>> -> memref<1x1x1x8x128xf32, #tpu.memory_space<hbm>>
      %dma_wait3A_1879 = tpu.memref_squeeze %dma_wait3A_1878 : memref<1x1x1x8x128xf32, #tpu.memory_space<hbm>> -> memref<8x128xf32, #tpu.memory_space<hbm>>
      %dma_wait3A_1880 = arith.constant 0 : i32
      %dma_wait3A_1881 = arith.constant 0 : i32
      %dma_wait3A_1882 = tpu.memref_slice %arg4[%dma_wait3A_1870, %dma_wait3A_1871, %dma_wait3A_1872, %dma_wait3A_1880, %dma_wait3A_1881] : memref<50x4x128x8x128xf32, #tpu.memory_space<hbm>> -> memref<1x1x1x8x128xf32, #tpu.memory_space<hbm>>
      %dma_wait3A_1883 = tpu.memref_squeeze %dma_wait3A_1882 : memref<1x1x1x8x128xf32, #tpu.memory_space<hbm>> -> memref<8x128xf32, #tpu.memory_space<hbm>>
      %dma_wait3A_1884 = arith.constant 0 : i32
      %dma_wait3A_1885 = arith.constant 0 : i32
      %dma_wait3A_1886 = tpu.memref_slice %arg10[%dma_wait3A_1884, %dma_wait3A_1885] : memref<32x128xf32, #tpu.memory_space<vmem>> -> memref<8x128xf32, #tpu.memory_space<vmem>>
      tpu.wait_dma2 semaphore(%arg16 : memref<!tpu.dma_semaphore, #tpu.memory_space<semaphore_mem>>) src(%dma_wait3A_1886 : memref<8x128xf32, #tpu.memory_space<vmem>>) dst(%dma_wait3A_1883 : memref<8x128xf32, #tpu.memory_space<hbm>>)
      %dma_wait3A_1887 = arith.constant 0 : i32
      %dma_wait3A_1888 = arith.constant 1 : i32
      %dma_wait3A_1889 = arith.constant 0 : i32
      %dma_wait3A_1890 = arith.constant 8 : i32
      %dma_wait3A_1891 = arith.constant 0 : i32
      %dma_wait3A_1892 = tpu.memref_slice %arg10[%dma_wait3A_1890, %dma_wait3A_1891] : memref<32x128xf32, #tpu.memory_space<vmem>> -> memref<8x128xf32, #tpu.memory_space<vmem>>
      %dma_wait3A_1893 = arith.constant 0 : i32
      %dma_wait3A_1894 = arith.constant 0 : i32
      %dma_wait3A_1895 = tpu.memref_slice %arg4[%dma_wait3A_1887, %dma_wait3A_1888, %dma_wait3A_1889, %dma_wait3A_1893, %dma_wait3A_1894] : memref<50x4x128x8x128xf32, #tpu.memory_space<hbm>> -> memref<1x1x1x8x128xf32, #tpu.memory_space<hbm>>
      %dma_wait3A_1896 = tpu.memref_squeeze %dma_wait3A_1895 : memref<1x1x1x8x128xf32, #tpu.memory_space<hbm>> -> memref<8x128xf32, #tpu.memory_space<hbm>>
      %dma_wait3A_1897 = arith.constant 0 : i32
      %dma_wait3A_1898 = arith.constant 0 : i32
      %dma_wait3A_1899 = tpu.memref_slice %arg4[%dma_wait3A_1887, %dma_wait3A_1888, %dma_wait3A_1889, %dma_wait3A_1897, %dma_wait3A_1898] : memref<50x4x128x8x128xf32, #tpu.memory_space<hbm>> -> memref<1x1x1x8x128xf32, #tpu.memory_space<hbm>>
      %dma_wait3A_1900 = tpu.memref_squeeze %dma_wait3A_1899 : memref<1x1x1x8x128xf32, #tpu.memory_space<hbm>> -> memref<8x128xf32, #tpu.memory_space<hbm>>
      %dma_wait3A_1901 = arith.constant 8 : i32
      %dma_wait3A_1902 = arith.constant 0 : i32
      %dma_wait3A_1903 = tpu.memref_slice %arg10[%dma_wait3A_1901, %dma_wait3A_1902] : memref<32x128xf32, #tpu.memory_space<vmem>> -> memref<8x128xf32, #tpu.memory_space<vmem>>
      tpu.wait_dma2 semaphore(%arg16 : memref<!tpu.dma_semaphore, #tpu.memory_space<semaphore_mem>>) src(%dma_wait3A_1903 : memref<8x128xf32, #tpu.memory_space<vmem>>) dst(%dma_wait3A_1900 : memref<8x128xf32, #tpu.memory_space<hbm>>)
      %dma_wait3A_1904 = arith.constant 0 : i32
      %dma_wait3A_1905 = arith.constant 2 : i32
      %dma_wait3A_1906 = arith.constant 0 : i32
      %dma_wait3A_1907 = arith.constant 16 : i32
      %dma_wait3A_1908 = arith.constant 0 : i32
      %dma_wait3A_1909 = tpu.memref_slice %arg10[%dma_wait3A_1907, %dma_wait3A_1908] : memref<32x128xf32, #tpu.memory_space<vmem>> -> memref<8x128xf32, #tpu.memory_space<vmem>>
      %dma_wait3A_1910 = arith.constant 0 : i32
      %dma_wait3A_1911 = arith.constant 0 : i32
      %dma_wait3A_1912 = tpu.memref_slice %arg4[%dma_wait3A_1904, %dma_wait3A_1905, %dma_wait3A_1906, %dma_wait3A_1910, %dma_wait3A_1911] : memref<50x4x128x8x128xf32, #tpu.memory_space<hbm>> -> memref<1x1x1x8x128xf32, #tpu.memory_space<hbm>>
      %dma_wait3A_1913 = tpu.memref_squeeze %dma_wait3A_1912 : memref<1x1x1x8x128xf32, #tpu.memory_space<hbm>> -> memref<8x128xf32, #tpu.memory_space<hbm>>
      %dma_wait3A_1914 = arith.constant 0 : i32
      %dma_wait3A_1915 = arith.constant 0 : i32
      %dma_wait3A_1916 = tpu.memref_slice %arg4[%dma_wait3A_1904, %dma_wait3A_1905, %dma_wait3A_1906, %dma_wait3A_1914, %dma_wait3A_1915] : memref<50x4x128x8x128xf32, #tpu.memory_space<hbm>> -> memref<1x1x1x8x128xf32, #tpu.memory_space<hbm>>
      %dma_wait3A_1917 = tpu.memref_squeeze %dma_wait3A_1916 : memref<1x1x1x8x128xf32, #tpu.memory_space<hbm>> -> memref<8x128xf32, #tpu.memory_space<hbm>>
      %dma_wait3A_1918 = arith.constant 16 : i32
      %dma_wait3A_1919 = arith.constant 0 : i32
      %dma_wait3A_1920 = tpu.memref_slice %arg10[%dma_wait3A_1918, %dma_wait3A_1919] : memref<32x128xf32, #tpu.memory_space<vmem>> -> memref<8x128xf32, #tpu.memory_space<vmem>>
      tpu.wait_dma2 semaphore(%arg16 : memref<!tpu.dma_semaphore, #tpu.memory_space<semaphore_mem>>) src(%dma_wait3A_1920 : memref<8x128xf32, #tpu.memory_space<vmem>>) dst(%dma_wait3A_1917 : memref<8x128xf32, #tpu.memory_space<hbm>>)
      %dma_wait3A_1921 = arith.constant 0 : i32
      %dma_wait3A_1922 = arith.constant 3 : i32
      %dma_wait3A_1923 = arith.constant 0 : i32
      %dma_wait3A_1924 = arith.constant 24 : i32
      %dma_wait3A_1925 = arith.constant 0 : i32
      %dma_wait3A_1926 = tpu.memref_slice %arg10[%dma_wait3A_1924, %dma_wait3A_1925] : memref<32x128xf32, #tpu.memory_space<vmem>> -> memref<8x128xf32, #tpu.memory_space<vmem>>
      %dma_wait3A_1927 = arith.constant 0 : i32
      %dma_wait3A_1928 = arith.constant 0 : i32
      %dma_wait3A_1929 = tpu.memref_slice %arg4[%dma_wait3A_1921, %dma_wait3A_1922, %dma_wait3A_1923, %dma_wait3A_1927, %dma_wait3A_1928] : memref<50x4x128x8x128xf32, #tpu.memory_space<hbm>> -> memref<1x1x1x8x128xf32, #tpu.memory_space<hbm>>
      %dma_wait3A_1930 = tpu.memref_squeeze %dma_wait3A_1929 : memref<1x1x1x8x128xf32, #tpu.memory_space<hbm>> -> memref<8x128xf32, #tpu.memory_space<hbm>>
      %dma_wait3A_1931 = arith.constant 0 : i32
      %dma_wait3A_1932 = arith.constant 0 : i32
      %dma_wait3A_1933 = tpu.memref_slice %arg4[%dma_wait3A_1921, %dma_wait3A_1922, %dma_wait3A_1923, %dma_wait3A_1931, %dma_wait3A_1932] : memref<50x4x128x8x128xf32, #tpu.memory_space<hbm>> -> memref<1x1x1x8x128xf32, #tpu.memory_space<hbm>>
      %dma_wait3A_1934 = tpu.memref_squeeze %dma_wait3A_1933 : memref<1x1x1x8x128xf32, #tpu.memory_space<hbm>> -> memref<8x128xf32, #tpu.memory_space<hbm>>
      %dma_wait3A_1935 = arith.constant 24 : i32
      %dma_wait3A_1936 = arith.constant 0 : i32
      %dma_wait3A_1937 = tpu.memref_slice %arg10[%dma_wait3A_1935, %dma_wait3A_1936] : memref<32x128xf32, #tpu.memory_space<vmem>> -> memref<8x128xf32, #tpu.memory_space<vmem>>
      tpu.wait_dma2 semaphore(%arg16 : memref<!tpu.dma_semaphore, #tpu.memory_space<semaphore_mem>>) src(%dma_wait3A_1937 : memref<8x128xf32, #tpu.memory_space<vmem>>) dst(%dma_wait3A_1934 : memref<8x128xf32, #tpu.memory_space<hbm>>)
      %scan3A_1938 = arith.constant 0 : i32
      %scan3A_1939 = arith.constant 0 : i32
      %scan3A_1940 = arith.constant 32 : i32
      %scan3A_1941 = arith.addi %scan3A_1939, %scan3A_1940 : i32
      %scan3A_1942 = arith.constant 1 : i32
      scf.for %scan3A_2352 = %scan3A_1939 to %scan3A_1941 step %scan3A_1942  : i32 {
        %broadcast_in_dim3A = vector.broadcast %scan3A_2352 : i32 to vector<16xi32>
        %gather3A = tpu.vector_load_idx %arg6[%add3A_5, %broadcast_in_dim3A] : memref<128x32xf32, #tpu.memory_space<vmem>>[vector<16xi32>, vector<16xi32>], vector<16xf32>,
        %swap3A = arith.index_cast %scan3A_2352 : i32 to index
        %swap3A_2353 = arith.constant 0 : index
        %swap3A_2354 = tpu.vector_load %arg10[%swap3A, %swap3A_2353] {strides = array<i32>} : memref<32x128xf32, #tpu.memory_space<vmem>>, vector<16xf32>,
        tpu.vector_store %arg10[%swap3A, %swap3A_2353], %gather3A {strides = array<i32>} : memref<32x128xf32, #tpu.memory_space<vmem>>, vector<16xf32>,
        %gather3A_2355 = tpu.vector_load_idx %arg6[%add3A_9, %broadcast_in_dim3A] : memref<128x32xf32, #tpu.memory_space<vmem>>[vector<16xi32>, vector<16xi32>], vector<16xf32>,
        %swap3A_2356 = arith.index_cast %scan3A_2352 : i32 to index
        %swap3A_2357 = arith.constant 16 : index
        %swap3A_2358 = tpu.vector_load %arg10[%swap3A_2356, %swap3A_2357] {strides = array<i32>} : memref<32x128xf32, #tpu.memory_space<vmem>>, vector<16xf32>,
        tpu.vector_store %arg10[%swap3A_2356, %swap3A_2357], %gather3A_2355 {strides = array<i32>} : memref<32x128xf32, #tpu.memory_space<vmem>>, vector<16xf32>,
        %gather3A_2359 = tpu.vector_load_idx %arg6[%add3A_13, %broadcast_in_dim3A] : memref<128x32xf32, #tpu.memory_space<vmem>>[vector<16xi32>, vector<16xi32>], vector<16xf32>,
        %swap3A_2360 = arith.index_cast %scan3A_2352 : i32 to index
        %swap3A_2361 = arith.constant 32 : index
        %swap3A_2362 = tpu.vector_load %arg10[%swap3A_2360, %swap3A_2361] {strides = array<i32>} : memref<32x128xf32, #tpu.memory_space<vmem>>, vector<16xf32>,
        tpu.vector_store %arg10[%swap3A_2360, %swap3A_2361], %gather3A_2359 {strides = array<i32>} : memref<32x128xf32, #tpu.memory_space<vmem>>, vector<16xf32>,
        %gather3A_2363 = tpu.vector_load_idx %arg6[%add3A_17, %broadcast_in_dim3A] : memref<128x32xf32, #tpu.memory_space<vmem>>[vector<16xi32>, vector<16xi32>], vector<16xf32>,
        %swap3A_2364 = arith.index_cast %scan3A_2352 : i32 to index
        %swap3A_2365 = arith.constant 48 : index
        %swap3A_2366 = tpu.vector_load %arg10[%swap3A_2364, %swap3A_2365] {strides = array<i32>} : memref<32x128xf32, #tpu.memory_space<vmem>>, vector<16xf32>,
        tpu.vector_store %arg10[%swap3A_2364, %swap3A_2365], %gather3A_2363 {strides = array<i32>} : memref<32x128xf32, #tpu.memory_space<vmem>>, vector<16xf32>,
        %gather3A_2367 = tpu.vector_load_idx %arg6[%add3A_21, %broadcast_in_dim3A] : memref<128x32xf32, #tpu.memory_space<vmem>>[vector<16xi32>, vector<16xi32>], vector<16xf32>,
        %swap3A_2368 = arith.index_cast %scan3A_2352 : i32 to index
        %swap3A_2369 = arith.constant 64 : index
        %swap3A_2370 = tpu.vector_load %arg10[%swap3A_2368, %swap3A_2369] {strides = array<i32>} : memref<32x128xf32, #tpu.memory_space<vmem>>, vector<16xf32>,
        tpu.vector_store %arg10[%swap3A_2368, %swap3A_2369], %gather3A_2367 {strides = array<i32>} : memref<32x128xf32, #tpu.memory_space<vmem>>, vector<16xf32>,
        %gather3A_2371 = tpu.vector_load_idx %arg6[%add3A_25, %broadcast_in_dim3A] : memref<128x32xf32, #tpu.memory_space<vmem>>[vector<16xi32>, vector<16xi32>], vector<16xf32>,
        %swap3A_2372 = arith.index_cast %scan3A_2352 : i32 to index
        %swap3A_2373 = arith.constant 80 : index
        %swap3A_2374 = tpu.vector_load %arg10[%swap3A_2372, %swap3A_2373] {strides = array<i32>} : memref<32x128xf32, #tpu.memory_space<vmem>>, vector<16xf32>,
        tpu.vector_store %arg10[%swap3A_2372, %swap3A_2373], %gather3A_2371 {strides = array<i32>} : memref<32x128xf32, #tpu.memory_space<vmem>>, vector<16xf32>,
        %gather3A_2375 = tpu.vector_load_idx %arg6[%add3A_29, %broadcast_in_dim3A] : memref<128x32xf32, #tpu.memory_space<vmem>>[vector<16xi32>, vector<16xi32>], vector<16xf32>,
        %swap3A_2376 = arith.index_cast %scan3A_2352 : i32 to index
        %swap3A_2377 = arith.constant 96 : index
        %swap3A_2378 = tpu.vector_load %arg10[%swap3A_2376, %swap3A_2377] {strides = array<i32>} : memref<32x128xf32, #tpu.memory_space<vmem>>, vector<16xf32>,
        tpu.vector_store %arg10[%swap3A_2376, %swap3A_2377], %gather3A_2375 {strides = array<i32>} : memref<32x128xf32, #tpu.memory_space<vmem>>, vector<16xf32>,
        %gather3A_2379 = tpu.vector_load_idx %arg6[%add3A_33, %broadcast_in_dim3A] : memref<128x32xf32, #tpu.memory_space<vmem>>[vector<16xi32>, vector<16xi32>], vector<16xf32>,
        %swap3A_2380 = arith.index_cast %scan3A_2352 : i32 to index
        %swap3A_2381 = arith.constant 112 : index
        %swap3A_2382 = tpu.vector_load %arg10[%swap3A_2380, %swap3A_2381] {strides = array<i32>} : memref<32x128xf32, #tpu.memory_space<vmem>>, vector<16xf32>,
        tpu.vector_store %arg10[%swap3A_2380, %swap3A_2381], %gather3A_2379 {strides = array<i32>} : memref<32x128xf32, #tpu.memory_space<vmem>>, vector<16xf32>,
      }
      %scan3A_1943 = arith.constant 32 : i32
      %add3A_1944 = arith.constant 4 : i32
      %add3A_1945 = arith.addi %add3A_1863, %add3A_1944 : i32
      %jit3A_1946 = arith.constant 50 : i32
      %eq3A_1947 = arith.constant 0 : i32
      %eq3A_1948 = arith.cmpi eq, %jit3A_1946, %eq3A_1947 : i32
      %jit3A_1949 = arith.constant 1 : i32
      %select_n3A_1950 = arith.select %eq3A_1948, %jit3A_1949, %jit3A_1946 : i32
      %rem3A_1951 = arith.remsi %add3A_1945, %select_n3A_1950 : i32
      %ne3A_1952 = arith.constant 0 : i32
      %ne3A_1953 = arith.cmpi ne, %rem3A_1951, %ne3A_1952 : i32
      %lt3A_1954 = arith.constant 0 : i32
      %lt3A_1955 = arith.cmpi slt, %rem3A_1951, %lt3A_1954 : i32
      %lt3A_1956 = arith.constant 0 : i32
      %lt3A_1957 = arith.cmpi slt, %select_n3A_1950, %lt3A_1956 : i32
      %ne3A_1958 = arith.xori %lt3A_1955, %lt3A_1957 : i1
      %and3A_1959 = arith.andi %ne3A_1958, %ne3A_1953 : i1
      %add3A_1960 = arith.addi %rem3A_1951, %select_n3A_1950 : i32
      %select_n3A_1961 = arith.select %and3A_1959, %add3A_1960, %rem3A_1951 : i32
      %jit3A_1962 = arith.constant 50 : i32
      %div3A_1963 = arith.divsi %add3A_1945, %jit3A_1962 : i32
      %sign3A_1964 = arith.constant 0 : i32
      %sign3A_1965 = arith.cmpi sgt, %add3A_1945, %sign3A_1964 : i32
      %sign3A_1966 = arith.extui %sign3A_1965 : i1 to i32
      %sign3A_1967 = arith.constant 0 : i32
      %sign3A_1968 = arith.cmpi slt, %add3A_1945, %sign3A_1967 : i32
      %sign3A_1969 = arith.extui %sign3A_1968 : i1 to i32
      %sign3A_1970 = arith.subi %sign3A_1966, %sign3A_1969 : i32
      %sign3A_1971 = arith.constant 0 : i32
      %sign3A_1972 = arith.cmpi sgt, %jit3A_1962, %sign3A_1971 : i32
      %sign3A_1973 = arith.extui %sign3A_1972 : i1 to i32
      %sign3A_1974 = arith.constant 0 : i32
      %sign3A_1975 = arith.cmpi slt, %jit3A_1962, %sign3A_1974 : i32
      %sign3A_1976 = arith.extui %sign3A_1975 : i1 to i32
      %sign3A_1977 = arith.subi %sign3A_1973, %sign3A_1976 : i32
      %ne3A_1978 = arith.cmpi ne, %sign3A_1970, %sign3A_1977 : i32
      %rem3A_1979 = arith.remsi %add3A_1945, %jit3A_1962 : i32
      %ne3A_1980 = arith.constant 0 : i32
      %ne3A_1981 = arith.cmpi ne, %rem3A_1979, %ne3A_1980 : i32
      %and3A_1982 = arith.andi %ne3A_1978, %ne3A_1981 : i1
      %sub3A_1983 = arith.constant 1 : i32
      %sub3A_1984 = arith.subi %div3A_1963, %sub3A_1983 : i32
      %select_n3A_1985 = arith.select %and3A_1982, %sub3A_1984, %div3A_1963 : i32
      %mul3A_1986 = arith.constant 128 : i32
      %mul3A_1987 = arith.muli %select_n3A_1985, %mul3A_1986 : i32
      %dma_start3A_1988 = tpu.memref_slice %arg5[%select_n3A_1961, %mul3A_1987] : memref<50x512xi32, #tpu.memory_space<vmem>> -> memref<1x128xi32, #tpu.memory_space<vmem>>
      %dma_start3A_1989 = tpu.memref_squeeze %dma_start3A_1988 : memref<1x128xi32, #tpu.memory_space<vmem>> -> memref<128xi32, #tpu.memory_space<vmem>>
      %dma_start3A_1990 = arith.constant 0 : i32
      %dma_start3A_1991 = arith.constant 0 : i32
      %dma_start3A_1992 = tpu.memref_slice %arg2[%dma_start3A_1990, %dma_start3A_1991] : memref<1000000x32xf32, #tpu.memory_space<hbm>> -> memref<1000000x32xf32, #tpu.memory_space<hbm>>
      tpu.enqueue_indirect_dma source(%dma_start3A_1992 : memref<1000000x32xf32, #tpu.memory_space<hbm>>) target(%arg6 : memref<128x32xf32, #tpu.memory_space<vmem>>) offsets(%dma_start3A_1989 : memref<128xi32, #tpu.memory_space<vmem>>) semaphore(%arg12 : memref<!tpu.dma_semaphore, #tpu.memory_space<semaphore_mem>>)
      %jit3A_1993 = arith.constant 50 : i32
      %eq3A_1994 = arith.constant 0 : i32
      %eq3A_1995 = arith.cmpi eq, %jit3A_1993, %eq3A_1994 : i32
      %jit3A_1996 = arith.constant 1 : i32
      %select_n3A_1997 = arith.select %eq3A_1995, %jit3A_1996, %jit3A_1993 : i32
      %rem3A_1998 = arith.remsi %add3A_1863, %select_n3A_1997 : i32
      %ne3A_1999 = arith.constant 0 : i32
      %ne3A_2000 = arith.cmpi ne, %rem3A_1998, %ne3A_1999 : i32
      %lt3A_2001 = arith.constant 0 : i32
      %lt3A_2002 = arith.cmpi slt, %rem3A_1998, %lt3A_2001 : i32
      %lt3A_2003 = arith.constant 0 : i32
      %lt3A_2004 = arith.cmpi slt, %select_n3A_1997, %lt3A_2003 : i32
      %ne3A_2005 = arith.xori %lt3A_2002, %lt3A_2004 : i1
      %and3A_2006 = arith.andi %ne3A_2005, %ne3A_2000 : i1
      %add3A_2007 = arith.addi %rem3A_1998, %select_n3A_1997 : i32
      %select_n3A_2008 = arith.select %and3A_2006, %add3A_2007, %rem3A_1998 : i32
      %jit3A_2009 = arith.constant 50 : i32
      %div3A_2010 = arith.divsi %add3A_1863, %jit3A_2009 : i32
      %sign3A_2011 = arith.constant 0 : i32
      %sign3A_2012 = arith.cmpi sgt, %add3A_1863, %sign3A_2011 : i32
      %sign3A_2013 = arith.extui %sign3A_2012 : i1 to i32
      %sign3A_2014 = arith.constant 0 : i32
      %sign3A_2015 = arith.cmpi slt, %add3A_1863, %sign3A_2014 : i32
      %sign3A_2016 = arith.extui %sign3A_2015 : i1 to i32
      %sign3A_2017 = arith.subi %sign3A_2013, %sign3A_2016 : i32
      %sign3A_2018 = arith.constant 0 : i32
      %sign3A_2019 = arith.cmpi sgt, %jit3A_2009, %sign3A_2018 : i32
      %sign3A_2020 = arith.extui %sign3A_2019 : i1 to i32
      %sign3A_2021 = arith.constant 0 : i32
      %sign3A_2022 = arith.cmpi slt, %jit3A_2009, %sign3A_2021 : i32
      %sign3A_2023 = arith.extui %sign3A_2022 : i1 to i32
      %sign3A_2024 = arith.subi %sign3A_2020, %sign3A_2023 : i32
      %ne3A_2025 = arith.cmpi ne, %sign3A_2017, %sign3A_2024 : i32
      %rem3A_2026 = arith.remsi %add3A_1863, %jit3A_2009 : i32
      %ne3A_2027 = arith.constant 0 : i32
      %ne3A_2028 = arith.cmpi ne, %rem3A_2026, %ne3A_2027 : i32
      %and3A_2029 = arith.andi %ne3A_2025, %ne3A_2028 : i1
      %sub3A_2030 = arith.constant 1 : i32
      %sub3A_2031 = arith.subi %div3A_2010, %sub3A_2030 : i32
      %select_n3A_2032 = arith.select %and3A_2029, %sub3A_2031, %div3A_2010 : i32
      %mul3A_2033 = arith.constant 4 : i32
      %mul3A_2034 = arith.muli %add3A, %mul3A_2033 : i32
      %add3A_2035 = arith.addi %mul3A_2034, %select_n3A_2032 : i32
      %dma_start3A_2036 = arith.constant 0 : i32
      %dma_start3A_2037 = arith.constant 0 : i32
      %dma_start3A_2038 = arith.constant 0 : i32
      %dma_start3A_2039 = tpu.memref_slice %arg10[%dma_start3A_2037, %dma_start3A_2038] : memref<32x128xf32, #tpu.memory_space<vmem>> -> memref<8x128xf32, #tpu.memory_space<vmem>>
      %dma_start3A_2040 = arith.constant 0 : i32
      %dma_start3A_2041 = arith.constant 0 : i32
      %dma_start3A_2042 = tpu.memref_slice %arg4[%select_n3A_2008, %dma_start3A_2036, %add3A_2035, %dma_start3A_2040, %dma_start3A_2041] : memref<50x4x128x8x128xf32, #tpu.memory_space<hbm>> -> memref<1x1x1x8x128xf32, #tpu.memory_space<hbm>>
      %dma_start3A_2043 = tpu.memref_squeeze %dma_start3A_2042 : memref<1x1x1x8x128xf32, #tpu.memory_space<hbm>> -> memref<8x128xf32, #tpu.memory_space<hbm>>
      %dma_start3A_2044 = arith.constant 0 : i32
      %dma_start3A_2045 = arith.constant 0 : i32
      %dma_start3A_2046 = tpu.memref_slice %arg4[%select_n3A_2008, %dma_start3A_2036, %add3A_2035, %dma_start3A_2044, %dma_start3A_2045] : memref<50x4x128x8x128xf32, #tpu.memory_space<hbm>> -> memref<1x1x1x8x128xf32, #tpu.memory_space<hbm>>
      %dma_start3A_2047 = tpu.memref_squeeze %dma_start3A_2046 : memref<1x1x1x8x128xf32, #tpu.memory_space<hbm>> -> memref<8x128xf32, #tpu.memory_space<hbm>>
      %dma_start3A_2048 = arith.constant 0 : i32
      %dma_start3A_2049 = arith.constant 0 : i32
      %dma_start3A_2050 = tpu.memref_slice %arg10[%dma_start3A_2048, %dma_start3A_2049] : memref<32x128xf32, #tpu.memory_space<vmem>> -> memref<8x128xf32, #tpu.memory_space<vmem>>
      tpu.enqueue_dma source(%dma_start3A_2050 : memref<8x128xf32, #tpu.memory_space<vmem>>) target(%dma_start3A_2047 : memref<8x128xf32, #tpu.memory_space<hbm>>) target_semaphore(%arg16 : memref<!tpu.dma_semaphore, #tpu.memory_space<semaphore_mem>>)
      %mul3A_2051 = arith.constant 4 : i32
      %mul3A_2052 = arith.muli %add3A, %mul3A_2051 : i32
      %add3A_2053 = arith.addi %mul3A_2052, %select_n3A_2032 : i32
      %dma_start3A_2054 = arith.constant 1 : i32
      %dma_start3A_2055 = arith.constant 8 : i32
      %dma_start3A_2056 = arith.constant 0 : i32
      %dma_start3A_2057 = tpu.memref_slice %arg10[%dma_start3A_2055, %dma_start3A_2056] : memref<32x128xf32, #tpu.memory_space<vmem>> -> memref<8x128xf32, #tpu.memory_space<vmem>>
      %dma_start3A_2058 = arith.constant 0 : i32
      %dma_start3A_2059 = arith.constant 0 : i32
      %dma_start3A_2060 = tpu.memref_slice %arg4[%select_n3A_2008, %dma_start3A_2054, %add3A_2053, %dma_start3A_2058, %dma_start3A_2059] : memref<50x4x128x8x128xf32, #tpu.memory_space<hbm>> -> memref<1x1x1x8x128xf32, #tpu.memory_space<hbm>>
      %dma_start3A_2061 = tpu.memref_squeeze %dma_start3A_2060 : memref<1x1x1x8x128xf32, #tpu.memory_space<hbm>> -> memref<8x128xf32, #tpu.memory_space<hbm>>
      %dma_start3A_2062 = arith.constant 0 : i32
      %dma_start3A_2063 = arith.constant 0 : i32
      %dma_start3A_2064 = tpu.memref_slice %arg4[%select_n3A_2008, %dma_start3A_2054, %add3A_2053, %dma_start3A_2062, %dma_start3A_2063] : memref<50x4x128x8x128xf32, #tpu.memory_space<hbm>> -> memref<1x1x1x8x128xf32, #tpu.memory_space<hbm>>
      %dma_start3A_2065 = tpu.memref_squeeze %dma_start3A_2064 : memref<1x1x1x8x128xf32, #tpu.memory_space<hbm>> -> memref<8x128xf32, #tpu.memory_space<hbm>>
      %dma_start3A_2066 = arith.constant 8 : i32
      %dma_start3A_2067 = arith.constant 0 : i32
      %dma_start3A_2068 = tpu.memref_slice %arg10[%dma_start3A_2066, %dma_start3A_2067] : memref<32x128xf32, #tpu.memory_space<vmem>> -> memref<8x128xf32, #tpu.memory_space<vmem>>
      tpu.enqueue_dma source(%dma_start3A_2068 : memref<8x128xf32, #tpu.memory_space<vmem>>) target(%dma_start3A_2065 : memref<8x128xf32, #tpu.memory_space<hbm>>) target_semaphore(%arg16 : memref<!tpu.dma_semaphore, #tpu.memory_space<semaphore_mem>>)
      %mul3A_2069 = arith.constant 4 : i32
      %mul3A_2070 = arith.muli %add3A, %mul3A_2069 : i32
      %add3A_2071 = arith.addi %mul3A_2070, %select_n3A_2032 : i32
      %dma_start3A_2072 = arith.constant 2 : i32
      %dma_start3A_2073 = arith.constant 16 : i32
      %dma_start3A_2074 = arith.constant 0 : i32
      %dma_start3A_2075 = tpu.memref_slice %arg10[%dma_start3A_2073, %dma_start3A_2074] : memref<32x128xf32, #tpu.memory_space<vmem>> -> memref<8x128xf32, #tpu.memory_space<vmem>>
      %dma_start3A_2076 = arith.constant 0 : i32
      %dma_start3A_2077 = arith.constant 0 : i32
      %dma_start3A_2078 = tpu.memref_slice %arg4[%select_n3A_2008, %dma_start3A_2072, %add3A_2071, %dma_start3A_2076, %dma_start3A_2077] : memref<50x4x128x8x128xf32, #tpu.memory_space<hbm>> -> memref<1x1x1x8x128xf32, #tpu.memory_space<hbm>>
      %dma_start3A_2079 = tpu.memref_squeeze %dma_start3A_2078 : memref<1x1x1x8x128xf32, #tpu.memory_space<hbm>> -> memref<8x128xf32, #tpu.memory_space<hbm>>
      %dma_start3A_2080 = arith.constant 0 : i32
      %dma_start3A_2081 = arith.constant 0 : i32
      %dma_start3A_2082 = tpu.memref_slice %arg4[%select_n3A_2008, %dma_start3A_2072, %add3A_2071, %dma_start3A_2080, %dma_start3A_2081] : memref<50x4x128x8x128xf32, #tpu.memory_space<hbm>> -> memref<1x1x1x8x128xf32, #tpu.memory_space<hbm>>
      %dma_start3A_2083 = tpu.memref_squeeze %dma_start3A_2082 : memref<1x1x1x8x128xf32, #tpu.memory_space<hbm>> -> memref<8x128xf32, #tpu.memory_space<hbm>>
      %dma_start3A_2084 = arith.constant 16 : i32
      %dma_start3A_2085 = arith.constant 0 : i32
      %dma_start3A_2086 = tpu.memref_slice %arg10[%dma_start3A_2084, %dma_start3A_2085] : memref<32x128xf32, #tpu.memory_space<vmem>> -> memref<8x128xf32, #tpu.memory_space<vmem>>
      tpu.enqueue_dma source(%dma_start3A_2086 : memref<8x128xf32, #tpu.memory_space<vmem>>) target(%dma_start3A_2083 : memref<8x128xf32, #tpu.memory_space<hbm>>) target_semaphore(%arg16 : memref<!tpu.dma_semaphore, #tpu.memory_space<semaphore_mem>>)
      %mul3A_2087 = arith.constant 4 : i32
      %mul3A_2088 = arith.muli %add3A, %mul3A_2087 : i32
      %add3A_2089 = arith.addi %mul3A_2088, %select_n3A_2032 : i32
      %dma_start3A_2090 = arith.constant 3 : i32
      %dma_start3A_2091 = arith.constant 24 : i32
      %dma_start3A_2092 = arith.constant 0 : i32
      %dma_start3A_2093 = tpu.memref_slice %arg10[%dma_start3A_2091, %dma_start3A_2092] : memref<32x128xf32, #tpu.memory_space<vmem>> -> memref<8x128xf32, #tpu.memory_space<vmem>>
      %dma_start3A_2094 = arith.constant 0 : i32
      %dma_start3A_2095 = arith.constant 0 : i32
      %dma_start3A_2096 = tpu.memref_slice %arg4[%select_n3A_2008, %dma_start3A_2090, %add3A_2089, %dma_start3A_2094, %dma_start3A_2095] : memref<50x4x128x8x128xf32, #tpu.memory_space<hbm>> -> memref<1x1x1x8x128xf32, #tpu.memory_space<hbm>>
      %dma_start3A_2097 = tpu.memref_squeeze %dma_start3A_2096 : memref<1x1x1x8x128xf32, #tpu.memory_space<hbm>> -> memref<8x128xf32, #tpu.memory_space<hbm>>
      %dma_start3A_2098 = arith.constant 0 : i32
      %dma_start3A_2099 = arith.constant 0 : i32
      %dma_start3A_2100 = tpu.memref_slice %arg4[%select_n3A_2008, %dma_start3A_2090, %add3A_2089, %dma_start3A_2098, %dma_start3A_2099] : memref<50x4x128x8x128xf32, #tpu.memory_space<hbm>> -> memref<1x1x1x8x128xf32, #tpu.memory_space<hbm>>
      %dma_start3A_2101 = tpu.memref_squeeze %dma_start3A_2100 : memref<1x1x1x8x128xf32, #tpu.memory_space<hbm>> -> memref<8x128xf32, #tpu.memory_space<hbm>>
      %dma_start3A_2102 = arith.constant 24 : i32
      %dma_start3A_2103 = arith.constant 0 : i32
      %dma_start3A_2104 = tpu.memref_slice %arg10[%dma_start3A_2102, %dma_start3A_2103] : memref<32x128xf32, #tpu.memory_space<vmem>> -> memref<8x128xf32, #tpu.memory_space<vmem>>
      tpu.enqueue_dma source(%dma_start3A_2104 : memref<8x128xf32, #tpu.memory_space<vmem>>) target(%dma_start3A_2101 : memref<8x128xf32, #tpu.memory_space<hbm>>) target_semaphore(%arg16 : memref<!tpu.dma_semaphore, #tpu.memory_space<semaphore_mem>>)
      %mul3A_2105 = arith.constant 4 : i32
      %mul3A_2106 = arith.muli %mul3A_2105, %scan3A_1373 : i32
      %add3A_2107 = arith.constant 2 : i32
      %add3A_2108 = arith.addi %mul3A_2106, %add3A_2107 : i32
      %add3A_2109 = arith.constant 3 : i32
      %add3A_2110 = arith.addi %add3A_2108, %add3A_2109 : i32
      %dma_wait3A_2111 = arith.constant 0 : i32
      %dma_wait3A_2112 = arith.constant 0 : i32
      %dma_wait3A_2113 = tpu.memref_slice %arg2[%dma_wait3A_2111, %dma_wait3A_2112] : memref<1000000x32xf32, #tpu.memory_space<hbm>> -> memref<128x32xf32, #tpu.memory_space<hbm>>
      %dma_wait3A_2114 = arith.constant 0 : i32
      %dma_wait3A_2115 = arith.constant 0 : i32
      %dma_wait3A_2116 = tpu.memref_slice %arg2[%dma_wait3A_2114, %dma_wait3A_2115] : memref<1000000x32xf32, #tpu.memory_space<hbm>> -> memref<128x32xf32, #tpu.memory_space<hbm>>
      tpu.wait_dma2 semaphore(%arg13 : memref<!tpu.dma_semaphore, #tpu.memory_space<semaphore_mem>>) src(%dma_wait3A_2116 : memref<128x32xf32, #tpu.memory_space<hbm>>) dst(%arg7 : memref<128x32xf32, #tpu.memory_space<vmem>>)
      %dma_wait3A_2117 = arith.constant 0 : i32
      %dma_wait3A_2118 = arith.constant 0 : i32
      %dma_wait3A_2119 = arith.constant 0 : i32
      %dma_wait3A_2120 = arith.constant 0 : i32
      %dma_wait3A_2121 = arith.constant 0 : i32
      %dma_wait3A_2122 = tpu.memref_slice %arg11[%dma_wait3A_2120, %dma_wait3A_2121] : memref<32x128xf32, #tpu.memory_space<vmem>> -> memref<8x128xf32, #tpu.memory_space<vmem>>
      %dma_wait3A_2123 = arith.constant 0 : i32
      %dma_wait3A_2124 = arith.constant 0 : i32
      %dma_wait3A_2125 = tpu.memref_slice %arg4[%dma_wait3A_2117, %dma_wait3A_2118, %dma_wait3A_2119, %dma_wait3A_2123, %dma_wait3A_2124] : memref<50x4x128x8x128xf32, #tpu.memory_space<hbm>> -> memref<1x1x1x8x128xf32, #tpu.memory_space<hbm>>
      %dma_wait3A_2126 = tpu.memref_squeeze %dma_wait3A_2125 : memref<1x1x1x8x128xf32, #tpu.memory_space<hbm>> -> memref<8x128xf32, #tpu.memory_space<hbm>>
      %dma_wait3A_2127 = arith.constant 0 : i32
      %dma_wait3A_2128 = arith.constant 0 : i32
      %dma_wait3A_2129 = tpu.memref_slice %arg4[%dma_wait3A_2117, %dma_wait3A_2118, %dma_wait3A_2119, %dma_wait3A_2127, %dma_wait3A_2128] : memref<50x4x128x8x128xf32, #tpu.memory_space<hbm>> -> memref<1x1x1x8x128xf32, #tpu.memory_space<hbm>>
      %dma_wait3A_2130 = tpu.memref_squeeze %dma_wait3A_2129 : memref<1x1x1x8x128xf32, #tpu.memory_space<hbm>> -> memref<8x128xf32, #tpu.memory_space<hbm>>
      %dma_wait3A_2131 = arith.constant 0 : i32
      %dma_wait3A_2132 = arith.constant 0 : i32
      %dma_wait3A_2133 = tpu.memref_slice %arg11[%dma_wait3A_2131, %dma_wait3A_2132] : memref<32x128xf32, #tpu.memory_space<vmem>> -> memref<8x128xf32, #tpu.memory_space<vmem>>
      tpu.wait_dma2 semaphore(%arg17 : memref<!tpu.dma_semaphore, #tpu.memory_space<semaphore_mem>>) src(%dma_wait3A_2133 : memref<8x128xf32, #tpu.memory_space<vmem>>) dst(%dma_wait3A_2130 : memref<8x128xf32, #tpu.memory_space<hbm>>)
      %dma_wait3A_2134 = arith.constant 0 : i32
      %dma_wait3A_2135 = arith.constant 1 : i32
      %dma_wait3A_2136 = arith.constant 0 : i32
      %dma_wait3A_2137 = arith.constant 8 : i32
      %dma_wait3A_2138 = arith.constant 0 : i32
      %dma_wait3A_2139 = tpu.memref_slice %arg11[%dma_wait3A_2137, %dma_wait3A_2138] : memref<32x128xf32, #tpu.memory_space<vmem>> -> memref<8x128xf32, #tpu.memory_space<vmem>>
      %dma_wait3A_2140 = arith.constant 0 : i32
      %dma_wait3A_2141 = arith.constant 0 : i32
      %dma_wait3A_2142 = tpu.memref_slice %arg4[%dma_wait3A_2134, %dma_wait3A_2135, %dma_wait3A_2136, %dma_wait3A_2140, %dma_wait3A_2141] : memref<50x4x128x8x128xf32, #tpu.memory_space<hbm>> -> memref<1x1x1x8x128xf32, #tpu.memory_space<hbm>>
      %dma_wait3A_2143 = tpu.memref_squeeze %dma_wait3A_2142 : memref<1x1x1x8x128xf32, #tpu.memory_space<hbm>> -> memref<8x128xf32, #tpu.memory_space<hbm>>
      %dma_wait3A_2144 = arith.constant 0 : i32
      %dma_wait3A_2145 = arith.constant 0 : i32
      %dma_wait3A_2146 = tpu.memref_slice %arg4[%dma_wait3A_2134, %dma_wait3A_2135, %dma_wait3A_2136, %dma_wait3A_2144, %dma_wait3A_2145] : memref<50x4x128x8x128xf32, #tpu.memory_space<hbm>> -> memref<1x1x1x8x128xf32, #tpu.memory_space<hbm>>
      %dma_wait3A_2147 = tpu.memref_squeeze %dma_wait3A_2146 : memref<1x1x1x8x128xf32, #tpu.memory_space<hbm>> -> memref<8x128xf32, #tpu.memory_space<hbm>>
      %dma_wait3A_2148 = arith.constant 8 : i32
      %dma_wait3A_2149 = arith.constant 0 : i32
      %dma_wait3A_2150 = tpu.memref_slice %arg11[%dma_wait3A_2148, %dma_wait3A_2149] : memref<32x128xf32, #tpu.memory_space<vmem>> -> memref<8x128xf32, #tpu.memory_space<vmem>>
      tpu.wait_dma2 semaphore(%arg17 : memref<!tpu.dma_semaphore, #tpu.memory_space<semaphore_mem>>) src(%dma_wait3A_2150 : memref<8x128xf32, #tpu.memory_space<vmem>>) dst(%dma_wait3A_2147 : memref<8x128xf32, #tpu.memory_space<hbm>>)
      %dma_wait3A_2151 = arith.constant 0 : i32
      %dma_wait3A_2152 = arith.constant 2 : i32
      %dma_wait3A_2153 = arith.constant 0 : i32
      %dma_wait3A_2154 = arith.constant 16 : i32
      %dma_wait3A_2155 = arith.constant 0 : i32
      %dma_wait3A_2156 = tpu.memref_slice %arg11[%dma_wait3A_2154, %dma_wait3A_2155] : memref<32x128xf32, #tpu.memory_space<vmem>> -> memref<8x128xf32, #tpu.memory_space<vmem>>
      %dma_wait3A_2157 = arith.constant 0 : i32
      %dma_wait3A_2158 = arith.constant 0 : i32
      %dma_wait3A_2159 = tpu.memref_slice %arg4[%dma_wait3A_2151, %dma_wait3A_2152, %dma_wait3A_2153, %dma_wait3A_2157, %dma_wait3A_2158] : memref<50x4x128x8x128xf32, #tpu.memory_space<hbm>> -> memref<1x1x1x8x128xf32, #tpu.memory_space<hbm>>
      %dma_wait3A_2160 = tpu.memref_squeeze %dma_wait3A_2159 : memref<1x1x1x8x128xf32, #tpu.memory_space<hbm>> -> memref<8x128xf32, #tpu.memory_space<hbm>>
      %dma_wait3A_2161 = arith.constant 0 : i32
      %dma_wait3A_2162 = arith.constant 0 : i32
      %dma_wait3A_2163 = tpu.memref_slice %arg4[%dma_wait3A_2151, %dma_wait3A_2152, %dma_wait3A_2153, %dma_wait3A_2161, %dma_wait3A_2162] : memref<50x4x128x8x128xf32, #tpu.memory_space<hbm>> -> memref<1x1x1x8x128xf32, #tpu.memory_space<hbm>>
      %dma_wait3A_2164 = tpu.memref_squeeze %dma_wait3A_2163 : memref<1x1x1x8x128xf32, #tpu.memory_space<hbm>> -> memref<8x128xf32, #tpu.memory_space<hbm>>
      %dma_wait3A_2165 = arith.constant 16 : i32
      %dma_wait3A_2166 = arith.constant 0 : i32
      %dma_wait3A_2167 = tpu.memref_slice %arg11[%dma_wait3A_2165, %dma_wait3A_2166] : memref<32x128xf32, #tpu.memory_space<vmem>> -> memref<8x128xf32, #tpu.memory_space<vmem>>
      tpu.wait_dma2 semaphore(%arg17 : memref<!tpu.dma_semaphore, #tpu.memory_space<semaphore_mem>>) src(%dma_wait3A_2167 : memref<8x128xf32, #tpu.memory_space<vmem>>) dst(%dma_wait3A_2164 : memref<8x128xf32, #tpu.memory_space<hbm>>)
      %dma_wait3A_2168 = arith.constant 0 : i32
      %dma_wait3A_2169 = arith.constant 3 : i32
      %dma_wait3A_2170 = arith.constant 0 : i32
      %dma_wait3A_2171 = arith.constant 24 : i32
      %dma_wait3A_2172 = arith.constant 0 : i32
      %dma_wait3A_2173 = tpu.memref_slice %arg11[%dma_wait3A_2171, %dma_wait3A_2172] : memref<32x128xf32, #tpu.memory_space<vmem>> -> memref<8x128xf32, #tpu.memory_space<vmem>>
      %dma_wait3A_2174 = arith.constant 0 : i32
      %dma_wait3A_2175 = arith.constant 0 : i32
      %dma_wait3A_2176 = tpu.memref_slice %arg4[%dma_wait3A_2168, %dma_wait3A_2169, %dma_wait3A_2170, %dma_wait3A_2174, %dma_wait3A_2175] : memref<50x4x128x8x128xf32, #tpu.memory_space<hbm>> -> memref<1x1x1x8x128xf32, #tpu.memory_space<hbm>>
      %dma_wait3A_2177 = tpu.memref_squeeze %dma_wait3A_2176 : memref<1x1x1x8x128xf32, #tpu.memory_space<hbm>> -> memref<8x128xf32, #tpu.memory_space<hbm>>
      %dma_wait3A_2178 = arith.constant 0 : i32
      %dma_wait3A_2179 = arith.constant 0 : i32
      %dma_wait3A_2180 = tpu.memref_slice %arg4[%dma_wait3A_2168, %dma_wait3A_2169, %dma_wait3A_2170, %dma_wait3A_2178, %dma_wait3A_2179] : memref<50x4x128x8x128xf32, #tpu.memory_space<hbm>> -> memref<1x1x1x8x128xf32, #tpu.memory_space<hbm>>
      %dma_wait3A_2181 = tpu.memref_squeeze %dma_wait3A_2180 : memref<1x1x1x8x128xf32, #tpu.memory_space<hbm>> -> memref<8x128xf32, #tpu.memory_space<hbm>>
      %dma_wait3A_2182 = arith.constant 24 : i32
      %dma_wait3A_2183 = arith.constant 0 : i32
      %dma_wait3A_2184 = tpu.memref_slice %arg11[%dma_wait3A_2182, %dma_wait3A_2183] : memref<32x128xf32, #tpu.memory_space<vmem>> -> memref<8x128xf32, #tpu.memory_space<vmem>>
      tpu.wait_dma2 semaphore(%arg17 : memref<!tpu.dma_semaphore, #tpu.memory_space<semaphore_mem>>) src(%dma_wait3A_2184 : memref<8x128xf32, #tpu.memory_space<vmem>>) dst(%dma_wait3A_2181 : memref<8x128xf32, #tpu.memory_space<hbm>>)
      %scan3A_2185 = arith.constant 0 : i32
      %scan3A_2186 = arith.constant 0 : i32
      %scan3A_2187 = arith.constant 32 : i32
      %scan3A_2188 = arith.addi %scan3A_2186, %scan3A_2187 : i32
      %scan3A_2189 = arith.constant 1 : i32
      scf.for %scan3A_2352 = %scan3A_2186 to %scan3A_2188 step %scan3A_2189  : i32 {
        %broadcast_in_dim3A = vector.broadcast %scan3A_2352 : i32 to vector<16xi32>
        %gather3A = tpu.vector_load_idx %arg7[%add3A_5, %broadcast_in_dim3A] : memref<128x32xf32, #tpu.memory_space<vmem>>[vector<16xi32>, vector<16xi32>], vector<16xf32>,
        %swap3A = arith.index_cast %scan3A_2352 : i32 to index
        %swap3A_2353 = arith.constant 0 : index
        %swap3A_2354 = tpu.vector_load %arg11[%swap3A, %swap3A_2353] {strides = array<i32>} : memref<32x128xf32, #tpu.memory_space<vmem>>, vector<16xf32>,
        tpu.vector_store %arg11[%swap3A, %swap3A_2353], %gather3A {strides = array<i32>} : memref<32x128xf32, #tpu.memory_space<vmem>>, vector<16xf32>,
        %gather3A_2355 = tpu.vector_load_idx %arg7[%add3A_9, %broadcast_in_dim3A] : memref<128x32xf32, #tpu.memory_space<vmem>>[vector<16xi32>, vector<16xi32>], vector<16xf32>,
        %swap3A_2356 = arith.index_cast %scan3A_2352 : i32 to index
        %swap3A_2357 = arith.constant 16 : index
        %swap3A_2358 = tpu.vector_load %arg11[%swap3A_2356, %swap3A_2357] {strides = array<i32>} : memref<32x128xf32, #tpu.memory_space<vmem>>, vector<16xf32>,
        tpu.vector_store %arg11[%swap3A_2356, %swap3A_2357], %gather3A_2355 {strides = array<i32>} : memref<32x128xf32, #tpu.memory_space<vmem>>, vector<16xf32>,
        %gather3A_2359 = tpu.vector_load_idx %arg7[%add3A_13, %broadcast_in_dim3A] : memref<128x32xf32, #tpu.memory_space<vmem>>[vector<16xi32>, vector<16xi32>], vector<16xf32>,
        %swap3A_2360 = arith.index_cast %scan3A_2352 : i32 to index
        %swap3A_2361 = arith.constant 32 : index
        %swap3A_2362 = tpu.vector_load %arg11[%swap3A_2360, %swap3A_2361] {strides = array<i32>} : memref<32x128xf32, #tpu.memory_space<vmem>>, vector<16xf32>,
        tpu.vector_store %arg11[%swap3A_2360, %swap3A_2361], %gather3A_2359 {strides = array<i32>} : memref<32x128xf32, #tpu.memory_space<vmem>>, vector<16xf32>,
        %gather3A_2363 = tpu.vector_load_idx %arg7[%add3A_17, %broadcast_in_dim3A] : memref<128x32xf32, #tpu.memory_space<vmem>>[vector<16xi32>, vector<16xi32>], vector<16xf32>,
        %swap3A_2364 = arith.index_cast %scan3A_2352 : i32 to index
        %swap3A_2365 = arith.constant 48 : index
        %swap3A_2366 = tpu.vector_load %arg11[%swap3A_2364, %swap3A_2365] {strides = array<i32>} : memref<32x128xf32, #tpu.memory_space<vmem>>, vector<16xf32>,
        tpu.vector_store %arg11[%swap3A_2364, %swap3A_2365], %gather3A_2363 {strides = array<i32>} : memref<32x128xf32, #tpu.memory_space<vmem>>, vector<16xf32>,
        %gather3A_2367 = tpu.vector_load_idx %arg7[%add3A_21, %broadcast_in_dim3A] : memref<128x32xf32, #tpu.memory_space<vmem>>[vector<16xi32>, vector<16xi32>], vector<16xf32>,
        %swap3A_2368 = arith.index_cast %scan3A_2352 : i32 to index
        %swap3A_2369 = arith.constant 64 : index
        %swap3A_2370 = tpu.vector_load %arg11[%swap3A_2368, %swap3A_2369] {strides = array<i32>} : memref<32x128xf32, #tpu.memory_space<vmem>>, vector<16xf32>,
        tpu.vector_store %arg11[%swap3A_2368, %swap3A_2369], %gather3A_2367 {strides = array<i32>} : memref<32x128xf32, #tpu.memory_space<vmem>>, vector<16xf32>,
        %gather3A_2371 = tpu.vector_load_idx %arg7[%add3A_25, %broadcast_in_dim3A] : memref<128x32xf32, #tpu.memory_space<vmem>>[vector<16xi32>, vector<16xi32>], vector<16xf32>,
        %swap3A_2372 = arith.index_cast %scan3A_2352 : i32 to index
        %swap3A_2373 = arith.constant 80 : index
        %swap3A_2374 = tpu.vector_load %arg11[%swap3A_2372, %swap3A_2373] {strides = array<i32>} : memref<32x128xf32, #tpu.memory_space<vmem>>, vector<16xf32>,
        tpu.vector_store %arg11[%swap3A_2372, %swap3A_2373], %gather3A_2371 {strides = array<i32>} : memref<32x128xf32, #tpu.memory_space<vmem>>, vector<16xf32>,
        %gather3A_2375 = tpu.vector_load_idx %arg7[%add3A_29, %broadcast_in_dim3A] : memref<128x32xf32, #tpu.memory_space<vmem>>[vector<16xi32>, vector<16xi32>], vector<16xf32>,
        %swap3A_2376 = arith.index_cast %scan3A_2352 : i32 to index
        %swap3A_2377 = arith.constant 96 : index
        %swap3A_2378 = tpu.vector_load %arg11[%swap3A_2376, %swap3A_2377] {strides = array<i32>} : memref<32x128xf32, #tpu.memory_space<vmem>>, vector<16xf32>,
        tpu.vector_store %arg11[%swap3A_2376, %swap3A_2377], %gather3A_2375 {strides = array<i32>} : memref<32x128xf32, #tpu.memory_space<vmem>>, vector<16xf32>,
        %gather3A_2379 = tpu.vector_load_idx %arg7[%add3A_33, %broadcast_in_dim3A] : memref<128x32xf32, #tpu.memory_space<vmem>>[vector<16xi32>, vector<16xi32>], vector<16xf32>,
        %swap3A_2380 = arith.index_cast %scan3A_2352 : i32 to index
        %swap3A_2381 = arith.constant 112 : index
        %swap3A_2382 = tpu.vector_load %arg11[%swap3A_2380, %swap3A_2381] {strides = array<i32>} : memref<32x128xf32, #tpu.memory_space<vmem>>, vector<16xf32>,
        tpu.vector_store %arg11[%swap3A_2380, %swap3A_2381], %gather3A_2379 {strides = array<i32>} : memref<32x128xf32, #tpu.memory_space<vmem>>, vector<16xf32>,
      }
      %scan3A_2190 = arith.constant 32 : i32
      %add3A_2191 = arith.constant 4 : i32
      %add3A_2192 = arith.addi %add3A_2110, %add3A_2191 : i32
      %jit3A_2193 = arith.constant 50 : i32
      %eq3A_2194 = arith.constant 0 : i32
      %eq3A_2195 = arith.cmpi eq, %jit3A_2193, %eq3A_2194 : i32
      %jit3A_2196 = arith.constant 1 : i32
      %select_n3A_2197 = arith.select %eq3A_2195, %jit3A_2196, %jit3A_2193 : i32
      %rem3A_2198 = arith.remsi %add3A_2192, %select_n3A_2197 : i32
      %ne3A_2199 = arith.constant 0 : i32
      %ne3A_2200 = arith.cmpi ne, %rem3A_2198, %ne3A_2199 : i32
      %lt3A_2201 = arith.constant 0 : i32
      %lt3A_2202 = arith.cmpi slt, %rem3A_2198, %lt3A_2201 : i32
      %lt3A_2203 = arith.constant 0 : i32
      %lt3A_2204 = arith.cmpi slt, %select_n3A_2197, %lt3A_2203 : i32
      %ne3A_2205 = arith.xori %lt3A_2202, %lt3A_2204 : i1
      %and3A_2206 = arith.andi %ne3A_2205, %ne3A_2200 : i1
      %add3A_2207 = arith.addi %rem3A_2198, %select_n3A_2197 : i32
      %select_n3A_2208 = arith.select %and3A_2206, %add3A_2207, %rem3A_2198 : i32
      %jit3A_2209 = arith.constant 50 : i32
      %div3A_2210 = arith.divsi %add3A_2192, %jit3A_2209 : i32
      %sign3A_2211 = arith.constant 0 : i32
      %sign3A_2212 = arith.cmpi sgt, %add3A_2192, %sign3A_2211 : i32
      %sign3A_2213 = arith.extui %sign3A_2212 : i1 to i32
      %sign3A_2214 = arith.constant 0 : i32
      %sign3A_2215 = arith.cmpi slt, %add3A_2192, %sign3A_2214 : i32
      %sign3A_2216 = arith.extui %sign3A_2215 : i1 to i32
      %sign3A_2217 = arith.subi %sign3A_2213, %sign3A_2216 : i32
      %sign3A_2218 = arith.constant 0 : i32
      %sign3A_2219 = arith.cmpi sgt, %jit3A_2209, %sign3A_2218 : i32
      %sign3A_2220 = arith.extui %sign3A_2219 : i1 to i32
      %sign3A_2221 = arith.constant 0 : i32
      %sign3A_2222 = arith.cmpi slt, %jit3A_2209, %sign3A_2221 : i32
      %sign3A_2223 = arith.extui %sign3A_2222 : i1 to i32
      %sign3A_2224 = arith.subi %sign3A_2220, %sign3A_2223 : i32
      %ne3A_2225 = arith.cmpi ne, %sign3A_2217, %sign3A_2224 : i32
      %rem3A_2226 = arith.remsi %add3A_2192, %jit3A_2209 : i32
      %ne3A_2227 = arith.constant 0 : i32
      %ne3A_2228 = arith.cmpi ne, %rem3A_2226, %ne3A_2227 : i32
      %and3A_2229 = arith.andi %ne3A_2225, %ne3A_2228 : i1
      %sub3A_2230 = arith.constant 1 : i32
      %sub3A_2231 = arith.subi %div3A_2210, %sub3A_2230 : i32
      %select_n3A_2232 = arith.select %and3A_2229, %sub3A_2231, %div3A_2210 : i32
      %mul3A_2233 = arith.constant 128 : i32
      %mul3A_2234 = arith.muli %select_n3A_2232, %mul3A_2233 : i32
      %dma_start3A_2235 = tpu.memref_slice %arg5[%select_n3A_2208, %mul3A_2234] : memref<50x512xi32, #tpu.memory_space<vmem>> -> memref<1x128xi32, #tpu.memory_space<vmem>>
      %dma_start3A_2236 = tpu.memref_squeeze %dma_start3A_2235 : memref<1x128xi32, #tpu.memory_space<vmem>> -> memref<128xi32, #tpu.memory_space<vmem>>
      %dma_start3A_2237 = arith.constant 0 : i32
      %dma_start3A_2238 = arith.constant 0 : i32
      %dma_start3A_2239 = tpu.memref_slice %arg2[%dma_start3A_2237, %dma_start3A_2238] : memref<1000000x32xf32, #tpu.memory_space<hbm>> -> memref<1000000x32xf32, #tpu.memory_space<hbm>>
      tpu.enqueue_indirect_dma source(%dma_start3A_2239 : memref<1000000x32xf32, #tpu.memory_space<hbm>>) target(%arg7 : memref<128x32xf32, #tpu.memory_space<vmem>>) offsets(%dma_start3A_2236 : memref<128xi32, #tpu.memory_space<vmem>>) semaphore(%arg13 : memref<!tpu.dma_semaphore, #tpu.memory_space<semaphore_mem>>)
      %jit3A_2240 = arith.constant 50 : i32
      %eq3A_2241 = arith.constant 0 : i32
      %eq3A_2242 = arith.cmpi eq, %jit3A_2240, %eq3A_2241 : i32
      %jit3A_2243 = arith.constant 1 : i32
      %select_n3A_2244 = arith.select %eq3A_2242, %jit3A_2243, %jit3A_2240 : i32
      %rem3A_2245 = arith.remsi %add3A_2110, %select_n3A_2244 : i32
      %ne3A_2246 = arith.constant 0 : i32
      %ne3A_2247 = arith.cmpi ne, %rem3A_2245, %ne3A_2246 : i32
      %lt3A_2248 = arith.constant 0 : i32
      %lt3A_2249 = arith.cmpi slt, %rem3A_2245, %lt3A_2248 : i32
      %lt3A_2250 = arith.constant 0 : i32
      %lt3A_2251 = arith.cmpi slt, %select_n3A_2244, %lt3A_2250 : i32
      %ne3A_2252 = arith.xori %lt3A_2249, %lt3A_2251 : i1
      %and3A_2253 = arith.andi %ne3A_2252, %ne3A_2247 : i1
      %add3A_2254 = arith.addi %rem3A_2245, %select_n3A_2244 : i32
      %select_n3A_2255 = arith.select %and3A_2253, %add3A_2254, %rem3A_2245 : i32
      %jit3A_2256 = arith.constant 50 : i32
      %div3A_2257 = arith.divsi %add3A_2110, %jit3A_2256 : i32
      %sign3A_2258 = arith.constant 0 : i32
      %sign3A_2259 = arith.cmpi sgt, %add3A_2110, %sign3A_2258 : i32
      %sign3A_2260 = arith.extui %sign3A_2259 : i1 to i32
      %sign3A_2261 = arith.constant 0 : i32
      %sign3A_2262 = arith.cmpi slt, %add3A_2110, %sign3A_2261 : i32
      %sign3A_2263 = arith.extui %sign3A_2262 : i1 to i32
      %sign3A_2264 = arith.subi %sign3A_2260, %sign3A_2263 : i32
      %sign3A_2265 = arith.constant 0 : i32
      %sign3A_2266 = arith.cmpi sgt, %jit3A_2256, %sign3A_2265 : i32
      %sign3A_2267 = arith.extui %sign3A_2266 : i1 to i32
      %sign3A_2268 = arith.constant 0 : i32
      %sign3A_2269 = arith.cmpi slt, %jit3A_2256, %sign3A_2268 : i32
      %sign3A_2270 = arith.extui %sign3A_2269 : i1 to i32
      %sign3A_2271 = arith.subi %sign3A_2267, %sign3A_2270 : i32
      %ne3A_2272 = arith.cmpi ne, %sign3A_2264, %sign3A_2271 : i32
      %rem3A_2273 = arith.remsi %add3A_2110, %jit3A_2256 : i32
      %ne3A_2274 = arith.constant 0 : i32
      %ne3A_2275 = arith.cmpi ne, %rem3A_2273, %ne3A_2274 : i32
      %and3A_2276 = arith.andi %ne3A_2272, %ne3A_2275 : i1
      %sub3A_2277 = arith.constant 1 : i32
      %sub3A_2278 = arith.subi %div3A_2257, %sub3A_2277 : i32
      %select_n3A_2279 = arith.select %and3A_2276, %sub3A_2278, %div3A_2257 : i32
      %mul3A_2280 = arith.constant 4 : i32
      %mul3A_2281 = arith.muli %add3A, %mul3A_2280 : i32
      %add3A_2282 = arith.addi %mul3A_2281, %select_n3A_2279 : i32
      %dma_start3A_2283 = arith.constant 0 : i32
      %dma_start3A_2284 = arith.constant 0 : i32
      %dma_start3A_2285 = arith.constant 0 : i32
      %dma_start3A_2286 = tpu.memref_slice %arg11[%dma_start3A_2284, %dma_start3A_2285] : memref<32x128xf32, #tpu.memory_space<vmem>> -> memref<8x128xf32, #tpu.memory_space<vmem>>
      %dma_start3A_2287 = arith.constant 0 : i32
      %dma_start3A_2288 = arith.constant 0 : i32
      %dma_start3A_2289 = tpu.memref_slice %arg4[%select_n3A_2255, %dma_start3A_2283, %add3A_2282, %dma_start3A_2287, %dma_start3A_2288] : memref<50x4x128x8x128xf32, #tpu.memory_space<hbm>> -> memref<1x1x1x8x128xf32, #tpu.memory_space<hbm>>
      %dma_start3A_2290 = tpu.memref_squeeze %dma_start3A_2289 : memref<1x1x1x8x128xf32, #tpu.memory_space<hbm>> -> memref<8x128xf32, #tpu.memory_space<hbm>>
      %dma_start3A_2291 = arith.constant 0 : i32
      %dma_start3A_2292 = arith.constant 0 : i32
      %dma_start3A_2293 = tpu.memref_slice %arg4[%select_n3A_2255, %dma_start3A_2283, %add3A_2282, %dma_start3A_2291, %dma_start3A_2292] : memref<50x4x128x8x128xf32, #tpu.memory_space<hbm>> -> memref<1x1x1x8x128xf32, #tpu.memory_space<hbm>>
      %dma_start3A_2294 = tpu.memref_squeeze %dma_start3A_2293 : memref<1x1x1x8x128xf32, #tpu.memory_space<hbm>> -> memref<8x128xf32, #tpu.memory_space<hbm>>
      %dma_start3A_2295 = arith.constant 0 : i32
      %dma_start3A_2296 = arith.constant 0 : i32
      %dma_start3A_2297 = tpu.memref_slice %arg11[%dma_start3A_2295, %dma_start3A_2296] : memref<32x128xf32, #tpu.memory_space<vmem>> -> memref<8x128xf32, #tpu.memory_space<vmem>>
      tpu.enqueue_dma source(%dma_start3A_2297 : memref<8x128xf32, #tpu.memory_space<vmem>>) target(%dma_start3A_2294 : memref<8x128xf32, #tpu.memory_space<hbm>>) target_semaphore(%arg17 : memref<!tpu.dma_semaphore, #tpu.memory_space<semaphore_mem>>)
      %mul3A_2298 = arith.constant 4 : i32
      %mul3A_2299 = arith.muli %add3A, %mul3A_2298 : i32
      %add3A_2300 = arith.addi %mul3A_2299, %select_n3A_2279 : i32
      %dma_start3A_2301 = arith.constant 1 : i32
      %dma_start3A_2302 = arith.constant 8 : i32
      %dma_start3A_2303 = arith.constant 0 : i32
      %dma_start3A_2304 = tpu.memref_slice %arg11[%dma_start3A_2302, %dma_start3A_2303] : memref<32x128xf32, #tpu.memory_space<vmem>> -> memref<8x128xf32, #tpu.memory_space<vmem>>
      %dma_start3A_2305 = arith.constant 0 : i32
      %dma_start3A_2306 = arith.constant 0 : i32
      %dma_start3A_2307 = tpu.memref_slice %arg4[%select_n3A_2255, %dma_start3A_2301, %add3A_2300, %dma_start3A_2305, %dma_start3A_2306] : memref<50x4x128x8x128xf32, #tpu.memory_space<hbm>> -> memref<1x1x1x8x128xf32, #tpu.memory_space<hbm>>
      %dma_start3A_2308 = tpu.memref_squeeze %dma_start3A_2307 : memref<1x1x1x8x128xf32, #tpu.memory_space<hbm>> -> memref<8x128xf32, #tpu.memory_space<hbm>>
      %dma_start3A_2309 = arith.constant 0 : i32
      %dma_start3A_2310 = arith.constant 0 : i32
      %dma_start3A_2311 = tpu.memref_slice %arg4[%select_n3A_2255, %dma_start3A_2301, %add3A_2300, %dma_start3A_2309, %dma_start3A_2310] : memref<50x4x128x8x128xf32, #tpu.memory_space<hbm>> -> memref<1x1x1x8x128xf32, #tpu.memory_space<hbm>>
      %dma_start3A_2312 = tpu.memref_squeeze %dma_start3A_2311 : memref<1x1x1x8x128xf32, #tpu.memory_space<hbm>> -> memref<8x128xf32, #tpu.memory_space<hbm>>
      %dma_start3A_2313 = arith.constant 8 : i32
      %dma_start3A_2314 = arith.constant 0 : i32
      %dma_start3A_2315 = tpu.memref_slice %arg11[%dma_start3A_2313, %dma_start3A_2314] : memref<32x128xf32, #tpu.memory_space<vmem>> -> memref<8x128xf32, #tpu.memory_space<vmem>>
      tpu.enqueue_dma source(%dma_start3A_2315 : memref<8x128xf32, #tpu.memory_space<vmem>>) target(%dma_start3A_2312 : memref<8x128xf32, #tpu.memory_space<hbm>>) target_semaphore(%arg17 : memref<!tpu.dma_semaphore, #tpu.memory_space<semaphore_mem>>)
      %mul3A_2316 = arith.constant 4 : i32
      %mul3A_2317 = arith.muli %add3A, %mul3A_2316 : i32
      %add3A_2318 = arith.addi %mul3A_2317, %select_n3A_2279 : i32
      %dma_start3A_2319 = arith.constant 2 : i32
      %dma_start3A_2320 = arith.constant 16 : i32
      %dma_start3A_2321 = arith.constant 0 : i32
      %dma_start3A_2322 = tpu.memref_slice %arg11[%dma_start3A_2320, %dma_start3A_2321] : memref<32x128xf32, #tpu.memory_space<vmem>> -> memref<8x128xf32, #tpu.memory_space<vmem>>
      %dma_start3A_2323 = arith.constant 0 : i32
      %dma_start3A_2324 = arith.constant 0 : i32
      %dma_start3A_2325 = tpu.memref_slice %arg4[%select_n3A_2255, %dma_start3A_2319, %add3A_2318, %dma_start3A_2323, %dma_start3A_2324] : memref<50x4x128x8x128xf32, #tpu.memory_space<hbm>> -> memref<1x1x1x8x128xf32, #tpu.memory_space<hbm>>
      %dma_start3A_2326 = tpu.memref_squeeze %dma_start3A_2325 : memref<1x1x1x8x128xf32, #tpu.memory_space<hbm>> -> memref<8x128xf32, #tpu.memory_space<hbm>>
      %dma_start3A_2327 = arith.constant 0 : i32
      %dma_start3A_2328 = arith.constant 0 : i32
      %dma_start3A_2329 = tpu.memref_slice %arg4[%select_n3A_2255, %dma_start3A_2319, %add3A_2318, %dma_start3A_2327, %dma_start3A_2328] : memref<50x4x128x8x128xf32, #tpu.memory_space<hbm>> -> memref<1x1x1x8x128xf32, #tpu.memory_space<hbm>>
      %dma_start3A_2330 = tpu.memref_squeeze %dma_start3A_2329 : memref<1x1x1x8x128xf32, #tpu.memory_space<hbm>> -> memref<8x128xf32, #tpu.memory_space<hbm>>
      %dma_start3A_2331 = arith.constant 16 : i32
      %dma_start3A_2332 = arith.constant 0 : i32
      %dma_start3A_2333 = tpu.memref_slice %arg11[%dma_start3A_2331, %dma_start3A_2332] : memref<32x128xf32, #tpu.memory_space<vmem>> -> memref<8x128xf32, #tpu.memory_space<vmem>>
      tpu.enqueue_dma source(%dma_start3A_2333 : memref<8x128xf32, #tpu.memory_space<vmem>>) target(%dma_start3A_2330 : memref<8x128xf32, #tpu.memory_space<hbm>>) target_semaphore(%arg17 : memref<!tpu.dma_semaphore, #tpu.memory_space<semaphore_mem>>)
      %mul3A_2334 = arith.constant 4 : i32
      %mul3A_2335 = arith.muli %add3A, %mul3A_2334 : i32
      %add3A_2336 = arith.addi %mul3A_2335, %select_n3A_2279 : i32
      %dma_start3A_2337 = arith.constant 3 : i32
      %dma_start3A_2338 = arith.constant 24 : i32
      %dma_start3A_2339 = arith.constant 0 : i32
      %dma_start3A_2340 = tpu.memref_slice %arg11[%dma_start3A_2338, %dma_start3A_2339] : memref<32x128xf32, #tpu.memory_space<vmem>> -> memref<8x128xf32, #tpu.memory_space<vmem>>
      %dma_start3A_2341 = arith.constant 0 : i32
      %dma_start3A_2342 = arith.constant 0 : i32
      %dma_start3A_2343 = tpu.memref_slice %arg4[%select_n3A_2255, %dma_start3A_2337, %add3A_2336, %dma_start3A_2341, %dma_start3A_2342] : memref<50x4x128x8x128xf32, #tpu.memory_space<hbm>> -> memref<1x1x1x8x128xf32, #tpu.memory_space<hbm>>
      %dma_start3A_2344 = tpu.memref_squeeze %dma_start3A_2343 : memref<1x1x1x8x128xf32, #tpu.memory_space<hbm>> -> memref<8x128xf32, #tpu.memory_space<hbm>>
      %dma_start3A_2345 = arith.constant 0 : i32
      %dma_start3A_2346 = arith.constant 0 : i32
      %dma_start3A_2347 = tpu.memref_slice %arg4[%select_n3A_2255, %dma_start3A_2337, %add3A_2336, %dma_start3A_2345, %dma_start3A_2346] : memref<50x4x128x8x128xf32, #tpu.memory_space<hbm>> -> memref<1x1x1x8x128xf32, #tpu.memory_space<hbm>>
      %dma_start3A_2348 = tpu.memref_squeeze %dma_start3A_2347 : memref<1x1x1x8x128xf32, #tpu.memory_space<hbm>> -> memref<8x128xf32, #tpu.memory_space<hbm>>
      %dma_start3A_2349 = arith.constant 24 : i32
      %dma_start3A_2350 = arith.constant 0 : i32
      %dma_start3A_2351 = tpu.memref_slice %arg11[%dma_start3A_2349, %dma_start3A_2350] : memref<32x128xf32, #tpu.memory_space<vmem>> -> memref<8x128xf32, #tpu.memory_space<vmem>>
      tpu.enqueue_dma source(%dma_start3A_2351 : memref<8x128xf32, #tpu.memory_space<vmem>>) target(%dma_start3A_2348 : memref<8x128xf32, #tpu.memory_space<hbm>>) target_semaphore(%arg17 : memref<!tpu.dma_semaphore, #tpu.memory_space<semaphore_mem>>)
    }
    %scan3A_262 = arith.constant 48 : i32
    %dma_wait3A_263 = arith.constant 0 : i32
    %dma_wait3A_264 = arith.constant 0 : i32
    %dma_wait3A_265 = tpu.memref_slice %arg2[%dma_wait3A_263, %dma_wait3A_264] : memref<1000000x32xf32, #tpu.memory_space<hbm>> -> memref<128x32xf32, #tpu.memory_space<hbm>>
    %dma_wait3A_266 = arith.constant 0 : i32
    %dma_wait3A_267 = arith.constant 0 : i32
    %dma_wait3A_268 = tpu.memref_slice %arg2[%dma_wait3A_266, %dma_wait3A_267] : memref<1000000x32xf32, #tpu.memory_space<hbm>> -> memref<128x32xf32, #tpu.memory_space<hbm>>
    tpu.wait_dma2 semaphore(%arg14 : memref<!tpu.dma_semaphore, #tpu.memory_space<semaphore_mem>>) src(%dma_wait3A_268 : memref<128x32xf32, #tpu.memory_space<hbm>>) dst(%arg8 : memref<128x32xf32, #tpu.memory_space<vmem>>)
    %dma_wait3A_269 = arith.constant 0 : i32
    %dma_wait3A_270 = arith.constant 0 : i32
    %dma_wait3A_271 = arith.constant 0 : i32
    %dma_wait3A_272 = arith.constant 0 : i32
    %dma_wait3A_273 = arith.constant 0 : i32
    %dma_wait3A_274 = tpu.memref_slice %arg10[%dma_wait3A_272, %dma_wait3A_273] : memref<32x128xf32, #tpu.memory_space<vmem>> -> memref<8x128xf32, #tpu.memory_space<vmem>>
    %dma_wait3A_275 = arith.constant 0 : i32
    %dma_wait3A_276 = arith.constant 0 : i32
    %dma_wait3A_277 = tpu.memref_slice %arg4[%dma_wait3A_269, %dma_wait3A_270, %dma_wait3A_271, %dma_wait3A_275, %dma_wait3A_276] : memref<50x4x128x8x128xf32, #tpu.memory_space<hbm>> -> memref<1x1x1x8x128xf32, #tpu.memory_space<hbm>>
    %dma_wait3A_278 = tpu.memref_squeeze %dma_wait3A_277 : memref<1x1x1x8x128xf32, #tpu.memory_space<hbm>> -> memref<8x128xf32, #tpu.memory_space<hbm>>
    %dma_wait3A_279 = arith.constant 0 : i32
    %dma_wait3A_280 = arith.constant 0 : i32
    %dma_wait3A_281 = tpu.memref_slice %arg4[%dma_wait3A_269, %dma_wait3A_270, %dma_wait3A_271, %dma_wait3A_279, %dma_wait3A_280] : memref<50x4x128x8x128xf32, #tpu.memory_space<hbm>> -> memref<1x1x1x8x128xf32, #tpu.memory_space<hbm>>
    %dma_wait3A_282 = tpu.memref_squeeze %dma_wait3A_281 : memref<1x1x1x8x128xf32, #tpu.memory_space<hbm>> -> memref<8x128xf32, #tpu.memory_space<hbm>>
    %dma_wait3A_283 = arith.constant 0 : i32
    %dma_wait3A_284 = arith.constant 0 : i32
    %dma_wait3A_285 = tpu.memref_slice %arg10[%dma_wait3A_283, %dma_wait3A_284] : memref<32x128xf32, #tpu.memory_space<vmem>> -> memref<8x128xf32, #tpu.memory_space<vmem>>
    tpu.wait_dma2 semaphore(%arg16 : memref<!tpu.dma_semaphore, #tpu.memory_space<semaphore_mem>>) src(%dma_wait3A_285 : memref<8x128xf32, #tpu.memory_space<vmem>>) dst(%dma_wait3A_282 : memref<8x128xf32, #tpu.memory_space<hbm>>)
    %dma_wait3A_286 = arith.constant 0 : i32
    %dma_wait3A_287 = arith.constant 1 : i32
    %dma_wait3A_288 = arith.constant 0 : i32
    %dma_wait3A_289 = arith.constant 8 : i32
    %dma_wait3A_290 = arith.constant 0 : i32
    %dma_wait3A_291 = tpu.memref_slice %arg10[%dma_wait3A_289, %dma_wait3A_290] : memref<32x128xf32, #tpu.memory_space<vmem>> -> memref<8x128xf32, #tpu.memory_space<vmem>>
    %dma_wait3A_292 = arith.constant 0 : i32
    %dma_wait3A_293 = arith.constant 0 : i32
    %dma_wait3A_294 = tpu.memref_slice %arg4[%dma_wait3A_286, %dma_wait3A_287, %dma_wait3A_288, %dma_wait3A_292, %dma_wait3A_293] : memref<50x4x128x8x128xf32, #tpu.memory_space<hbm>> -> memref<1x1x1x8x128xf32, #tpu.memory_space<hbm>>
    %dma_wait3A_295 = tpu.memref_squeeze %dma_wait3A_294 : memref<1x1x1x8x128xf32, #tpu.memory_space<hbm>> -> memref<8x128xf32, #tpu.memory_space<hbm>>
    %dma_wait3A_296 = arith.constant 0 : i32
    %dma_wait3A_297 = arith.constant 0 : i32
    %dma_wait3A_298 = tpu.memref_slice %arg4[%dma_wait3A_286, %dma_wait3A_287, %dma_wait3A_288, %dma_wait3A_296, %dma_wait3A_297] : memref<50x4x128x8x128xf32, #tpu.memory_space<hbm>> -> memref<1x1x1x8x128xf32, #tpu.memory_space<hbm>>
    %dma_wait3A_299 = tpu.memref_squeeze %dma_wait3A_298 : memref<1x1x1x8x128xf32, #tpu.memory_space<hbm>> -> memref<8x128xf32, #tpu.memory_space<hbm>>
    %dma_wait3A_300 = arith.constant 8 : i32
    %dma_wait3A_301 = arith.constant 0 : i32
    %dma_wait3A_302 = tpu.memref_slice %arg10[%dma_wait3A_300, %dma_wait3A_301] : memref<32x128xf32, #tpu.memory_space<vmem>> -> memref<8x128xf32, #tpu.memory_space<vmem>>
    tpu.wait_dma2 semaphore(%arg16 : memref<!tpu.dma_semaphore, #tpu.memory_space<semaphore_mem>>) src(%dma_wait3A_302 : memref<8x128xf32, #tpu.memory_space<vmem>>) dst(%dma_wait3A_299 : memref<8x128xf32, #tpu.memory_space<hbm>>)
    %dma_wait3A_303 = arith.constant 0 : i32
    %dma_wait3A_304 = arith.constant 2 : i32
    %dma_wait3A_305 = arith.constant 0 : i32
    %dma_wait3A_306 = arith.constant 16 : i32
    %dma_wait3A_307 = arith.constant 0 : i32
    %dma_wait3A_308 = tpu.memref_slice %arg10[%dma_wait3A_306, %dma_wait3A_307] : memref<32x128xf32, #tpu.memory_space<vmem>> -> memref<8x128xf32, #tpu.memory_space<vmem>>
    %dma_wait3A_309 = arith.constant 0 : i32
    %dma_wait3A_310 = arith.constant 0 : i32
    %dma_wait3A_311 = tpu.memref_slice %arg4[%dma_wait3A_303, %dma_wait3A_304, %dma_wait3A_305, %dma_wait3A_309, %dma_wait3A_310] : memref<50x4x128x8x128xf32, #tpu.memory_space<hbm>> -> memref<1x1x1x8x128xf32, #tpu.memory_space<hbm>>
    %dma_wait3A_312 = tpu.memref_squeeze %dma_wait3A_311 : memref<1x1x1x8x128xf32, #tpu.memory_space<hbm>> -> memref<8x128xf32, #tpu.memory_space<hbm>>
    %dma_wait3A_313 = arith.constant 0 : i32
    %dma_wait3A_314 = arith.constant 0 : i32
    %dma_wait3A_315 = tpu.memref_slice %arg4[%dma_wait3A_303, %dma_wait3A_304, %dma_wait3A_305, %dma_wait3A_313, %dma_wait3A_314] : memref<50x4x128x8x128xf32, #tpu.memory_space<hbm>> -> memref<1x1x1x8x128xf32, #tpu.memory_space<hbm>>
    %dma_wait3A_316 = tpu.memref_squeeze %dma_wait3A_315 : memref<1x1x1x8x128xf32, #tpu.memory_space<hbm>> -> memref<8x128xf32, #tpu.memory_space<hbm>>
    %dma_wait3A_317 = arith.constant 16 : i32
    %dma_wait3A_318 = arith.constant 0 : i32
    %dma_wait3A_319 = tpu.memref_slice %arg10[%dma_wait3A_317, %dma_wait3A_318] : memref<32x128xf32, #tpu.memory_space<vmem>> -> memref<8x128xf32, #tpu.memory_space<vmem>>
    tpu.wait_dma2 semaphore(%arg16 : memref<!tpu.dma_semaphore, #tpu.memory_space<semaphore_mem>>) src(%dma_wait3A_319 : memref<8x128xf32, #tpu.memory_space<vmem>>) dst(%dma_wait3A_316 : memref<8x128xf32, #tpu.memory_space<hbm>>)
    %dma_wait3A_320 = arith.constant 0 : i32
    %dma_wait3A_321 = arith.constant 3 : i32
    %dma_wait3A_322 = arith.constant 0 : i32
    %dma_wait3A_323 = arith.constant 24 : i32
    %dma_wait3A_324 = arith.constant 0 : i32
    %dma_wait3A_325 = tpu.memref_slice %arg10[%dma_wait3A_323, %dma_wait3A_324] : memref<32x128xf32, #tpu.memory_space<vmem>> -> memref<8x128xf32, #tpu.memory_space<vmem>>
    %dma_wait3A_326 = arith.constant 0 : i32
    %dma_wait3A_327 = arith.constant 0 : i32
    %dma_wait3A_328 = tpu.memref_slice %arg4[%dma_wait3A_320, %dma_wait3A_321, %dma_wait3A_322, %dma_wait3A_326, %dma_wait3A_327] : memref<50x4x128x8x128xf32, #tpu.memory_space<hbm>> -> memref<1x1x1x8x128xf32, #tpu.memory_space<hbm>>
    %dma_wait3A_329 = tpu.memref_squeeze %dma_wait3A_328 : memref<1x1x1x8x128xf32, #tpu.memory_space<hbm>> -> memref<8x128xf32, #tpu.memory_space<hbm>>
    %dma_wait3A_330 = arith.constant 0 : i32
    %dma_wait3A_331 = arith.constant 0 : i32
    %dma_wait3A_332 = tpu.memref_slice %arg4[%dma_wait3A_320, %dma_wait3A_321, %dma_wait3A_322, %dma_wait3A_330, %dma_wait3A_331] : memref<50x4x128x8x128xf32, #tpu.memory_space<hbm>> -> memref<1x1x1x8x128xf32, #tpu.memory_space<hbm>>
    %dma_wait3A_333 = tpu.memref_squeeze %dma_wait3A_332 : memref<1x1x1x8x128xf32, #tpu.memory_space<hbm>> -> memref<8x128xf32, #tpu.memory_space<hbm>>
    %dma_wait3A_334 = arith.constant 24 : i32
    %dma_wait3A_335 = arith.constant 0 : i32
    %dma_wait3A_336 = tpu.memref_slice %arg10[%dma_wait3A_334, %dma_wait3A_335] : memref<32x128xf32, #tpu.memory_space<vmem>> -> memref<8x128xf32, #tpu.memory_space<vmem>>
    tpu.wait_dma2 semaphore(%arg16 : memref<!tpu.dma_semaphore, #tpu.memory_space<semaphore_mem>>) src(%dma_wait3A_336 : memref<8x128xf32, #tpu.memory_space<vmem>>) dst(%dma_wait3A_333 : memref<8x128xf32, #tpu.memory_space<hbm>>)
    %scan3A_337 = arith.constant 0 : i32
    %scan3A_338 = arith.constant 0 : i32
    %scan3A_339 = arith.constant 32 : i32
    %scan3A_340 = arith.addi %scan3A_338, %scan3A_339 : i32
    %scan3A_341 = arith.constant 1 : i32
    scf.for %scan3A_1373 = %scan3A_338 to %scan3A_340 step %scan3A_341  : i32 {
      %broadcast_in_dim3A = vector.broadcast %scan3A_1373 : i32 to vector<16xi32>
      %gather3A = tpu.vector_load_idx %arg8[%add3A_5, %broadcast_in_dim3A] : memref<128x32xf32, #tpu.memory_space<vmem>>[vector<16xi32>, vector<16xi32>], vector<16xf32>,
      %swap3A = arith.index_cast %scan3A_1373 : i32 to index
      %swap3A_1374 = arith.constant 0 : index
      %swap3A_1375 = tpu.vector_load %arg10[%swap3A, %swap3A_1374] {strides = array<i32>} : memref<32x128xf32, #tpu.memory_space<vmem>>, vector<16xf32>,
      tpu.vector_store %arg10[%swap3A, %swap3A_1374], %gather3A {strides = array<i32>} : memref<32x128xf32, #tpu.memory_space<vmem>>, vector<16xf32>,
      %gather3A_1376 = tpu.vector_load_idx %arg8[%add3A_9, %broadcast_in_dim3A] : memref<128x32xf32, #tpu.memory_space<vmem>>[vector<16xi32>, vector<16xi32>], vector<16xf32>,
      %swap3A_1377 = arith.index_cast %scan3A_1373 : i32 to index
      %swap3A_1378 = arith.constant 16 : index
      %swap3A_1379 = tpu.vector_load %arg10[%swap3A_1377, %swap3A_1378] {strides = array<i32>} : memref<32x128xf32, #tpu.memory_space<vmem>>, vector<16xf32>,
      tpu.vector_store %arg10[%swap3A_1377, %swap3A_1378], %gather3A_1376 {strides = array<i32>} : memref<32x128xf32, #tpu.memory_space<vmem>>, vector<16xf32>,
      %gather3A_1380 = tpu.vector_load_idx %arg8[%add3A_13, %broadcast_in_dim3A] : memref<128x32xf32, #tpu.memory_space<vmem>>[vector<16xi32>, vector<16xi32>], vector<16xf32>,
      %swap3A_1381 = arith.index_cast %scan3A_1373 : i32 to index
      %swap3A_1382 = arith.constant 32 : index
      %swap3A_1383 = tpu.vector_load %arg10[%swap3A_1381, %swap3A_1382] {strides = array<i32>} : memref<32x128xf32, #tpu.memory_space<vmem>>, vector<16xf32>,
      tpu.vector_store %arg10[%swap3A_1381, %swap3A_1382], %gather3A_1380 {strides = array<i32>} : memref<32x128xf32, #tpu.memory_space<vmem>>, vector<16xf32>,
      %gather3A_1384 = tpu.vector_load_idx %arg8[%add3A_17, %broadcast_in_dim3A] : memref<128x32xf32, #tpu.memory_space<vmem>>[vector<16xi32>, vector<16xi32>], vector<16xf32>,
      %swap3A_1385 = arith.index_cast %scan3A_1373 : i32 to index
      %swap3A_1386 = arith.constant 48 : index
      %swap3A_1387 = tpu.vector_load %arg10[%swap3A_1385, %swap3A_1386] {strides = array<i32>} : memref<32x128xf32, #tpu.memory_space<vmem>>, vector<16xf32>,
      tpu.vector_store %arg10[%swap3A_1385, %swap3A_1386], %gather3A_1384 {strides = array<i32>} : memref<32x128xf32, #tpu.memory_space<vmem>>, vector<16xf32>,
      %gather3A_1388 = tpu.vector_load_idx %arg8[%add3A_21, %broadcast_in_dim3A] : memref<128x32xf32, #tpu.memory_space<vmem>>[vector<16xi32>, vector<16xi32>], vector<16xf32>,
      %swap3A_1389 = arith.index_cast %scan3A_1373 : i32 to index
      %swap3A_1390 = arith.constant 64 : index
      %swap3A_1391 = tpu.vector_load %arg10[%swap3A_1389, %swap3A_1390] {strides = array<i32>} : memref<32x128xf32, #tpu.memory_space<vmem>>, vector<16xf32>,
      tpu.vector_store %arg10[%swap3A_1389, %swap3A_1390], %gather3A_1388 {strides = array<i32>} : memref<32x128xf32, #tpu.memory_space<vmem>>, vector<16xf32>,
      %gather3A_1392 = tpu.vector_load_idx %arg8[%add3A_25, %broadcast_in_dim3A] : memref<128x32xf32, #tpu.memory_space<vmem>>[vector<16xi32>, vector<16xi32>], vector<16xf32>,
      %swap3A_1393 = arith.index_cast %scan3A_1373 : i32 to index
      %swap3A_1394 = arith.constant 80 : index
      %swap3A_1395 = tpu.vector_load %arg10[%swap3A_1393, %swap3A_1394] {strides = array<i32>} : memref<32x128xf32, #tpu.memory_space<vmem>>, vector<16xf32>,
      tpu.vector_store %arg10[%swap3A_1393, %swap3A_1394], %gather3A_1392 {strides = array<i32>} : memref<32x128xf32, #tpu.memory_space<vmem>>, vector<16xf32>,
      %gather3A_1396 = tpu.vector_load_idx %arg8[%add3A_29, %broadcast_in_dim3A] : memref<128x32xf32, #tpu.memory_space<vmem>>[vector<16xi32>, vector<16xi32>], vector<16xf32>,
      %swap3A_1397 = arith.index_cast %scan3A_1373 : i32 to index
      %swap3A_1398 = arith.constant 96 : index
      %swap3A_1399 = tpu.vector_load %arg10[%swap3A_1397, %swap3A_1398] {strides = array<i32>} : memref<32x128xf32, #tpu.memory_space<vmem>>, vector<16xf32>,
      tpu.vector_store %arg10[%swap3A_1397, %swap3A_1398], %gather3A_1396 {strides = array<i32>} : memref<32x128xf32, #tpu.memory_space<vmem>>, vector<16xf32>,
      %gather3A_1400 = tpu.vector_load_idx %arg8[%add3A_33, %broadcast_in_dim3A] : memref<128x32xf32, #tpu.memory_space<vmem>>[vector<16xi32>, vector<16xi32>], vector<16xf32>,
      %swap3A_1401 = arith.index_cast %scan3A_1373 : i32 to index
      %swap3A_1402 = arith.constant 112 : index
      %swap3A_1403 = tpu.vector_load %arg10[%swap3A_1401, %swap3A_1402] {strides = array<i32>} : memref<32x128xf32, #tpu.memory_space<vmem>>, vector<16xf32>,
      tpu.vector_store %arg10[%swap3A_1401, %swap3A_1402], %gather3A_1400 {strides = array<i32>} : memref<32x128xf32, #tpu.memory_space<vmem>>, vector<16xf32>,
    }
    %scan3A_342 = arith.constant 32 : i32
    %dma_start3A_343 = arith.constant 48 : i32
    %dma_start3A_344 = arith.constant 384 : i32
    %dma_start3A_345 = tpu.memref_slice %arg5[%dma_start3A_343, %dma_start3A_344] : memref<50x512xi32, #tpu.memory_space<vmem>> -> memref<1x128xi32, #tpu.memory_space<vmem>>
    %dma_start3A_346 = tpu.memref_squeeze %dma_start3A_345 : memref<1x128xi32, #tpu.memory_space<vmem>> -> memref<128xi32, #tpu.memory_space<vmem>>
    %dma_start3A_347 = arith.constant 0 : i32
    %dma_start3A_348 = arith.constant 0 : i32
    %dma_start3A_349 = tpu.memref_slice %arg2[%dma_start3A_347, %dma_start3A_348] : memref<1000000x32xf32, #tpu.memory_space<hbm>> -> memref<1000000x32xf32, #tpu.memory_space<hbm>>
    tpu.enqueue_indirect_dma source(%dma_start3A_349 : memref<1000000x32xf32, #tpu.memory_space<hbm>>) target(%arg8 : memref<128x32xf32, #tpu.memory_space<vmem>>) offsets(%dma_start3A_346 : memref<128xi32, #tpu.memory_space<vmem>>) semaphore(%arg14 : memref<!tpu.dma_semaphore, #tpu.memory_space<semaphore_mem>>)
    %mul3A_350 = arith.constant 4 : i32
    %mul3A_351 = arith.muli %add3A, %mul3A_350 : i32
    %add3A_352 = arith.constant 3 : i32
    %add3A_353 = arith.addi %mul3A_351, %add3A_352 : i32
    %dma_start3A_354 = arith.constant 44 : i32
    %dma_start3A_355 = arith.constant 0 : i32
    %dma_start3A_356 = arith.constant 0 : i32
    %dma_start3A_357 = arith.constant 0 : i32
    %dma_start3A_358 = tpu.memref_slice %arg10[%dma_start3A_356, %dma_start3A_357] : memref<32x128xf32, #tpu.memory_space<vmem>> -> memref<8x128xf32, #tpu.memory_space<vmem>>
    %dma_start3A_359 = arith.constant 0 : i32
    %dma_start3A_360 = arith.constant 0 : i32
    %dma_start3A_361 = tpu.memref_slice %arg4[%dma_start3A_354, %dma_start3A_355, %add3A_353, %dma_start3A_359, %dma_start3A_360] : memref<50x4x128x8x128xf32, #tpu.memory_space<hbm>> -> memref<1x1x1x8x128xf32, #tpu.memory_space<hbm>>
    %dma_start3A_362 = tpu.memref_squeeze %dma_start3A_361 : memref<1x1x1x8x128xf32, #tpu.memory_space<hbm>> -> memref<8x128xf32, #tpu.memory_space<hbm>>
    %dma_start3A_363 = arith.constant 0 : i32
    %dma_start3A_364 = arith.constant 0 : i32
    %dma_start3A_365 = tpu.memref_slice %arg4[%dma_start3A_354, %dma_start3A_355, %add3A_353, %dma_start3A_363, %dma_start3A_364] : memref<50x4x128x8x128xf32, #tpu.memory_space<hbm>> -> memref<1x1x1x8x128xf32, #tpu.memory_space<hbm>>
    %dma_start3A_366 = tpu.memref_squeeze %dma_start3A_365 : memref<1x1x1x8x128xf32, #tpu.memory_space<hbm>> -> memref<8x128xf32, #tpu.memory_space<hbm>>
    %dma_start3A_367 = arith.constant 0 : i32
    %dma_start3A_368 = arith.constant 0 : i32
    %dma_start3A_369 = tpu.memref_slice %arg10[%dma_start3A_367, %dma_start3A_368] : memref<32x128xf32, #tpu.memory_space<vmem>> -> memref<8x128xf32, #tpu.memory_space<vmem>>
    tpu.enqueue_dma source(%dma_start3A_369 : memref<8x128xf32, #tpu.memory_space<vmem>>) target(%dma_start3A_366 : memref<8x128xf32, #tpu.memory_space<hbm>>) target_semaphore(%arg16 : memref<!tpu.dma_semaphore, #tpu.memory_space<semaphore_mem>>)
    %mul3A_370 = arith.constant 4 : i32
    %mul3A_371 = arith.muli %add3A, %mul3A_370 : i32
    %add3A_372 = arith.constant 3 : i32
    %add3A_373 = arith.addi %mul3A_371, %add3A_372 : i32
    %dma_start3A_374 = arith.constant 44 : i32
    %dma_start3A_375 = arith.constant 1 : i32
    %dma_start3A_376 = arith.constant 8 : i32
    %dma_start3A_377 = arith.constant 0 : i32
    %dma_start3A_378 = tpu.memref_slice %arg10[%dma_start3A_376, %dma_start3A_377] : memref<32x128xf32, #tpu.memory_space<vmem>> -> memref<8x128xf32, #tpu.memory_space<vmem>>
    %dma_start3A_379 = arith.constant 0 : i32
    %dma_start3A_380 = arith.constant 0 : i32
    %dma_start3A_381 = tpu.memref_slice %arg4[%dma_start3A_374, %dma_start3A_375, %add3A_373, %dma_start3A_379, %dma_start3A_380] : memref<50x4x128x8x128xf32, #tpu.memory_space<hbm>> -> memref<1x1x1x8x128xf32, #tpu.memory_space<hbm>>
    %dma_start3A_382 = tpu.memref_squeeze %dma_start3A_381 : memref<1x1x1x8x128xf32, #tpu.memory_space<hbm>> -> memref<8x128xf32, #tpu.memory_space<hbm>>
    %dma_start3A_383 = arith.constant 0 : i32
    %dma_start3A_384 = arith.constant 0 : i32
    %dma_start3A_385 = tpu.memref_slice %arg4[%dma_start3A_374, %dma_start3A_375, %add3A_373, %dma_start3A_383, %dma_start3A_384] : memref<50x4x128x8x128xf32, #tpu.memory_space<hbm>> -> memref<1x1x1x8x128xf32, #tpu.memory_space<hbm>>
    %dma_start3A_386 = tpu.memref_squeeze %dma_start3A_385 : memref<1x1x1x8x128xf32, #tpu.memory_space<hbm>> -> memref<8x128xf32, #tpu.memory_space<hbm>>
    %dma_start3A_387 = arith.constant 8 : i32
    %dma_start3A_388 = arith.constant 0 : i32
    %dma_start3A_389 = tpu.memref_slice %arg10[%dma_start3A_387, %dma_start3A_388] : memref<32x128xf32, #tpu.memory_space<vmem>> -> memref<8x128xf32, #tpu.memory_space<vmem>>
    tpu.enqueue_dma source(%dma_start3A_389 : memref<8x128xf32, #tpu.memory_space<vmem>>) target(%dma_start3A_386 : memref<8x128xf32, #tpu.memory_space<hbm>>) target_semaphore(%arg16 : memref<!tpu.dma_semaphore, #tpu.memory_space<semaphore_mem>>)
    %mul3A_390 = arith.constant 4 : i32
    %mul3A_391 = arith.muli %add3A, %mul3A_390 : i32
    %add3A_392 = arith.constant 3 : i32
    %add3A_393 = arith.addi %mul3A_391, %add3A_392 : i32
    %dma_start3A_394 = arith.constant 44 : i32
    %dma_start3A_395 = arith.constant 2 : i32
    %dma_start3A_396 = arith.constant 16 : i32
    %dma_start3A_397 = arith.constant 0 : i32
    %dma_start3A_398 = tpu.memref_slice %arg10[%dma_start3A_396, %dma_start3A_397] : memref<32x128xf32, #tpu.memory_space<vmem>> -> memref<8x128xf32, #tpu.memory_space<vmem>>
    %dma_start3A_399 = arith.constant 0 : i32
    %dma_start3A_400 = arith.constant 0 : i32
    %dma_start3A_401 = tpu.memref_slice %arg4[%dma_start3A_394, %dma_start3A_395, %add3A_393, %dma_start3A_399, %dma_start3A_400] : memref<50x4x128x8x128xf32, #tpu.memory_space<hbm>> -> memref<1x1x1x8x128xf32, #tpu.memory_space<hbm>>
    %dma_start3A_402 = tpu.memref_squeeze %dma_start3A_401 : memref<1x1x1x8x128xf32, #tpu.memory_space<hbm>> -> memref<8x128xf32, #tpu.memory_space<hbm>>
    %dma_start3A_403 = arith.constant 0 : i32
    %dma_start3A_404 = arith.constant 0 : i32
    %dma_start3A_405 = tpu.memref_slice %arg4[%dma_start3A_394, %dma_start3A_395, %add3A_393, %dma_start3A_403, %dma_start3A_404] : memref<50x4x128x8x128xf32, #tpu.memory_space<hbm>> -> memref<1x1x1x8x128xf32, #tpu.memory_space<hbm>>
    %dma_start3A_406 = tpu.memref_squeeze %dma_start3A_405 : memref<1x1x1x8x128xf32, #tpu.memory_space<hbm>> -> memref<8x128xf32, #tpu.memory_space<hbm>>
    %dma_start3A_407 = arith.constant 16 : i32
    %dma_start3A_408 = arith.constant 0 : i32
    %dma_start3A_409 = tpu.memref_slice %arg10[%dma_start3A_407, %dma_start3A_408] : memref<32x128xf32, #tpu.memory_space<vmem>> -> memref<8x128xf32, #tpu.memory_space<vmem>>
    tpu.enqueue_dma source(%dma_start3A_409 : memref<8x128xf32, #tpu.memory_space<vmem>>) target(%dma_start3A_406 : memref<8x128xf32, #tpu.memory_space<hbm>>) target_semaphore(%arg16 : memref<!tpu.dma_semaphore, #tpu.memory_space<semaphore_mem>>)
    %mul3A_410 = arith.constant 4 : i32
    %mul3A_411 = arith.muli %add3A, %mul3A_410 : i32
    %add3A_412 = arith.constant 3 : i32
    %add3A_413 = arith.addi %mul3A_411, %add3A_412 : i32
    %dma_start3A_414 = arith.constant 44 : i32
    %dma_start3A_415 = arith.constant 3 : i32
    %dma_start3A_416 = arith.constant 24 : i32
    %dma_start3A_417 = arith.constant 0 : i32
    %dma_start3A_418 = tpu.memref_slice %arg10[%dma_start3A_416, %dma_start3A_417] : memref<32x128xf32, #tpu.memory_space<vmem>> -> memref<8x128xf32, #tpu.memory_space<vmem>>
    %dma_start3A_419 = arith.constant 0 : i32
    %dma_start3A_420 = arith.constant 0 : i32
    %dma_start3A_421 = tpu.memref_slice %arg4[%dma_start3A_414, %dma_start3A_415, %add3A_413, %dma_start3A_419, %dma_start3A_420] : memref<50x4x128x8x128xf32, #tpu.memory_space<hbm>> -> memref<1x1x1x8x128xf32, #tpu.memory_space<hbm>>
    %dma_start3A_422 = tpu.memref_squeeze %dma_start3A_421 : memref<1x1x1x8x128xf32, #tpu.memory_space<hbm>> -> memref<8x128xf32, #tpu.memory_space<hbm>>
    %dma_start3A_423 = arith.constant 0 : i32
    %dma_start3A_424 = arith.constant 0 : i32
    %dma_start3A_425 = tpu.memref_slice %arg4[%dma_start3A_414, %dma_start3A_415, %add3A_413, %dma_start3A_423, %dma_start3A_424] : memref<50x4x128x8x128xf32, #tpu.memory_space<hbm>> -> memref<1x1x1x8x128xf32, #tpu.memory_space<hbm>>
    %dma_start3A_426 = tpu.memref_squeeze %dma_start3A_425 : memref<1x1x1x8x128xf32, #tpu.memory_space<hbm>> -> memref<8x128xf32, #tpu.memory_space<hbm>>
    %dma_start3A_427 = arith.constant 24 : i32
    %dma_start3A_428 = arith.constant 0 : i32
    %dma_start3A_429 = tpu.memref_slice %arg10[%dma_start3A_427, %dma_start3A_428] : memref<32x128xf32, #tpu.memory_space<vmem>> -> memref<8x128xf32, #tpu.memory_space<vmem>>
    tpu.enqueue_dma source(%dma_start3A_429 : memref<8x128xf32, #tpu.memory_space<vmem>>) target(%dma_start3A_426 : memref<8x128xf32, #tpu.memory_space<hbm>>) target_semaphore(%arg16 : memref<!tpu.dma_semaphore, #tpu.memory_space<semaphore_mem>>)
    %dma_wait3A_430 = arith.constant 0 : i32
    %dma_wait3A_431 = arith.constant 0 : i32
    %dma_wait3A_432 = tpu.memref_slice %arg2[%dma_wait3A_430, %dma_wait3A_431] : memref<1000000x32xf32, #tpu.memory_space<hbm>> -> memref<128x32xf32, #tpu.memory_space<hbm>>
    %dma_wait3A_433 = arith.constant 0 : i32
    %dma_wait3A_434 = arith.constant 0 : i32
    %dma_wait3A_435 = tpu.memref_slice %arg2[%dma_wait3A_433, %dma_wait3A_434] : memref<1000000x32xf32, #tpu.memory_space<hbm>> -> memref<128x32xf32, #tpu.memory_space<hbm>>
    tpu.wait_dma2 semaphore(%arg15 : memref<!tpu.dma_semaphore, #tpu.memory_space<semaphore_mem>>) src(%dma_wait3A_435 : memref<128x32xf32, #tpu.memory_space<hbm>>) dst(%arg9 : memref<128x32xf32, #tpu.memory_space<vmem>>)
    %dma_wait3A_436 = arith.constant 0 : i32
    %dma_wait3A_437 = arith.constant 0 : i32
    %dma_wait3A_438 = arith.constant 0 : i32
    %dma_wait3A_439 = arith.constant 0 : i32
    %dma_wait3A_440 = arith.constant 0 : i32
    %dma_wait3A_441 = tpu.memref_slice %arg11[%dma_wait3A_439, %dma_wait3A_440] : memref<32x128xf32, #tpu.memory_space<vmem>> -> memref<8x128xf32, #tpu.memory_space<vmem>>
    %dma_wait3A_442 = arith.constant 0 : i32
    %dma_wait3A_443 = arith.constant 0 : i32
    %dma_wait3A_444 = tpu.memref_slice %arg4[%dma_wait3A_436, %dma_wait3A_437, %dma_wait3A_438, %dma_wait3A_442, %dma_wait3A_443] : memref<50x4x128x8x128xf32, #tpu.memory_space<hbm>> -> memref<1x1x1x8x128xf32, #tpu.memory_space<hbm>>
    %dma_wait3A_445 = tpu.memref_squeeze %dma_wait3A_444 : memref<1x1x1x8x128xf32, #tpu.memory_space<hbm>> -> memref<8x128xf32, #tpu.memory_space<hbm>>
    %dma_wait3A_446 = arith.constant 0 : i32
    %dma_wait3A_447 = arith.constant 0 : i32
    %dma_wait3A_448 = tpu.memref_slice %arg4[%dma_wait3A_436, %dma_wait3A_437, %dma_wait3A_438, %dma_wait3A_446, %dma_wait3A_447] : memref<50x4x128x8x128xf32, #tpu.memory_space<hbm>> -> memref<1x1x1x8x128xf32, #tpu.memory_space<hbm>>
    %dma_wait3A_449 = tpu.memref_squeeze %dma_wait3A_448 : memref<1x1x1x8x128xf32, #tpu.memory_space<hbm>> -> memref<8x128xf32, #tpu.memory_space<hbm>>
    %dma_wait3A_450 = arith.constant 0 : i32
    %dma_wait3A_451 = arith.constant 0 : i32
    %dma_wait3A_452 = tpu.memref_slice %arg11[%dma_wait3A_450, %dma_wait3A_451] : memref<32x128xf32, #tpu.memory_space<vmem>> -> memref<8x128xf32, #tpu.memory_space<vmem>>
    tpu.wait_dma2 semaphore(%arg17 : memref<!tpu.dma_semaphore, #tpu.memory_space<semaphore_mem>>) src(%dma_wait3A_452 : memref<8x128xf32, #tpu.memory_space<vmem>>) dst(%dma_wait3A_449 : memref<8x128xf32, #tpu.memory_space<hbm>>)
    %dma_wait3A_453 = arith.constant 0 : i32
    %dma_wait3A_454 = arith.constant 1 : i32
    %dma_wait3A_455 = arith.constant 0 : i32
    %dma_wait3A_456 = arith.constant 8 : i32
    %dma_wait3A_457 = arith.constant 0 : i32
    %dma_wait3A_458 = tpu.memref_slice %arg11[%dma_wait3A_456, %dma_wait3A_457] : memref<32x128xf32, #tpu.memory_space<vmem>> -> memref<8x128xf32, #tpu.memory_space<vmem>>
    %dma_wait3A_459 = arith.constant 0 : i32
    %dma_wait3A_460 = arith.constant 0 : i32
    %dma_wait3A_461 = tpu.memref_slice %arg4[%dma_wait3A_453, %dma_wait3A_454, %dma_wait3A_455, %dma_wait3A_459, %dma_wait3A_460] : memref<50x4x128x8x128xf32, #tpu.memory_space<hbm>> -> memref<1x1x1x8x128xf32, #tpu.memory_space<hbm>>
    %dma_wait3A_462 = tpu.memref_squeeze %dma_wait3A_461 : memref<1x1x1x8x128xf32, #tpu.memory_space<hbm>> -> memref<8x128xf32, #tpu.memory_space<hbm>>
    %dma_wait3A_463 = arith.constant 0 : i32
    %dma_wait3A_464 = arith.constant 0 : i32
    %dma_wait3A_465 = tpu.memref_slice %arg4[%dma_wait3A_453, %dma_wait3A_454, %dma_wait3A_455, %dma_wait3A_463, %dma_wait3A_464] : memref<50x4x128x8x128xf32, #tpu.memory_space<hbm>> -> memref<1x1x1x8x128xf32, #tpu.memory_space<hbm>>
    %dma_wait3A_466 = tpu.memref_squeeze %dma_wait3A_465 : memref<1x1x1x8x128xf32, #tpu.memory_space<hbm>> -> memref<8x128xf32, #tpu.memory_space<hbm>>
    %dma_wait3A_467 = arith.constant 8 : i32
    %dma_wait3A_468 = arith.constant 0 : i32
    %dma_wait3A_469 = tpu.memref_slice %arg11[%dma_wait3A_467, %dma_wait3A_468] : memref<32x128xf32, #tpu.memory_space<vmem>> -> memref<8x128xf32, #tpu.memory_space<vmem>>
    tpu.wait_dma2 semaphore(%arg17 : memref<!tpu.dma_semaphore, #tpu.memory_space<semaphore_mem>>) src(%dma_wait3A_469 : memref<8x128xf32, #tpu.memory_space<vmem>>) dst(%dma_wait3A_466 : memref<8x128xf32, #tpu.memory_space<hbm>>)
    %dma_wait3A_470 = arith.constant 0 : i32
    %dma_wait3A_471 = arith.constant 2 : i32
    %dma_wait3A_472 = arith.constant 0 : i32
    %dma_wait3A_473 = arith.constant 16 : i32
    %dma_wait3A_474 = arith.constant 0 : i32
    %dma_wait3A_475 = tpu.memref_slice %arg11[%dma_wait3A_473, %dma_wait3A_474] : memref<32x128xf32, #tpu.memory_space<vmem>> -> memref<8x128xf32, #tpu.memory_space<vmem>>
    %dma_wait3A_476 = arith.constant 0 : i32
    %dma_wait3A_477 = arith.constant 0 : i32
    %dma_wait3A_478 = tpu.memref_slice %arg4[%dma_wait3A_470, %dma_wait3A_471, %dma_wait3A_472, %dma_wait3A_476, %dma_wait3A_477] : memref<50x4x128x8x128xf32, #tpu.memory_space<hbm>> -> memref<1x1x1x8x128xf32, #tpu.memory_space<hbm>>
    %dma_wait3A_479 = tpu.memref_squeeze %dma_wait3A_478 : memref<1x1x1x8x128xf32, #tpu.memory_space<hbm>> -> memref<8x128xf32, #tpu.memory_space<hbm>>
    %dma_wait3A_480 = arith.constant 0 : i32
    %dma_wait3A_481 = arith.constant 0 : i32
    %dma_wait3A_482 = tpu.memref_slice %arg4[%dma_wait3A_470, %dma_wait3A_471, %dma_wait3A_472, %dma_wait3A_480, %dma_wait3A_481] : memref<50x4x128x8x128xf32, #tpu.memory_space<hbm>> -> memref<1x1x1x8x128xf32, #tpu.memory_space<hbm>>
    %dma_wait3A_483 = tpu.memref_squeeze %dma_wait3A_482 : memref<1x1x1x8x128xf32, #tpu.memory_space<hbm>> -> memref<8x128xf32, #tpu.memory_space<hbm>>
    %dma_wait3A_484 = arith.constant 16 : i32
    %dma_wait3A_485 = arith.constant 0 : i32
    %dma_wait3A_486 = tpu.memref_slice %arg11[%dma_wait3A_484, %dma_wait3A_485] : memref<32x128xf32, #tpu.memory_space<vmem>> -> memref<8x128xf32, #tpu.memory_space<vmem>>
    tpu.wait_dma2 semaphore(%arg17 : memref<!tpu.dma_semaphore, #tpu.memory_space<semaphore_mem>>) src(%dma_wait3A_486 : memref<8x128xf32, #tpu.memory_space<vmem>>) dst(%dma_wait3A_483 : memref<8x128xf32, #tpu.memory_space<hbm>>)
    %dma_wait3A_487 = arith.constant 0 : i32
    %dma_wait3A_488 = arith.constant 3 : i32
    %dma_wait3A_489 = arith.constant 0 : i32
    %dma_wait3A_490 = arith.constant 24 : i32
    %dma_wait3A_491 = arith.constant 0 : i32
    %dma_wait3A_492 = tpu.memref_slice %arg11[%dma_wait3A_490, %dma_wait3A_491] : memref<32x128xf32, #tpu.memory_space<vmem>> -> memref<8x128xf32, #tpu.memory_space<vmem>>
    %dma_wait3A_493 = arith.constant 0 : i32
    %dma_wait3A_494 = arith.constant 0 : i32
    %dma_wait3A_495 = tpu.memref_slice %arg4[%dma_wait3A_487, %dma_wait3A_488, %dma_wait3A_489, %dma_wait3A_493, %dma_wait3A_494] : memref<50x4x128x8x128xf32, #tpu.memory_space<hbm>> -> memref<1x1x1x8x128xf32, #tpu.memory_space<hbm>>
    %dma_wait3A_496 = tpu.memref_squeeze %dma_wait3A_495 : memref<1x1x1x8x128xf32, #tpu.memory_space<hbm>> -> memref<8x128xf32, #tpu.memory_space<hbm>>
    %dma_wait3A_497 = arith.constant 0 : i32
    %dma_wait3A_498 = arith.constant 0 : i32
    %dma_wait3A_499 = tpu.memref_slice %arg4[%dma_wait3A_487, %dma_wait3A_488, %dma_wait3A_489, %dma_wait3A_497, %dma_wait3A_498] : memref<50x4x128x8x128xf32, #tpu.memory_space<hbm>> -> memref<1x1x1x8x128xf32, #tpu.memory_space<hbm>>
    %dma_wait3A_500 = tpu.memref_squeeze %dma_wait3A_499 : memref<1x1x1x8x128xf32, #tpu.memory_space<hbm>> -> memref<8x128xf32, #tpu.memory_space<hbm>>
    %dma_wait3A_501 = arith.constant 24 : i32
    %dma_wait3A_502 = arith.constant 0 : i32
    %dma_wait3A_503 = tpu.memref_slice %arg11[%dma_wait3A_501, %dma_wait3A_502] : memref<32x128xf32, #tpu.memory_space<vmem>> -> memref<8x128xf32, #tpu.memory_space<vmem>>
    tpu.wait_dma2 semaphore(%arg17 : memref<!tpu.dma_semaphore, #tpu.memory_space<semaphore_mem>>) src(%dma_wait3A_503 : memref<8x128xf32, #tpu.memory_space<vmem>>) dst(%dma_wait3A_500 : memref<8x128xf32, #tpu.memory_space<hbm>>)
    %scan3A_504 = arith.constant 0 : i32
    %scan3A_505 = arith.constant 0 : i32
    %scan3A_506 = arith.constant 32 : i32
    %scan3A_507 = arith.addi %scan3A_505, %scan3A_506 : i32
    %scan3A_508 = arith.constant 1 : i32
    scf.for %scan3A_1373 = %scan3A_505 to %scan3A_507 step %scan3A_508  : i32 {
      %broadcast_in_dim3A = vector.broadcast %scan3A_1373 : i32 to vector<16xi32>
      %gather3A = tpu.vector_load_idx %arg9[%add3A_5, %broadcast_in_dim3A] : memref<128x32xf32, #tpu.memory_space<vmem>>[vector<16xi32>, vector<16xi32>], vector<16xf32>,
      %swap3A = arith.index_cast %scan3A_1373 : i32 to index
      %swap3A_1374 = arith.constant 0 : index
      %swap3A_1375 = tpu.vector_load %arg11[%swap3A, %swap3A_1374] {strides = array<i32>} : memref<32x128xf32, #tpu.memory_space<vmem>>, vector<16xf32>,
      tpu.vector_store %arg11[%swap3A, %swap3A_1374], %gather3A {strides = array<i32>} : memref<32x128xf32, #tpu.memory_space<vmem>>, vector<16xf32>,
      %gather3A_1376 = tpu.vector_load_idx %arg9[%add3A_9, %broadcast_in_dim3A] : memref<128x32xf32, #tpu.memory_space<vmem>>[vector<16xi32>, vector<16xi32>], vector<16xf32>,
      %swap3A_1377 = arith.index_cast %scan3A_1373 : i32 to index
      %swap3A_1378 = arith.constant 16 : index
      %swap3A_1379 = tpu.vector_load %arg11[%swap3A_1377, %swap3A_1378] {strides = array<i32>} : memref<32x128xf32, #tpu.memory_space<vmem>>, vector<16xf32>,
      tpu.vector_store %arg11[%swap3A_1377, %swap3A_1378], %gather3A_1376 {strides = array<i32>} : memref<32x128xf32, #tpu.memory_space<vmem>>, vector<16xf32>,
      %gather3A_1380 = tpu.vector_load_idx %arg9[%add3A_13, %broadcast_in_dim3A] : memref<128x32xf32, #tpu.memory_space<vmem>>[vector<16xi32>, vector<16xi32>], vector<16xf32>,
      %swap3A_1381 = arith.index_cast %scan3A_1373 : i32 to index
      %swap3A_1382 = arith.constant 32 : index
      %swap3A_1383 = tpu.vector_load %arg11[%swap3A_1381, %swap3A_1382] {strides = array<i32>} : memref<32x128xf32, #tpu.memory_space<vmem>>, vector<16xf32>,
      tpu.vector_store %arg11[%swap3A_1381, %swap3A_1382], %gather3A_1380 {strides = array<i32>} : memref<32x128xf32, #tpu.memory_space<vmem>>, vector<16xf32>,
      %gather3A_1384 = tpu.vector_load_idx %arg9[%add3A_17, %broadcast_in_dim3A] : memref<128x32xf32, #tpu.memory_space<vmem>>[vector<16xi32>, vector<16xi32>], vector<16xf32>,
      %swap3A_1385 = arith.index_cast %scan3A_1373 : i32 to index
      %swap3A_1386 = arith.constant 48 : index
      %swap3A_1387 = tpu.vector_load %arg11[%swap3A_1385, %swap3A_1386] {strides = array<i32>} : memref<32x128xf32, #tpu.memory_space<vmem>>, vector<16xf32>,
      tpu.vector_store %arg11[%swap3A_1385, %swap3A_1386], %gather3A_1384 {strides = array<i32>} : memref<32x128xf32, #tpu.memory_space<vmem>>, vector<16xf32>,
      %gather3A_1388 = tpu.vector_load_idx %arg9[%add3A_21, %broadcast_in_dim3A] : memref<128x32xf32, #tpu.memory_space<vmem>>[vector<16xi32>, vector<16xi32>], vector<16xf32>,
      %swap3A_1389 = arith.index_cast %scan3A_1373 : i32 to index
      %swap3A_1390 = arith.constant 64 : index
      %swap3A_1391 = tpu.vector_load %arg11[%swap3A_1389, %swap3A_1390] {strides = array<i32>} : memref<32x128xf32, #tpu.memory_space<vmem>>, vector<16xf32>,
      tpu.vector_store %arg11[%swap3A_1389, %swap3A_1390], %gather3A_1388 {strides = array<i32>} : memref<32x128xf32, #tpu.memory_space<vmem>>, vector<16xf32>,
      %gather3A_1392 = tpu.vector_load_idx %arg9[%add3A_25, %broadcast_in_dim3A] : memref<128x32xf32, #tpu.memory_space<vmem>>[vector<16xi32>, vector<16xi32>], vector<16xf32>,
      %swap3A_1393 = arith.index_cast %scan3A_1373 : i32 to index
      %swap3A_1394 = arith.constant 80 : index
      %swap3A_1395 = tpu.vector_load %arg11[%swap3A_1393, %swap3A_1394] {strides = array<i32>} : memref<32x128xf32, #tpu.memory_space<vmem>>, vector<16xf32>,
      tpu.vector_store %arg11[%swap3A_1393, %swap3A_1394], %gather3A_1392 {strides = array<i32>} : memref<32x128xf32, #tpu.memory_space<vmem>>, vector<16xf32>,
      %gather3A_1396 = tpu.vector_load_idx %arg9[%add3A_29, %broadcast_in_dim3A] : memref<128x32xf32, #tpu.memory_space<vmem>>[vector<16xi32>, vector<16xi32>], vector<16xf32>,
      %swap3A_1397 = arith.index_cast %scan3A_1373 : i32 to index
      %swap3A_1398 = arith.constant 96 : index
      %swap3A_1399 = tpu.vector_load %arg11[%swap3A_1397, %swap3A_1398] {strides = array<i32>} : memref<32x128xf32, #tpu.memory_space<vmem>>, vector<16xf32>,
      tpu.vector_store %arg11[%swap3A_1397, %swap3A_1398], %gather3A_1396 {strides = array<i32>} : memref<32x128xf32, #tpu.memory_space<vmem>>, vector<16xf32>,
      %gather3A_1400 = tpu.vector_load_idx %arg9[%add3A_33, %broadcast_in_dim3A] : memref<128x32xf32, #tpu.memory_space<vmem>>[vector<16xi32>, vector<16xi32>], vector<16xf32>,
      %swap3A_1401 = arith.index_cast %scan3A_1373 : i32 to index
      %swap3A_1402 = arith.constant 112 : index
      %swap3A_1403 = tpu.vector_load %arg11[%swap3A_1401, %swap3A_1402] {strides = array<i32>} : memref<32x128xf32, #tpu.memory_space<vmem>>, vector<16xf32>,
      tpu.vector_store %arg11[%swap3A_1401, %swap3A_1402], %gather3A_1400 {strides = array<i32>} : memref<32x128xf32, #tpu.memory_space<vmem>>, vector<16xf32>,
    }
    %scan3A_509 = arith.constant 32 : i32
    %dma_start3A_510 = arith.constant 49 : i32
    %dma_start3A_511 = arith.constant 384 : i32
    %dma_start3A_512 = tpu.memref_slice %arg5[%dma_start3A_510, %dma_start3A_511] : memref<50x512xi32, #tpu.memory_space<vmem>> -> memref<1x128xi32, #tpu.memory_space<vmem>>
    %dma_start3A_513 = tpu.memref_squeeze %dma_start3A_512 : memref<1x128xi32, #tpu.memory_space<vmem>> -> memref<128xi32, #tpu.memory_space<vmem>>
    %dma_start3A_514 = arith.constant 0 : i32
    %dma_start3A_515 = arith.constant 0 : i32
    %dma_start3A_516 = tpu.memref_slice %arg2[%dma_start3A_514, %dma_start3A_515] : memref<1000000x32xf32, #tpu.memory_space<hbm>> -> memref<1000000x32xf32, #tpu.memory_space<hbm>>
    tpu.enqueue_indirect_dma source(%dma_start3A_516 : memref<1000000x32xf32, #tpu.memory_space<hbm>>) target(%arg9 : memref<128x32xf32, #tpu.memory_space<vmem>>) offsets(%dma_start3A_513 : memref<128xi32, #tpu.memory_space<vmem>>) semaphore(%arg15 : memref<!tpu.dma_semaphore, #tpu.memory_space<semaphore_mem>>)
    %mul3A_517 = arith.constant 4 : i32
    %mul3A_518 = arith.muli %add3A, %mul3A_517 : i32
    %add3A_519 = arith.constant 3 : i32
    %add3A_520 = arith.addi %mul3A_518, %add3A_519 : i32
    %dma_start3A_521 = arith.constant 45 : i32
    %dma_start3A_522 = arith.constant 0 : i32
    %dma_start3A_523 = arith.constant 0 : i32
    %dma_start3A_524 = arith.constant 0 : i32
    %dma_start3A_525 = tpu.memref_slice %arg11[%dma_start3A_523, %dma_start3A_524] : memref<32x128xf32, #tpu.memory_space<vmem>> -> memref<8x128xf32, #tpu.memory_space<vmem>>
    %dma_start3A_526 = arith.constant 0 : i32
    %dma_start3A_527 = arith.constant 0 : i32
    %dma_start3A_528 = tpu.memref_slice %arg4[%dma_start3A_521, %dma_start3A_522, %add3A_520, %dma_start3A_526, %dma_start3A_527] : memref<50x4x128x8x128xf32, #tpu.memory_space<hbm>> -> memref<1x1x1x8x128xf32, #tpu.memory_space<hbm>>
    %dma_start3A_529 = tpu.memref_squeeze %dma_start3A_528 : memref<1x1x1x8x128xf32, #tpu.memory_space<hbm>> -> memref<8x128xf32, #tpu.memory_space<hbm>>
    %dma_start3A_530 = arith.constant 0 : i32
    %dma_start3A_531 = arith.constant 0 : i32
    %dma_start3A_532 = tpu.memref_slice %arg4[%dma_start3A_521, %dma_start3A_522, %add3A_520, %dma_start3A_530, %dma_start3A_531] : memref<50x4x128x8x128xf32, #tpu.memory_space<hbm>> -> memref<1x1x1x8x128xf32, #tpu.memory_space<hbm>>
    %dma_start3A_533 = tpu.memref_squeeze %dma_start3A_532 : memref<1x1x1x8x128xf32, #tpu.memory_space<hbm>> -> memref<8x128xf32, #tpu.memory_space<hbm>>
    %dma_start3A_534 = arith.constant 0 : i32
    %dma_start3A_535 = arith.constant 0 : i32
    %dma_start3A_536 = tpu.memref_slice %arg11[%dma_start3A_534, %dma_start3A_535] : memref<32x128xf32, #tpu.memory_space<vmem>> -> memref<8x128xf32, #tpu.memory_space<vmem>>
    tpu.enqueue_dma source(%dma_start3A_536 : memref<8x128xf32, #tpu.memory_space<vmem>>) target(%dma_start3A_533 : memref<8x128xf32, #tpu.memory_space<hbm>>) target_semaphore(%arg17 : memref<!tpu.dma_semaphore, #tpu.memory_space<semaphore_mem>>)
    %mul3A_537 = arith.constant 4 : i32
    %mul3A_538 = arith.muli %add3A, %mul3A_537 : i32
    %add3A_539 = arith.constant 3 : i32
    %add3A_540 = arith.addi %mul3A_538, %add3A_539 : i32
    %dma_start3A_541 = arith.constant 45 : i32
    %dma_start3A_542 = arith.constant 1 : i32
    %dma_start3A_543 = arith.constant 8 : i32
    %dma_start3A_544 = arith.constant 0 : i32
    %dma_start3A_545 = tpu.memref_slice %arg11[%dma_start3A_543, %dma_start3A_544] : memref<32x128xf32, #tpu.memory_space<vmem>> -> memref<8x128xf32, #tpu.memory_space<vmem>>
    %dma_start3A_546 = arith.constant 0 : i32
    %dma_start3A_547 = arith.constant 0 : i32
    %dma_start3A_548 = tpu.memref_slice %arg4[%dma_start3A_541, %dma_start3A_542, %add3A_540, %dma_start3A_546, %dma_start3A_547] : memref<50x4x128x8x128xf32, #tpu.memory_space<hbm>> -> memref<1x1x1x8x128xf32, #tpu.memory_space<hbm>>
    %dma_start3A_549 = tpu.memref_squeeze %dma_start3A_548 : memref<1x1x1x8x128xf32, #tpu.memory_space<hbm>> -> memref<8x128xf32, #tpu.memory_space<hbm>>
    %dma_start3A_550 = arith.constant 0 : i32
    %dma_start3A_551 = arith.constant 0 : i32
    %dma_start3A_552 = tpu.memref_slice %arg4[%dma_start3A_541, %dma_start3A_542, %add3A_540, %dma_start3A_550, %dma_start3A_551] : memref<50x4x128x8x128xf32, #tpu.memory_space<hbm>> -> memref<1x1x1x8x128xf32, #tpu.memory_space<hbm>>
    %dma_start3A_553 = tpu.memref_squeeze %dma_start3A_552 : memref<1x1x1x8x128xf32, #tpu.memory_space<hbm>> -> memref<8x128xf32, #tpu.memory_space<hbm>>
    %dma_start3A_554 = arith.constant 8 : i32
    %dma_start3A_555 = arith.constant 0 : i32
    %dma_start3A_556 = tpu.memref_slice %arg11[%dma_start3A_554, %dma_start3A_555] : memref<32x128xf32, #tpu.memory_space<vmem>> -> memref<8x128xf32, #tpu.memory_space<vmem>>
    tpu.enqueue_dma source(%dma_start3A_556 : memref<8x128xf32, #tpu.memory_space<vmem>>) target(%dma_start3A_553 : memref<8x128xf32, #tpu.memory_space<hbm>>) target_semaphore(%arg17 : memref<!tpu.dma_semaphore, #tpu.memory_space<semaphore_mem>>)
    %mul3A_557 = arith.constant 4 : i32
    %mul3A_558 = arith.muli %add3A, %mul3A_557 : i32
    %add3A_559 = arith.constant 3 : i32
    %add3A_560 = arith.addi %mul3A_558, %add3A_559 : i32
    %dma_start3A_561 = arith.constant 45 : i32
    %dma_start3A_562 = arith.constant 2 : i32
    %dma_start3A_563 = arith.constant 16 : i32
    %dma_start3A_564 = arith.constant 0 : i32
    %dma_start3A_565 = tpu.memref_slice %arg11[%dma_start3A_563, %dma_start3A_564] : memref<32x128xf32, #tpu.memory_space<vmem>> -> memref<8x128xf32, #tpu.memory_space<vmem>>
    %dma_start3A_566 = arith.constant 0 : i32
    %dma_start3A_567 = arith.constant 0 : i32
    %dma_start3A_568 = tpu.memref_slice %arg4[%dma_start3A_561, %dma_start3A_562, %add3A_560, %dma_start3A_566, %dma_start3A_567] : memref<50x4x128x8x128xf32, #tpu.memory_space<hbm>> -> memref<1x1x1x8x128xf32, #tpu.memory_space<hbm>>
    %dma_start3A_569 = tpu.memref_squeeze %dma_start3A_568 : memref<1x1x1x8x128xf32, #tpu.memory_space<hbm>> -> memref<8x128xf32, #tpu.memory_space<hbm>>
    %dma_start3A_570 = arith.constant 0 : i32
    %dma_start3A_571 = arith.constant 0 : i32
    %dma_start3A_572 = tpu.memref_slice %arg4[%dma_start3A_561, %dma_start3A_562, %add3A_560, %dma_start3A_570, %dma_start3A_571] : memref<50x4x128x8x128xf32, #tpu.memory_space<hbm>> -> memref<1x1x1x8x128xf32, #tpu.memory_space<hbm>>
    %dma_start3A_573 = tpu.memref_squeeze %dma_start3A_572 : memref<1x1x1x8x128xf32, #tpu.memory_space<hbm>> -> memref<8x128xf32, #tpu.memory_space<hbm>>
    %dma_start3A_574 = arith.constant 16 : i32
    %dma_start3A_575 = arith.constant 0 : i32
    %dma_start3A_576 = tpu.memref_slice %arg11[%dma_start3A_574, %dma_start3A_575] : memref<32x128xf32, #tpu.memory_space<vmem>> -> memref<8x128xf32, #tpu.memory_space<vmem>>
    tpu.enqueue_dma source(%dma_start3A_576 : memref<8x128xf32, #tpu.memory_space<vmem>>) target(%dma_start3A_573 : memref<8x128xf32, #tpu.memory_space<hbm>>) target_semaphore(%arg17 : memref<!tpu.dma_semaphore, #tpu.memory_space<semaphore_mem>>)
    %mul3A_577 = arith.constant 4 : i32
    %mul3A_578 = arith.muli %add3A, %mul3A_577 : i32
    %add3A_579 = arith.constant 3 : i32
    %add3A_580 = arith.addi %mul3A_578, %add3A_579 : i32
    %dma_start3A_581 = arith.constant 45 : i32
    %dma_start3A_582 = arith.constant 3 : i32
    %dma_start3A_583 = arith.constant 24 : i32
    %dma_start3A_584 = arith.constant 0 : i32
    %dma_start3A_585 = tpu.memref_slice %arg11[%dma_start3A_583, %dma_start3A_584] : memref<32x128xf32, #tpu.memory_space<vmem>> -> memref<8x128xf32, #tpu.memory_space<vmem>>
    %dma_start3A_586 = arith.constant 0 : i32
    %dma_start3A_587 = arith.constant 0 : i32
    %dma_start3A_588 = tpu.memref_slice %arg4[%dma_start3A_581, %dma_start3A_582, %add3A_580, %dma_start3A_586, %dma_start3A_587] : memref<50x4x128x8x128xf32, #tpu.memory_space<hbm>> -> memref<1x1x1x8x128xf32, #tpu.memory_space<hbm>>
    %dma_start3A_589 = tpu.memref_squeeze %dma_start3A_588 : memref<1x1x1x8x128xf32, #tpu.memory_space<hbm>> -> memref<8x128xf32, #tpu.memory_space<hbm>>
    %dma_start3A_590 = arith.constant 0 : i32
    %dma_start3A_591 = arith.constant 0 : i32
    %dma_start3A_592 = tpu.memref_slice %arg4[%dma_start3A_581, %dma_start3A_582, %add3A_580, %dma_start3A_590, %dma_start3A_591] : memref<50x4x128x8x128xf32, #tpu.memory_space<hbm>> -> memref<1x1x1x8x128xf32, #tpu.memory_space<hbm>>
    %dma_start3A_593 = tpu.memref_squeeze %dma_start3A_592 : memref<1x1x1x8x128xf32, #tpu.memory_space<hbm>> -> memref<8x128xf32, #tpu.memory_space<hbm>>
    %dma_start3A_594 = arith.constant 24 : i32
    %dma_start3A_595 = arith.constant 0 : i32
    %dma_start3A_596 = tpu.memref_slice %arg11[%dma_start3A_594, %dma_start3A_595] : memref<32x128xf32, #tpu.memory_space<vmem>> -> memref<8x128xf32, #tpu.memory_space<vmem>>
    tpu.enqueue_dma source(%dma_start3A_596 : memref<8x128xf32, #tpu.memory_space<vmem>>) target(%dma_start3A_593 : memref<8x128xf32, #tpu.memory_space<hbm>>) target_semaphore(%arg17 : memref<!tpu.dma_semaphore, #tpu.memory_space<semaphore_mem>>)
    %dma_wait3A_597 = arith.constant 0 : i32
    %dma_wait3A_598 = arith.constant 0 : i32
    %dma_wait3A_599 = tpu.memref_slice %arg2[%dma_wait3A_597, %dma_wait3A_598] : memref<1000000x32xf32, #tpu.memory_space<hbm>> -> memref<128x32xf32, #tpu.memory_space<hbm>>
    %dma_wait3A_600 = arith.constant 0 : i32
    %dma_wait3A_601 = arith.constant 0 : i32
    %dma_wait3A_602 = tpu.memref_slice %arg2[%dma_wait3A_600, %dma_wait3A_601] : memref<1000000x32xf32, #tpu.memory_space<hbm>> -> memref<128x32xf32, #tpu.memory_space<hbm>>
    tpu.wait_dma2 semaphore(%arg12 : memref<!tpu.dma_semaphore, #tpu.memory_space<semaphore_mem>>) src(%dma_wait3A_602 : memref<128x32xf32, #tpu.memory_space<hbm>>) dst(%arg6 : memref<128x32xf32, #tpu.memory_space<vmem>>)
    %dma_wait3A_603 = arith.constant 0 : i32
    %dma_wait3A_604 = arith.constant 0 : i32
    %dma_wait3A_605 = arith.constant 0 : i32
    %dma_wait3A_606 = arith.constant 0 : i32
    %dma_wait3A_607 = arith.constant 0 : i32
    %dma_wait3A_608 = tpu.memref_slice %arg10[%dma_wait3A_606, %dma_wait3A_607] : memref<32x128xf32, #tpu.memory_space<vmem>> -> memref<8x128xf32, #tpu.memory_space<vmem>>
    %dma_wait3A_609 = arith.constant 0 : i32
    %dma_wait3A_610 = arith.constant 0 : i32
    %dma_wait3A_611 = tpu.memref_slice %arg4[%dma_wait3A_603, %dma_wait3A_604, %dma_wait3A_605, %dma_wait3A_609, %dma_wait3A_610] : memref<50x4x128x8x128xf32, #tpu.memory_space<hbm>> -> memref<1x1x1x8x128xf32, #tpu.memory_space<hbm>>
    %dma_wait3A_612 = tpu.memref_squeeze %dma_wait3A_611 : memref<1x1x1x8x128xf32, #tpu.memory_space<hbm>> -> memref<8x128xf32, #tpu.memory_space<hbm>>
    %dma_wait3A_613 = arith.constant 0 : i32
    %dma_wait3A_614 = arith.constant 0 : i32
    %dma_wait3A_615 = tpu.memref_slice %arg4[%dma_wait3A_603, %dma_wait3A_604, %dma_wait3A_605, %dma_wait3A_613, %dma_wait3A_614] : memref<50x4x128x8x128xf32, #tpu.memory_space<hbm>> -> memref<1x1x1x8x128xf32, #tpu.memory_space<hbm>>
    %dma_wait3A_616 = tpu.memref_squeeze %dma_wait3A_615 : memref<1x1x1x8x128xf32, #tpu.memory_space<hbm>> -> memref<8x128xf32, #tpu.memory_space<hbm>>
    %dma_wait3A_617 = arith.constant 0 : i32
    %dma_wait3A_618 = arith.constant 0 : i32
    %dma_wait3A_619 = tpu.memref_slice %arg10[%dma_wait3A_617, %dma_wait3A_618] : memref<32x128xf32, #tpu.memory_space<vmem>> -> memref<8x128xf32, #tpu.memory_space<vmem>>
    tpu.wait_dma2 semaphore(%arg16 : memref<!tpu.dma_semaphore, #tpu.memory_space<semaphore_mem>>) src(%dma_wait3A_619 : memref<8x128xf32, #tpu.memory_space<vmem>>) dst(%dma_wait3A_616 : memref<8x128xf32, #tpu.memory_space<hbm>>)
    %dma_wait3A_620 = arith.constant 0 : i32
    %dma_wait3A_621 = arith.constant 1 : i32
    %dma_wait3A_622 = arith.constant 0 : i32
    %dma_wait3A_623 = arith.constant 8 : i32
    %dma_wait3A_624 = arith.constant 0 : i32
    %dma_wait3A_625 = tpu.memref_slice %arg10[%dma_wait3A_623, %dma_wait3A_624] : memref<32x128xf32, #tpu.memory_space<vmem>> -> memref<8x128xf32, #tpu.memory_space<vmem>>
    %dma_wait3A_626 = arith.constant 0 : i32
    %dma_wait3A_627 = arith.constant 0 : i32
    %dma_wait3A_628 = tpu.memref_slice %arg4[%dma_wait3A_620, %dma_wait3A_621, %dma_wait3A_622, %dma_wait3A_626, %dma_wait3A_627] : memref<50x4x128x8x128xf32, #tpu.memory_space<hbm>> -> memref<1x1x1x8x128xf32, #tpu.memory_space<hbm>>
    %dma_wait3A_629 = tpu.memref_squeeze %dma_wait3A_628 : memref<1x1x1x8x128xf32, #tpu.memory_space<hbm>> -> memref<8x128xf32, #tpu.memory_space<hbm>>
    %dma_wait3A_630 = arith.constant 0 : i32
    %dma_wait3A_631 = arith.constant 0 : i32
    %dma_wait3A_632 = tpu.memref_slice %arg4[%dma_wait3A_620, %dma_wait3A_621, %dma_wait3A_622, %dma_wait3A_630, %dma_wait3A_631] : memref<50x4x128x8x128xf32, #tpu.memory_space<hbm>> -> memref<1x1x1x8x128xf32, #tpu.memory_space<hbm>>
    %dma_wait3A_633 = tpu.memref_squeeze %dma_wait3A_632 : memref<1x1x1x8x128xf32, #tpu.memory_space<hbm>> -> memref<8x128xf32, #tpu.memory_space<hbm>>
    %dma_wait3A_634 = arith.constant 8 : i32
    %dma_wait3A_635 = arith.constant 0 : i32
    %dma_wait3A_636 = tpu.memref_slice %arg10[%dma_wait3A_634, %dma_wait3A_635] : memref<32x128xf32, #tpu.memory_space<vmem>> -> memref<8x128xf32, #tpu.memory_space<vmem>>
    tpu.wait_dma2 semaphore(%arg16 : memref<!tpu.dma_semaphore, #tpu.memory_space<semaphore_mem>>) src(%dma_wait3A_636 : memref<8x128xf32, #tpu.memory_space<vmem>>) dst(%dma_wait3A_633 : memref<8x128xf32, #tpu.memory_space<hbm>>)
    %dma_wait3A_637 = arith.constant 0 : i32
    %dma_wait3A_638 = arith.constant 2 : i32
    %dma_wait3A_639 = arith.constant 0 : i32
    %dma_wait3A_640 = arith.constant 16 : i32
    %dma_wait3A_641 = arith.constant 0 : i32
    %dma_wait3A_642 = tpu.memref_slice %arg10[%dma_wait3A_640, %dma_wait3A_641] : memref<32x128xf32, #tpu.memory_space<vmem>> -> memref<8x128xf32, #tpu.memory_space<vmem>>
    %dma_wait3A_643 = arith.constant 0 : i32
    %dma_wait3A_644 = arith.constant 0 : i32
    %dma_wait3A_645 = tpu.memref_slice %arg4[%dma_wait3A_637, %dma_wait3A_638, %dma_wait3A_639, %dma_wait3A_643, %dma_wait3A_644] : memref<50x4x128x8x128xf32, #tpu.memory_space<hbm>> -> memref<1x1x1x8x128xf32, #tpu.memory_space<hbm>>
    %dma_wait3A_646 = tpu.memref_squeeze %dma_wait3A_645 : memref<1x1x1x8x128xf32, #tpu.memory_space<hbm>> -> memref<8x128xf32, #tpu.memory_space<hbm>>
    %dma_wait3A_647 = arith.constant 0 : i32
    %dma_wait3A_648 = arith.constant 0 : i32
    %dma_wait3A_649 = tpu.memref_slice %arg4[%dma_wait3A_637, %dma_wait3A_638, %dma_wait3A_639, %dma_wait3A_647, %dma_wait3A_648] : memref<50x4x128x8x128xf32, #tpu.memory_space<hbm>> -> memref<1x1x1x8x128xf32, #tpu.memory_space<hbm>>
    %dma_wait3A_650 = tpu.memref_squeeze %dma_wait3A_649 : memref<1x1x1x8x128xf32, #tpu.memory_space<hbm>> -> memref<8x128xf32, #tpu.memory_space<hbm>>
    %dma_wait3A_651 = arith.constant 16 : i32
    %dma_wait3A_652 = arith.constant 0 : i32
    %dma_wait3A_653 = tpu.memref_slice %arg10[%dma_wait3A_651, %dma_wait3A_652] : memref<32x128xf32, #tpu.memory_space<vmem>> -> memref<8x128xf32, #tpu.memory_space<vmem>>
    tpu.wait_dma2 semaphore(%arg16 : memref<!tpu.dma_semaphore, #tpu.memory_space<semaphore_mem>>) src(%dma_wait3A_653 : memref<8x128xf32, #tpu.memory_space<vmem>>) dst(%dma_wait3A_650 : memref<8x128xf32, #tpu.memory_space<hbm>>)
    %dma_wait3A_654 = arith.constant 0 : i32
    %dma_wait3A_655 = arith.constant 3 : i32
    %dma_wait3A_656 = arith.constant 0 : i32
    %dma_wait3A_657 = arith.constant 24 : i32
    %dma_wait3A_658 = arith.constant 0 : i32
    %dma_wait3A_659 = tpu.memref_slice %arg10[%dma_wait3A_657, %dma_wait3A_658] : memref<32x128xf32, #tpu.memory_space<vmem>> -> memref<8x128xf32, #tpu.memory_space<vmem>>
    %dma_wait3A_660 = arith.constant 0 : i32
    %dma_wait3A_661 = arith.constant 0 : i32
    %dma_wait3A_662 = tpu.memref_slice %arg4[%dma_wait3A_654, %dma_wait3A_655, %dma_wait3A_656, %dma_wait3A_660, %dma_wait3A_661] : memref<50x4x128x8x128xf32, #tpu.memory_space<hbm>> -> memref<1x1x1x8x128xf32, #tpu.memory_space<hbm>>
    %dma_wait3A_663 = tpu.memref_squeeze %dma_wait3A_662 : memref<1x1x1x8x128xf32, #tpu.memory_space<hbm>> -> memref<8x128xf32, #tpu.memory_space<hbm>>
    %dma_wait3A_664 = arith.constant 0 : i32
    %dma_wait3A_665 = arith.constant 0 : i32
    %dma_wait3A_666 = tpu.memref_slice %arg4[%dma_wait3A_654, %dma_wait3A_655, %dma_wait3A_656, %dma_wait3A_664, %dma_wait3A_665] : memref<50x4x128x8x128xf32, #tpu.memory_space<hbm>> -> memref<1x1x1x8x128xf32, #tpu.memory_space<hbm>>
    %dma_wait3A_667 = tpu.memref_squeeze %dma_wait3A_666 : memref<1x1x1x8x128xf32, #tpu.memory_space<hbm>> -> memref<8x128xf32, #tpu.memory_space<hbm>>
    %dma_wait3A_668 = arith.constant 24 : i32
    %dma_wait3A_669 = arith.constant 0 : i32
    %dma_wait3A_670 = tpu.memref_slice %arg10[%dma_wait3A_668, %dma_wait3A_669] : memref<32x128xf32, #tpu.memory_space<vmem>> -> memref<8x128xf32, #tpu.memory_space<vmem>>
    tpu.wait_dma2 semaphore(%arg16 : memref<!tpu.dma_semaphore, #tpu.memory_space<semaphore_mem>>) src(%dma_wait3A_670 : memref<8x128xf32, #tpu.memory_space<vmem>>) dst(%dma_wait3A_667 : memref<8x128xf32, #tpu.memory_space<hbm>>)
    %scan3A_671 = arith.constant 0 : i32
    %scan3A_672 = arith.constant 0 : i32
    %scan3A_673 = arith.constant 32 : i32
    %scan3A_674 = arith.addi %scan3A_672, %scan3A_673 : i32
    %scan3A_675 = arith.constant 1 : i32
    scf.for %scan3A_1373 = %scan3A_672 to %scan3A_674 step %scan3A_675  : i32 {
      %broadcast_in_dim3A = vector.broadcast %scan3A_1373 : i32 to vector<16xi32>
      %gather3A = tpu.vector_load_idx %arg6[%add3A_5, %broadcast_in_dim3A] : memref<128x32xf32, #tpu.memory_space<vmem>>[vector<16xi32>, vector<16xi32>], vector<16xf32>,
      %swap3A = arith.index_cast %scan3A_1373 : i32 to index
      %swap3A_1374 = arith.constant 0 : index
      %swap3A_1375 = tpu.vector_load %arg10[%swap3A, %swap3A_1374] {strides = array<i32>} : memref<32x128xf32, #tpu.memory_space<vmem>>, vector<16xf32>,
      tpu.vector_store %arg10[%swap3A, %swap3A_1374], %gather3A {strides = array<i32>} : memref<32x128xf32, #tpu.memory_space<vmem>>, vector<16xf32>,
      %gather3A_1376 = tpu.vector_load_idx %arg6[%add3A_9, %broadcast_in_dim3A] : memref<128x32xf32, #tpu.memory_space<vmem>>[vector<16xi32>, vector<16xi32>], vector<16xf32>,
      %swap3A_1377 = arith.index_cast %scan3A_1373 : i32 to index
      %swap3A_1378 = arith.constant 16 : index
      %swap3A_1379 = tpu.vector_load %arg10[%swap3A_1377, %swap3A_1378] {strides = array<i32>} : memref<32x128xf32, #tpu.memory_space<vmem>>, vector<16xf32>,
      tpu.vector_store %arg10[%swap3A_1377, %swap3A_1378], %gather3A_1376 {strides = array<i32>} : memref<32x128xf32, #tpu.memory_space<vmem>>, vector<16xf32>,
      %gather3A_1380 = tpu.vector_load_idx %arg6[%add3A_13, %broadcast_in_dim3A] : memref<128x32xf32, #tpu.memory_space<vmem>>[vector<16xi32>, vector<16xi32>], vector<16xf32>,
      %swap3A_1381 = arith.index_cast %scan3A_1373 : i32 to index
      %swap3A_1382 = arith.constant 32 : index
      %swap3A_1383 = tpu.vector_load %arg10[%swap3A_1381, %swap3A_1382] {strides = array<i32>} : memref<32x128xf32, #tpu.memory_space<vmem>>, vector<16xf32>,
      tpu.vector_store %arg10[%swap3A_1381, %swap3A_1382], %gather3A_1380 {strides = array<i32>} : memref<32x128xf32, #tpu.memory_space<vmem>>, vector<16xf32>,
      %gather3A_1384 = tpu.vector_load_idx %arg6[%add3A_17, %broadcast_in_dim3A] : memref<128x32xf32, #tpu.memory_space<vmem>>[vector<16xi32>, vector<16xi32>], vector<16xf32>,
      %swap3A_1385 = arith.index_cast %scan3A_1373 : i32 to index
      %swap3A_1386 = arith.constant 48 : index
      %swap3A_1387 = tpu.vector_load %arg10[%swap3A_1385, %swap3A_1386] {strides = array<i32>} : memref<32x128xf32, #tpu.memory_space<vmem>>, vector<16xf32>,
      tpu.vector_store %arg10[%swap3A_1385, %swap3A_1386], %gather3A_1384 {strides = array<i32>} : memref<32x128xf32, #tpu.memory_space<vmem>>, vector<16xf32>,
      %gather3A_1388 = tpu.vector_load_idx %arg6[%add3A_21, %broadcast_in_dim3A] : memref<128x32xf32, #tpu.memory_space<vmem>>[vector<16xi32>, vector<16xi32>], vector<16xf32>,
      %swap3A_1389 = arith.index_cast %scan3A_1373 : i32 to index
      %swap3A_1390 = arith.constant 64 : index
      %swap3A_1391 = tpu.vector_load %arg10[%swap3A_1389, %swap3A_1390] {strides = array<i32>} : memref<32x128xf32, #tpu.memory_space<vmem>>, vector<16xf32>,
      tpu.vector_store %arg10[%swap3A_1389, %swap3A_1390], %gather3A_1388 {strides = array<i32>} : memref<32x128xf32, #tpu.memory_space<vmem>>, vector<16xf32>,
      %gather3A_1392 = tpu.vector_load_idx %arg6[%add3A_25, %broadcast_in_dim3A] : memref<128x32xf32, #tpu.memory_space<vmem>>[vector<16xi32>, vector<16xi32>], vector<16xf32>,
      %swap3A_1393 = arith.index_cast %scan3A_1373 : i32 to index
      %swap3A_1394 = arith.constant 80 : index
      %swap3A_1395 = tpu.vector_load %arg10[%swap3A_1393, %swap3A_1394] {strides = array<i32>} : memref<32x128xf32, #tpu.memory_space<vmem>>, vector<16xf32>,
      tpu.vector_store %arg10[%swap3A_1393, %swap3A_1394], %gather3A_1392 {strides = array<i32>} : memref<32x128xf32, #tpu.memory_space<vmem>>, vector<16xf32>,
      %gather3A_1396 = tpu.vector_load_idx %arg6[%add3A_29, %broadcast_in_dim3A] : memref<128x32xf32, #tpu.memory_space<vmem>>[vector<16xi32>, vector<16xi32>], vector<16xf32>,
      %swap3A_1397 = arith.index_cast %scan3A_1373 : i32 to index
      %swap3A_1398 = arith.constant 96 : index
      %swap3A_1399 = tpu.vector_load %arg10[%swap3A_1397, %swap3A_1398] {strides = array<i32>} : memref<32x128xf32, #tpu.memory_space<vmem>>, vector<16xf32>,
      tpu.vector_store %arg10[%swap3A_1397, %swap3A_1398], %gather3A_1396 {strides = array<i32>} : memref<32x128xf32, #tpu.memory_space<vmem>>, vector<16xf32>,
      %gather3A_1400 = tpu.vector_load_idx %arg6[%add3A_33, %broadcast_in_dim3A] : memref<128x32xf32, #tpu.memory_space<vmem>>[vector<16xi32>, vector<16xi32>], vector<16xf32>,
      %swap3A_1401 = arith.index_cast %scan3A_1373 : i32 to index
      %swap3A_1402 = arith.constant 112 : index
      %swap3A_1403 = tpu.vector_load %arg10[%swap3A_1401, %swap3A_1402] {strides = array<i32>} : memref<32x128xf32, #tpu.memory_space<vmem>>, vector<16xf32>,
      tpu.vector_store %arg10[%swap3A_1401, %swap3A_1402], %gather3A_1400 {strides = array<i32>} : memref<32x128xf32, #tpu.memory_space<vmem>>, vector<16xf32>,
    }
    %scan3A_676 = arith.constant 32 : i32
    %mul3A_677 = arith.constant 4 : i32
    %mul3A_678 = arith.muli %add3A, %mul3A_677 : i32
    %add3A_679 = arith.constant 3 : i32
    %add3A_680 = arith.addi %mul3A_678, %add3A_679 : i32
    %dma_start3A_681 = arith.constant 46 : i32
    %dma_start3A_682 = arith.constant 0 : i32
    %dma_start3A_683 = arith.constant 0 : i32
    %dma_start3A_684 = arith.constant 0 : i32
    %dma_start3A_685 = tpu.memref_slice %arg10[%dma_start3A_683, %dma_start3A_684] : memref<32x128xf32, #tpu.memory_space<vmem>> -> memref<8x128xf32, #tpu.memory_space<vmem>>
    %dma_start3A_686 = arith.constant 0 : i32
    %dma_start3A_687 = arith.constant 0 : i32
    %dma_start3A_688 = tpu.memref_slice %arg4[%dma_start3A_681, %dma_start3A_682, %add3A_680, %dma_start3A_686, %dma_start3A_687] : memref<50x4x128x8x128xf32, #tpu.memory_space<hbm>> -> memref<1x1x1x8x128xf32, #tpu.memory_space<hbm>>
    %dma_start3A_689 = tpu.memref_squeeze %dma_start3A_688 : memref<1x1x1x8x128xf32, #tpu.memory_space<hbm>> -> memref<8x128xf32, #tpu.memory_space<hbm>>
    %dma_start3A_690 = arith.constant 0 : i32
    %dma_start3A_691 = arith.constant 0 : i32
    %dma_start3A_692 = tpu.memref_slice %arg4[%dma_start3A_681, %dma_start3A_682, %add3A_680, %dma_start3A_690, %dma_start3A_691] : memref<50x4x128x8x128xf32, #tpu.memory_space<hbm>> -> memref<1x1x1x8x128xf32, #tpu.memory_space<hbm>>
    %dma_start3A_693 = tpu.memref_squeeze %dma_start3A_692 : memref<1x1x1x8x128xf32, #tpu.memory_space<hbm>> -> memref<8x128xf32, #tpu.memory_space<hbm>>
    %dma_start3A_694 = arith.constant 0 : i32
    %dma_start3A_695 = arith.constant 0 : i32
    %dma_start3A_696 = tpu.memref_slice %arg10[%dma_start3A_694, %dma_start3A_695] : memref<32x128xf32, #tpu.memory_space<vmem>> -> memref<8x128xf32, #tpu.memory_space<vmem>>
    tpu.enqueue_dma source(%dma_start3A_696 : memref<8x128xf32, #tpu.memory_space<vmem>>) target(%dma_start3A_693 : memref<8x128xf32, #tpu.memory_space<hbm>>) target_semaphore(%arg16 : memref<!tpu.dma_semaphore, #tpu.memory_space<semaphore_mem>>)
    %mul3A_697 = arith.constant 4 : i32
    %mul3A_698 = arith.muli %add3A, %mul3A_697 : i32
    %add3A_699 = arith.constant 3 : i32
    %add3A_700 = arith.addi %mul3A_698, %add3A_699 : i32
    %dma_start3A_701 = arith.constant 46 : i32
    %dma_start3A_702 = arith.constant 1 : i32
    %dma_start3A_703 = arith.constant 8 : i32
    %dma_start3A_704 = arith.constant 0 : i32
    %dma_start3A_705 = tpu.memref_slice %arg10[%dma_start3A_703, %dma_start3A_704] : memref<32x128xf32, #tpu.memory_space<vmem>> -> memref<8x128xf32, #tpu.memory_space<vmem>>
    %dma_start3A_706 = arith.constant 0 : i32
    %dma_start3A_707 = arith.constant 0 : i32
    %dma_start3A_708 = tpu.memref_slice %arg4[%dma_start3A_701, %dma_start3A_702, %add3A_700, %dma_start3A_706, %dma_start3A_707] : memref<50x4x128x8x128xf32, #tpu.memory_space<hbm>> -> memref<1x1x1x8x128xf32, #tpu.memory_space<hbm>>
    %dma_start3A_709 = tpu.memref_squeeze %dma_start3A_708 : memref<1x1x1x8x128xf32, #tpu.memory_space<hbm>> -> memref<8x128xf32, #tpu.memory_space<hbm>>
    %dma_start3A_710 = arith.constant 0 : i32
    %dma_start3A_711 = arith.constant 0 : i32
    %dma_start3A_712 = tpu.memref_slice %arg4[%dma_start3A_701, %dma_start3A_702, %add3A_700, %dma_start3A_710, %dma_start3A_711] : memref<50x4x128x8x128xf32, #tpu.memory_space<hbm>> -> memref<1x1x1x8x128xf32, #tpu.memory_space<hbm>>
    %dma_start3A_713 = tpu.memref_squeeze %dma_start3A_712 : memref<1x1x1x8x128xf32, #tpu.memory_space<hbm>> -> memref<8x128xf32, #tpu.memory_space<hbm>>
    %dma_start3A_714 = arith.constant 8 : i32
    %dma_start3A_715 = arith.constant 0 : i32
    %dma_start3A_716 = tpu.memref_slice %arg10[%dma_start3A_714, %dma_start3A_715] : memref<32x128xf32, #tpu.memory_space<vmem>> -> memref<8x128xf32, #tpu.memory_space<vmem>>
    tpu.enqueue_dma source(%dma_start3A_716 : memref<8x128xf32, #tpu.memory_space<vmem>>) target(%dma_start3A_713 : memref<8x128xf32, #tpu.memory_space<hbm>>) target_semaphore(%arg16 : memref<!tpu.dma_semaphore, #tpu.memory_space<semaphore_mem>>)
    %mul3A_717 = arith.constant 4 : i32
    %mul3A_718 = arith.muli %add3A, %mul3A_717 : i32
    %add3A_719 = arith.constant 3 : i32
    %add3A_720 = arith.addi %mul3A_718, %add3A_719 : i32
    %dma_start3A_721 = arith.constant 46 : i32
    %dma_start3A_722 = arith.constant 2 : i32
    %dma_start3A_723 = arith.constant 16 : i32
    %dma_start3A_724 = arith.constant 0 : i32
    %dma_start3A_725 = tpu.memref_slice %arg10[%dma_start3A_723, %dma_start3A_724] : memref<32x128xf32, #tpu.memory_space<vmem>> -> memref<8x128xf32, #tpu.memory_space<vmem>>
    %dma_start3A_726 = arith.constant 0 : i32
    %dma_start3A_727 = arith.constant 0 : i32
    %dma_start3A_728 = tpu.memref_slice %arg4[%dma_start3A_721, %dma_start3A_722, %add3A_720, %dma_start3A_726, %dma_start3A_727] : memref<50x4x128x8x128xf32, #tpu.memory_space<hbm>> -> memref<1x1x1x8x128xf32, #tpu.memory_space<hbm>>
    %dma_start3A_729 = tpu.memref_squeeze %dma_start3A_728 : memref<1x1x1x8x128xf32, #tpu.memory_space<hbm>> -> memref<8x128xf32, #tpu.memory_space<hbm>>
    %dma_start3A_730 = arith.constant 0 : i32
    %dma_start3A_731 = arith.constant 0 : i32
    %dma_start3A_732 = tpu.memref_slice %arg4[%dma_start3A_721, %dma_start3A_722, %add3A_720, %dma_start3A_730, %dma_start3A_731] : memref<50x4x128x8x128xf32, #tpu.memory_space<hbm>> -> memref<1x1x1x8x128xf32, #tpu.memory_space<hbm>>
    %dma_start3A_733 = tpu.memref_squeeze %dma_start3A_732 : memref<1x1x1x8x128xf32, #tpu.memory_space<hbm>> -> memref<8x128xf32, #tpu.memory_space<hbm>>
    %dma_start3A_734 = arith.constant 16 : i32
    %dma_start3A_735 = arith.constant 0 : i32
    %dma_start3A_736 = tpu.memref_slice %arg10[%dma_start3A_734, %dma_start3A_735] : memref<32x128xf32, #tpu.memory_space<vmem>> -> memref<8x128xf32, #tpu.memory_space<vmem>>
    tpu.enqueue_dma source(%dma_start3A_736 : memref<8x128xf32, #tpu.memory_space<vmem>>) target(%dma_start3A_733 : memref<8x128xf32, #tpu.memory_space<hbm>>) target_semaphore(%arg16 : memref<!tpu.dma_semaphore, #tpu.memory_space<semaphore_mem>>)
    %mul3A_737 = arith.constant 4 : i32
    %mul3A_738 = arith.muli %add3A, %mul3A_737 : i32
    %add3A_739 = arith.constant 3 : i32
    %add3A_740 = arith.addi %mul3A_738, %add3A_739 : i32
    %dma_start3A_741 = arith.constant 46 : i32
    %dma_start3A_742 = arith.constant 3 : i32
    %dma_start3A_743 = arith.constant 24 : i32
    %dma_start3A_744 = arith.constant 0 : i32
    %dma_start3A_745 = tpu.memref_slice %arg10[%dma_start3A_743, %dma_start3A_744] : memref<32x128xf32, #tpu.memory_space<vmem>> -> memref<8x128xf32, #tpu.memory_space<vmem>>
    %dma_start3A_746 = arith.constant 0 : i32
    %dma_start3A_747 = arith.constant 0 : i32
    %dma_start3A_748 = tpu.memref_slice %arg4[%dma_start3A_741, %dma_start3A_742, %add3A_740, %dma_start3A_746, %dma_start3A_747] : memref<50x4x128x8x128xf32, #tpu.memory_space<hbm>> -> memref<1x1x1x8x128xf32, #tpu.memory_space<hbm>>
    %dma_start3A_749 = tpu.memref_squeeze %dma_start3A_748 : memref<1x1x1x8x128xf32, #tpu.memory_space<hbm>> -> memref<8x128xf32, #tpu.memory_space<hbm>>
    %dma_start3A_750 = arith.constant 0 : i32
    %dma_start3A_751 = arith.constant 0 : i32
    %dma_start3A_752 = tpu.memref_slice %arg4[%dma_start3A_741, %dma_start3A_742, %add3A_740, %dma_start3A_750, %dma_start3A_751] : memref<50x4x128x8x128xf32, #tpu.memory_space<hbm>> -> memref<1x1x1x8x128xf32, #tpu.memory_space<hbm>>
    %dma_start3A_753 = tpu.memref_squeeze %dma_start3A_752 : memref<1x1x1x8x128xf32, #tpu.memory_space<hbm>> -> memref<8x128xf32, #tpu.memory_space<hbm>>
    %dma_start3A_754 = arith.constant 24 : i32
    %dma_start3A_755 = arith.constant 0 : i32
    %dma_start3A_756 = tpu.memref_slice %arg10[%dma_start3A_754, %dma_start3A_755] : memref<32x128xf32, #tpu.memory_space<vmem>> -> memref<8x128xf32, #tpu.memory_space<vmem>>
    tpu.enqueue_dma source(%dma_start3A_756 : memref<8x128xf32, #tpu.memory_space<vmem>>) target(%dma_start3A_753 : memref<8x128xf32, #tpu.memory_space<hbm>>) target_semaphore(%arg16 : memref<!tpu.dma_semaphore, #tpu.memory_space<semaphore_mem>>)
    %dma_wait3A_757 = arith.constant 0 : i32
    %dma_wait3A_758 = arith.constant 0 : i32
    %dma_wait3A_759 = tpu.memref_slice %arg2[%dma_wait3A_757, %dma_wait3A_758] : memref<1000000x32xf32, #tpu.memory_space<hbm>> -> memref<128x32xf32, #tpu.memory_space<hbm>>
    %dma_wait3A_760 = arith.constant 0 : i32
    %dma_wait3A_761 = arith.constant 0 : i32
    %dma_wait3A_762 = tpu.memref_slice %arg2[%dma_wait3A_760, %dma_wait3A_761] : memref<1000000x32xf32, #tpu.memory_space<hbm>> -> memref<128x32xf32, #tpu.memory_space<hbm>>
    tpu.wait_dma2 semaphore(%arg13 : memref<!tpu.dma_semaphore, #tpu.memory_space<semaphore_mem>>) src(%dma_wait3A_762 : memref<128x32xf32, #tpu.memory_space<hbm>>) dst(%arg7 : memref<128x32xf32, #tpu.memory_space<vmem>>)
    %dma_wait3A_763 = arith.constant 0 : i32
    %dma_wait3A_764 = arith.constant 0 : i32
    %dma_wait3A_765 = arith.constant 0 : i32
    %dma_wait3A_766 = arith.constant 0 : i32
    %dma_wait3A_767 = arith.constant 0 : i32
    %dma_wait3A_768 = tpu.memref_slice %arg11[%dma_wait3A_766, %dma_wait3A_767] : memref<32x128xf32, #tpu.memory_space<vmem>> -> memref<8x128xf32, #tpu.memory_space<vmem>>
    %dma_wait3A_769 = arith.constant 0 : i32
    %dma_wait3A_770 = arith.constant 0 : i32
    %dma_wait3A_771 = tpu.memref_slice %arg4[%dma_wait3A_763, %dma_wait3A_764, %dma_wait3A_765, %dma_wait3A_769, %dma_wait3A_770] : memref<50x4x128x8x128xf32, #tpu.memory_space<hbm>> -> memref<1x1x1x8x128xf32, #tpu.memory_space<hbm>>
    %dma_wait3A_772 = tpu.memref_squeeze %dma_wait3A_771 : memref<1x1x1x8x128xf32, #tpu.memory_space<hbm>> -> memref<8x128xf32, #tpu.memory_space<hbm>>
    %dma_wait3A_773 = arith.constant 0 : i32
    %dma_wait3A_774 = arith.constant 0 : i32
    %dma_wait3A_775 = tpu.memref_slice %arg4[%dma_wait3A_763, %dma_wait3A_764, %dma_wait3A_765, %dma_wait3A_773, %dma_wait3A_774] : memref<50x4x128x8x128xf32, #tpu.memory_space<hbm>> -> memref<1x1x1x8x128xf32, #tpu.memory_space<hbm>>
    %dma_wait3A_776 = tpu.memref_squeeze %dma_wait3A_775 : memref<1x1x1x8x128xf32, #tpu.memory_space<hbm>> -> memref<8x128xf32, #tpu.memory_space<hbm>>
    %dma_wait3A_777 = arith.constant 0 : i32
    %dma_wait3A_778 = arith.constant 0 : i32
    %dma_wait3A_779 = tpu.memref_slice %arg11[%dma_wait3A_777, %dma_wait3A_778] : memref<32x128xf32, #tpu.memory_space<vmem>> -> memref<8x128xf32, #tpu.memory_space<vmem>>
    tpu.wait_dma2 semaphore(%arg17 : memref<!tpu.dma_semaphore, #tpu.memory_space<semaphore_mem>>) src(%dma_wait3A_779 : memref<8x128xf32, #tpu.memory_space<vmem>>) dst(%dma_wait3A_776 : memref<8x128xf32, #tpu.memory_space<hbm>>)
    %dma_wait3A_780 = arith.constant 0 : i32
    %dma_wait3A_781 = arith.constant 1 : i32
    %dma_wait3A_782 = arith.constant 0 : i32
    %dma_wait3A_783 = arith.constant 8 : i32
    %dma_wait3A_784 = arith.constant 0 : i32
    %dma_wait3A_785 = tpu.memref_slice %arg11[%dma_wait3A_783, %dma_wait3A_784] : memref<32x128xf32, #tpu.memory_space<vmem>> -> memref<8x128xf32, #tpu.memory_space<vmem>>
    %dma_wait3A_786 = arith.constant 0 : i32
    %dma_wait3A_787 = arith.constant 0 : i32
    %dma_wait3A_788 = tpu.memref_slice %arg4[%dma_wait3A_780, %dma_wait3A_781, %dma_wait3A_782, %dma_wait3A_786, %dma_wait3A_787] : memref<50x4x128x8x128xf32, #tpu.memory_space<hbm>> -> memref<1x1x1x8x128xf32, #tpu.memory_space<hbm>>
    %dma_wait3A_789 = tpu.memref_squeeze %dma_wait3A_788 : memref<1x1x1x8x128xf32, #tpu.memory_space<hbm>> -> memref<8x128xf32, #tpu.memory_space<hbm>>
    %dma_wait3A_790 = arith.constant 0 : i32
    %dma_wait3A_791 = arith.constant 0 : i32
    %dma_wait3A_792 = tpu.memref_slice %arg4[%dma_wait3A_780, %dma_wait3A_781, %dma_wait3A_782, %dma_wait3A_790, %dma_wait3A_791] : memref<50x4x128x8x128xf32, #tpu.memory_space<hbm>> -> memref<1x1x1x8x128xf32, #tpu.memory_space<hbm>>
    %dma_wait3A_793 = tpu.memref_squeeze %dma_wait3A_792 : memref<1x1x1x8x128xf32, #tpu.memory_space<hbm>> -> memref<8x128xf32, #tpu.memory_space<hbm>>
    %dma_wait3A_794 = arith.constant 8 : i32
    %dma_wait3A_795 = arith.constant 0 : i32
    %dma_wait3A_796 = tpu.memref_slice %arg11[%dma_wait3A_794, %dma_wait3A_795] : memref<32x128xf32, #tpu.memory_space<vmem>> -> memref<8x128xf32, #tpu.memory_space<vmem>>
    tpu.wait_dma2 semaphore(%arg17 : memref<!tpu.dma_semaphore, #tpu.memory_space<semaphore_mem>>) src(%dma_wait3A_796 : memref<8x128xf32, #tpu.memory_space<vmem>>) dst(%dma_wait3A_793 : memref<8x128xf32, #tpu.memory_space<hbm>>)
    %dma_wait3A_797 = arith.constant 0 : i32
    %dma_wait3A_798 = arith.constant 2 : i32
    %dma_wait3A_799 = arith.constant 0 : i32
    %dma_wait3A_800 = arith.constant 16 : i32
    %dma_wait3A_801 = arith.constant 0 : i32
    %dma_wait3A_802 = tpu.memref_slice %arg11[%dma_wait3A_800, %dma_wait3A_801] : memref<32x128xf32, #tpu.memory_space<vmem>> -> memref<8x128xf32, #tpu.memory_space<vmem>>
    %dma_wait3A_803 = arith.constant 0 : i32
    %dma_wait3A_804 = arith.constant 0 : i32
    %dma_wait3A_805 = tpu.memref_slice %arg4[%dma_wait3A_797, %dma_wait3A_798, %dma_wait3A_799, %dma_wait3A_803, %dma_wait3A_804] : memref<50x4x128x8x128xf32, #tpu.memory_space<hbm>> -> memref<1x1x1x8x128xf32, #tpu.memory_space<hbm>>
    %dma_wait3A_806 = tpu.memref_squeeze %dma_wait3A_805 : memref<1x1x1x8x128xf32, #tpu.memory_space<hbm>> -> memref<8x128xf32, #tpu.memory_space<hbm>>
    %dma_wait3A_807 = arith.constant 0 : i32
    %dma_wait3A_808 = arith.constant 0 : i32
    %dma_wait3A_809 = tpu.memref_slice %arg4[%dma_wait3A_797, %dma_wait3A_798, %dma_wait3A_799, %dma_wait3A_807, %dma_wait3A_808] : memref<50x4x128x8x128xf32, #tpu.memory_space<hbm>> -> memref<1x1x1x8x128xf32, #tpu.memory_space<hbm>>
    %dma_wait3A_810 = tpu.memref_squeeze %dma_wait3A_809 : memref<1x1x1x8x128xf32, #tpu.memory_space<hbm>> -> memref<8x128xf32, #tpu.memory_space<hbm>>
    %dma_wait3A_811 = arith.constant 16 : i32
    %dma_wait3A_812 = arith.constant 0 : i32
    %dma_wait3A_813 = tpu.memref_slice %arg11[%dma_wait3A_811, %dma_wait3A_812] : memref<32x128xf32, #tpu.memory_space<vmem>> -> memref<8x128xf32, #tpu.memory_space<vmem>>
    tpu.wait_dma2 semaphore(%arg17 : memref<!tpu.dma_semaphore, #tpu.memory_space<semaphore_mem>>) src(%dma_wait3A_813 : memref<8x128xf32, #tpu.memory_space<vmem>>) dst(%dma_wait3A_810 : memref<8x128xf32, #tpu.memory_space<hbm>>)
    %dma_wait3A_814 = arith.constant 0 : i32
    %dma_wait3A_815 = arith.constant 3 : i32
    %dma_wait3A_816 = arith.constant 0 : i32
    %dma_wait3A_817 = arith.constant 24 : i32
    %dma_wait3A_818 = arith.constant 0 : i32
    %dma_wait3A_819 = tpu.memref_slice %arg11[%dma_wait3A_817, %dma_wait3A_818] : memref<32x128xf32, #tpu.memory_space<vmem>> -> memref<8x128xf32, #tpu.memory_space<vmem>>
    %dma_wait3A_820 = arith.constant 0 : i32
    %dma_wait3A_821 = arith.constant 0 : i32
    %dma_wait3A_822 = tpu.memref_slice %arg4[%dma_wait3A_814, %dma_wait3A_815, %dma_wait3A_816, %dma_wait3A_820, %dma_wait3A_821] : memref<50x4x128x8x128xf32, #tpu.memory_space<hbm>> -> memref<1x1x1x8x128xf32, #tpu.memory_space<hbm>>
    %dma_wait3A_823 = tpu.memref_squeeze %dma_wait3A_822 : memref<1x1x1x8x128xf32, #tpu.memory_space<hbm>> -> memref<8x128xf32, #tpu.memory_space<hbm>>
    %dma_wait3A_824 = arith.constant 0 : i32
    %dma_wait3A_825 = arith.constant 0 : i32
    %dma_wait3A_826 = tpu.memref_slice %arg4[%dma_wait3A_814, %dma_wait3A_815, %dma_wait3A_816, %dma_wait3A_824, %dma_wait3A_825] : memref<50x4x128x8x128xf32, #tpu.memory_space<hbm>> -> memref<1x1x1x8x128xf32, #tpu.memory_space<hbm>>
    %dma_wait3A_827 = tpu.memref_squeeze %dma_wait3A_826 : memref<1x1x1x8x128xf32, #tpu.memory_space<hbm>> -> memref<8x128xf32, #tpu.memory_space<hbm>>
    %dma_wait3A_828 = arith.constant 24 : i32
    %dma_wait3A_829 = arith.constant 0 : i32
    %dma_wait3A_830 = tpu.memref_slice %arg11[%dma_wait3A_828, %dma_wait3A_829] : memref<32x128xf32, #tpu.memory_space<vmem>> -> memref<8x128xf32, #tpu.memory_space<vmem>>
    tpu.wait_dma2 semaphore(%arg17 : memref<!tpu.dma_semaphore, #tpu.memory_space<semaphore_mem>>) src(%dma_wait3A_830 : memref<8x128xf32, #tpu.memory_space<vmem>>) dst(%dma_wait3A_827 : memref<8x128xf32, #tpu.memory_space<hbm>>)
    %scan3A_831 = arith.constant 0 : i32
    %scan3A_832 = arith.constant 0 : i32
    %scan3A_833 = arith.constant 32 : i32
    %scan3A_834 = arith.addi %scan3A_832, %scan3A_833 : i32
    %scan3A_835 = arith.constant 1 : i32
    scf.for %scan3A_1373 = %scan3A_832 to %scan3A_834 step %scan3A_835  : i32 {
      %broadcast_in_dim3A = vector.broadcast %scan3A_1373 : i32 to vector<16xi32>
      %gather3A = tpu.vector_load_idx %arg7[%add3A_5, %broadcast_in_dim3A] : memref<128x32xf32, #tpu.memory_space<vmem>>[vector<16xi32>, vector<16xi32>], vector<16xf32>,
      %swap3A = arith.index_cast %scan3A_1373 : i32 to index
      %swap3A_1374 = arith.constant 0 : index
      %swap3A_1375 = tpu.vector_load %arg11[%swap3A, %swap3A_1374] {strides = array<i32>} : memref<32x128xf32, #tpu.memory_space<vmem>>, vector<16xf32>,
      tpu.vector_store %arg11[%swap3A, %swap3A_1374], %gather3A {strides = array<i32>} : memref<32x128xf32, #tpu.memory_space<vmem>>, vector<16xf32>,
      %gather3A_1376 = tpu.vector_load_idx %arg7[%add3A_9, %broadcast_in_dim3A] : memref<128x32xf32, #tpu.memory_space<vmem>>[vector<16xi32>, vector<16xi32>], vector<16xf32>,
      %swap3A_1377 = arith.index_cast %scan3A_1373 : i32 to index
      %swap3A_1378 = arith.constant 16 : index
      %swap3A_1379 = tpu.vector_load %arg11[%swap3A_1377, %swap3A_1378] {strides = array<i32>} : memref<32x128xf32, #tpu.memory_space<vmem>>, vector<16xf32>,
      tpu.vector_store %arg11[%swap3A_1377, %swap3A_1378], %gather3A_1376 {strides = array<i32>} : memref<32x128xf32, #tpu.memory_space<vmem>>, vector<16xf32>,
      %gather3A_1380 = tpu.vector_load_idx %arg7[%add3A_13, %broadcast_in_dim3A] : memref<128x32xf32, #tpu.memory_space<vmem>>[vector<16xi32>, vector<16xi32>], vector<16xf32>,
      %swap3A_1381 = arith.index_cast %scan3A_1373 : i32 to index
      %swap3A_1382 = arith.constant 32 : index
      %swap3A_1383 = tpu.vector_load %arg11[%swap3A_1381, %swap3A_1382] {strides = array<i32>} : memref<32x128xf32, #tpu.memory_space<vmem>>, vector<16xf32>,
      tpu.vector_store %arg11[%swap3A_1381, %swap3A_1382], %gather3A_1380 {strides = array<i32>} : memref<32x128xf32, #tpu.memory_space<vmem>>, vector<16xf32>,
      %gather3A_1384 = tpu.vector_load_idx %arg7[%add3A_17, %broadcast_in_dim3A] : memref<128x32xf32, #tpu.memory_space<vmem>>[vector<16xi32>, vector<16xi32>], vector<16xf32>,
      %swap3A_1385 = arith.index_cast %scan3A_1373 : i32 to index
      %swap3A_1386 = arith.constant 48 : index
      %swap3A_1387 = tpu.vector_load %arg11[%swap3A_1385, %swap3A_1386] {strides = array<i32>} : memref<32x128xf32, #tpu.memory_space<vmem>>, vector<16xf32>,
      tpu.vector_store %arg11[%swap3A_1385, %swap3A_1386], %gather3A_1384 {strides = array<i32>} : memref<32x128xf32, #tpu.memory_space<vmem>>, vector<16xf32>,
      %gather3A_1388 = tpu.vector_load_idx %arg7[%add3A_21, %broadcast_in_dim3A] : memref<128x32xf32, #tpu.memory_space<vmem>>[vector<16xi32>, vector<16xi32>], vector<16xf32>,
      %swap3A_1389 = arith.index_cast %scan3A_1373 : i32 to index
      %swap3A_1390 = arith.constant 64 : index
      %swap3A_1391 = tpu.vector_load %arg11[%swap3A_1389, %swap3A_1390] {strides = array<i32>} : memref<32x128xf32, #tpu.memory_space<vmem>>, vector<16xf32>,
      tpu.vector_store %arg11[%swap3A_1389, %swap3A_1390], %gather3A_1388 {strides = array<i32>} : memref<32x128xf32, #tpu.memory_space<vmem>>, vector<16xf32>,
      %gather3A_1392 = tpu.vector_load_idx %arg7[%add3A_25, %broadcast_in_dim3A] : memref<128x32xf32, #tpu.memory_space<vmem>>[vector<16xi32>, vector<16xi32>], vector<16xf32>,
      %swap3A_1393 = arith.index_cast %scan3A_1373 : i32 to index
      %swap3A_1394 = arith.constant 80 : index
      %swap3A_1395 = tpu.vector_load %arg11[%swap3A_1393, %swap3A_1394] {strides = array<i32>} : memref<32x128xf32, #tpu.memory_space<vmem>>, vector<16xf32>,
      tpu.vector_store %arg11[%swap3A_1393, %swap3A_1394], %gather3A_1392 {strides = array<i32>} : memref<32x128xf32, #tpu.memory_space<vmem>>, vector<16xf32>,
      %gather3A_1396 = tpu.vector_load_idx %arg7[%add3A_29, %broadcast_in_dim3A] : memref<128x32xf32, #tpu.memory_space<vmem>>[vector<16xi32>, vector<16xi32>], vector<16xf32>,
      %swap3A_1397 = arith.index_cast %scan3A_1373 : i32 to index
      %swap3A_1398 = arith.constant 96 : index
      %swap3A_1399 = tpu.vector_load %arg11[%swap3A_1397, %swap3A_1398] {strides = array<i32>} : memref<32x128xf32, #tpu.memory_space<vmem>>, vector<16xf32>,
      tpu.vector_store %arg11[%swap3A_1397, %swap3A_1398], %gather3A_1396 {strides = array<i32>} : memref<32x128xf32, #tpu.memory_space<vmem>>, vector<16xf32>,
      %gather3A_1400 = tpu.vector_load_idx %arg7[%add3A_33, %broadcast_in_dim3A] : memref<128x32xf32, #tpu.memory_space<vmem>>[vector<16xi32>, vector<16xi32>], vector<16xf32>,
      %swap3A_1401 = arith.index_cast %scan3A_1373 : i32 to index
      %swap3A_1402 = arith.constant 112 : index
      %swap3A_1403 = tpu.vector_load %arg11[%swap3A_1401, %swap3A_1402] {strides = array<i32>} : memref<32x128xf32, #tpu.memory_space<vmem>>, vector<16xf32>,
      tpu.vector_store %arg11[%swap3A_1401, %swap3A_1402], %gather3A_1400 {strides = array<i32>} : memref<32x128xf32, #tpu.memory_space<vmem>>, vector<16xf32>,
    }
    %scan3A_836 = arith.constant 32 : i32
    %mul3A_837 = arith.constant 4 : i32
    %mul3A_838 = arith.muli %add3A, %mul3A_837 : i32
    %add3A_839 = arith.constant 3 : i32
    %add3A_840 = arith.addi %mul3A_838, %add3A_839 : i32
    %dma_start3A_841 = arith.constant 47 : i32
    %dma_start3A_842 = arith.constant 0 : i32
    %dma_start3A_843 = arith.constant 0 : i32
    %dma_start3A_844 = arith.constant 0 : i32
    %dma_start3A_845 = tpu.memref_slice %arg11[%dma_start3A_843, %dma_start3A_844] : memref<32x128xf32, #tpu.memory_space<vmem>> -> memref<8x128xf32, #tpu.memory_space<vmem>>
    %dma_start3A_846 = arith.constant 0 : i32
    %dma_start3A_847 = arith.constant 0 : i32
    %dma_start3A_848 = tpu.memref_slice %arg4[%dma_start3A_841, %dma_start3A_842, %add3A_840, %dma_start3A_846, %dma_start3A_847] : memref<50x4x128x8x128xf32, #tpu.memory_space<hbm>> -> memref<1x1x1x8x128xf32, #tpu.memory_space<hbm>>
    %dma_start3A_849 = tpu.memref_squeeze %dma_start3A_848 : memref<1x1x1x8x128xf32, #tpu.memory_space<hbm>> -> memref<8x128xf32, #tpu.memory_space<hbm>>
    %dma_start3A_850 = arith.constant 0 : i32
    %dma_start3A_851 = arith.constant 0 : i32
    %dma_start3A_852 = tpu.memref_slice %arg4[%dma_start3A_841, %dma_start3A_842, %add3A_840, %dma_start3A_850, %dma_start3A_851] : memref<50x4x128x8x128xf32, #tpu.memory_space<hbm>> -> memref<1x1x1x8x128xf32, #tpu.memory_space<hbm>>
    %dma_start3A_853 = tpu.memref_squeeze %dma_start3A_852 : memref<1x1x1x8x128xf32, #tpu.memory_space<hbm>> -> memref<8x128xf32, #tpu.memory_space<hbm>>
    %dma_start3A_854 = arith.constant 0 : i32
    %dma_start3A_855 = arith.constant 0 : i32
    %dma_start3A_856 = tpu.memref_slice %arg11[%dma_start3A_854, %dma_start3A_855] : memref<32x128xf32, #tpu.memory_space<vmem>> -> memref<8x128xf32, #tpu.memory_space<vmem>>
    tpu.enqueue_dma source(%dma_start3A_856 : memref<8x128xf32, #tpu.memory_space<vmem>>) target(%dma_start3A_853 : memref<8x128xf32, #tpu.memory_space<hbm>>) target_semaphore(%arg17 : memref<!tpu.dma_semaphore, #tpu.memory_space<semaphore_mem>>)
    %mul3A_857 = arith.constant 4 : i32
    %mul3A_858 = arith.muli %add3A, %mul3A_857 : i32
    %add3A_859 = arith.constant 3 : i32
    %add3A_860 = arith.addi %mul3A_858, %add3A_859 : i32
    %dma_start3A_861 = arith.constant 47 : i32
    %dma_start3A_862 = arith.constant 1 : i32
    %dma_start3A_863 = arith.constant 8 : i32
    %dma_start3A_864 = arith.constant 0 : i32
    %dma_start3A_865 = tpu.memref_slice %arg11[%dma_start3A_863, %dma_start3A_864] : memref<32x128xf32, #tpu.memory_space<vmem>> -> memref<8x128xf32, #tpu.memory_space<vmem>>
    %dma_start3A_866 = arith.constant 0 : i32
    %dma_start3A_867 = arith.constant 0 : i32
    %dma_start3A_868 = tpu.memref_slice %arg4[%dma_start3A_861, %dma_start3A_862, %add3A_860, %dma_start3A_866, %dma_start3A_867] : memref<50x4x128x8x128xf32, #tpu.memory_space<hbm>> -> memref<1x1x1x8x128xf32, #tpu.memory_space<hbm>>
    %dma_start3A_869 = tpu.memref_squeeze %dma_start3A_868 : memref<1x1x1x8x128xf32, #tpu.memory_space<hbm>> -> memref<8x128xf32, #tpu.memory_space<hbm>>
    %dma_start3A_870 = arith.constant 0 : i32
    %dma_start3A_871 = arith.constant 0 : i32
    %dma_start3A_872 = tpu.memref_slice %arg4[%dma_start3A_861, %dma_start3A_862, %add3A_860, %dma_start3A_870, %dma_start3A_871] : memref<50x4x128x8x128xf32, #tpu.memory_space<hbm>> -> memref<1x1x1x8x128xf32, #tpu.memory_space<hbm>>
    %dma_start3A_873 = tpu.memref_squeeze %dma_start3A_872 : memref<1x1x1x8x128xf32, #tpu.memory_space<hbm>> -> memref<8x128xf32, #tpu.memory_space<hbm>>
    %dma_start3A_874 = arith.constant 8 : i32
    %dma_start3A_875 = arith.constant 0 : i32
    %dma_start3A_876 = tpu.memref_slice %arg11[%dma_start3A_874, %dma_start3A_875] : memref<32x128xf32, #tpu.memory_space<vmem>> -> memref<8x128xf32, #tpu.memory_space<vmem>>
    tpu.enqueue_dma source(%dma_start3A_876 : memref<8x128xf32, #tpu.memory_space<vmem>>) target(%dma_start3A_873 : memref<8x128xf32, #tpu.memory_space<hbm>>) target_semaphore(%arg17 : memref<!tpu.dma_semaphore, #tpu.memory_space<semaphore_mem>>)
    %mul3A_877 = arith.constant 4 : i32
    %mul3A_878 = arith.muli %add3A, %mul3A_877 : i32
    %add3A_879 = arith.constant 3 : i32
    %add3A_880 = arith.addi %mul3A_878, %add3A_879 : i32
    %dma_start3A_881 = arith.constant 47 : i32
    %dma_start3A_882 = arith.constant 2 : i32
    %dma_start3A_883 = arith.constant 16 : i32
    %dma_start3A_884 = arith.constant 0 : i32
    %dma_start3A_885 = tpu.memref_slice %arg11[%dma_start3A_883, %dma_start3A_884] : memref<32x128xf32, #tpu.memory_space<vmem>> -> memref<8x128xf32, #tpu.memory_space<vmem>>
    %dma_start3A_886 = arith.constant 0 : i32
    %dma_start3A_887 = arith.constant 0 : i32
    %dma_start3A_888 = tpu.memref_slice %arg4[%dma_start3A_881, %dma_start3A_882, %add3A_880, %dma_start3A_886, %dma_start3A_887] : memref<50x4x128x8x128xf32, #tpu.memory_space<hbm>> -> memref<1x1x1x8x128xf32, #tpu.memory_space<hbm>>
    %dma_start3A_889 = tpu.memref_squeeze %dma_start3A_888 : memref<1x1x1x8x128xf32, #tpu.memory_space<hbm>> -> memref<8x128xf32, #tpu.memory_space<hbm>>
    %dma_start3A_890 = arith.constant 0 : i32
    %dma_start3A_891 = arith.constant 0 : i32
    %dma_start3A_892 = tpu.memref_slice %arg4[%dma_start3A_881, %dma_start3A_882, %add3A_880, %dma_start3A_890, %dma_start3A_891] : memref<50x4x128x8x128xf32, #tpu.memory_space<hbm>> -> memref<1x1x1x8x128xf32, #tpu.memory_space<hbm>>
    %dma_start3A_893 = tpu.memref_squeeze %dma_start3A_892 : memref<1x1x1x8x128xf32, #tpu.memory_space<hbm>> -> memref<8x128xf32, #tpu.memory_space<hbm>>
    %dma_start3A_894 = arith.constant 16 : i32
    %dma_start3A_895 = arith.constant 0 : i32
    %dma_start3A_896 = tpu.memref_slice %arg11[%dma_start3A_894, %dma_start3A_895] : memref<32x128xf32, #tpu.memory_space<vmem>> -> memref<8x128xf32, #tpu.memory_space<vmem>>
    tpu.enqueue_dma source(%dma_start3A_896 : memref<8x128xf32, #tpu.memory_space<vmem>>) target(%dma_start3A_893 : memref<8x128xf32, #tpu.memory_space<hbm>>) target_semaphore(%arg17 : memref<!tpu.dma_semaphore, #tpu.memory_space<semaphore_mem>>)
    %mul3A_897 = arith.constant 4 : i32
    %mul3A_898 = arith.muli %add3A, %mul3A_897 : i32
    %add3A_899 = arith.constant 3 : i32
    %add3A_900 = arith.addi %mul3A_898, %add3A_899 : i32
    %dma_start3A_901 = arith.constant 47 : i32
    %dma_start3A_902 = arith.constant 3 : i32
    %dma_start3A_903 = arith.constant 24 : i32
    %dma_start3A_904 = arith.constant 0 : i32
    %dma_start3A_905 = tpu.memref_slice %arg11[%dma_start3A_903, %dma_start3A_904] : memref<32x128xf32, #tpu.memory_space<vmem>> -> memref<8x128xf32, #tpu.memory_space<vmem>>
    %dma_start3A_906 = arith.constant 0 : i32
    %dma_start3A_907 = arith.constant 0 : i32
    %dma_start3A_908 = tpu.memref_slice %arg4[%dma_start3A_901, %dma_start3A_902, %add3A_900, %dma_start3A_906, %dma_start3A_907] : memref<50x4x128x8x128xf32, #tpu.memory_space<hbm>> -> memref<1x1x1x8x128xf32, #tpu.memory_space<hbm>>
    %dma_start3A_909 = tpu.memref_squeeze %dma_start3A_908 : memref<1x1x1x8x128xf32, #tpu.memory_space<hbm>> -> memref<8x128xf32, #tpu.memory_space<hbm>>
    %dma_start3A_910 = arith.constant 0 : i32
    %dma_start3A_911 = arith.constant 0 : i32
    %dma_start3A_912 = tpu.memref_slice %arg4[%dma_start3A_901, %dma_start3A_902, %add3A_900, %dma_start3A_910, %dma_start3A_911] : memref<50x4x128x8x128xf32, #tpu.memory_space<hbm>> -> memref<1x1x1x8x128xf32, #tpu.memory_space<hbm>>
    %dma_start3A_913 = tpu.memref_squeeze %dma_start3A_912 : memref<1x1x1x8x128xf32, #tpu.memory_space<hbm>> -> memref<8x128xf32, #tpu.memory_space<hbm>>
    %dma_start3A_914 = arith.constant 24 : i32
    %dma_start3A_915 = arith.constant 0 : i32
    %dma_start3A_916 = tpu.memref_slice %arg11[%dma_start3A_914, %dma_start3A_915] : memref<32x128xf32, #tpu.memory_space<vmem>> -> memref<8x128xf32, #tpu.memory_space<vmem>>
    tpu.enqueue_dma source(%dma_start3A_916 : memref<8x128xf32, #tpu.memory_space<vmem>>) target(%dma_start3A_913 : memref<8x128xf32, #tpu.memory_space<hbm>>) target_semaphore(%arg17 : memref<!tpu.dma_semaphore, #tpu.memory_space<semaphore_mem>>)
    %dma_wait3A_917 = arith.constant 0 : i32
    %dma_wait3A_918 = arith.constant 0 : i32
    %dma_wait3A_919 = tpu.memref_slice %arg2[%dma_wait3A_917, %dma_wait3A_918] : memref<1000000x32xf32, #tpu.memory_space<hbm>> -> memref<128x32xf32, #tpu.memory_space<hbm>>
    %dma_wait3A_920 = arith.constant 0 : i32
    %dma_wait3A_921 = arith.constant 0 : i32
    %dma_wait3A_922 = tpu.memref_slice %arg2[%dma_wait3A_920, %dma_wait3A_921] : memref<1000000x32xf32, #tpu.memory_space<hbm>> -> memref<128x32xf32, #tpu.memory_space<hbm>>
    tpu.wait_dma2 semaphore(%arg14 : memref<!tpu.dma_semaphore, #tpu.memory_space<semaphore_mem>>) src(%dma_wait3A_922 : memref<128x32xf32, #tpu.memory_space<hbm>>) dst(%arg8 : memref<128x32xf32, #tpu.memory_space<vmem>>)
    %dma_wait3A_923 = arith.constant 0 : i32
    %dma_wait3A_924 = arith.constant 0 : i32
    %dma_wait3A_925 = arith.constant 0 : i32
    %dma_wait3A_926 = arith.constant 0 : i32
    %dma_wait3A_927 = arith.constant 0 : i32
    %dma_wait3A_928 = tpu.memref_slice %arg10[%dma_wait3A_926, %dma_wait3A_927] : memref<32x128xf32, #tpu.memory_space<vmem>> -> memref<8x128xf32, #tpu.memory_space<vmem>>
    %dma_wait3A_929 = arith.constant 0 : i32
    %dma_wait3A_930 = arith.constant 0 : i32
    %dma_wait3A_931 = tpu.memref_slice %arg4[%dma_wait3A_923, %dma_wait3A_924, %dma_wait3A_925, %dma_wait3A_929, %dma_wait3A_930] : memref<50x4x128x8x128xf32, #tpu.memory_space<hbm>> -> memref<1x1x1x8x128xf32, #tpu.memory_space<hbm>>
    %dma_wait3A_932 = tpu.memref_squeeze %dma_wait3A_931 : memref<1x1x1x8x128xf32, #tpu.memory_space<hbm>> -> memref<8x128xf32, #tpu.memory_space<hbm>>
    %dma_wait3A_933 = arith.constant 0 : i32
    %dma_wait3A_934 = arith.constant 0 : i32
    %dma_wait3A_935 = tpu.memref_slice %arg4[%dma_wait3A_923, %dma_wait3A_924, %dma_wait3A_925, %dma_wait3A_933, %dma_wait3A_934] : memref<50x4x128x8x128xf32, #tpu.memory_space<hbm>> -> memref<1x1x1x8x128xf32, #tpu.memory_space<hbm>>
    %dma_wait3A_936 = tpu.memref_squeeze %dma_wait3A_935 : memref<1x1x1x8x128xf32, #tpu.memory_space<hbm>> -> memref<8x128xf32, #tpu.memory_space<hbm>>
    %dma_wait3A_937 = arith.constant 0 : i32
    %dma_wait3A_938 = arith.constant 0 : i32
    %dma_wait3A_939 = tpu.memref_slice %arg10[%dma_wait3A_937, %dma_wait3A_938] : memref<32x128xf32, #tpu.memory_space<vmem>> -> memref<8x128xf32, #tpu.memory_space<vmem>>
    tpu.wait_dma2 semaphore(%arg16 : memref<!tpu.dma_semaphore, #tpu.memory_space<semaphore_mem>>) src(%dma_wait3A_939 : memref<8x128xf32, #tpu.memory_space<vmem>>) dst(%dma_wait3A_936 : memref<8x128xf32, #tpu.memory_space<hbm>>)
    %dma_wait3A_940 = arith.constant 0 : i32
    %dma_wait3A_941 = arith.constant 1 : i32
    %dma_wait3A_942 = arith.constant 0 : i32
    %dma_wait3A_943 = arith.constant 8 : i32
    %dma_wait3A_944 = arith.constant 0 : i32
    %dma_wait3A_945 = tpu.memref_slice %arg10[%dma_wait3A_943, %dma_wait3A_944] : memref<32x128xf32, #tpu.memory_space<vmem>> -> memref<8x128xf32, #tpu.memory_space<vmem>>
    %dma_wait3A_946 = arith.constant 0 : i32
    %dma_wait3A_947 = arith.constant 0 : i32
    %dma_wait3A_948 = tpu.memref_slice %arg4[%dma_wait3A_940, %dma_wait3A_941, %dma_wait3A_942, %dma_wait3A_946, %dma_wait3A_947] : memref<50x4x128x8x128xf32, #tpu.memory_space<hbm>> -> memref<1x1x1x8x128xf32, #tpu.memory_space<hbm>>
    %dma_wait3A_949 = tpu.memref_squeeze %dma_wait3A_948 : memref<1x1x1x8x128xf32, #tpu.memory_space<hbm>> -> memref<8x128xf32, #tpu.memory_space<hbm>>
    %dma_wait3A_950 = arith.constant 0 : i32
    %dma_wait3A_951 = arith.constant 0 : i32
    %dma_wait3A_952 = tpu.memref_slice %arg4[%dma_wait3A_940, %dma_wait3A_941, %dma_wait3A_942, %dma_wait3A_950, %dma_wait3A_951] : memref<50x4x128x8x128xf32, #tpu.memory_space<hbm>> -> memref<1x1x1x8x128xf32, #tpu.memory_space<hbm>>
    %dma_wait3A_953 = tpu.memref_squeeze %dma_wait3A_952 : memref<1x1x1x8x128xf32, #tpu.memory_space<hbm>> -> memref<8x128xf32, #tpu.memory_space<hbm>>
    %dma_wait3A_954 = arith.constant 8 : i32
    %dma_wait3A_955 = arith.constant 0 : i32
    %dma_wait3A_956 = tpu.memref_slice %arg10[%dma_wait3A_954, %dma_wait3A_955] : memref<32x128xf32, #tpu.memory_space<vmem>> -> memref<8x128xf32, #tpu.memory_space<vmem>>
    tpu.wait_dma2 semaphore(%arg16 : memref<!tpu.dma_semaphore, #tpu.memory_space<semaphore_mem>>) src(%dma_wait3A_956 : memref<8x128xf32, #tpu.memory_space<vmem>>) dst(%dma_wait3A_953 : memref<8x128xf32, #tpu.memory_space<hbm>>)
    %dma_wait3A_957 = arith.constant 0 : i32
    %dma_wait3A_958 = arith.constant 2 : i32
    %dma_wait3A_959 = arith.constant 0 : i32
    %dma_wait3A_960 = arith.constant 16 : i32
    %dma_wait3A_961 = arith.constant 0 : i32
    %dma_wait3A_962 = tpu.memref_slice %arg10[%dma_wait3A_960, %dma_wait3A_961] : memref<32x128xf32, #tpu.memory_space<vmem>> -> memref<8x128xf32, #tpu.memory_space<vmem>>
    %dma_wait3A_963 = arith.constant 0 : i32
    %dma_wait3A_964 = arith.constant 0 : i32
    %dma_wait3A_965 = tpu.memref_slice %arg4[%dma_wait3A_957, %dma_wait3A_958, %dma_wait3A_959, %dma_wait3A_963, %dma_wait3A_964] : memref<50x4x128x8x128xf32, #tpu.memory_space<hbm>> -> memref<1x1x1x8x128xf32, #tpu.memory_space<hbm>>
    %dma_wait3A_966 = tpu.memref_squeeze %dma_wait3A_965 : memref<1x1x1x8x128xf32, #tpu.memory_space<hbm>> -> memref<8x128xf32, #tpu.memory_space<hbm>>
    %dma_wait3A_967 = arith.constant 0 : i32
    %dma_wait3A_968 = arith.constant 0 : i32
    %dma_wait3A_969 = tpu.memref_slice %arg4[%dma_wait3A_957, %dma_wait3A_958, %dma_wait3A_959, %dma_wait3A_967, %dma_wait3A_968] : memref<50x4x128x8x128xf32, #tpu.memory_space<hbm>> -> memref<1x1x1x8x128xf32, #tpu.memory_space<hbm>>
    %dma_wait3A_970 = tpu.memref_squeeze %dma_wait3A_969 : memref<1x1x1x8x128xf32, #tpu.memory_space<hbm>> -> memref<8x128xf32, #tpu.memory_space<hbm>>
    %dma_wait3A_971 = arith.constant 16 : i32
    %dma_wait3A_972 = arith.constant 0 : i32
    %dma_wait3A_973 = tpu.memref_slice %arg10[%dma_wait3A_971, %dma_wait3A_972] : memref<32x128xf32, #tpu.memory_space<vmem>> -> memref<8x128xf32, #tpu.memory_space<vmem>>
    tpu.wait_dma2 semaphore(%arg16 : memref<!tpu.dma_semaphore, #tpu.memory_space<semaphore_mem>>) src(%dma_wait3A_973 : memref<8x128xf32, #tpu.memory_space<vmem>>) dst(%dma_wait3A_970 : memref<8x128xf32, #tpu.memory_space<hbm>>)
    %dma_wait3A_974 = arith.constant 0 : i32
    %dma_wait3A_975 = arith.constant 3 : i32
    %dma_wait3A_976 = arith.constant 0 : i32
    %dma_wait3A_977 = arith.constant 24 : i32
    %dma_wait3A_978 = arith.constant 0 : i32
    %dma_wait3A_979 = tpu.memref_slice %arg10[%dma_wait3A_977, %dma_wait3A_978] : memref<32x128xf32, #tpu.memory_space<vmem>> -> memref<8x128xf32, #tpu.memory_space<vmem>>
    %dma_wait3A_980 = arith.constant 0 : i32
    %dma_wait3A_981 = arith.constant 0 : i32
    %dma_wait3A_982 = tpu.memref_slice %arg4[%dma_wait3A_974, %dma_wait3A_975, %dma_wait3A_976, %dma_wait3A_980, %dma_wait3A_981] : memref<50x4x128x8x128xf32, #tpu.memory_space<hbm>> -> memref<1x1x1x8x128xf32, #tpu.memory_space<hbm>>
    %dma_wait3A_983 = tpu.memref_squeeze %dma_wait3A_982 : memref<1x1x1x8x128xf32, #tpu.memory_space<hbm>> -> memref<8x128xf32, #tpu.memory_space<hbm>>
    %dma_wait3A_984 = arith.constant 0 : i32
    %dma_wait3A_985 = arith.constant 0 : i32
    %dma_wait3A_986 = tpu.memref_slice %arg4[%dma_wait3A_974, %dma_wait3A_975, %dma_wait3A_976, %dma_wait3A_984, %dma_wait3A_985] : memref<50x4x128x8x128xf32, #tpu.memory_space<hbm>> -> memref<1x1x1x8x128xf32, #tpu.memory_space<hbm>>
    %dma_wait3A_987 = tpu.memref_squeeze %dma_wait3A_986 : memref<1x1x1x8x128xf32, #tpu.memory_space<hbm>> -> memref<8x128xf32, #tpu.memory_space<hbm>>
    %dma_wait3A_988 = arith.constant 24 : i32
    %dma_wait3A_989 = arith.constant 0 : i32
    %dma_wait3A_990 = tpu.memref_slice %arg10[%dma_wait3A_988, %dma_wait3A_989] : memref<32x128xf32, #tpu.memory_space<vmem>> -> memref<8x128xf32, #tpu.memory_space<vmem>>
    tpu.wait_dma2 semaphore(%arg16 : memref<!tpu.dma_semaphore, #tpu.memory_space<semaphore_mem>>) src(%dma_wait3A_990 : memref<8x128xf32, #tpu.memory_space<vmem>>) dst(%dma_wait3A_987 : memref<8x128xf32, #tpu.memory_space<hbm>>)
    %scan3A_991 = arith.constant 0 : i32
    %scan3A_992 = arith.constant 0 : i32
    %scan3A_993 = arith.constant 32 : i32
    %scan3A_994 = arith.addi %scan3A_992, %scan3A_993 : i32
    %scan3A_995 = arith.constant 1 : i32
    scf.for %scan3A_1373 = %scan3A_992 to %scan3A_994 step %scan3A_995  : i32 {
      %broadcast_in_dim3A = vector.broadcast %scan3A_1373 : i32 to vector<16xi32>
      %gather3A = tpu.vector_load_idx %arg8[%add3A_5, %broadcast_in_dim3A] : memref<128x32xf32, #tpu.memory_space<vmem>>[vector<16xi32>, vector<16xi32>], vector<16xf32>,
      %swap3A = arith.index_cast %scan3A_1373 : i32 to index
      %swap3A_1374 = arith.constant 0 : index
      %swap3A_1375 = tpu.vector_load %arg10[%swap3A, %swap3A_1374] {strides = array<i32>} : memref<32x128xf32, #tpu.memory_space<vmem>>, vector<16xf32>,
      tpu.vector_store %arg10[%swap3A, %swap3A_1374], %gather3A {strides = array<i32>} : memref<32x128xf32, #tpu.memory_space<vmem>>, vector<16xf32>,
      %gather3A_1376 = tpu.vector_load_idx %arg8[%add3A_9, %broadcast_in_dim3A] : memref<128x32xf32, #tpu.memory_space<vmem>>[vector<16xi32>, vector<16xi32>], vector<16xf32>,
      %swap3A_1377 = arith.index_cast %scan3A_1373 : i32 to index
      %swap3A_1378 = arith.constant 16 : index
      %swap3A_1379 = tpu.vector_load %arg10[%swap3A_1377, %swap3A_1378] {strides = array<i32>} : memref<32x128xf32, #tpu.memory_space<vmem>>, vector<16xf32>,
      tpu.vector_store %arg10[%swap3A_1377, %swap3A_1378], %gather3A_1376 {strides = array<i32>} : memref<32x128xf32, #tpu.memory_space<vmem>>, vector<16xf32>,
      %gather3A_1380 = tpu.vector_load_idx %arg8[%add3A_13, %broadcast_in_dim3A] : memref<128x32xf32, #tpu.memory_space<vmem>>[vector<16xi32>, vector<16xi32>], vector<16xf32>,
      %swap3A_1381 = arith.index_cast %scan3A_1373 : i32 to index
      %swap3A_1382 = arith.constant 32 : index
      %swap3A_1383 = tpu.vector_load %arg10[%swap3A_1381, %swap3A_1382] {strides = array<i32>} : memref<32x128xf32, #tpu.memory_space<vmem>>, vector<16xf32>,
      tpu.vector_store %arg10[%swap3A_1381, %swap3A_1382], %gather3A_1380 {strides = array<i32>} : memref<32x128xf32, #tpu.memory_space<vmem>>, vector<16xf32>,
      %gather3A_1384 = tpu.vector_load_idx %arg8[%add3A_17, %broadcast_in_dim3A] : memref<128x32xf32, #tpu.memory_space<vmem>>[vector<16xi32>, vector<16xi32>], vector<16xf32>,
      %swap3A_1385 = arith.index_cast %scan3A_1373 : i32 to index
      %swap3A_1386 = arith.constant 48 : index
      %swap3A_1387 = tpu.vector_load %arg10[%swap3A_1385, %swap3A_1386] {strides = array<i32>} : memref<32x128xf32, #tpu.memory_space<vmem>>, vector<16xf32>,
      tpu.vector_store %arg10[%swap3A_1385, %swap3A_1386], %gather3A_1384 {strides = array<i32>} : memref<32x128xf32, #tpu.memory_space<vmem>>, vector<16xf32>,
      %gather3A_1388 = tpu.vector_load_idx %arg8[%add3A_21, %broadcast_in_dim3A] : memref<128x32xf32, #tpu.memory_space<vmem>>[vector<16xi32>, vector<16xi32>], vector<16xf32>,
      %swap3A_1389 = arith.index_cast %scan3A_1373 : i32 to index
      %swap3A_1390 = arith.constant 64 : index
      %swap3A_1391 = tpu.vector_load %arg10[%swap3A_1389, %swap3A_1390] {strides = array<i32>} : memref<32x128xf32, #tpu.memory_space<vmem>>, vector<16xf32>,
      tpu.vector_store %arg10[%swap3A_1389, %swap3A_1390], %gather3A_1388 {strides = array<i32>} : memref<32x128xf32, #tpu.memory_space<vmem>>, vector<16xf32>,
      %gather3A_1392 = tpu.vector_load_idx %arg8[%add3A_25, %broadcast_in_dim3A] : memref<128x32xf32, #tpu.memory_space<vmem>>[vector<16xi32>, vector<16xi32>], vector<16xf32>,
      %swap3A_1393 = arith.index_cast %scan3A_1373 : i32 to index
      %swap3A_1394 = arith.constant 80 : index
      %swap3A_1395 = tpu.vector_load %arg10[%swap3A_1393, %swap3A_1394] {strides = array<i32>} : memref<32x128xf32, #tpu.memory_space<vmem>>, vector<16xf32>,
      tpu.vector_store %arg10[%swap3A_1393, %swap3A_1394], %gather3A_1392 {strides = array<i32>} : memref<32x128xf32, #tpu.memory_space<vmem>>, vector<16xf32>,
      %gather3A_1396 = tpu.vector_load_idx %arg8[%add3A_29, %broadcast_in_dim3A] : memref<128x32xf32, #tpu.memory_space<vmem>>[vector<16xi32>, vector<16xi32>], vector<16xf32>,
      %swap3A_1397 = arith.index_cast %scan3A_1373 : i32 to index
      %swap3A_1398 = arith.constant 96 : index
      %swap3A_1399 = tpu.vector_load %arg10[%swap3A_1397, %swap3A_1398] {strides = array<i32>} : memref<32x128xf32, #tpu.memory_space<vmem>>, vector<16xf32>,
      tpu.vector_store %arg10[%swap3A_1397, %swap3A_1398], %gather3A_1396 {strides = array<i32>} : memref<32x128xf32, #tpu.memory_space<vmem>>, vector<16xf32>,
      %gather3A_1400 = tpu.vector_load_idx %arg8[%add3A_33, %broadcast_in_dim3A] : memref<128x32xf32, #tpu.memory_space<vmem>>[vector<16xi32>, vector<16xi32>], vector<16xf32>,
      %swap3A_1401 = arith.index_cast %scan3A_1373 : i32 to index
      %swap3A_1402 = arith.constant 112 : index
      %swap3A_1403 = tpu.vector_load %arg10[%swap3A_1401, %swap3A_1402] {strides = array<i32>} : memref<32x128xf32, #tpu.memory_space<vmem>>, vector<16xf32>,
      tpu.vector_store %arg10[%swap3A_1401, %swap3A_1402], %gather3A_1400 {strides = array<i32>} : memref<32x128xf32, #tpu.memory_space<vmem>>, vector<16xf32>,
    }
    %scan3A_996 = arith.constant 32 : i32
    %mul3A_997 = arith.constant 4 : i32
    %mul3A_998 = arith.muli %add3A, %mul3A_997 : i32
    %add3A_999 = arith.constant 3 : i32
    %add3A_1000 = arith.addi %mul3A_998, %add3A_999 : i32
    %dma_start3A_1001 = arith.constant 48 : i32
    %dma_start3A_1002 = arith.constant 0 : i32
    %dma_start3A_1003 = arith.constant 0 : i32
    %dma_start3A_1004 = arith.constant 0 : i32
    %dma_start3A_1005 = tpu.memref_slice %arg10[%dma_start3A_1003, %dma_start3A_1004] : memref<32x128xf32, #tpu.memory_space<vmem>> -> memref<8x128xf32, #tpu.memory_space<vmem>>
    %dma_start3A_1006 = arith.constant 0 : i32
    %dma_start3A_1007 = arith.constant 0 : i32
    %dma_start3A_1008 = tpu.memref_slice %arg4[%dma_start3A_1001, %dma_start3A_1002, %add3A_1000, %dma_start3A_1006, %dma_start3A_1007] : memref<50x4x128x8x128xf32, #tpu.memory_space<hbm>> -> memref<1x1x1x8x128xf32, #tpu.memory_space<hbm>>
    %dma_start3A_1009 = tpu.memref_squeeze %dma_start3A_1008 : memref<1x1x1x8x128xf32, #tpu.memory_space<hbm>> -> memref<8x128xf32, #tpu.memory_space<hbm>>
    %dma_start3A_1010 = arith.constant 0 : i32
    %dma_start3A_1011 = arith.constant 0 : i32
    %dma_start3A_1012 = tpu.memref_slice %arg4[%dma_start3A_1001, %dma_start3A_1002, %add3A_1000, %dma_start3A_1010, %dma_start3A_1011] : memref<50x4x128x8x128xf32, #tpu.memory_space<hbm>> -> memref<1x1x1x8x128xf32, #tpu.memory_space<hbm>>
    %dma_start3A_1013 = tpu.memref_squeeze %dma_start3A_1012 : memref<1x1x1x8x128xf32, #tpu.memory_space<hbm>> -> memref<8x128xf32, #tpu.memory_space<hbm>>
    %dma_start3A_1014 = arith.constant 0 : i32
    %dma_start3A_1015 = arith.constant 0 : i32
    %dma_start3A_1016 = tpu.memref_slice %arg10[%dma_start3A_1014, %dma_start3A_1015] : memref<32x128xf32, #tpu.memory_space<vmem>> -> memref<8x128xf32, #tpu.memory_space<vmem>>
    tpu.enqueue_dma source(%dma_start3A_1016 : memref<8x128xf32, #tpu.memory_space<vmem>>) target(%dma_start3A_1013 : memref<8x128xf32, #tpu.memory_space<hbm>>) target_semaphore(%arg16 : memref<!tpu.dma_semaphore, #tpu.memory_space<semaphore_mem>>)
    %mul3A_1017 = arith.constant 4 : i32
    %mul3A_1018 = arith.muli %add3A, %mul3A_1017 : i32
    %add3A_1019 = arith.constant 3 : i32
    %add3A_1020 = arith.addi %mul3A_1018, %add3A_1019 : i32
    %dma_start3A_1021 = arith.constant 48 : i32
    %dma_start3A_1022 = arith.constant 1 : i32
    %dma_start3A_1023 = arith.constant 8 : i32
    %dma_start3A_1024 = arith.constant 0 : i32
    %dma_start3A_1025 = tpu.memref_slice %arg10[%dma_start3A_1023, %dma_start3A_1024] : memref<32x128xf32, #tpu.memory_space<vmem>> -> memref<8x128xf32, #tpu.memory_space<vmem>>
    %dma_start3A_1026 = arith.constant 0 : i32
    %dma_start3A_1027 = arith.constant 0 : i32
    %dma_start3A_1028 = tpu.memref_slice %arg4[%dma_start3A_1021, %dma_start3A_1022, %add3A_1020, %dma_start3A_1026, %dma_start3A_1027] : memref<50x4x128x8x128xf32, #tpu.memory_space<hbm>> -> memref<1x1x1x8x128xf32, #tpu.memory_space<hbm>>
    %dma_start3A_1029 = tpu.memref_squeeze %dma_start3A_1028 : memref<1x1x1x8x128xf32, #tpu.memory_space<hbm>> -> memref<8x128xf32, #tpu.memory_space<hbm>>
    %dma_start3A_1030 = arith.constant 0 : i32
    %dma_start3A_1031 = arith.constant 0 : i32
    %dma_start3A_1032 = tpu.memref_slice %arg4[%dma_start3A_1021, %dma_start3A_1022, %add3A_1020, %dma_start3A_1030, %dma_start3A_1031] : memref<50x4x128x8x128xf32, #tpu.memory_space<hbm>> -> memref<1x1x1x8x128xf32, #tpu.memory_space<hbm>>
    %dma_start3A_1033 = tpu.memref_squeeze %dma_start3A_1032 : memref<1x1x1x8x128xf32, #tpu.memory_space<hbm>> -> memref<8x128xf32, #tpu.memory_space<hbm>>
    %dma_start3A_1034 = arith.constant 8 : i32
    %dma_start3A_1035 = arith.constant 0 : i32
    %dma_start3A_1036 = tpu.memref_slice %arg10[%dma_start3A_1034, %dma_start3A_1035] : memref<32x128xf32, #tpu.memory_space<vmem>> -> memref<8x128xf32, #tpu.memory_space<vmem>>
    tpu.enqueue_dma source(%dma_start3A_1036 : memref<8x128xf32, #tpu.memory_space<vmem>>) target(%dma_start3A_1033 : memref<8x128xf32, #tpu.memory_space<hbm>>) target_semaphore(%arg16 : memref<!tpu.dma_semaphore, #tpu.memory_space<semaphore_mem>>)
    %mul3A_1037 = arith.constant 4 : i32
    %mul3A_1038 = arith.muli %add3A, %mul3A_1037 : i32
    %add3A_1039 = arith.constant 3 : i32
    %add3A_1040 = arith.addi %mul3A_1038, %add3A_1039 : i32
    %dma_start3A_1041 = arith.constant 48 : i32
    %dma_start3A_1042 = arith.constant 2 : i32
    %dma_start3A_1043 = arith.constant 16 : i32
    %dma_start3A_1044 = arith.constant 0 : i32
    %dma_start3A_1045 = tpu.memref_slice %arg10[%dma_start3A_1043, %dma_start3A_1044] : memref<32x128xf32, #tpu.memory_space<vmem>> -> memref<8x128xf32, #tpu.memory_space<vmem>>
    %dma_start3A_1046 = arith.constant 0 : i32
    %dma_start3A_1047 = arith.constant 0 : i32
    %dma_start3A_1048 = tpu.memref_slice %arg4[%dma_start3A_1041, %dma_start3A_1042, %add3A_1040, %dma_start3A_1046, %dma_start3A_1047] : memref<50x4x128x8x128xf32, #tpu.memory_space<hbm>> -> memref<1x1x1x8x128xf32, #tpu.memory_space<hbm>>
    %dma_start3A_1049 = tpu.memref_squeeze %dma_start3A_1048 : memref<1x1x1x8x128xf32, #tpu.memory_space<hbm>> -> memref<8x128xf32, #tpu.memory_space<hbm>>
    %dma_start3A_1050 = arith.constant 0 : i32
    %dma_start3A_1051 = arith.constant 0 : i32
    %dma_start3A_1052 = tpu.memref_slice %arg4[%dma_start3A_1041, %dma_start3A_1042, %add3A_1040, %dma_start3A_1050, %dma_start3A_1051] : memref<50x4x128x8x128xf32, #tpu.memory_space<hbm>> -> memref<1x1x1x8x128xf32, #tpu.memory_space<hbm>>
    %dma_start3A_1053 = tpu.memref_squeeze %dma_start3A_1052 : memref<1x1x1x8x128xf32, #tpu.memory_space<hbm>> -> memref<8x128xf32, #tpu.memory_space<hbm>>
    %dma_start3A_1054 = arith.constant 16 : i32
    %dma_start3A_1055 = arith.constant 0 : i32
    %dma_start3A_1056 = tpu.memref_slice %arg10[%dma_start3A_1054, %dma_start3A_1055] : memref<32x128xf32, #tpu.memory_space<vmem>> -> memref<8x128xf32, #tpu.memory_space<vmem>>
    tpu.enqueue_dma source(%dma_start3A_1056 : memref<8x128xf32, #tpu.memory_space<vmem>>) target(%dma_start3A_1053 : memref<8x128xf32, #tpu.memory_space<hbm>>) target_semaphore(%arg16 : memref<!tpu.dma_semaphore, #tpu.memory_space<semaphore_mem>>)
    %mul3A_1057 = arith.constant 4 : i32
    %mul3A_1058 = arith.muli %add3A, %mul3A_1057 : i32
    %add3A_1059 = arith.constant 3 : i32
    %add3A_1060 = arith.addi %mul3A_1058, %add3A_1059 : i32
    %dma_start3A_1061 = arith.constant 48 : i32
    %dma_start3A_1062 = arith.constant 3 : i32
    %dma_start3A_1063 = arith.constant 24 : i32
    %dma_start3A_1064 = arith.constant 0 : i32
    %dma_start3A_1065 = tpu.memref_slice %arg10[%dma_start3A_1063, %dma_start3A_1064] : memref<32x128xf32, #tpu.memory_space<vmem>> -> memref<8x128xf32, #tpu.memory_space<vmem>>
    %dma_start3A_1066 = arith.constant 0 : i32
    %dma_start3A_1067 = arith.constant 0 : i32
    %dma_start3A_1068 = tpu.memref_slice %arg4[%dma_start3A_1061, %dma_start3A_1062, %add3A_1060, %dma_start3A_1066, %dma_start3A_1067] : memref<50x4x128x8x128xf32, #tpu.memory_space<hbm>> -> memref<1x1x1x8x128xf32, #tpu.memory_space<hbm>>
    %dma_start3A_1069 = tpu.memref_squeeze %dma_start3A_1068 : memref<1x1x1x8x128xf32, #tpu.memory_space<hbm>> -> memref<8x128xf32, #tpu.memory_space<hbm>>
    %dma_start3A_1070 = arith.constant 0 : i32
    %dma_start3A_1071 = arith.constant 0 : i32
    %dma_start3A_1072 = tpu.memref_slice %arg4[%dma_start3A_1061, %dma_start3A_1062, %add3A_1060, %dma_start3A_1070, %dma_start3A_1071] : memref<50x4x128x8x128xf32, #tpu.memory_space<hbm>> -> memref<1x1x1x8x128xf32, #tpu.memory_space<hbm>>
    %dma_start3A_1073 = tpu.memref_squeeze %dma_start3A_1072 : memref<1x1x1x8x128xf32, #tpu.memory_space<hbm>> -> memref<8x128xf32, #tpu.memory_space<hbm>>
    %dma_start3A_1074 = arith.constant 24 : i32
    %dma_start3A_1075 = arith.constant 0 : i32
    %dma_start3A_1076 = tpu.memref_slice %arg10[%dma_start3A_1074, %dma_start3A_1075] : memref<32x128xf32, #tpu.memory_space<vmem>> -> memref<8x128xf32, #tpu.memory_space<vmem>>
    tpu.enqueue_dma source(%dma_start3A_1076 : memref<8x128xf32, #tpu.memory_space<vmem>>) target(%dma_start3A_1073 : memref<8x128xf32, #tpu.memory_space<hbm>>) target_semaphore(%arg16 : memref<!tpu.dma_semaphore, #tpu.memory_space<semaphore_mem>>)
    %dma_wait3A_1077 = arith.constant 0 : i32
    %dma_wait3A_1078 = arith.constant 0 : i32
    %dma_wait3A_1079 = tpu.memref_slice %arg2[%dma_wait3A_1077, %dma_wait3A_1078] : memref<1000000x32xf32, #tpu.memory_space<hbm>> -> memref<128x32xf32, #tpu.memory_space<hbm>>
    %dma_wait3A_1080 = arith.constant 0 : i32
    %dma_wait3A_1081 = arith.constant 0 : i32
    %dma_wait3A_1082 = tpu.memref_slice %arg2[%dma_wait3A_1080, %dma_wait3A_1081] : memref<1000000x32xf32, #tpu.memory_space<hbm>> -> memref<128x32xf32, #tpu.memory_space<hbm>>
    tpu.wait_dma2 semaphore(%arg15 : memref<!tpu.dma_semaphore, #tpu.memory_space<semaphore_mem>>) src(%dma_wait3A_1082 : memref<128x32xf32, #tpu.memory_space<hbm>>) dst(%arg9 : memref<128x32xf32, #tpu.memory_space<vmem>>)
    %dma_wait3A_1083 = arith.constant 0 : i32
    %dma_wait3A_1084 = arith.constant 0 : i32
    %dma_wait3A_1085 = arith.constant 0 : i32
    %dma_wait3A_1086 = arith.constant 0 : i32
    %dma_wait3A_1087 = arith.constant 0 : i32
    %dma_wait3A_1088 = tpu.memref_slice %arg11[%dma_wait3A_1086, %dma_wait3A_1087] : memref<32x128xf32, #tpu.memory_space<vmem>> -> memref<8x128xf32, #tpu.memory_space<vmem>>
    %dma_wait3A_1089 = arith.constant 0 : i32
    %dma_wait3A_1090 = arith.constant 0 : i32
    %dma_wait3A_1091 = tpu.memref_slice %arg4[%dma_wait3A_1083, %dma_wait3A_1084, %dma_wait3A_1085, %dma_wait3A_1089, %dma_wait3A_1090] : memref<50x4x128x8x128xf32, #tpu.memory_space<hbm>> -> memref<1x1x1x8x128xf32, #tpu.memory_space<hbm>>
    %dma_wait3A_1092 = tpu.memref_squeeze %dma_wait3A_1091 : memref<1x1x1x8x128xf32, #tpu.memory_space<hbm>> -> memref<8x128xf32, #tpu.memory_space<hbm>>
    %dma_wait3A_1093 = arith.constant 0 : i32
    %dma_wait3A_1094 = arith.constant 0 : i32
    %dma_wait3A_1095 = tpu.memref_slice %arg4[%dma_wait3A_1083, %dma_wait3A_1084, %dma_wait3A_1085, %dma_wait3A_1093, %dma_wait3A_1094] : memref<50x4x128x8x128xf32, #tpu.memory_space<hbm>> -> memref<1x1x1x8x128xf32, #tpu.memory_space<hbm>>
    %dma_wait3A_1096 = tpu.memref_squeeze %dma_wait3A_1095 : memref<1x1x1x8x128xf32, #tpu.memory_space<hbm>> -> memref<8x128xf32, #tpu.memory_space<hbm>>
    %dma_wait3A_1097 = arith.constant 0 : i32
    %dma_wait3A_1098 = arith.constant 0 : i32
    %dma_wait3A_1099 = tpu.memref_slice %arg11[%dma_wait3A_1097, %dma_wait3A_1098] : memref<32x128xf32, #tpu.memory_space<vmem>> -> memref<8x128xf32, #tpu.memory_space<vmem>>
    tpu.wait_dma2 semaphore(%arg17 : memref<!tpu.dma_semaphore, #tpu.memory_space<semaphore_mem>>) src(%dma_wait3A_1099 : memref<8x128xf32, #tpu.memory_space<vmem>>) dst(%dma_wait3A_1096 : memref<8x128xf32, #tpu.memory_space<hbm>>)
    %dma_wait3A_1100 = arith.constant 0 : i32
    %dma_wait3A_1101 = arith.constant 1 : i32
    %dma_wait3A_1102 = arith.constant 0 : i32
    %dma_wait3A_1103 = arith.constant 8 : i32
    %dma_wait3A_1104 = arith.constant 0 : i32
    %dma_wait3A_1105 = tpu.memref_slice %arg11[%dma_wait3A_1103, %dma_wait3A_1104] : memref<32x128xf32, #tpu.memory_space<vmem>> -> memref<8x128xf32, #tpu.memory_space<vmem>>
    %dma_wait3A_1106 = arith.constant 0 : i32
    %dma_wait3A_1107 = arith.constant 0 : i32
    %dma_wait3A_1108 = tpu.memref_slice %arg4[%dma_wait3A_1100, %dma_wait3A_1101, %dma_wait3A_1102, %dma_wait3A_1106, %dma_wait3A_1107] : memref<50x4x128x8x128xf32, #tpu.memory_space<hbm>> -> memref<1x1x1x8x128xf32, #tpu.memory_space<hbm>>
    %dma_wait3A_1109 = tpu.memref_squeeze %dma_wait3A_1108 : memref<1x1x1x8x128xf32, #tpu.memory_space<hbm>> -> memref<8x128xf32, #tpu.memory_space<hbm>>
    %dma_wait3A_1110 = arith.constant 0 : i32
    %dma_wait3A_1111 = arith.constant 0 : i32
    %dma_wait3A_1112 = tpu.memref_slice %arg4[%dma_wait3A_1100, %dma_wait3A_1101, %dma_wait3A_1102, %dma_wait3A_1110, %dma_wait3A_1111] : memref<50x4x128x8x128xf32, #tpu.memory_space<hbm>> -> memref<1x1x1x8x128xf32, #tpu.memory_space<hbm>>
    %dma_wait3A_1113 = tpu.memref_squeeze %dma_wait3A_1112 : memref<1x1x1x8x128xf32, #tpu.memory_space<hbm>> -> memref<8x128xf32, #tpu.memory_space<hbm>>
    %dma_wait3A_1114 = arith.constant 8 : i32
    %dma_wait3A_1115 = arith.constant 0 : i32
    %dma_wait3A_1116 = tpu.memref_slice %arg11[%dma_wait3A_1114, %dma_wait3A_1115] : memref<32x128xf32, #tpu.memory_space<vmem>> -> memref<8x128xf32, #tpu.memory_space<vmem>>
    tpu.wait_dma2 semaphore(%arg17 : memref<!tpu.dma_semaphore, #tpu.memory_space<semaphore_mem>>) src(%dma_wait3A_1116 : memref<8x128xf32, #tpu.memory_space<vmem>>) dst(%dma_wait3A_1113 : memref<8x128xf32, #tpu.memory_space<hbm>>)
    %dma_wait3A_1117 = arith.constant 0 : i32
    %dma_wait3A_1118 = arith.constant 2 : i32
    %dma_wait3A_1119 = arith.constant 0 : i32
    %dma_wait3A_1120 = arith.constant 16 : i32
    %dma_wait3A_1121 = arith.constant 0 : i32
    %dma_wait3A_1122 = tpu.memref_slice %arg11[%dma_wait3A_1120, %dma_wait3A_1121] : memref<32x128xf32, #tpu.memory_space<vmem>> -> memref<8x128xf32, #tpu.memory_space<vmem>>
    %dma_wait3A_1123 = arith.constant 0 : i32
    %dma_wait3A_1124 = arith.constant 0 : i32
    %dma_wait3A_1125 = tpu.memref_slice %arg4[%dma_wait3A_1117, %dma_wait3A_1118, %dma_wait3A_1119, %dma_wait3A_1123, %dma_wait3A_1124] : memref<50x4x128x8x128xf32, #tpu.memory_space<hbm>> -> memref<1x1x1x8x128xf32, #tpu.memory_space<hbm>>
    %dma_wait3A_1126 = tpu.memref_squeeze %dma_wait3A_1125 : memref<1x1x1x8x128xf32, #tpu.memory_space<hbm>> -> memref<8x128xf32, #tpu.memory_space<hbm>>
    %dma_wait3A_1127 = arith.constant 0 : i32
    %dma_wait3A_1128 = arith.constant 0 : i32
    %dma_wait3A_1129 = tpu.memref_slice %arg4[%dma_wait3A_1117, %dma_wait3A_1118, %dma_wait3A_1119, %dma_wait3A_1127, %dma_wait3A_1128] : memref<50x4x128x8x128xf32, #tpu.memory_space<hbm>> -> memref<1x1x1x8x128xf32, #tpu.memory_space<hbm>>
    %dma_wait3A_1130 = tpu.memref_squeeze %dma_wait3A_1129 : memref<1x1x1x8x128xf32, #tpu.memory_space<hbm>> -> memref<8x128xf32, #tpu.memory_space<hbm>>
    %dma_wait3A_1131 = arith.constant 16 : i32
    %dma_wait3A_1132 = arith.constant 0 : i32
    %dma_wait3A_1133 = tpu.memref_slice %arg11[%dma_wait3A_1131, %dma_wait3A_1132] : memref<32x128xf32, #tpu.memory_space<vmem>> -> memref<8x128xf32, #tpu.memory_space<vmem>>
    tpu.wait_dma2 semaphore(%arg17 : memref<!tpu.dma_semaphore, #tpu.memory_space<semaphore_mem>>) src(%dma_wait3A_1133 : memref<8x128xf32, #tpu.memory_space<vmem>>) dst(%dma_wait3A_1130 : memref<8x128xf32, #tpu.memory_space<hbm>>)
    %dma_wait3A_1134 = arith.constant 0 : i32
    %dma_wait3A_1135 = arith.constant 3 : i32
    %dma_wait3A_1136 = arith.constant 0 : i32
    %dma_wait3A_1137 = arith.constant 24 : i32
    %dma_wait3A_1138 = arith.constant 0 : i32
    %dma_wait3A_1139 = tpu.memref_slice %arg11[%dma_wait3A_1137, %dma_wait3A_1138] : memref<32x128xf32, #tpu.memory_space<vmem>> -> memref<8x128xf32, #tpu.memory_space<vmem>>
    %dma_wait3A_1140 = arith.constant 0 : i32
    %dma_wait3A_1141 = arith.constant 0 : i32
    %dma_wait3A_1142 = tpu.memref_slice %arg4[%dma_wait3A_1134, %dma_wait3A_1135, %dma_wait3A_1136, %dma_wait3A_1140, %dma_wait3A_1141] : memref<50x4x128x8x128xf32, #tpu.memory_space<hbm>> -> memref<1x1x1x8x128xf32, #tpu.memory_space<hbm>>
    %dma_wait3A_1143 = tpu.memref_squeeze %dma_wait3A_1142 : memref<1x1x1x8x128xf32, #tpu.memory_space<hbm>> -> memref<8x128xf32, #tpu.memory_space<hbm>>
    %dma_wait3A_1144 = arith.constant 0 : i32
    %dma_wait3A_1145 = arith.constant 0 : i32
    %dma_wait3A_1146 = tpu.memref_slice %arg4[%dma_wait3A_1134, %dma_wait3A_1135, %dma_wait3A_1136, %dma_wait3A_1144, %dma_wait3A_1145] : memref<50x4x128x8x128xf32, #tpu.memory_space<hbm>> -> memref<1x1x1x8x128xf32, #tpu.memory_space<hbm>>
    %dma_wait3A_1147 = tpu.memref_squeeze %dma_wait3A_1146 : memref<1x1x1x8x128xf32, #tpu.memory_space<hbm>> -> memref<8x128xf32, #tpu.memory_space<hbm>>
    %dma_wait3A_1148 = arith.constant 24 : i32
    %dma_wait3A_1149 = arith.constant 0 : i32
    %dma_wait3A_1150 = tpu.memref_slice %arg11[%dma_wait3A_1148, %dma_wait3A_1149] : memref<32x128xf32, #tpu.memory_space<vmem>> -> memref<8x128xf32, #tpu.memory_space<vmem>>
    tpu.wait_dma2 semaphore(%arg17 : memref<!tpu.dma_semaphore, #tpu.memory_space<semaphore_mem>>) src(%dma_wait3A_1150 : memref<8x128xf32, #tpu.memory_space<vmem>>) dst(%dma_wait3A_1147 : memref<8x128xf32, #tpu.memory_space<hbm>>)
    %scan3A_1151 = arith.constant 0 : i32
    %scan3A_1152 = arith.constant 0 : i32
    %scan3A_1153 = arith.constant 32 : i32
    %scan3A_1154 = arith.addi %scan3A_1152, %scan3A_1153 : i32
    %scan3A_1155 = arith.constant 1 : i32
    scf.for %scan3A_1373 = %scan3A_1152 to %scan3A_1154 step %scan3A_1155  : i32 {
      %broadcast_in_dim3A = vector.broadcast %scan3A_1373 : i32 to vector<16xi32>
      %gather3A = tpu.vector_load_idx %arg9[%add3A_5, %broadcast_in_dim3A] : memref<128x32xf32, #tpu.memory_space<vmem>>[vector<16xi32>, vector<16xi32>], vector<16xf32>,
      %swap3A = arith.index_cast %scan3A_1373 : i32 to index
      %swap3A_1374 = arith.constant 0 : index
      %swap3A_1375 = tpu.vector_load %arg11[%swap3A, %swap3A_1374] {strides = array<i32>} : memref<32x128xf32, #tpu.memory_space<vmem>>, vector<16xf32>,
      tpu.vector_store %arg11[%swap3A, %swap3A_1374], %gather3A {strides = array<i32>} : memref<32x128xf32, #tpu.memory_space<vmem>>, vector<16xf32>,
      %gather3A_1376 = tpu.vector_load_idx %arg9[%add3A_9, %broadcast_in_dim3A] : memref<128x32xf32, #tpu.memory_space<vmem>>[vector<16xi32>, vector<16xi32>], vector<16xf32>,
      %swap3A_1377 = arith.index_cast %scan3A_1373 : i32 to index
      %swap3A_1378 = arith.constant 16 : index
      %swap3A_1379 = tpu.vector_load %arg11[%swap3A_1377, %swap3A_1378] {strides = array<i32>} : memref<32x128xf32, #tpu.memory_space<vmem>>, vector<16xf32>,
      tpu.vector_store %arg11[%swap3A_1377, %swap3A_1378], %gather3A_1376 {strides = array<i32>} : memref<32x128xf32, #tpu.memory_space<vmem>>, vector<16xf32>,
      %gather3A_1380 = tpu.vector_load_idx %arg9[%add3A_13, %broadcast_in_dim3A] : memref<128x32xf32, #tpu.memory_space<vmem>>[vector<16xi32>, vector<16xi32>], vector<16xf32>,
      %swap3A_1381 = arith.index_cast %scan3A_1373 : i32 to index
      %swap3A_1382 = arith.constant 32 : index
      %swap3A_1383 = tpu.vector_load %arg11[%swap3A_1381, %swap3A_1382] {strides = array<i32>} : memref<32x128xf32, #tpu.memory_space<vmem>>, vector<16xf32>,
      tpu.vector_store %arg11[%swap3A_1381, %swap3A_1382], %gather3A_1380 {strides = array<i32>} : memref<32x128xf32, #tpu.memory_space<vmem>>, vector<16xf32>,
      %gather3A_1384 = tpu.vector_load_idx %arg9[%add3A_17, %broadcast_in_dim3A] : memref<128x32xf32, #tpu.memory_space<vmem>>[vector<16xi32>, vector<16xi32>], vector<16xf32>,
      %swap3A_1385 = arith.index_cast %scan3A_1373 : i32 to index
      %swap3A_1386 = arith.constant 48 : index
      %swap3A_1387 = tpu.vector_load %arg11[%swap3A_1385, %swap3A_1386] {strides = array<i32>} : memref<32x128xf32, #tpu.memory_space<vmem>>, vector<16xf32>,
      tpu.vector_store %arg11[%swap3A_1385, %swap3A_1386], %gather3A_1384 {strides = array<i32>} : memref<32x128xf32, #tpu.memory_space<vmem>>, vector<16xf32>,
      %gather3A_1388 = tpu.vector_load_idx %arg9[%add3A_21, %broadcast_in_dim3A] : memref<128x32xf32, #tpu.memory_space<vmem>>[vector<16xi32>, vector<16xi32>], vector<16xf32>,
      %swap3A_1389 = arith.index_cast %scan3A_1373 : i32 to index
      %swap3A_1390 = arith.constant 64 : index
      %swap3A_1391 = tpu.vector_load %arg11[%swap3A_1389, %swap3A_1390] {strides = array<i32>} : memref<32x128xf32, #tpu.memory_space<vmem>>, vector<16xf32>,
      tpu.vector_store %arg11[%swap3A_1389, %swap3A_1390], %gather3A_1388 {strides = array<i32>} : memref<32x128xf32, #tpu.memory_space<vmem>>, vector<16xf32>,
      %gather3A_1392 = tpu.vector_load_idx %arg9[%add3A_25, %broadcast_in_dim3A] : memref<128x32xf32, #tpu.memory_space<vmem>>[vector<16xi32>, vector<16xi32>], vector<16xf32>,
      %swap3A_1393 = arith.index_cast %scan3A_1373 : i32 to index
      %swap3A_1394 = arith.constant 80 : index
      %swap3A_1395 = tpu.vector_load %arg11[%swap3A_1393, %swap3A_1394] {strides = array<i32>} : memref<32x128xf32, #tpu.memory_space<vmem>>, vector<16xf32>,
      tpu.vector_store %arg11[%swap3A_1393, %swap3A_1394], %gather3A_1392 {strides = array<i32>} : memref<32x128xf32, #tpu.memory_space<vmem>>, vector<16xf32>,
      %gather3A_1396 = tpu.vector_load_idx %arg9[%add3A_29, %broadcast_in_dim3A] : memref<128x32xf32, #tpu.memory_space<vmem>>[vector<16xi32>, vector<16xi32>], vector<16xf32>,
      %swap3A_1397 = arith.index_cast %scan3A_1373 : i32 to index
      %swap3A_1398 = arith.constant 96 : index
      %swap3A_1399 = tpu.vector_load %arg11[%swap3A_1397, %swap3A_1398] {strides = array<i32>} : memref<32x128xf32, #tpu.memory_space<vmem>>, vector<16xf32>,
      tpu.vector_store %arg11[%swap3A_1397, %swap3A_1398], %gather3A_1396 {strides = array<i32>} : memref<32x128xf32, #tpu.memory_space<vmem>>, vector<16xf32>,
      %gather3A_1400 = tpu.vector_load_idx %arg9[%add3A_33, %broadcast_in_dim3A] : memref<128x32xf32, #tpu.memory_space<vmem>>[vector<16xi32>, vector<16xi32>], vector<16xf32>,
      %swap3A_1401 = arith.index_cast %scan3A_1373 : i32 to index
      %swap3A_1402 = arith.constant 112 : index
      %swap3A_1403 = tpu.vector_load %arg11[%swap3A_1401, %swap3A_1402] {strides = array<i32>} : memref<32x128xf32, #tpu.memory_space<vmem>>, vector<16xf32>,
      tpu.vector_store %arg11[%swap3A_1401, %swap3A_1402], %gather3A_1400 {strides = array<i32>} : memref<32x128xf32, #tpu.memory_space<vmem>>, vector<16xf32>,
    }
    %scan3A_1156 = arith.constant 32 : i32
    %mul3A_1157 = arith.constant 4 : i32
    %mul3A_1158 = arith.muli %add3A, %mul3A_1157 : i32
    %add3A_1159 = arith.constant 3 : i32
    %add3A_1160 = arith.addi %mul3A_1158, %add3A_1159 : i32
    %dma_start3A_1161 = arith.constant 49 : i32
    %dma_start3A_1162 = arith.constant 0 : i32
    %dma_start3A_1163 = arith.constant 0 : i32
    %dma_start3A_1164 = arith.constant 0 : i32
    %dma_start3A_1165 = tpu.memref_slice %arg11[%dma_start3A_1163, %dma_start3A_1164] : memref<32x128xf32, #tpu.memory_space<vmem>> -> memref<8x128xf32, #tpu.memory_space<vmem>>
    %dma_start3A_1166 = arith.constant 0 : i32
    %dma_start3A_1167 = arith.constant 0 : i32
    %dma_start3A_1168 = tpu.memref_slice %arg4[%dma_start3A_1161, %dma_start3A_1162, %add3A_1160, %dma_start3A_1166, %dma_start3A_1167] : memref<50x4x128x8x128xf32, #tpu.memory_space<hbm>> -> memref<1x1x1x8x128xf32, #tpu.memory_space<hbm>>
    %dma_start3A_1169 = tpu.memref_squeeze %dma_start3A_1168 : memref<1x1x1x8x128xf32, #tpu.memory_space<hbm>> -> memref<8x128xf32, #tpu.memory_space<hbm>>
    %dma_start3A_1170 = arith.constant 0 : i32
    %dma_start3A_1171 = arith.constant 0 : i32
    %dma_start3A_1172 = tpu.memref_slice %arg4[%dma_start3A_1161, %dma_start3A_1162, %add3A_1160, %dma_start3A_1170, %dma_start3A_1171] : memref<50x4x128x8x128xf32, #tpu.memory_space<hbm>> -> memref<1x1x1x8x128xf32, #tpu.memory_space<hbm>>
    %dma_start3A_1173 = tpu.memref_squeeze %dma_start3A_1172 : memref<1x1x1x8x128xf32, #tpu.memory_space<hbm>> -> memref<8x128xf32, #tpu.memory_space<hbm>>
    %dma_start3A_1174 = arith.constant 0 : i32
    %dma_start3A_1175 = arith.constant 0 : i32
    %dma_start3A_1176 = tpu.memref_slice %arg11[%dma_start3A_1174, %dma_start3A_1175] : memref<32x128xf32, #tpu.memory_space<vmem>> -> memref<8x128xf32, #tpu.memory_space<vmem>>
    tpu.enqueue_dma source(%dma_start3A_1176 : memref<8x128xf32, #tpu.memory_space<vmem>>) target(%dma_start3A_1173 : memref<8x128xf32, #tpu.memory_space<hbm>>) target_semaphore(%arg17 : memref<!tpu.dma_semaphore, #tpu.memory_space<semaphore_mem>>)
    %mul3A_1177 = arith.constant 4 : i32
    %mul3A_1178 = arith.muli %add3A, %mul3A_1177 : i32
    %add3A_1179 = arith.constant 3 : i32
    %add3A_1180 = arith.addi %mul3A_1178, %add3A_1179 : i32
    %dma_start3A_1181 = arith.constant 49 : i32
    %dma_start3A_1182 = arith.constant 1 : i32
    %dma_start3A_1183 = arith.constant 8 : i32
    %dma_start3A_1184 = arith.constant 0 : i32
    %dma_start3A_1185 = tpu.memref_slice %arg11[%dma_start3A_1183, %dma_start3A_1184] : memref<32x128xf32, #tpu.memory_space<vmem>> -> memref<8x128xf32, #tpu.memory_space<vmem>>
    %dma_start3A_1186 = arith.constant 0 : i32
    %dma_start3A_1187 = arith.constant 0 : i32
    %dma_start3A_1188 = tpu.memref_slice %arg4[%dma_start3A_1181, %dma_start3A_1182, %add3A_1180, %dma_start3A_1186, %dma_start3A_1187] : memref<50x4x128x8x128xf32, #tpu.memory_space<hbm>> -> memref<1x1x1x8x128xf32, #tpu.memory_space<hbm>>
    %dma_start3A_1189 = tpu.memref_squeeze %dma_start3A_1188 : memref<1x1x1x8x128xf32, #tpu.memory_space<hbm>> -> memref<8x128xf32, #tpu.memory_space<hbm>>
    %dma_start3A_1190 = arith.constant 0 : i32
    %dma_start3A_1191 = arith.constant 0 : i32
    %dma_start3A_1192 = tpu.memref_slice %arg4[%dma_start3A_1181, %dma_start3A_1182, %add3A_1180, %dma_start3A_1190, %dma_start3A_1191] : memref<50x4x128x8x128xf32, #tpu.memory_space<hbm>> -> memref<1x1x1x8x128xf32, #tpu.memory_space<hbm>>
    %dma_start3A_1193 = tpu.memref_squeeze %dma_start3A_1192 : memref<1x1x1x8x128xf32, #tpu.memory_space<hbm>> -> memref<8x128xf32, #tpu.memory_space<hbm>>
    %dma_start3A_1194 = arith.constant 8 : i32
    %dma_start3A_1195 = arith.constant 0 : i32
    %dma_start3A_1196 = tpu.memref_slice %arg11[%dma_start3A_1194, %dma_start3A_1195] : memref<32x128xf32, #tpu.memory_space<vmem>> -> memref<8x128xf32, #tpu.memory_space<vmem>>
    tpu.enqueue_dma source(%dma_start3A_1196 : memref<8x128xf32, #tpu.memory_space<vmem>>) target(%dma_start3A_1193 : memref<8x128xf32, #tpu.memory_space<hbm>>) target_semaphore(%arg17 : memref<!tpu.dma_semaphore, #tpu.memory_space<semaphore_mem>>)
    %mul3A_1197 = arith.constant 4 : i32
    %mul3A_1198 = arith.muli %add3A, %mul3A_1197 : i32
    %add3A_1199 = arith.constant 3 : i32
    %add3A_1200 = arith.addi %mul3A_1198, %add3A_1199 : i32
    %dma_start3A_1201 = arith.constant 49 : i32
    %dma_start3A_1202 = arith.constant 2 : i32
    %dma_start3A_1203 = arith.constant 16 : i32
    %dma_start3A_1204 = arith.constant 0 : i32
    %dma_start3A_1205 = tpu.memref_slice %arg11[%dma_start3A_1203, %dma_start3A_1204] : memref<32x128xf32, #tpu.memory_space<vmem>> -> memref<8x128xf32, #tpu.memory_space<vmem>>
    %dma_start3A_1206 = arith.constant 0 : i32
    %dma_start3A_1207 = arith.constant 0 : i32
    %dma_start3A_1208 = tpu.memref_slice %arg4[%dma_start3A_1201, %dma_start3A_1202, %add3A_1200, %dma_start3A_1206, %dma_start3A_1207] : memref<50x4x128x8x128xf32, #tpu.memory_space<hbm>> -> memref<1x1x1x8x128xf32, #tpu.memory_space<hbm>>
    %dma_start3A_1209 = tpu.memref_squeeze %dma_start3A_1208 : memref<1x1x1x8x128xf32, #tpu.memory_space<hbm>> -> memref<8x128xf32, #tpu.memory_space<hbm>>
    %dma_start3A_1210 = arith.constant 0 : i32
    %dma_start3A_1211 = arith.constant 0 : i32
    %dma_start3A_1212 = tpu.memref_slice %arg4[%dma_start3A_1201, %dma_start3A_1202, %add3A_1200, %dma_start3A_1210, %dma_start3A_1211] : memref<50x4x128x8x128xf32, #tpu.memory_space<hbm>> -> memref<1x1x1x8x128xf32, #tpu.memory_space<hbm>>
    %dma_start3A_1213 = tpu.memref_squeeze %dma_start3A_1212 : memref<1x1x1x8x128xf32, #tpu.memory_space<hbm>> -> memref<8x128xf32, #tpu.memory_space<hbm>>
    %dma_start3A_1214 = arith.constant 16 : i32
    %dma_start3A_1215 = arith.constant 0 : i32
    %dma_start3A_1216 = tpu.memref_slice %arg11[%dma_start3A_1214, %dma_start3A_1215] : memref<32x128xf32, #tpu.memory_space<vmem>> -> memref<8x128xf32, #tpu.memory_space<vmem>>
    tpu.enqueue_dma source(%dma_start3A_1216 : memref<8x128xf32, #tpu.memory_space<vmem>>) target(%dma_start3A_1213 : memref<8x128xf32, #tpu.memory_space<hbm>>) target_semaphore(%arg17 : memref<!tpu.dma_semaphore, #tpu.memory_space<semaphore_mem>>)
    %mul3A_1217 = arith.constant 4 : i32
    %mul3A_1218 = arith.muli %add3A, %mul3A_1217 : i32
    %add3A_1219 = arith.constant 3 : i32
    %add3A_1220 = arith.addi %mul3A_1218, %add3A_1219 : i32
    %dma_start3A_1221 = arith.constant 49 : i32
    %dma_start3A_1222 = arith.constant 3 : i32
    %dma_start3A_1223 = arith.constant 24 : i32
    %dma_start3A_1224 = arith.constant 0 : i32
    %dma_start3A_1225 = tpu.memref_slice %arg11[%dma_start3A_1223, %dma_start3A_1224] : memref<32x128xf32, #tpu.memory_space<vmem>> -> memref<8x128xf32, #tpu.memory_space<vmem>>
    %dma_start3A_1226 = arith.constant 0 : i32
    %dma_start3A_1227 = arith.constant 0 : i32
    %dma_start3A_1228 = tpu.memref_slice %arg4[%dma_start3A_1221, %dma_start3A_1222, %add3A_1220, %dma_start3A_1226, %dma_start3A_1227] : memref<50x4x128x8x128xf32, #tpu.memory_space<hbm>> -> memref<1x1x1x8x128xf32, #tpu.memory_space<hbm>>
    %dma_start3A_1229 = tpu.memref_squeeze %dma_start3A_1228 : memref<1x1x1x8x128xf32, #tpu.memory_space<hbm>> -> memref<8x128xf32, #tpu.memory_space<hbm>>
    %dma_start3A_1230 = arith.constant 0 : i32
    %dma_start3A_1231 = arith.constant 0 : i32
    %dma_start3A_1232 = tpu.memref_slice %arg4[%dma_start3A_1221, %dma_start3A_1222, %add3A_1220, %dma_start3A_1230, %dma_start3A_1231] : memref<50x4x128x8x128xf32, #tpu.memory_space<hbm>> -> memref<1x1x1x8x128xf32, #tpu.memory_space<hbm>>
    %dma_start3A_1233 = tpu.memref_squeeze %dma_start3A_1232 : memref<1x1x1x8x128xf32, #tpu.memory_space<hbm>> -> memref<8x128xf32, #tpu.memory_space<hbm>>
    %dma_start3A_1234 = arith.constant 24 : i32
    %dma_start3A_1235 = arith.constant 0 : i32
    %dma_start3A_1236 = tpu.memref_slice %arg11[%dma_start3A_1234, %dma_start3A_1235] : memref<32x128xf32, #tpu.memory_space<vmem>> -> memref<8x128xf32, #tpu.memory_space<vmem>>
    tpu.enqueue_dma source(%dma_start3A_1236 : memref<8x128xf32, #tpu.memory_space<vmem>>) target(%dma_start3A_1233 : memref<8x128xf32, #tpu.memory_space<hbm>>) target_semaphore(%arg17 : memref<!tpu.dma_semaphore, #tpu.memory_space<semaphore_mem>>)
    %dma_wait3A_1237 = arith.constant 0 : i32
    %dma_wait3A_1238 = arith.constant 0 : i32
    %dma_wait3A_1239 = arith.constant 0 : i32
    %dma_wait3A_1240 = arith.constant 0 : i32
    %dma_wait3A_1241 = arith.constant 0 : i32
    %dma_wait3A_1242 = tpu.memref_slice %arg10[%dma_wait3A_1240, %dma_wait3A_1241] : memref<32x128xf32, #tpu.memory_space<vmem>> -> memref<8x128xf32, #tpu.memory_space<vmem>>
    %dma_wait3A_1243 = arith.constant 0 : i32
    %dma_wait3A_1244 = arith.constant 0 : i32
    %dma_wait3A_1245 = tpu.memref_slice %arg4[%dma_wait3A_1237, %dma_wait3A_1238, %dma_wait3A_1239, %dma_wait3A_1243, %dma_wait3A_1244] : memref<50x4x128x8x128xf32, #tpu.memory_space<hbm>> -> memref<1x1x1x8x128xf32, #tpu.memory_space<hbm>>
    %dma_wait3A_1246 = tpu.memref_squeeze %dma_wait3A_1245 : memref<1x1x1x8x128xf32, #tpu.memory_space<hbm>> -> memref<8x128xf32, #tpu.memory_space<hbm>>
    %dma_wait3A_1247 = arith.constant 0 : i32
    %dma_wait3A_1248 = arith.constant 0 : i32
    %dma_wait3A_1249 = tpu.memref_slice %arg4[%dma_wait3A_1237, %dma_wait3A_1238, %dma_wait3A_1239, %dma_wait3A_1247, %dma_wait3A_1248] : memref<50x4x128x8x128xf32, #tpu.memory_space<hbm>> -> memref<1x1x1x8x128xf32, #tpu.memory_space<hbm>>
    %dma_wait3A_1250 = tpu.memref_squeeze %dma_wait3A_1249 : memref<1x1x1x8x128xf32, #tpu.memory_space<hbm>> -> memref<8x128xf32, #tpu.memory_space<hbm>>
    %dma_wait3A_1251 = arith.constant 0 : i32
    %dma_wait3A_1252 = arith.constant 0 : i32
    %dma_wait3A_1253 = tpu.memref_slice %arg10[%dma_wait3A_1251, %dma_wait3A_1252] : memref<32x128xf32, #tpu.memory_space<vmem>> -> memref<8x128xf32, #tpu.memory_space<vmem>>
    tpu.wait_dma2 semaphore(%arg16 : memref<!tpu.dma_semaphore, #tpu.memory_space<semaphore_mem>>) src(%dma_wait3A_1253 : memref<8x128xf32, #tpu.memory_space<vmem>>) dst(%dma_wait3A_1250 : memref<8x128xf32, #tpu.memory_space<hbm>>)
    %dma_wait3A_1254 = arith.constant 0 : i32
    %dma_wait3A_1255 = arith.constant 1 : i32
    %dma_wait3A_1256 = arith.constant 0 : i32
    %dma_wait3A_1257 = arith.constant 8 : i32
    %dma_wait3A_1258 = arith.constant 0 : i32
    %dma_wait3A_1259 = tpu.memref_slice %arg10[%dma_wait3A_1257, %dma_wait3A_1258] : memref<32x128xf32, #tpu.memory_space<vmem>> -> memref<8x128xf32, #tpu.memory_space<vmem>>
    %dma_wait3A_1260 = arith.constant 0 : i32
    %dma_wait3A_1261 = arith.constant 0 : i32
    %dma_wait3A_1262 = tpu.memref_slice %arg4[%dma_wait3A_1254, %dma_wait3A_1255, %dma_wait3A_1256, %dma_wait3A_1260, %dma_wait3A_1261] : memref<50x4x128x8x128xf32, #tpu.memory_space<hbm>> -> memref<1x1x1x8x128xf32, #tpu.memory_space<hbm>>
    %dma_wait3A_1263 = tpu.memref_squeeze %dma_wait3A_1262 : memref<1x1x1x8x128xf32, #tpu.memory_space<hbm>> -> memref<8x128xf32, #tpu.memory_space<hbm>>
    %dma_wait3A_1264 = arith.constant 0 : i32
    %dma_wait3A_1265 = arith.constant 0 : i32
    %dma_wait3A_1266 = tpu.memref_slice %arg4[%dma_wait3A_1254, %dma_wait3A_1255, %dma_wait3A_1256, %dma_wait3A_1264, %dma_wait3A_1265] : memref<50x4x128x8x128xf32, #tpu.memory_space<hbm>> -> memref<1x1x1x8x128xf32, #tpu.memory_space<hbm>>
    %dma_wait3A_1267 = tpu.memref_squeeze %dma_wait3A_1266 : memref<1x1x1x8x128xf32, #tpu.memory_space<hbm>> -> memref<8x128xf32, #tpu.memory_space<hbm>>
    %dma_wait3A_1268 = arith.constant 8 : i32
    %dma_wait3A_1269 = arith.constant 0 : i32
    %dma_wait3A_1270 = tpu.memref_slice %arg10[%dma_wait3A_1268, %dma_wait3A_1269] : memref<32x128xf32, #tpu.memory_space<vmem>> -> memref<8x128xf32, #tpu.memory_space<vmem>>
    tpu.wait_dma2 semaphore(%arg16 : memref<!tpu.dma_semaphore, #tpu.memory_space<semaphore_mem>>) src(%dma_wait3A_1270 : memref<8x128xf32, #tpu.memory_space<vmem>>) dst(%dma_wait3A_1267 : memref<8x128xf32, #tpu.memory_space<hbm>>)
    %dma_wait3A_1271 = arith.constant 0 : i32
    %dma_wait3A_1272 = arith.constant 2 : i32
    %dma_wait3A_1273 = arith.constant 0 : i32
    %dma_wait3A_1274 = arith.constant 16 : i32
    %dma_wait3A_1275 = arith.constant 0 : i32
    %dma_wait3A_1276 = tpu.memref_slice %arg10[%dma_wait3A_1274, %dma_wait3A_1275] : memref<32x128xf32, #tpu.memory_space<vmem>> -> memref<8x128xf32, #tpu.memory_space<vmem>>
    %dma_wait3A_1277 = arith.constant 0 : i32
    %dma_wait3A_1278 = arith.constant 0 : i32
    %dma_wait3A_1279 = tpu.memref_slice %arg4[%dma_wait3A_1271, %dma_wait3A_1272, %dma_wait3A_1273, %dma_wait3A_1277, %dma_wait3A_1278] : memref<50x4x128x8x128xf32, #tpu.memory_space<hbm>> -> memref<1x1x1x8x128xf32, #tpu.memory_space<hbm>>
    %dma_wait3A_1280 = tpu.memref_squeeze %dma_wait3A_1279 : memref<1x1x1x8x128xf32, #tpu.memory_space<hbm>> -> memref<8x128xf32, #tpu.memory_space<hbm>>
    %dma_wait3A_1281 = arith.constant 0 : i32
    %dma_wait3A_1282 = arith.constant 0 : i32
    %dma_wait3A_1283 = tpu.memref_slice %arg4[%dma_wait3A_1271, %dma_wait3A_1272, %dma_wait3A_1273, %dma_wait3A_1281, %dma_wait3A_1282] : memref<50x4x128x8x128xf32, #tpu.memory_space<hbm>> -> memref<1x1x1x8x128xf32, #tpu.memory_space<hbm>>
    %dma_wait3A_1284 = tpu.memref_squeeze %dma_wait3A_1283 : memref<1x1x1x8x128xf32, #tpu.memory_space<hbm>> -> memref<8x128xf32, #tpu.memory_space<hbm>>
    %dma_wait3A_1285 = arith.constant 16 : i32
    %dma_wait3A_1286 = arith.constant 0 : i32
    %dma_wait3A_1287 = tpu.memref_slice %arg10[%dma_wait3A_1285, %dma_wait3A_1286] : memref<32x128xf32, #tpu.memory_space<vmem>> -> memref<8x128xf32, #tpu.memory_space<vmem>>
    tpu.wait_dma2 semaphore(%arg16 : memref<!tpu.dma_semaphore, #tpu.memory_space<semaphore_mem>>) src(%dma_wait3A_1287 : memref<8x128xf32, #tpu.memory_space<vmem>>) dst(%dma_wait3A_1284 : memref<8x128xf32, #tpu.memory_space<hbm>>)
    %dma_wait3A_1288 = arith.constant 0 : i32
    %dma_wait3A_1289 = arith.constant 3 : i32
    %dma_wait3A_1290 = arith.constant 0 : i32
    %dma_wait3A_1291 = arith.constant 24 : i32
    %dma_wait3A_1292 = arith.constant 0 : i32
    %dma_wait3A_1293 = tpu.memref_slice %arg10[%dma_wait3A_1291, %dma_wait3A_1292] : memref<32x128xf32, #tpu.memory_space<vmem>> -> memref<8x128xf32, #tpu.memory_space<vmem>>
    %dma_wait3A_1294 = arith.constant 0 : i32
    %dma_wait3A_1295 = arith.constant 0 : i32
    %dma_wait3A_1296 = tpu.memref_slice %arg4[%dma_wait3A_1288, %dma_wait3A_1289, %dma_wait3A_1290, %dma_wait3A_1294, %dma_wait3A_1295] : memref<50x4x128x8x128xf32, #tpu.memory_space<hbm>> -> memref<1x1x1x8x128xf32, #tpu.memory_space<hbm>>
    %dma_wait3A_1297 = tpu.memref_squeeze %dma_wait3A_1296 : memref<1x1x1x8x128xf32, #tpu.memory_space<hbm>> -> memref<8x128xf32, #tpu.memory_space<hbm>>
    %dma_wait3A_1298 = arith.constant 0 : i32
    %dma_wait3A_1299 = arith.constant 0 : i32
    %dma_wait3A_1300 = tpu.memref_slice %arg4[%dma_wait3A_1288, %dma_wait3A_1289, %dma_wait3A_1290, %dma_wait3A_1298, %dma_wait3A_1299] : memref<50x4x128x8x128xf32, #tpu.memory_space<hbm>> -> memref<1x1x1x8x128xf32, #tpu.memory_space<hbm>>
    %dma_wait3A_1301 = tpu.memref_squeeze %dma_wait3A_1300 : memref<1x1x1x8x128xf32, #tpu.memory_space<hbm>> -> memref<8x128xf32, #tpu.memory_space<hbm>>
    %dma_wait3A_1302 = arith.constant 24 : i32
    %dma_wait3A_1303 = arith.constant 0 : i32
    %dma_wait3A_1304 = tpu.memref_slice %arg10[%dma_wait3A_1302, %dma_wait3A_1303] : memref<32x128xf32, #tpu.memory_space<vmem>> -> memref<8x128xf32, #tpu.memory_space<vmem>>
    tpu.wait_dma2 semaphore(%arg16 : memref<!tpu.dma_semaphore, #tpu.memory_space<semaphore_mem>>) src(%dma_wait3A_1304 : memref<8x128xf32, #tpu.memory_space<vmem>>) dst(%dma_wait3A_1301 : memref<8x128xf32, #tpu.memory_space<hbm>>)
    %dma_wait3A_1305 = arith.constant 0 : i32
    %dma_wait3A_1306 = arith.constant 0 : i32
    %dma_wait3A_1307 = arith.constant 0 : i32
    %dma_wait3A_1308 = arith.constant 0 : i32
    %dma_wait3A_1309 = arith.constant 0 : i32
    %dma_wait3A_1310 = tpu.memref_slice %arg11[%dma_wait3A_1308, %dma_wait3A_1309] : memref<32x128xf32, #tpu.memory_space<vmem>> -> memref<8x128xf32, #tpu.memory_space<vmem>>
    %dma_wait3A_1311 = arith.constant 0 : i32
    %dma_wait3A_1312 = arith.constant 0 : i32
    %dma_wait3A_1313 = tpu.memref_slice %arg4[%dma_wait3A_1305, %dma_wait3A_1306, %dma_wait3A_1307, %dma_wait3A_1311, %dma_wait3A_1312] : memref<50x4x128x8x128xf32, #tpu.memory_space<hbm>> -> memref<1x1x1x8x128xf32, #tpu.memory_space<hbm>>
    %dma_wait3A_1314 = tpu.memref_squeeze %dma_wait3A_1313 : memref<1x1x1x8x128xf32, #tpu.memory_space<hbm>> -> memref<8x128xf32, #tpu.memory_space<hbm>>
    %dma_wait3A_1315 = arith.constant 0 : i32
    %dma_wait3A_1316 = arith.constant 0 : i32
    %dma_wait3A_1317 = tpu.memref_slice %arg4[%dma_wait3A_1305, %dma_wait3A_1306, %dma_wait3A_1307, %dma_wait3A_1315, %dma_wait3A_1316] : memref<50x4x128x8x128xf32, #tpu.memory_space<hbm>> -> memref<1x1x1x8x128xf32, #tpu.memory_space<hbm>>
    %dma_wait3A_1318 = tpu.memref_squeeze %dma_wait3A_1317 : memref<1x1x1x8x128xf32, #tpu.memory_space<hbm>> -> memref<8x128xf32, #tpu.memory_space<hbm>>
    %dma_wait3A_1319 = arith.constant 0 : i32
    %dma_wait3A_1320 = arith.constant 0 : i32
    %dma_wait3A_1321 = tpu.memref_slice %arg11[%dma_wait3A_1319, %dma_wait3A_1320] : memref<32x128xf32, #tpu.memory_space<vmem>> -> memref<8x128xf32, #tpu.memory_space<vmem>>
    tpu.wait_dma2 semaphore(%arg17 : memref<!tpu.dma_semaphore, #tpu.memory_space<semaphore_mem>>) src(%dma_wait3A_1321 : memref<8x128xf32, #tpu.memory_space<vmem>>) dst(%dma_wait3A_1318 : memref<8x128xf32, #tpu.memory_space<hbm>>)
    %dma_wait3A_1322 = arith.constant 0 : i32
    %dma_wait3A_1323 = arith.constant 1 : i32
    %dma_wait3A_1324 = arith.constant 0 : i32
    %dma_wait3A_1325 = arith.constant 8 : i32
    %dma_wait3A_1326 = arith.constant 0 : i32
    %dma_wait3A_1327 = tpu.memref_slice %arg11[%dma_wait3A_1325, %dma_wait3A_1326] : memref<32x128xf32, #tpu.memory_space<vmem>> -> memref<8x128xf32, #tpu.memory_space<vmem>>
    %dma_wait3A_1328 = arith.constant 0 : i32
    %dma_wait3A_1329 = arith.constant 0 : i32
    %dma_wait3A_1330 = tpu.memref_slice %arg4[%dma_wait3A_1322, %dma_wait3A_1323, %dma_wait3A_1324, %dma_wait3A_1328, %dma_wait3A_1329] : memref<50x4x128x8x128xf32, #tpu.memory_space<hbm>> -> memref<1x1x1x8x128xf32, #tpu.memory_space<hbm>>
    %dma_wait3A_1331 = tpu.memref_squeeze %dma_wait3A_1330 : memref<1x1x1x8x128xf32, #tpu.memory_space<hbm>> -> memref<8x128xf32, #tpu.memory_space<hbm>>
    %dma_wait3A_1332 = arith.constant 0 : i32
    %dma_wait3A_1333 = arith.constant 0 : i32
    %dma_wait3A_1334 = tpu.memref_slice %arg4[%dma_wait3A_1322, %dma_wait3A_1323, %dma_wait3A_1324, %dma_wait3A_1332, %dma_wait3A_1333] : memref<50x4x128x8x128xf32, #tpu.memory_space<hbm>> -> memref<1x1x1x8x128xf32, #tpu.memory_space<hbm>>
    %dma_wait3A_1335 = tpu.memref_squeeze %dma_wait3A_1334 : memref<1x1x1x8x128xf32, #tpu.memory_space<hbm>> -> memref<8x128xf32, #tpu.memory_space<hbm>>
    %dma_wait3A_1336 = arith.constant 8 : i32
    %dma_wait3A_1337 = arith.constant 0 : i32
    %dma_wait3A_1338 = tpu.memref_slice %arg11[%dma_wait3A_1336, %dma_wait3A_1337] : memref<32x128xf32, #tpu.memory_space<vmem>> -> memref<8x128xf32, #tpu.memory_space<vmem>>
    tpu.wait_dma2 semaphore(%arg17 : memref<!tpu.dma_semaphore, #tpu.memory_space<semaphore_mem>>) src(%dma_wait3A_1338 : memref<8x128xf32, #tpu.memory_space<vmem>>) dst(%dma_wait3A_1335 : memref<8x128xf32, #tpu.memory_space<hbm>>)
    %dma_wait3A_1339 = arith.constant 0 : i32
    %dma_wait3A_1340 = arith.constant 2 : i32
    %dma_wait3A_1341 = arith.constant 0 : i32
    %dma_wait3A_1342 = arith.constant 16 : i32
    %dma_wait3A_1343 = arith.constant 0 : i32
    %dma_wait3A_1344 = tpu.memref_slice %arg11[%dma_wait3A_1342, %dma_wait3A_1343] : memref<32x128xf32, #tpu.memory_space<vmem>> -> memref<8x128xf32, #tpu.memory_space<vmem>>
    %dma_wait3A_1345 = arith.constant 0 : i32
    %dma_wait3A_1346 = arith.constant 0 : i32
    %dma_wait3A_1347 = tpu.memref_slice %arg4[%dma_wait3A_1339, %dma_wait3A_1340, %dma_wait3A_1341, %dma_wait3A_1345, %dma_wait3A_1346] : memref<50x4x128x8x128xf32, #tpu.memory_space<hbm>> -> memref<1x1x1x8x128xf32, #tpu.memory_space<hbm>>
    %dma_wait3A_1348 = tpu.memref_squeeze %dma_wait3A_1347 : memref<1x1x1x8x128xf32, #tpu.memory_space<hbm>> -> memref<8x128xf32, #tpu.memory_space<hbm>>
    %dma_wait3A_1349 = arith.constant 0 : i32
    %dma_wait3A_1350 = arith.constant 0 : i32
    %dma_wait3A_1351 = tpu.memref_slice %arg4[%dma_wait3A_1339, %dma_wait3A_1340, %dma_wait3A_1341, %dma_wait3A_1349, %dma_wait3A_1350] : memref<50x4x128x8x128xf32, #tpu.memory_space<hbm>> -> memref<1x1x1x8x128xf32, #tpu.memory_space<hbm>>
    %dma_wait3A_1352 = tpu.memref_squeeze %dma_wait3A_1351 : memref<1x1x1x8x128xf32, #tpu.memory_space<hbm>> -> memref<8x128xf32, #tpu.memory_space<hbm>>
    %dma_wait3A_1353 = arith.constant 16 : i32
    %dma_wait3A_1354 = arith.constant 0 : i32
    %dma_wait3A_1355 = tpu.memref_slice %arg11[%dma_wait3A_1353, %dma_wait3A_1354] : memref<32x128xf32, #tpu.memory_space<vmem>> -> memref<8x128xf32, #tpu.memory_space<vmem>>
    tpu.wait_dma2 semaphore(%arg17 : memref<!tpu.dma_semaphore, #tpu.memory_space<semaphore_mem>>) src(%dma_wait3A_1355 : memref<8x128xf32, #tpu.memory_space<vmem>>) dst(%dma_wait3A_1352 : memref<8x128xf32, #tpu.memory_space<hbm>>)
    %dma_wait3A_1356 = arith.constant 0 : i32
    %dma_wait3A_1357 = arith.constant 3 : i32
    %dma_wait3A_1358 = arith.constant 0 : i32
    %dma_wait3A_1359 = arith.constant 24 : i32
    %dma_wait3A_1360 = arith.constant 0 : i32
    %dma_wait3A_1361 = tpu.memref_slice %arg11[%dma_wait3A_1359, %dma_wait3A_1360] : memref<32x128xf32, #tpu.memory_space<vmem>> -> memref<8x128xf32, #tpu.memory_space<vmem>>
    %dma_wait3A_1362 = arith.constant 0 : i32
    %dma_wait3A_1363 = arith.constant 0 : i32
    %dma_wait3A_1364 = tpu.memref_slice %arg4[%dma_wait3A_1356, %dma_wait3A_1357, %dma_wait3A_1358, %dma_wait3A_1362, %dma_wait3A_1363] : memref<50x4x128x8x128xf32, #tpu.memory_space<hbm>> -> memref<1x1x1x8x128xf32, #tpu.memory_space<hbm>>
    %dma_wait3A_1365 = tpu.memref_squeeze %dma_wait3A_1364 : memref<1x1x1x8x128xf32, #tpu.memory_space<hbm>> -> memref<8x128xf32, #tpu.memory_space<hbm>>
    %dma_wait3A_1366 = arith.constant 0 : i32
    %dma_wait3A_1367 = arith.constant 0 : i32
    %dma_wait3A_1368 = tpu.memref_slice %arg4[%dma_wait3A_1356, %dma_wait3A_1357, %dma_wait3A_1358, %dma_wait3A_1366, %dma_wait3A_1367] : memref<50x4x128x8x128xf32, #tpu.memory_space<hbm>> -> memref<1x1x1x8x128xf32, #tpu.memory_space<hbm>>
    %dma_wait3A_1369 = tpu.memref_squeeze %dma_wait3A_1368 : memref<1x1x1x8x128xf32, #tpu.memory_space<hbm>> -> memref<8x128xf32, #tpu.memory_space<hbm>>
    %dma_wait3A_1370 = arith.constant 24 : i32
    %dma_wait3A_1371 = arith.constant 0 : i32
    %dma_wait3A_1372 = tpu.memref_slice %arg11[%dma_wait3A_1370, %dma_wait3A_1371] : memref<32x128xf32, #tpu.memory_space<vmem>> -> memref<8x128xf32, #tpu.memory_space<vmem>>
    tpu.wait_dma2 semaphore(%arg17 : memref<!tpu.dma_semaphore, #tpu.memory_space<semaphore_mem>>) src(%dma_wait3A_1372 : memref<8x128xf32, #tpu.memory_space<vmem>>) dst(%dma_wait3A_1369 : memref<8x128xf32, #tpu.memory_space<hbm>>)
    return
  }
}

</mosaic_0001>

<sc_bundles>
// kernel: kernel.3.cloned.1.call-start
scs
__scs_entry_jumppad:
0x0: {  	(pc) =	sbr.rel $0x88, $3  }
0x1: {  	(tag) =	ssettag $0x0;
	lr =	simm.s32 $0x1  }
0x2: {  	[smem:$0x3F9F] =	sst lr;
	_ =	strace $0xD0000000  }
0x3: {  	_ = 	snop  }
0x4: {  	_ = 	snop  }
0x5: {  	_ = 	snop  }
0x6: {  	_ = 	snop  }
0x7: {  	_ = 	snop  }
__scs_overlays_trampoline_lowered:
0x8: {  	[smem:$0x3FAE] =	sst s0  }
0x9: {  	[smem:$0x3FAF] =	sst s1  }
0xa: {  	[smem:$0x3FB0] =	sst s2  }
0xb: {  	[smem:$0x3FB1] =	sst s3  }
0xc: {  	[smem:$0x3FB2] =	sst s4  }
0xd: {  	[smem:$0x3FB3] =	sst s5  }
0xe: {  	[smem:$0x3FB4] =	sst s6  }
0xf: {  	[smem:$0x3FB5] =	sst s7  }
0x10: {  	[smem:$0x3FB6] =	sst s8  }
0x11: {  	[smem:$0x3FB7] =	sst s9;
	s0 =	simm.s32 @!p0 $0x0  }
0x12: {  	s1 =	sld [smem:$0x3F9D];
	s0 =	simm.s32 @p0 $0x1  }
0x13: {  	[smem:$0x3FB8] =	sst s0;
	s0 =	simm.s32 @!p1 $0x0  }
0x14: {  	s2 =	sld [smem:$0x3F9C];
	s0 =	simm.s32 @p1 $0x1  }
0x15: {  	[smem:$0x3FB9] =	sst s0;
	s0 =	simm.s32 @!p2 $0x0  }
0x16: {  	s3 =	sld [smem:$0x3FDB];
	s0 =	simm.s32 @p2 $0x1  }
0x17: {  	s4 =	simm.s32 $0x1BF5;
	[smem:$0x3FBB] =	sst s0  }
0x18: {  	s0 =	sld [smem:$0x3F9E];
	_ =	swait.ge [sflag:s4], $0x0  }
0x19: {  	s7 =	sld [smem:$0x3F9F]  }
0x1a: {  	s8 =	sadd.s32 $0xFFFFE003, lr  }
0x1b: {  	s9 =	sadd.s32 $0xFFFFFEF7, lr;
	s5 =	simm.s32 $0xFFFFFFFF;
	p2 =	slt.u32 s8, $0xFFFFF086  }
0x1c: {  	p1 =	slt.u32 s9, $0xF7A;
	s5 =	simm.s32 @!p2 $0x0  }
0x1d: {  	s5 =	simm.s32 @p1 $0x1;
	p0 =	seq.s32 s7, s2  }
0x1e: {  	s7 =	smul.u32 @!p0 $0xF7A, s2;
	p2 =	seq.s32 @!p0 s5, $0x0  }
0x1f: {  	s9 =	smul.u32 $0xF7A, s1;
	s8 =	simm.s32 @!p0 $0x1BF5;
	p2 =	por !p2, p0  }
0x20: {  	[sflag:s8] =	ssyncset.s32 @!p0 $0xFFFFF086;
	s6 =	sadd.s32 @!p0 s3, s7;
	s7 =	simm.s32 @!p0 $0x108  }
0x21: {  	s3 =	sadd.s32 s3, s9;
	s6 =	sadd.s32 @!p0 $0x88, s6;
	s7 =	simm.s32 @p2 $0x1082  }
0x22: {  	[simem:s7], [sflag:s8] =	dma.local @!p0 [hbm:s6], $0xF7A  }
0x23: {  	s9 =	sor.u32 $0xD0000000, s2;
	s6 =	simm.s32 $0x108;
	_ =	swait.ge @!p0 [sflag:s8], $0x0  }
0x24: {  	s3 =	sadd.s32 $0x88, s3;
	s6 =	simm.s32 @!p1 $0x1082;
	[sflag:s4] =	ssyncset.s32 $0xFFFFF086  }
0x25: {  	[simem:s6], [sflag:s4] =	dma.local [hbm:s3], $0xF7A  }
0x26: {  	[smem:$0x3F9F] =	sst s1;
	(tag) =	ssettag s2;
	_ =	strace s9  }
0x27: {  	s1 =	sld [smem:$0x3FAF]  }
0x28: {  	s2 =	sld [smem:$0x3FB0]  }
0x29: {  	s4 =	sld [smem:$0x3FB2]  }
0x2a: {  	p0 =	seq.s32 s5, $0x0;
	s5 =	sld [smem:$0x3FB3]  }
0x2b: {  	s6 =	sld [smem:$0x3FB4]  }
0x2c: {  	s7 =	sld [smem:$0x3FB5]  }
0x2d: {  	s3 =	simm.s32 $0x108;
	s8 =	sld [smem:$0x3FB6]  }
0x2e: {  	s3 =	simm.s32 @!p0 $0x1082;
	s9 =	sld [smem:$0x3FB7]  }
0x2f: {  	lr =	sadd.s32 s0, s3;
	s0 =	sld [smem:$0x3FAE]  }
0x30: {  	s3 =	sld [smem:$0x3FB1]  }
0x31: {  	[smem:$0x3FBA] =	sst s10  }
0x32: {  	s10 =	sld [smem:$0x3FB8];
	_ =	sdelay $0x3  }
0x33: {  	p0 =	seq.s32 s10, $0x1;
	s10 =	sld [smem:$0x3FBA];
	_ =	sdelay $0x3  }
0x34: {  	[smem:$0x3FBA] =	sst s10  }
0x35: {  	s10 =	sld [smem:$0x3FB9];
	_ =	sdelay $0x3  }
0x36: {  	p1 =	seq.s32 s10, $0x1;
	s10 =	sld [smem:$0x3FBA];
	_ =	sdelay $0x3  }
0x37: {  	[smem:$0x3FBA] =	sst s10  }
0x38: {  	s10 =	sld [smem:$0x3FBB]  }
0x39: {  	_ = 	snop;
	(pc) =	sbr.ind lr, $3  }
0x3a: {  	_ = 	snop  }
0x3b: {  	_ = 	snop  }
0x3c: {  	p2 =	seq.s32 s10, $0x1;
	s10 =	sld [smem:$0x3FBA]  }
0x3d: {  	_ =	shalt  }
0x3e: {  	_ =	shalt  }
0x3f: {  	_ =	shalt  }
0x40: {  	_ =	shalt  }
0x41: {  	_ =	shalt  }
0x42: {  	_ =	shalt  }
0x43: {  	_ =	shalt  }
0x44: {  	_ =	shalt  }
0x45: {  	_ =	shalt  }
0x46: {  	_ =	shalt  }
0x47: {  	_ =	shalt  }
0x48: {  	_ =	shalt  }
0x49: {  	_ =	shalt  }
0x4a: {  	_ =	shalt  }
0x4b: {  	_ =	shalt  }
0x4c: {  	_ =	shalt  }
0x4d: {  	_ =	shalt  }
0x4e: {  	_ =	shalt  }
0x4f: {  	_ =	shalt  }
0x50: {  	_ =	shalt  }
0x51: {  	_ =	shalt  }
0x52: {  	_ =	shalt  }
0x53: {  	_ =	shalt  }
0x54: {  	_ =	shalt  }
0x55: {  	_ =	shalt  }
0x56: {  	_ =	shalt  }
0x57: {  	_ =	shalt  }
0x58: {  	_ =	shalt  }
0x59: {  	_ =	shalt  }
0x5a: {  	_ =	shalt  }
0x5b: {  	_ =	shalt  }
0x5c: {  	_ =	shalt  }
0x5d: {  	_ =	shalt  }
0x5e: {  	_ =	shalt  }
0x5f: {  	_ =	shalt  }
0x60: {  	_ =	shalt  }
0x61: {  	_ =	shalt  }
0x62: {  	_ =	shalt  }
0x63: {  	_ =	shalt  }
0x64: {  	_ =	shalt  }
0x65: {  	_ =	shalt  }
0x66: {  	_ =	shalt  }
0x67: {  	_ =	shalt  }
0x68: {  	_ =	shalt  }
0x69: {  	_ =	shalt  }
0x6a: {  	_ =	shalt  }
0x6b: {  	_ =	shalt  }
0x6c: {  	_ =	shalt  }
0x6d: {  	_ =	shalt  }
0x6e: {  	_ =	shalt  }
0x6f: {  	_ =	shalt  }
0x70: {  	_ =	shalt  }
0x71: {  	_ =	shalt  }
0x72: {  	_ =	shalt  }
0x73: {  	_ =	shalt  }
0x74: {  	_ =	shalt  }
0x75: {  	_ =	shalt  }
0x76: {  	_ =	shalt  }
0x77: {  	_ =	shalt  }
0x78: {  	_ =	shalt  }
0x79: {  	_ =	shalt  }
0x7a: {  	_ =	shalt  }
0x7b: {  	_ =	shalt  }
0x7c: {  	_ =	shalt  }
0x7d: {  	_ =	shalt  }
0x7e: {  	_ =	shalt  }
0x7f: {  	_ =	shalt  }
0x80: {  	_ =	shalt  }
0x81: {  	_ =	shalt  }
0x82: {  	_ =	shalt  }
0x83: {  	_ =	shalt  }
0x84: {  	_ =	shalt  }
0x85: {  	_ =	shalt  }
0x86: {  	_ =	shalt  }
0x87: {  	_ =	shalt  }
.Lfunc_end0:
.L_simem_size_0:
called_computation_lowered:
.L_overlay_start_0:
0x88: {  	s2 =	sld [smem:$0x3FD9]  }
0x89: {  	s3 =	sld [smem:$0x3FFE];
	_ =	sdelay $0x1  }
0x8a: {  	s1 =	srdreg.scid  }
0x8b: {  	s0 =	sand.u32 $0x1, s1  }
0x8c: {  	s17 =	sshll.u32 s0, $0xA;
	s2 =	sadd.s32 s3, s2  }
0x8d: {  	s2 =	sadd.s32 s2, s17  }
0x8e: {  	[smem:$0x3FC6] =	sst s2  }
0x8f: {  	_ = 	snop  }
0x90: {  	s2 =	sld [smem:$0x3FD0];
	(tm) =	ssettm $0x1  }
0x91: {  	s18 =	sld [smem:$0x3FFB];
	_ =	sdelay $0x3  }
0x92: {  	_ =	strace s18  }
0x93: {  	s3 =	sld [smem:$0x3FFC];
	_ =	sdelay $0x3  }
0x94: {  	_ =	strace s3  }
0x95: {  	s3 =	sld [smem:$0x3FFD];
	_ =	sdelay $0x3  }
0x96: {  	_ =	strace s3  }
0x97: {  	_ =	strace $0x8FFFFFFF  }
0x98: {  	s19 =	sld [smem:$0x3FDB];
	_ =	sdelay $0x1  }
0x99: {  	s4 =	simm.s32 $_scs_section_size  }
0x9a: {  	s5 =	simm.s32 $_size__tile_overlayer_lowered;
	s6 =	simm.s32 $_tile_overlayer_lowered  }
0x9b: {  	s22 =	simm.s32 $0x1BFF;
	s21 =	sshll.u32 s6, $0x1;
	s3 =	sadd.s32 s4, s19  }
0x9c: {  	s7 =	simm.s32 $0x0;
	s20 =	sshll.u32 s5, $0x1;
	s5 =	sadd.s32 s21, s3  }
0x9d: {  	[timem:s7], [sflag:s22] =	dma.local [hbm:s5], s20  }
0x9e: {  	_ =	swait.ge [sflag:s22], s20  }
0x9f: {  	s4 =	ssub.s32 $0x0, s20;
	[sflag:s22] =	ssyncset.done $0x0  }
0xa0: {  	[sflag:s22] =	ssyncadd.s32 s4;
	_ =	sdelay $0x1  }
0xa1: {  	s23 =	simm.s32 $0x1B8B  }
0xa2: {  	_ =	swait.ge [sflag:s23], $0x1  }
0xa3: {  	[sflag:s23] =	ssyncset.done $0x0  }
0xa4: {  	s25 =	simm.s32 $0x1B8E;
	s24 =	sld [smem:$0x3FFE];
	[sflag:s23] =	ssyncadd.s32 $0xFFFFFFFF  }
0xa5: {  	s26 =	simm.s32 $execute0_lowered;
	[smem:$0x3FD2] =	sst s25  }
0xa6: {  	s5 =	sshll.u32 s26, $0x1;
	_ =	strace $0x80000046;
	[dreg:$0x1] =	wrdreg $0xFFFFFFFF  }
0xa7: {  	s28 =	simm.s32 $_size_execute0_lowered;
	s3 =	sadd.s32 s3, s5;
	[dreg:$0x0] =	wrdreg $0x0  }
0xa8: {  	s5 =	sshll.u32 s28, $0x1;
	[dreg:$0x2] =	wrdreg s3  }
0xa9: {  	[dreg:$0x3] =	wrdreg s5  }
0xaa: {  	[dreg:$0x4] =	wrdreg $0xC0  }
0xab: {  	_ =	task [dreg:s7], $0x5FFFF  }
0xac: {  	[dreg:$0x1] =	wrdreg $0xFFFFFFFF  }
0xad: {  	[dreg:$0x0] =	wrdreg $0x60  }
0xae: {  	[dreg:$0x2] =	wrdreg s24  }
0xaf: {  	[dreg:$0x3] =	wrdreg s2  }
0xb0: {  	[dreg:$0x4] =	wrdreg $0x9  }
0xb1: {  	_ =	task.clear_ibuf [dreg:s7], $0x5FFFF;
	_ =	strace $0x90000046  }
0xb2: {  	s29 =	simm.s32 $0x9;
	_ =	strace $0x80000048  }
0xb3: {  	_ =	swait.ge [sflag:s29], $0x1  }
0xb4: {  	[sflag:s29] =	ssyncadd.s32 $0xFFFFFFFF  }
0xb5: {  	_ =	strace $0x90000048  }
0xb6: {  	_ =	sfence  }
0xb7: {  	s30 =	sld [smem:$0x0];
	_ =	sdelay $0x2  }
0xb8: {  	s31 =	sshll.u32 s1, $0xD;
	s1 =	sshrl.u32 s1, $0x2  }
0xb9: {  	s3 =	sand.u32 $0x4000, s31;
	s1 =	sadd.s32 s1, s30  }
0xba: {  	s0 =	sor.u32 s3, s0;
	s1 =	sshll.u32 s1, $0x11  }
0xbb: {  	s0 =	sor.u32 s1, s0  }
0xbc: {  	s0 =	sadd.s32 $0x8F2B, s0  }
0xbd: {  	[sflag:s0] =	ssyncadd.remote.s32 $0x1  }
0xbe: {  	_ =	sfence.sel $0xFFFF  }
0xbf: {  	[dreg:$0x0] =	wrdreg $0xFFFFFFFF;
	(pc) =	sbr.abs _section_cstart, $3  }
0xc0: {  	[dreg:$0x1] =	wrdreg $0xFFFFFFFF  }
0xc1: {  	_ =	task.clear_ibuf [dreg:s7], $0x2FFFF;
	_ =	strace $0x9FFFFFFF  }
0xc2: {  	(tm) =	ssettm $0x7FFFFFFF  }
0xc3: {  	_ =	shalt  }
tec
execute0_lowered:
.L_overlay_start_1:
0x0: {  	(tag) =	ssettag $0x1  }
0x1: {  	s1 =	srdreg.scid;
	s4 =	stileid.u32  }
0x2: {  	s0 =	rddreg [dreg:$0x0];
	s1 =	sand.u32 $0x1, s1;
	s4 =	sshll.u32 s4, $0x1  }
0x3: {  	s2 =	rddreg [dreg:$0x1];
	s3 =	simm.s32 $0x0;
	s6 =	sor.u32 s1, s4  }
0x4: {  	[smem:$0x7FF] =	sst s3;
	s5 =	sshll.u32 s6, $0x6;
	s7 =	sshll.u32 s6, $0x9  }
0x5: {  	s4 =	sadd.s32 $0xF42A00, s0;
	s0 =	sadd.s32 s5, s0;
	s5 =	sadd.s32 s2, s7  }
0x6: {  	_ =	strace $0x80000047;
	s0 =	sadd.s32 $0x600, s0;
	[dreg:$0x3] =	wrdreg s5  }
0x7: {  	s15 =	sadd.s32 $0x4000, s5;
	[dreg:$0x4] =	wrdreg s0  }
0x8: {  	s16 =	sadd.s32 $0x8000, s5;
	[dreg:$0x5] =	wrdreg s15  }
0x9: {  	s17 =	sadd.s32 $0xC000, s5;
	[dreg:$0x6] =	wrdreg s16  }
0xa: {  	s18 =	sadd.s32 $0x10000, s5;
	[dreg:$0x7] =	wrdreg s17  }
0xb: {  	s19 =	sadd.s32 $0x14000, s5;
	[dreg:$0x8] =	wrdreg s18  }
0xc: {  	s20 =	sadd.s32 $0x18000, s5;
	[dreg:$0x9] =	wrdreg s19  }
0xd: {  	s21 =	sadd.s32 $0x1C000, s5;
	[dreg:$0xa] =	wrdreg s20  }
0xe: {  	s22 =	sadd.s32 $0x2C0180, s5;
	[dreg:$0xb] =	wrdreg s21  }
0xf: {  	s23 =	sadd.s32 $0x2C4180, s5;
	[dreg:$0xc] =	wrdreg s22  }
0x10: {  	s24 =	sadd.s32 $0x2C8180, s5;
	[dreg:$0xd] =	wrdreg s23  }
0x11: {  	s25 =	sadd.s32 $0x2CC180, s5;
	[dreg:$0xe] =	wrdreg s24  }
0x12: {  	s26 =	sadd.s32 $0x2D0180, s5;
	[dreg:$0xf] =	wrdreg s25  }
0x13: {  	s7 =	sadd.s32 $0x2D4180, s5;
	[dreg:$0x10] =	wrdreg s26  }
0x14: {  	s8 =	sadd.s32 $0x2D8180, s5;
	[dreg:$0x11] =	wrdreg s7  }
0x15: {  	s9 =	sadd.s32 $0x2DC180, s5;
	[dreg:$0x12] =	wrdreg s8  }
0x16: {  	s10 =	sadd.s32 $0x2E0180, s5;
	[dreg:$0x13] =	wrdreg s9  }
0x17: {  	s11 =	sadd.s32 $0x2E4180, s5;
	[dreg:$0x14] =	wrdreg s10  }
0x18: {  	s12 =	sadd.s32 $0x2E8180, s5;
	[dreg:$0x15] =	wrdreg s11  }
0x19: {  	s13 =	sadd.s32 $0x2EC180, s5;
	[dreg:$0x16] =	wrdreg s12  }
0x1a: {  	s14 =	sadd.s32 $0x2F0180, s5;
	[dreg:$0x17] =	wrdreg s13  }
0x1b: {  	[dreg:$0x18] =	wrdreg s14;
	s16 =	sadd.s32 $0x2F4180, s5  }
0x1c: {  	s17 =	sadd.s32 $0x2F8180, s5;
	[dreg:$0x19] =	wrdreg s16  }
0x1d: {  	s7 =	sadd.s32 $0x2FC180, s5;
	[dreg:$0x1a] =	wrdreg s17  }
0x1e: {  	s28 =	simm.s32 $0xBC00;
	s19 =	sadd.s32 $0x300180, s5;
	[dreg:$0x1b] =	wrdreg s7  }
0x1f: {  	s29 =	simm.s32 $0xC000;
	s20 =	sadd.s32 $0x304180, s5;
	[dreg:$0x1c] =	wrdreg s19  }
0x20: {  	s30 =	simm.s32 $0x3;
	s21 =	sadd.s32 $0x308180, s5;
	[dreg:$0x1d] =	wrdreg s20  }
0x21: {  	s31 =	simm.s32 $0x5;
	s22 =	sadd.s32 $0x30C180, s5;
	[dreg:$0x1e] =	wrdreg s21  }
0x22: {  	s23 =	sadd.s32 $0x310180, s5;
	s24 =	sadd.s32 $0x314180, s5;
	[dreg:$0x1f] =	wrdreg s22  }
0x23: {  	s6 =	sshll.u32 s6, $0x2;
	s25 =	sadd.s32 $0x318180, s5;
	[smem:$0x7F9] =	sst s23  }
0x24: {  	s15 =	ssub.s32 $0x2, s1;
	s26 =	sadd.s32 $0x31C180, s5;
	[smem:$0x7FB] =	sst s24  }
0x25: {  	s14 =	simm.s32 $0x80;
	s1 =	simm.s32 $0x6;
	[smem:$0x7FC] =	sst s25  }
0x26: {  	v0 =	vlaneseq.u32;
	s18 =	sshrl.u32 s15, $0x1;
	[smem:$0x7FD] =	sst s26;
	s16 =	simm.s32 $0x7400  }
0x27: {  	v0 =	vmul.u32 $0x20, v0;
	s17 =	simm.s32 $0x8400;
	s19 =	simm.s32 $0x1;
	s21 =	simm.s32 $0xA800  }
0x28: {  	s22 =	simm.s32 $0xAC00;
	s23 =	simm.s32 $0xB000;
	s24 =	simm.s32 $0x2  }
0x29: {  	v1 =	vor.u32 $0x200, v0;
	s25 =	simm.s32 $0xB400;
	s26 =	simm.s32 $0xB800;
	s0 =	ssub.s32 s15, s18  }
0x2a: {  	v2 =	vor.u32 $0x400, v0;
	v3 =	vor.u32 $0x600, v0;
	v4 =	vor.u32 $0x800, v0;
	s7 =	simm.s32 $0x0;
	s15 =	simm.s32 $0x6400;
	s0 =	smax.u32 s0, $0x1  }
0x2b: {  	v5 =	vor.u32 $0xA00, v0;
	v6 =	vor.u32 $0xC00, v0;
	v7 =	vor.u32 $0xE00, v0;
	s18 =	simm.s32 $0x9400;
	[smem:$0x7FA] =	sst s0;
	s0 =	simm.s32 $0x4  }
.LBB2_1:
0x2c: {  	[smem:$0x7F8] =	sst s7  }
0x2d: {  	s5 =	rddreg [dreg:$0x4]  }
0x2e: {  	s11 =	simm.s32 $0x200;
	s8 =	simm.s32 $0x4000;
	s12 =	simm.s32 $0x7  }
0x2f: {  	[tilespmem:s3], [sflag:$0x7] =	stream.strided.gather [hbm4b:s5+s11], $0x6400, s8, s11, $0x38;
	[tilespmem:$0xC400] =	vst v63  }
0x30: {  	_ =	swait.ge [sflag:s12], $0x6400  }
0x31: {  	[sflag:s12] =	ssyncset.done $0x0  }
0x32: {  	[sflag:s12] =	ssyncadd.s32 $0xFFFF9C00  }
0x33: {  	[tilespmem:s15], [sflag:$0x1] =	stream.indirect.gather [hbm4b:s4+s14], $0x20, s3, s14, $0xb8;
	[tilespmem:$0xC400] =	vst v63  }
0x34: {  	v8 =	vmov s3  }
0x35: {  	v8 =	vand.u32 $0x1F, v8;
	[tilespmem:s16], [sflag:$0x2] =	stream.indirect.gather [hbm4b:s4+s14], $0x20, s11, s14, $0xb8;
	[tilespmem:$0xC400] =	vst v63  }
0x36: {  	s13 =	simm.s32 $0x400;
	v8 =	vbroadcast v8, $0x0  }
0x37: {  	[tilespmem:s17], [sflag:$0x3] =	stream.indirect.gather [hbm4b:s4+s14], $0x20, s13, s14, $0xb8;
	[tilespmem:$0xC400] =	vst v63  }
0x38: {  	s20 =	simm.s32 $0x600;
	v9 =	vor.u32 v0, v8  }
0x39: {  	[tilespmem:s18], [sflag:$0x4] =	stream.indirect.gather [hbm4b:s4+s14], $0x20, s20, s14, $0xb8;
	[tilespmem:$0xC400] =	vst v63  }
0x3a: {  	_ =	swait.ge [sflag:s19], $0x1000  }
0x3b: {  	[sflag:s19] =	ssyncset.done $0x0  }
0x3c: {  	[sflag:s19] =	ssyncadd.s32 $0xFFFFF000  }
0x3d: {  	v9 =	vld.idx.msk [tilespmem:v9+s15+$0x0], $0xffff  }
0x3e: {  	v10 =	vor.u32 v1, v8;
	_ =	sdelay $0x2  }
0x3f: {  	s8 =	simm.s32 $0xA440  }
0x40: {  	[tilespmem:s8+$0xFFFFFFC0] =	vst v9  }
0x41: {  	v9 =	vld.idx.msk [tilespmem:v10+s15+$0x0], $0xffff  }
0x42: {  	v10 =	vor.u32 v2, v8;
	_ =	sdelay $0x3  }
0x43: {  	[tilespmem:s8+$0xFFFFFFD0] =	vst v9  }
0x44: {  	v9 =	vld.idx.msk [tilespmem:v10+s15+$0x0], $0xffff  }
0x45: {  	v10 =	vor.u32 v3, v8;
	_ =	sdelay $0x3  }
0x46: {  	[tilespmem:s8+$0xFFFFFFE0] =	vst v9  }
0x47: {  	v9 =	vld.idx.msk [tilespmem:v10+s15+$0x0], $0xffff  }
0x48: {  	v10 =	vor.u32 v4, v8;
	_ =	sdelay $0x3  }
0x49: {  	[tilespmem:s8+$0xFFFFFFF0] =	vst v9  }
0x4a: {  	v9 =	vld.idx.msk [tilespmem:v10+s15+$0x0], $0xffff  }
0x4b: {  	v10 =	vor.u32 v5, v8;
	_ =	sdelay $0x3  }
0x4c: {  	[tilespmem:s8+$0x0] =	vst v9  }
0x4d: {  	v9 =	vld.idx.msk [tilespmem:v10+s15+$0x0], $0xffff  }
0x4e: {  	v10 =	vor.u32 v6, v8;
	_ =	sdelay $0x3  }
0x4f: {  	[tilespmem:s8+$0x10] =	vst v9  }
0x50: {  	v9 =	vld.idx.msk [tilespmem:v10+s15+$0x0], $0xffff  }
0x51: {  	v8 =	vor.u32 v7, v8;
	_ =	sdelay $0x1  }
0x52: {  	s9 =	simm.s32 $0x1  }
0x53: {  	v10 =	vmov s9;
	s9 =	simm.s32 $0x2  }
.LBB2_2:
0x54: {  	p0 =	sne.s32 s9, $0x1F;
	v10 =	vand.u32 $0x1F, v10;
	[tilespmem:s8+$0x20] =	vst v9  }
0x55: {  	v10 =	vbroadcast v10, $0x0;
	v8 =	vld.idx.msk [tilespmem:v8+s15+$0x0], $0xffff;
	_ =	sdelay $0x1  }
0x56: {  	v9 =	vor.u32 v0, v10;
	_ =	sdelay $0x3  }
0x57: {  	[tilespmem:s8+$0x30] =	vst v8  }
0x58: {  	v8 =	vld.idx.msk [tilespmem:v9+s15+$0x0], $0xffff;
	_ =	sdelay $0x1  }
0x59: {  	v9 =	vor.u32 v1, v10;
	_ =	sdelay $0x2  }
0x5a: {  	s8 =	sadd.s32 $0x80, s8  }
0x5b: {  	[tilespmem:s8+$0xFFFFFFC0] =	vst v8  }
0x5c: {  	v8 =	vld.idx.msk [tilespmem:v9+s15+$0x0], $0xffff;
	_ =	sdelay $0x1  }
0x5d: {  	v9 =	vor.u32 v2, v10;
	_ =	sdelay $0x3  }
0x5e: {  	[tilespmem:s8+$0xFFFFFFD0] =	vst v8  }
0x5f: {  	v8 =	vld.idx.msk [tilespmem:v9+s15+$0x0], $0xffff;
	_ =	sdelay $0x1  }
0x60: {  	v9 =	vor.u32 v3, v10;
	_ =	sdelay $0x3  }
0x61: {  	[tilespmem:s8+$0xFFFFFFE0] =	vst v8  }
0x62: {  	v8 =	vld.idx.msk [tilespmem:v9+s15+$0x0], $0xffff;
	_ =	sdelay $0x1  }
0x63: {  	v9 =	vor.u32 v4, v10;
	_ =	sdelay $0x3  }
0x64: {  	[tilespmem:s8+$0xFFFFFFF0] =	vst v8  }
0x65: {  	v8 =	vld.idx.msk [tilespmem:v9+s15+$0x0], $0xffff;
	_ =	sdelay $0x1  }
0x66: {  	v9 =	vor.u32 v5, v10;
	_ =	sdelay $0x3  }
0x67: {  	[tilespmem:s8+$0x0] =	vst v8  }
0x68: {  	v8 =	vld.idx.msk [tilespmem:v9+s15+$0x0], $0xffff;
	_ =	sdelay $0x1  }
0x69: {  	v9 =	vor.u32 v6, v10;
	_ =	sdelay $0x3  }
0x6a: {  	[tilespmem:s8+$0x10] =	vst v8  }
0x6b: {  	v9 =	vld.idx.msk [tilespmem:v9+s15+$0x0], $0xffff  }
.Ltmp0:
0x6c: {  	(pc) =	sbr.rel @p0 .LBB2_2-.Ltmp0, $2  }
0x6d: {  	v8 =	vor.u32 v7, v10;
	_ =	sdelay $0x2  }
0x6e: {  	v10 =	vmov s9;
	s9 =	sadd.s32 $0x1, s9  }
0x6f: {  	_ =	sdelay $0x1  }
0x70: {  	v10 =	vand.u32 $0x1F, v10  }
0x71: {  	[tilespmem:s8+$0x20] =	vst v9;
	v9 =	vbroadcast v10, $0x0  }
0x72: {  	v8 =	vld.idx.msk [tilespmem:v8+s15+$0x0], $0xffff  }
0x73: {  	v10 =	vor.u32 v0, v9;
	_ =	sdelay $0x3  }
0x74: {  	[tilespmem:s8+$0x30] =	vst v8  }
0x75: {  	v8 =	vld.idx.msk [tilespmem:v10+s15+$0x0], $0xffff  }
0x76: {  	v10 =	vor.u32 v1, v9;
	_ =	sdelay $0x2  }
0x77: {  	s9 =	sadd.s32 $0x80, s8  }
0x78: {  	[tilespmem:s9+$0xFFFFFFC0] =	vst v8  }
0x79: {  	v8 =	vld.idx.msk [tilespmem:v10+s15+$0x0], $0xffff  }
0x7a: {  	v10 =	vor.u32 v2, v9;
	_ =	sdelay $0x3  }
0x7b: {  	[tilespmem:s9+$0xFFFFFFD0] =	vst v8  }
0x7c: {  	v8 =	vld.idx.msk [tilespmem:v10+s15+$0x0], $0xffff  }
0x7d: {  	v10 =	vor.u32 v3, v9;
	_ =	sdelay $0x3  }
0x7e: {  	[tilespmem:s9+$0xFFFFFFE0] =	vst v8  }
0x7f: {  	v8 =	vld.idx.msk [tilespmem:v10+s15+$0x0], $0xffff  }
0x80: {  	v10 =	vor.u32 v4, v9;
	_ =	sdelay $0x3  }
0x81: {  	[tilespmem:s9+$0xFFFFFFF0] =	vst v8  }
0x82: {  	v8 =	vld.idx.msk [tilespmem:v10+s15+$0x0], $0xffff  }
0x83: {  	v10 =	vor.u32 v5, v9;
	_ =	sdelay $0x3  }
0x84: {  	[tilespmem:s9+$0x0] =	vst v8  }
0x85: {  	v8 =	vld.idx.msk [tilespmem:v10+s15+$0x0], $0xffff  }
0x86: {  	v10 =	vor.u32 v6, v9;
	_ =	sdelay $0x3  }
0x87: {  	[tilespmem:s9+$0x10] =	vst v8  }
0x88: {  	v8 =	vld.idx.msk [tilespmem:v10+s15+$0x0], $0xffff  }
0x89: {  	v9 =	vor.u32 v7, v9;
	_ =	sdelay $0x3  }
0x8a: {  	[tilespmem:s9+$0x20] =	vst v8  }
0x8b: {  	v8 =	vld.idx.msk [tilespmem:v9+s15+$0x0], $0xffff;
	_ =	sdelay $0x4  }
0x8c: {  	s5 =	simm.s32 $0x800;
	[tilespmem:s9+$0x30] =	vst v8  }
0x8d: {  	[tilespmem:s15], [sflag:$0x1] =	stream.indirect.gather [hbm4b:s4+s14], $0x20, s5, s14, $0xb8;
	[tilespmem:$0xC400] =	vst v63  }
0x8e: {  	s10 =	simm.s32 $0x0;
	s11 =	rddreg [dreg:$0x3];
	s7 =	simm.s32 $0xA400  }
0x8f: {  	[hbm4b:s11+s10] =	stream.linear.scatter [tilespmem:s7], [sflag:$0x5], $0x400, $0x38;
	[tilespmem:$0xC400] =	vst v63  }
0x90: {  	s12 =	rddreg [dreg:$0x5];
	v8 =	vmov s10  }
0x91: {  	v8 =	vand.u32 $0x1F, v8;
	[hbm4b:s12+s10] =	stream.linear.scatter [tilespmem:s21], [sflag:$0x5], $0x400, $0x38;
	[tilespmem:$0xC400] =	vst v63  }
0x92: {  	s13 =	rddreg [dreg:$0x6];
	v8 =	vbroadcast v8, $0x0  }
0x93: {  	[hbm4b:s13+s10] =	stream.linear.scatter [tilespmem:s22], [sflag:$0x5], $0x400, $0x38;
	[tilespmem:$0xC400] =	vst v63  }
0x94: {  	s20 =	rddreg [dreg:$0x7];
	v9 =	vor.u32 v0, v8  }
0x95: {  	[hbm4b:s20+s10] =	stream.linear.scatter [tilespmem:s23], [sflag:$0x5], $0x400, $0x38;
	[tilespmem:$0xC400] =	vst v63  }
0x96: {  	_ =	swait.ge [sflag:s24], $0x1000  }
0x97: {  	[sflag:s24] =	ssyncset.done $0x0  }
0x98: {  	[sflag:s24] =	ssyncadd.s32 $0xFFFFF000  }
0x99: {  	v9 =	vld.idx.msk [tilespmem:v9+s16+$0x0], $0xffff  }
0x9a: {  	v10 =	vor.u32 v1, v8;
	_ =	sdelay $0x2  }
0x9b: {  	s8 =	simm.s32 $0xB440  }
0x9c: {  	[tilespmem:s8+$0xFFFFFFC0] =	vst v9  }
0x9d: {  	v9 =	vld.idx.msk [tilespmem:v10+s16+$0x0], $0xffff  }
0x9e: {  	v10 =	vor.u32 v2, v8;
	_ =	sdelay $0x3  }
0x9f: {  	[tilespmem:s8+$0xFFFFFFD0] =	vst v9  }
0xa0: {  	v9 =	vld.idx.msk [tilespmem:v10+s16+$0x0], $0xffff  }
0xa1: {  	v10 =	vor.u32 v3, v8;
	_ =	sdelay $0x3  }
0xa2: {  	[tilespmem:s8+$0xFFFFFFE0] =	vst v9  }
0xa3: {  	v9 =	vld.idx.msk [tilespmem:v10+s16+$0x0], $0xffff  }
0xa4: {  	v10 =	vor.u32 v4, v8;
	_ =	sdelay $0x3  }
0xa5: {  	[tilespmem:s8+$0xFFFFFFF0] =	vst v9  }
0xa6: {  	v9 =	vld.idx.msk [tilespmem:v10+s16+$0x0], $0xffff  }
0xa7: {  	v10 =	vor.u32 v5, v8;
	_ =	sdelay $0x3  }
0xa8: {  	[tilespmem:s8+$0x0] =	vst v9  }
0xa9: {  	v9 =	vld.idx.msk [tilespmem:v10+s16+$0x0], $0xffff  }
0xaa: {  	v10 =	vor.u32 v6, v8;
	_ =	sdelay $0x3  }
0xab: {  	[tilespmem:s8+$0x10] =	vst v9  }
0xac: {  	v9 =	vld.idx.msk [tilespmem:v10+s16+$0x0], $0xffff  }
0xad: {  	v8 =	vor.u32 v7, v8;
	_ =	sdelay $0x1  }
0xae: {  	s9 =	simm.s32 $0x1  }
0xaf: {  	v10 =	vmov s9;
	s9 =	simm.s32 $0x2  }
.LBB2_4:
0xb0: {  	p0 =	sne.s32 s9, $0x1F;
	v10 =	vand.u32 $0x1F, v10;
	[tilespmem:s8+$0x20] =	vst v9  }
0xb1: {  	v10 =	vbroadcast v10, $0x0;
	v8 =	vld.idx.msk [tilespmem:v8+s16+$0x0], $0xffff;
	_ =	sdelay $0x1  }
0xb2: {  	v9 =	vor.u32 v0, v10;
	_ =	sdelay $0x3  }
0xb3: {  	[tilespmem:s8+$0x30] =	vst v8  }
0xb4: {  	v8 =	vld.idx.msk [tilespmem:v9+s16+$0x0], $0xffff;
	_ =	sdelay $0x1  }
0xb5: {  	v9 =	vor.u32 v1, v10;
	_ =	sdelay $0x2  }
0xb6: {  	s8 =	sadd.s32 $0x80, s8  }
0xb7: {  	[tilespmem:s8+$0xFFFFFFC0] =	vst v8  }
0xb8: {  	v8 =	vld.idx.msk [tilespmem:v9+s16+$0x0], $0xffff;
	_ =	sdelay $0x1  }
0xb9: {  	v9 =	vor.u32 v2, v10;
	_ =	sdelay $0x3  }
0xba: {  	[tilespmem:s8+$0xFFFFFFD0] =	vst v8  }
0xbb: {  	v8 =	vld.idx.msk [tilespmem:v9+s16+$0x0], $0xffff;
	_ =	sdelay $0x1  }
0xbc: {  	v9 =	vor.u32 v3, v10;
	_ =	sdelay $0x3  }
0xbd: {  	[tilespmem:s8+$0xFFFFFFE0] =	vst v8  }
0xbe: {  	v8 =	vld.idx.msk [tilespmem:v9+s16+$0x0], $0xffff;
	_ =	sdelay $0x1  }
0xbf: {  	v9 =	vor.u32 v4, v10;
	_ =	sdelay $0x3  }
0xc0: {  	[tilespmem:s8+$0xFFFFFFF0] =	vst v8  }
0xc1: {  	v8 =	vld.idx.msk [tilespmem:v9+s16+$0x0], $0xffff;
	_ =	sdelay $0x1  }
0xc2: {  	v9 =	vor.u32 v5, v10;
	_ =	sdelay $0x3  }
0xc3: {  	[tilespmem:s8+$0x0] =	vst v8  }
0xc4: {  	v8 =	vld.idx.msk [tilespmem:v9+s16+$0x0], $0xffff;
	_ =	sdelay $0x1  }
0xc5: {  	v9 =	vor.u32 v6, v10;
	_ =	sdelay $0x3  }
0xc6: {  	[tilespmem:s8+$0x10] =	vst v8  }
0xc7: {  	v9 =	vld.idx.msk [tilespmem:v9+s16+$0x0], $0xffff  }
.Ltmp1:
0xc8: {  	(pc) =	sbr.rel @p0 .LBB2_4-.Ltmp1, $2  }
0xc9: {  	v8 =	vor.u32 v7, v10;
	_ =	sdelay $0x2  }
0xca: {  	v10 =	vmov s9;
	s9 =	sadd.s32 $0x1, s9  }
0xcb: {  	_ =	sdelay $0x1  }
0xcc: {  	v10 =	vand.u32 $0x1F, v10  }
0xcd: {  	[tilespmem:s8+$0x20] =	vst v9;
	v57 =	vbroadcast v10, $0x0  }
0xce: {  	v8 =	vld.idx.msk [tilespmem:v8+s16+$0x0], $0xffff  }
0xcf: {  	v10 =	vor.u32 v0, v57;
	_ =	sdelay $0x3  }
0xd0: {  	[tilespmem:s8+$0x30] =	vst v8  }
0xd1: {  	v8 =	vld.idx.msk [tilespmem:v10+s16+$0x0], $0xffff  }
0xd2: {  	v58 =	vor.u32 v1, v57;
	_ =	sdelay $0x2  }
0xd3: {  	s10 =	sadd.s32 $0x80, s8  }
0xd4: {  	[tilespmem:s10+$0xFFFFFFC0] =	vst v8  }
0xd5: {  	v8 =	vld.idx.msk [tilespmem:v58+s16+$0x0], $0xffff  }
0xd6: {  	v59 =	vor.u32 v2, v57;
	_ =	sdelay $0x3  }
0xd7: {  	[tilespmem:s10+$0xFFFFFFD0] =	vst v8  }
0xd8: {  	v8 =	vld.idx.msk [tilespmem:v59+s16+$0x0], $0xffff  }
0xd9: {  	v60 =	vor.u32 v3, v57;
	_ =	sdelay $0x3  }
0xda: {  	[tilespmem:s10+$0xFFFFFFE0] =	vst v8  }
0xdb: {  	v8 =	vld.idx.msk [tilespmem:v60+s16+$0x0], $0xffff  }
0xdc: {  	v61 =	vor.u32 v4, v57;
	_ =	sdelay $0x3  }
0xdd: {  	[tilespmem:s10+$0xFFFFFFF0] =	vst v8  }
0xde: {  	v8 =	vld.idx.msk [tilespmem:v61+s16+$0x0], $0xffff  }
0xdf: {  	v62 =	vor.u32 v5, v57;
	_ =	sdelay $0x3  }
0xe0: {  	[tilespmem:s10+$0x0] =	vst v8  }
0xe1: {  	v8 =	vld.idx.msk [tilespmem:v62+s16+$0x0], $0xffff  }
0xe2: {  	v63 =	vor.u32 v6, v57;
	_ =	sdelay $0x3  }
0xe3: {  	[tilespmem:s10+$0x10] =	vst v8  }
0xe4: {  	v8 =	vld.idx.msk [tilespmem:v63+s16+$0x0], $0xffff  }
0xe5: {  	v9 =	vor.u32 v7, v57;
	_ =	sdelay $0x3  }
0xe6: {  	[tilespmem:s10+$0x20] =	vst v8  }
0xe7: {  	v8 =	vld.idx.msk [tilespmem:v9+s16+$0x0], $0xffff;
	_ =	sdelay $0x4  }
0xe8: {  	s5 =	simm.s32 $0xA00;
	[tilespmem:s10+$0x30] =	vst v8  }
0xe9: {  	[tilespmem:s16], [sflag:$0x2] =	stream.indirect.gather [hbm4b:s4+s14], $0x20, s5, s14, $0xb8;
	[tilespmem:$0xC400] =	vst v63  }
0xea: {  	s11 =	rddreg [dreg:$0x8];
	s8 =	simm.s32 $0x0  }
0xeb: {  	[hbm4b:s11+s8] =	stream.linear.scatter [tilespmem:s25], [sflag:$0x6], $0x400, $0x38;
	[tilespmem:$0xC400] =	vst v63  }
0xec: {  	s12 =	rddreg [dreg:$0x9]  }
0xed: {  	[hbm4b:s12+s8] =	stream.linear.scatter [tilespmem:s26], [sflag:$0x6], $0x400, $0x38;
	[tilespmem:$0xC400] =	vst v63  }
0xee: {  	s13 =	rddreg [dreg:$0xa]  }
0xef: {  	[hbm4b:s13+s8] =	stream.linear.scatter [tilespmem:s28], [sflag:$0x6], $0x400, $0x38;
	[tilespmem:$0xC400] =	vst v63  }
0xf0: {  	s20 =	rddreg [dreg:$0xb];
	s9 =	simm.s32 $0x0  }
0xf1: {  	[hbm4b:s20+s8] =	stream.linear.scatter [tilespmem:s29], [sflag:$0x6], $0x400, $0x38;
	[tilespmem:$0xC400] =	vst v63  }
.LBB2_6:
0xf2: {  	_ =	swait.ge [sflag:s30], $0x1000  }
0xf3: {  	[sflag:s30] =	ssyncset.done $0x0  }
0xf4: {  	[sflag:s30] =	ssyncadd.s32 $0xFFFFF000  }
0xf5: {  	_ =	swait.ge [sflag:s31], $0x400  }
0xf6: {  	[sflag:s31] =	ssyncset.done $0x0  }
0xf7: {  	[sflag:s31] =	ssyncadd.s32 $0xFFFFFC00  }
0xf8: {  	v8 =	vmov s8;
	_ =	swait.ge [sflag:s31], $0x400  }
0xf9: {  	v8 =	vand.u32 $0x1F, v8;
	[sflag:s31] =	ssyncset.done $0x0  }
0xfa: {  	v8 =	vbroadcast v8, $0x0;
	[sflag:s31] =	ssyncadd.s32 $0xFFFFFC00  }
0xfb: {  	_ =	swait.ge [sflag:s31], $0x400  }
0xfc: {  	v9 =	vor.u32 v0, v8;
	[sflag:s31] =	ssyncset.done $0x0  }
0xfd: {  	[sflag:s31] =	ssyncadd.s32 $0xFFFFFC00  }
0xfe: {  	_ =	swait.ge [sflag:s31], $0x400  }
0xff: {  	[sflag:s31] =	ssyncset.done $0x0  }
0x100: {  	[sflag:s31] =	ssyncadd.s32 $0xFFFFFC00  }
0x101: {  	v9 =	vld.idx.msk [tilespmem:v9+s17+$0x0], $0xffff  }
0x102: {  	v10 =	vor.u32 v1, v8;
	_ =	sdelay $0x2  }
0x103: {  	s10 =	simm.s32 $0xA440  }
0x104: {  	[tilespmem:s10+$0xFFFFFFC0] =	vst v9  }
0x105: {  	v9 =	vld.idx.msk [tilespmem:v10+s17+$0x0], $0xffff  }
0x106: {  	v10 =	vor.u32 v2, v8;
	_ =	sdelay $0x3  }
0x107: {  	[tilespmem:s10+$0xFFFFFFD0] =	vst v9  }
0x108: {  	v9 =	vld.idx.msk [tilespmem:v10+s17+$0x0], $0xffff  }
0x109: {  	v10 =	vor.u32 v3, v8;
	_ =	sdelay $0x3  }
0x10a: {  	[tilespmem:s10+$0xFFFFFFE0] =	vst v9  }
0x10b: {  	v9 =	vld.idx.msk [tilespmem:v10+s17+$0x0], $0xffff  }
0x10c: {  	v10 =	vor.u32 v4, v8;
	_ =	sdelay $0x3  }
0x10d: {  	[tilespmem:s10+$0xFFFFFFF0] =	vst v9  }
0x10e: {  	v9 =	vld.idx.msk [tilespmem:v10+s17+$0x0], $0xffff  }
0x10f: {  	v10 =	vor.u32 v5, v8;
	_ =	sdelay $0x3  }
0x110: {  	[tilespmem:s10+$0x0] =	vst v9  }
0x111: {  	v9 =	vld.idx.msk [tilespmem:v10+s17+$0x0], $0xffff  }
0x112: {  	v10 =	vor.u32 v6, v8;
	_ =	sdelay $0x3  }
0x113: {  	[tilespmem:s10+$0x10] =	vst v9  }
0x114: {  	v9 =	vld.idx.msk [tilespmem:v10+s17+$0x0], $0xffff  }
0x115: {  	v8 =	vor.u32 v7, v8;
	_ =	sdelay $0x1  }
0x116: {  	s11 =	simm.s32 $0x1  }
0x117: {  	v10 =	vmov s11;
	s11 =	simm.s32 $0x2  }
.LBB2_7:
0x118: {  	p0 =	sne.s32 s11, $0x1F;
	v10 =	vand.u32 $0x1F, v10;
	[tilespmem:s10+$0x20] =	vst v9  }
0x119: {  	v10 =	vbroadcast v10, $0x0;
	v8 =	vld.idx.msk [tilespmem:v8+s17+$0x0], $0xffff;
	_ =	sdelay $0x1  }
0x11a: {  	v9 =	vor.u32 v0, v10;
	_ =	sdelay $0x3  }
0x11b: {  	[tilespmem:s10+$0x30] =	vst v8  }
0x11c: {  	v8 =	vld.idx.msk [tilespmem:v9+s17+$0x0], $0xffff;
	_ =	sdelay $0x1  }
0x11d: {  	v9 =	vor.u32 v1, v10;
	_ =	sdelay $0x2  }
0x11e: {  	s10 =	sadd.s32 $0x80, s10  }
0x11f: {  	[tilespmem:s10+$0xFFFFFFC0] =	vst v8  }
0x120: {  	v8 =	vld.idx.msk [tilespmem:v9+s17+$0x0], $0xffff;
	_ =	sdelay $0x1  }
0x121: {  	v9 =	vor.u32 v2, v10;
	_ =	sdelay $0x3  }
0x122: {  	[tilespmem:s10+$0xFFFFFFD0] =	vst v8  }
0x123: {  	v8 =	vld.idx.msk [tilespmem:v9+s17+$0x0], $0xffff;
	_ =	sdelay $0x1  }
0x124: {  	v9 =	vor.u32 v3, v10;
	_ =	sdelay $0x3  }
0x125: {  	[tilespmem:s10+$0xFFFFFFE0] =	vst v8  }
0x126: {  	v8 =	vld.idx.msk [tilespmem:v9+s17+$0x0], $0xffff;
	_ =	sdelay $0x1  }
0x127: {  	v9 =	vor.u32 v4, v10;
	_ =	sdelay $0x3  }
0x128: {  	[tilespmem:s10+$0xFFFFFFF0] =	vst v8  }
0x129: {  	v8 =	vld.idx.msk [tilespmem:v9+s17+$0x0], $0xffff;
	_ =	sdelay $0x1  }
0x12a: {  	v9 =	vor.u32 v5, v10;
	_ =	sdelay $0x3  }
0x12b: {  	[tilespmem:s10+$0x0] =	vst v8  }
0x12c: {  	v8 =	vld.idx.msk [tilespmem:v9+s17+$0x0], $0xffff;
	_ =	sdelay $0x1  }
0x12d: {  	v9 =	vor.u32 v6, v10;
	_ =	sdelay $0x3  }
0x12e: {  	[tilespmem:s10+$0x10] =	vst v8  }
0x12f: {  	v9 =	vld.idx.msk [tilespmem:v9+s17+$0x0], $0xffff  }
.Ltmp2:
0x130: {  	(pc) =	sbr.rel @p0 .LBB2_7-.Ltmp2, $2  }
0x131: {  	v8 =	vor.u32 v7, v10;
	_ =	sdelay $0x2  }
0x132: {  	v10 =	vmov s11;
	s11 =	sadd.s32 $0x1, s11  }
0x133: {  	_ =	sdelay $0x1  }
0x134: {  	v10 =	vand.u32 $0x1F, v10  }
0x135: {  	[tilespmem:s10+$0x20] =	vst v9;
	v9 =	vbroadcast v10, $0x0  }
0x136: {  	v8 =	vld.idx.msk [tilespmem:v8+s17+$0x0], $0xffff  }
0x137: {  	v10 =	vor.u32 v0, v9;
	_ =	sdelay $0x3  }
0x138: {  	[tilespmem:s10+$0x30] =	vst v8  }
0x139: {  	v8 =	vld.idx.msk [tilespmem:v10+s17+$0x0], $0xffff  }
0x13a: {  	v10 =	vor.u32 v1, v9;
	_ =	sdelay $0x2  }
0x13b: {  	s11 =	sadd.s32 $0x80, s10  }
0x13c: {  	[tilespmem:s11+$0xFFFFFFC0] =	vst v8  }
0x13d: {  	v8 =	vld.idx.msk [tilespmem:v10+s17+$0x0], $0xffff  }
0x13e: {  	v10 =	vor.u32 v2, v9;
	_ =	sdelay $0x3  }
0x13f: {  	[tilespmem:s11+$0xFFFFFFD0] =	vst v8  }
0x140: {  	v8 =	vld.idx.msk [tilespmem:v10+s17+$0x0], $0xffff  }
0x141: {  	v10 =	vor.u32 v3, v9;
	_ =	sdelay $0x3  }
0x142: {  	[tilespmem:s11+$0xFFFFFFE0] =	vst v8  }
0x143: {  	v8 =	vld.idx.msk [tilespmem:v10+s17+$0x0], $0xffff  }
0x144: {  	v10 =	vor.u32 v4, v9;
	_ =	sdelay $0x3  }
0x145: {  	[tilespmem:s11+$0xFFFFFFF0] =	vst v8  }
0x146: {  	v8 =	vld.idx.msk [tilespmem:v10+s17+$0x0], $0xffff  }
0x147: {  	v10 =	vor.u32 v5, v9;
	_ =	sdelay $0x3  }
0x148: {  	[tilespmem:s11+$0x0] =	vst v8  }
0x149: {  	v8 =	vld.idx.msk [tilespmem:v10+s17+$0x0], $0xffff  }
0x14a: {  	v10 =	vor.u32 v6, v9;
	_ =	sdelay $0x3  }
0x14b: {  	[tilespmem:s11+$0x10] =	vst v8  }
0x14c: {  	v8 =	vld.idx.msk [tilespmem:v10+s17+$0x0], $0xffff  }
0x14d: {  	s10 =	sshll.u32 s9, $0x2;
	v9 =	vor.u32 v7, v9  }
0x14e: {  	s12 =	sadd.s32 $0x6, s10  }
0x14f: {  	s13 =	smulhi.u32 $0x51EB851F, s12  }
0x150: {  	s7 =	sor.u32 $0x2, s10  }
0x151: {  	s20 =	smulhi.u32 $0x51EB851F, s7;
	s5 =	sshrl.u32 s13, $0x4;
	[tilespmem:s11+$0x20] =	vst v8  }
0x152: {  	s5 =	smul.u32 $0x32, s5;
	v8 =	vld.idx.msk [tilespmem:v9+s17+$0x0], $0xffff  }
0x153: {  	s13 =	sshll.u32 s13, $0x3  }
0x154: {  	s5 =	ssub.s32 s12, s5;
	s12 =	sand.u32 $0x3FFFFF80, s13;
	s13 =	sshrl.u32 s20, $0x4  }
0x155: {  	s20 =	smul.u32 $0x32, s13  }
0x156: {  	s5 =	sshll.u32 s5, $0x9  }
0x157: {  	s13 =	sadd.s32 s6, s13;
	s5 =	sadd.s32 s12, s5;
	s12 =	ssub.s32 s7, s20;
	[tilespmem:s11+$0x30] =	vst v8  }
0x158: {  	[tilespmem:s17], [sflag:$0x3] =	stream.indirect.gather [hbm4b:s4+s14], $0x20, s5, s14, $0xb8;
	[tilespmem:$0xC400] =	vst v63  }
0x159: {  	s7 =	sshll.u32 s13, $0xA;
	s5 =	sshll.u32 s12, $0x13  }
0x15a: {  	s5 =	sadd.s32 s5, s7  }
0x15b: {  	s5 =	sshrl.u32 s5, $0x3  }
0x15c: {  	s20 =	simm.s32 $0xA400;
	s7 =	simm.s32 $0x0;
	s5 =	sadd.s32 s2, s5  }
0x15d: {  	[hbm4b:s5+s7] =	stream.linear.scatter [tilespmem:s20], [sflag:$0x5], $0x400, $0x38;
	[tilespmem:$0xC400] =	vst v63  }
0x15e: {  	s12 =	sadd.s32 $0x4000, s5  }
0x15f: {  	[hbm4b:s12+s7] =	stream.linear.scatter [tilespmem:s21], [sflag:$0x5], $0x400, $0x38;
	[tilespmem:$0xC400] =	vst v63  }
0x160: {  	s13 =	sadd.s32 $0x8000, s5  }
0x161: {  	[hbm4b:s13+s7] =	stream.linear.scatter [tilespmem:s22], [sflag:$0x5], $0x400, $0x38;
	[tilespmem:$0xC400] =	vst v63  }
0x162: {  	s5 =	sadd.s32 $0xC000, s5  }
0x163: {  	[hbm4b:s5+s7] =	stream.linear.scatter [tilespmem:s23], [sflag:$0x5], $0x400, $0x38;
	[tilespmem:$0xC400] =	vst v63  }
0x164: {  	_ =	swait.ge [sflag:s0], $0x1000  }
0x165: {  	[sflag:s0] =	ssyncset.done $0x0  }
0x166: {  	[sflag:s0] =	ssyncadd.s32 $0xFFFFF000  }
0x167: {  	_ =	swait.ge [sflag:s1], $0x400  }
0x168: {  	[sflag:s1] =	ssyncset.done $0x0  }
0x169: {  	[sflag:s1] =	ssyncadd.s32 $0xFFFFFC00  }
0x16a: {  	v8 =	vmov s7;
	_ =	swait.ge [sflag:s1], $0x400  }
0x16b: {  	v8 =	vand.u32 $0x1F, v8;
	[sflag:s1] =	ssyncset.done $0x0  }
0x16c: {  	v8 =	vbroadcast v8, $0x0;
	[sflag:s1] =	ssyncadd.s32 $0xFFFFFC00  }
0x16d: {  	_ =	swait.ge [sflag:s1], $0x400  }
0x16e: {  	v9 =	vor.u32 v0, v8;
	[sflag:s1] =	ssyncset.done $0x0  }
0x16f: {  	[sflag:s1] =	ssyncadd.s32 $0xFFFFFC00  }
0x170: {  	_ =	swait.ge [sflag:s1], $0x400  }
0x171: {  	[sflag:s1] =	ssyncset.done $0x0  }
0x172: {  	[sflag:s1] =	ssyncadd.s32 $0xFFFFFC00  }
0x173: {  	v9 =	vld.idx.msk [tilespmem:v9+s18+$0x0], $0xffff  }
0x174: {  	v10 =	vor.u32 v1, v8;
	_ =	sdelay $0x2  }
0x175: {  	s11 =	simm.s32 $0xB440  }
0x176: {  	[tilespmem:s11+$0xFFFFFFC0] =	vst v9  }
0x177: {  	v9 =	vld.idx.msk [tilespmem:v10+s18+$0x0], $0xffff  }
0x178: {  	v10 =	vor.u32 v2, v8;
	_ =	sdelay $0x3  }
0x179: {  	[tilespmem:s11+$0xFFFFFFD0] =	vst v9  }
0x17a: {  	v9 =	vld.idx.msk [tilespmem:v10+s18+$0x0], $0xffff  }
0x17b: {  	v10 =	vor.u32 v3, v8;
	_ =	sdelay $0x3  }
0x17c: {  	[tilespmem:s11+$0xFFFFFFE0] =	vst v9  }
0x17d: {  	v9 =	vld.idx.msk [tilespmem:v10+s18+$0x0], $0xffff  }
0x17e: {  	v10 =	vor.u32 v4, v8;
	_ =	sdelay $0x3  }
0x17f: {  	[tilespmem:s11+$0xFFFFFFF0] =	vst v9  }
0x180: {  	v9 =	vld.idx.msk [tilespmem:v10+s18+$0x0], $0xffff  }
0x181: {  	v10 =	vor.u32 v5, v8;
	_ =	sdelay $0x3  }
0x182: {  	[tilespmem:s11+$0x0] =	vst v9  }
0x183: {  	v9 =	vld.idx.msk [tilespmem:v10+s18+$0x0], $0xffff  }
0x184: {  	v10 =	vor.u32 v6, v8;
	_ =	sdelay $0x3  }
0x185: {  	[tilespmem:s11+$0x10] =	vst v9  }
0x186: {  	v9 =	vld.idx.msk [tilespmem:v10+s18+$0x0], $0xffff  }
0x187: {  	v8 =	vor.u32 v7, v8;
	_ =	sdelay $0x1  }
0x188: {  	s20 =	simm.s32 $0x1  }
0x189: {  	s12 =	simm.s32 $0x2;
	v10 =	vmov s20  }
.LBB2_9:
0x18a: {  	p0 =	sne.s32 s12, $0x1F;
	v10 =	vand.u32 $0x1F, v10;
	[tilespmem:s11+$0x20] =	vst v9  }
0x18b: {  	v10 =	vbroadcast v10, $0x0;
	v8 =	vld.idx.msk [tilespmem:v8+s18+$0x0], $0xffff;
	_ =	sdelay $0x1  }
0x18c: {  	v9 =	vor.u32 v0, v10;
	_ =	sdelay $0x3  }
0x18d: {  	[tilespmem:s11+$0x30] =	vst v8  }
0x18e: {  	v8 =	vld.idx.msk [tilespmem:v9+s18+$0x0], $0xffff;
	_ =	sdelay $0x1  }
0x18f: {  	v9 =	vor.u32 v1, v10;
	_ =	sdelay $0x2  }
0x190: {  	s11 =	sadd.s32 $0x80, s11  }
0x191: {  	[tilespmem:s11+$0xFFFFFFC0] =	vst v8  }
0x192: {  	v8 =	vld.idx.msk [tilespmem:v9+s18+$0x0], $0xffff;
	_ =	sdelay $0x1  }
0x193: {  	v9 =	vor.u32 v2, v10;
	_ =	sdelay $0x3  }
0x194: {  	[tilespmem:s11+$0xFFFFFFD0] =	vst v8  }
0x195: {  	v8 =	vld.idx.msk [tilespmem:v9+s18+$0x0], $0xffff;
	_ =	sdelay $0x1  }
0x196: {  	v9 =	vor.u32 v3, v10;
	_ =	sdelay $0x3  }
0x197: {  	[tilespmem:s11+$0xFFFFFFE0] =	vst v8  }
0x198: {  	v8 =	vld.idx.msk [tilespmem:v9+s18+$0x0], $0xffff;
	_ =	sdelay $0x1  }
0x199: {  	v9 =	vor.u32 v4, v10;
	_ =	sdelay $0x3  }
0x19a: {  	[tilespmem:s11+$0xFFFFFFF0] =	vst v8  }
0x19b: {  	v8 =	vld.idx.msk [tilespmem:v9+s18+$0x0], $0xffff;
	_ =	sdelay $0x1  }
0x19c: {  	v9 =	vor.u32 v5, v10;
	_ =	sdelay $0x3  }
0x19d: {  	[tilespmem:s11+$0x0] =	vst v8  }
0x19e: {  	v8 =	vld.idx.msk [tilespmem:v9+s18+$0x0], $0xffff;
	_ =	sdelay $0x1  }
0x19f: {  	v9 =	vor.u32 v6, v10;
	_ =	sdelay $0x3  }
0x1a0: {  	[tilespmem:s11+$0x10] =	vst v8  }
0x1a1: {  	v9 =	vld.idx.msk [tilespmem:v9+s18+$0x0], $0xffff  }
.Ltmp3:
0x1a2: {  	(pc) =	sbr.rel @p0 .LBB2_9-.Ltmp3, $2  }
0x1a3: {  	v8 =	vor.u32 v7, v10;
	_ =	sdelay $0x2  }
0x1a4: {  	v10 =	vmov s12;
	s12 =	sadd.s32 $0x1, s12  }
0x1a5: {  	_ =	sdelay $0x1  }
0x1a6: {  	v10 =	vand.u32 $0x1F, v10  }
0x1a7: {  	[tilespmem:s11+$0x20] =	vst v9;
	v9 =	vbroadcast v10, $0x0  }
0x1a8: {  	v8 =	vld.idx.msk [tilespmem:v8+s18+$0x0], $0xffff  }
0x1a9: {  	v10 =	vor.u32 v0, v9;
	_ =	sdelay $0x3  }
0x1aa: {  	[tilespmem:s11+$0x30] =	vst v8  }
0x1ab: {  	v8 =	vld.idx.msk [tilespmem:v10+s18+$0x0], $0xffff  }
0x1ac: {  	v10 =	vor.u32 v1, v9;
	_ =	sdelay $0x2  }
0x1ad: {  	s5 =	sadd.s32 $0x80, s11  }
0x1ae: {  	[tilespmem:s5+$0xFFFFFFC0] =	vst v8  }
0x1af: {  	v8 =	vld.idx.msk [tilespmem:v10+s18+$0x0], $0xffff  }
0x1b0: {  	v10 =	vor.u32 v2, v9;
	_ =	sdelay $0x3  }
0x1b1: {  	[tilespmem:s5+$0xFFFFFFD0] =	vst v8  }
0x1b2: {  	v8 =	vld.idx.msk [tilespmem:v10+s18+$0x0], $0xffff  }
0x1b3: {  	v10 =	vor.u32 v3, v9;
	_ =	sdelay $0x3  }
0x1b4: {  	[tilespmem:s5+$0xFFFFFFE0] =	vst v8  }
0x1b5: {  	v8 =	vld.idx.msk [tilespmem:v10+s18+$0x0], $0xffff  }
0x1b6: {  	v10 =	vor.u32 v4, v9;
	_ =	sdelay $0x3  }
0x1b7: {  	[tilespmem:s5+$0xFFFFFFF0] =	vst v8  }
0x1b8: {  	v8 =	vld.idx.msk [tilespmem:v10+s18+$0x0], $0xffff  }
0x1b9: {  	v10 =	vor.u32 v5, v9;
	_ =	sdelay $0x3  }
0x1ba: {  	[tilespmem:s5+$0x0] =	vst v8  }
0x1bb: {  	v8 =	vld.idx.msk [tilespmem:v10+s18+$0x0], $0xffff  }
0x1bc: {  	v10 =	vor.u32 v6, v9;
	_ =	sdelay $0x3  }
0x1bd: {  	[tilespmem:s5+$0x10] =	vst v8  }
0x1be: {  	v8 =	vld.idx.msk [tilespmem:v10+s18+$0x0], $0xffff  }
0x1bf: {  	v9 =	vor.u32 v7, v9;
	_ =	sdelay $0x1  }
0x1c0: {  	s7 =	sadd.s32 $0x7, s10  }
0x1c1: {  	s11 =	smulhi.u32 $0x51EB851F, s7  }
0x1c2: {  	[tilespmem:s5+$0x20] =	vst v8  }
0x1c3: {  	s12 =	sshrl.u32 s11, $0x4;
	v8 =	vld.idx.msk [tilespmem:v9+s18+$0x0], $0xffff  }
0x1c4: {  	s13 =	sor.u32 $0x3, s10;
	s12 =	smul.u32 $0x32, s12  }
0x1c5: {  	s20 =	smulhi.u32 $0x51EB851F, s13  }
0x1c6: {  	s11 =	sshll.u32 s11, $0x3;
	s7 =	ssub.s32 s7, s12  }
0x1c7: {  	s11 =	sand.u32 $0x3FFFFF80, s11;
	s12 =	sshrl.u32 s20, $0x4;
	s7 =	sshll.u32 s7, $0x9  }
0x1c8: {  	s20 =	smul.u32 $0x32, s12;
	s11 =	sadd.s32 s11, s7;
	[tilespmem:s5+$0x30] =	vst v8  }
0x1c9: {  	[tilespmem:s18], [sflag:$0x4] =	stream.indirect.gather [hbm4b:s4+s14], $0x20, s11, s14, $0xb8;
	[tilespmem:$0xC400] =	vst v63  }
0x1ca: {  	s11 =	ssub.s32 s13, s20;
	s13 =	sadd.s32 s6, s12  }
0x1cb: {  	s5 =	sshll.u32 s11, $0x13;
	s7 =	sshll.u32 s13, $0xA  }
0x1cc: {  	s5 =	sadd.s32 s5, s7  }
0x1cd: {  	s5 =	sshrl.u32 s5, $0x3  }
0x1ce: {  	s20 =	simm.s32 $0x0;
	s5 =	sadd.s32 s2, s5  }
0x1cf: {  	[hbm4b:s5+s20] =	stream.linear.scatter [tilespmem:s25], [sflag:$0x6], $0x400, $0x38;
	[tilespmem:$0xC400] =	vst v63  }
0x1d0: {  	s12 =	sadd.s32 $0x4000, s5  }
0x1d1: {  	[hbm4b:s12+s20] =	stream.linear.scatter [tilespmem:s26], [sflag:$0x6], $0x400, $0x38;
	[tilespmem:$0xC400] =	vst v63  }
0x1d2: {  	s13 =	sadd.s32 $0x8000, s5  }
0x1d3: {  	[hbm4b:s13+s20] =	stream.linear.scatter [tilespmem:s28], [sflag:$0x6], $0x400, $0x38;
	[tilespmem:$0xC400] =	vst v63  }
0x1d4: {  	s5 =	sadd.s32 $0xC000, s5  }
0x1d5: {  	[hbm4b:s5+s20] =	stream.linear.scatter [tilespmem:s29], [sflag:$0x6], $0x400, $0x38;
	[tilespmem:$0xC400] =	vst v63  }
0x1d6: {  	_ =	swait.ge [sflag:s19], $0x1000  }
0x1d7: {  	[sflag:s19] =	ssyncset.done $0x0  }
0x1d8: {  	[sflag:s19] =	ssyncadd.s32 $0xFFFFF000  }
0x1d9: {  	_ =	swait.ge [sflag:s31], $0x400  }
0x1da: {  	[sflag:s31] =	ssyncset.done $0x0  }
0x1db: {  	[sflag:s31] =	ssyncadd.s32 $0xFFFFFC00  }
0x1dc: {  	v8 =	vmov s20;
	_ =	swait.ge [sflag:s31], $0x400  }
0x1dd: {  	v8 =	vand.u32 $0x1F, v8;
	[sflag:s31] =	ssyncset.done $0x0  }
0x1de: {  	v8 =	vbroadcast v8, $0x0;
	[sflag:s31] =	ssyncadd.s32 $0xFFFFFC00  }
0x1df: {  	_ =	swait.ge [sflag:s31], $0x400  }
0x1e0: {  	v9 =	vor.u32 v0, v8;
	[sflag:s31] =	ssyncset.done $0x0  }
0x1e1: {  	[sflag:s31] =	ssyncadd.s32 $0xFFFFFC00  }
0x1e2: {  	_ =	swait.ge [sflag:s31], $0x400  }
0x1e3: {  	[sflag:s31] =	ssyncset.done $0x0  }
0x1e4: {  	[sflag:s31] =	ssyncadd.s32 $0xFFFFFC00  }
0x1e5: {  	v9 =	vld.idx.msk [tilespmem:v9+s15+$0x0], $0xffff  }
0x1e6: {  	v10 =	vor.u32 v1, v8;
	_ =	sdelay $0x2  }
0x1e7: {  	s11 =	simm.s32 $0xA440  }
0x1e8: {  	[tilespmem:s11+$0xFFFFFFC0] =	vst v9  }
0x1e9: {  	v9 =	vld.idx.msk [tilespmem:v10+s15+$0x0], $0xffff  }
0x1ea: {  	v10 =	vor.u32 v2, v8;
	_ =	sdelay $0x3  }
0x1eb: {  	[tilespmem:s11+$0xFFFFFFD0] =	vst v9  }
0x1ec: {  	v9 =	vld.idx.msk [tilespmem:v10+s15+$0x0], $0xffff  }
0x1ed: {  	v10 =	vor.u32 v3, v8;
	_ =	sdelay $0x3  }
0x1ee: {  	[tilespmem:s11+$0xFFFFFFE0] =	vst v9  }
0x1ef: {  	v9 =	vld.idx.msk [tilespmem:v10+s15+$0x0], $0xffff  }
0x1f0: {  	v10 =	vor.u32 v4, v8;
	_ =	sdelay $0x3  }
0x1f1: {  	[tilespmem:s11+$0xFFFFFFF0] =	vst v9  }
0x1f2: {  	v9 =	vld.idx.msk [tilespmem:v10+s15+$0x0], $0xffff  }
0x1f3: {  	v10 =	vor.u32 v5, v8;
	_ =	sdelay $0x3  }
0x1f4: {  	[tilespmem:s11+$0x0] =	vst v9  }
0x1f5: {  	v9 =	vld.idx.msk [tilespmem:v10+s15+$0x0], $0xffff  }
0x1f6: {  	v10 =	vor.u32 v6, v8;
	_ =	sdelay $0x3  }
0x1f7: {  	[tilespmem:s11+$0x10] =	vst v9  }
0x1f8: {  	v9 =	vld.idx.msk [tilespmem:v10+s15+$0x0], $0xffff  }
0x1f9: {  	v8 =	vor.u32 v7, v8;
	_ =	sdelay $0x1  }
0x1fa: {  	s20 =	simm.s32 $0x1  }
0x1fb: {  	s12 =	simm.s32 $0x2;
	v10 =	vmov s20  }
.LBB2_11:
0x1fc: {  	p0 =	sne.s32 s12, $0x1F;
	v10 =	vand.u32 $0x1F, v10;
	[tilespmem:s11+$0x20] =	vst v9  }
0x1fd: {  	v10 =	vbroadcast v10, $0x0;
	v8 =	vld.idx.msk [tilespmem:v8+s15+$0x0], $0xffff;
	_ =	sdelay $0x1  }
0x1fe: {  	v9 =	vor.u32 v0, v10;
	_ =	sdelay $0x3  }
0x1ff: {  	[tilespmem:s11+$0x30] =	vst v8  }
0x200: {  	v8 =	vld.idx.msk [tilespmem:v9+s15+$0x0], $0xffff;
	_ =	sdelay $0x1  }
0x201: {  	v9 =	vor.u32 v1, v10;
	_ =	sdelay $0x2  }
0x202: {  	s11 =	sadd.s32 $0x80, s11  }
0x203: {  	[tilespmem:s11+$0xFFFFFFC0] =	vst v8  }
0x204: {  	v8 =	vld.idx.msk [tilespmem:v9+s15+$0x0], $0xffff;
	_ =	sdelay $0x1  }
0x205: {  	v9 =	vor.u32 v2, v10;
	_ =	sdelay $0x3  }
0x206: {  	[tilespmem:s11+$0xFFFFFFD0] =	vst v8  }
0x207: {  	v8 =	vld.idx.msk [tilespmem:v9+s15+$0x0], $0xffff;
	_ =	sdelay $0x1  }
0x208: {  	v9 =	vor.u32 v3, v10;
	_ =	sdelay $0x3  }
0x209: {  	[tilespmem:s11+$0xFFFFFFE0] =	vst v8  }
0x20a: {  	v8 =	vld.idx.msk [tilespmem:v9+s15+$0x0], $0xffff;
	_ =	sdelay $0x1  }
0x20b: {  	v9 =	vor.u32 v4, v10;
	_ =	sdelay $0x3  }
0x20c: {  	[tilespmem:s11+$0xFFFFFFF0] =	vst v8  }
0x20d: {  	v8 =	vld.idx.msk [tilespmem:v9+s15+$0x0], $0xffff;
	_ =	sdelay $0x1  }
0x20e: {  	v9 =	vor.u32 v5, v10;
	_ =	sdelay $0x3  }
0x20f: {  	[tilespmem:s11+$0x0] =	vst v8  }
0x210: {  	v8 =	vld.idx.msk [tilespmem:v9+s15+$0x0], $0xffff;
	_ =	sdelay $0x1  }
0x211: {  	v9 =	vor.u32 v6, v10;
	_ =	sdelay $0x3  }
0x212: {  	[tilespmem:s11+$0x10] =	vst v8  }
0x213: {  	v9 =	vld.idx.msk [tilespmem:v9+s15+$0x0], $0xffff  }
.Ltmp4:
0x214: {  	(pc) =	sbr.rel @p0 .LBB2_11-.Ltmp4, $2  }
0x215: {  	v8 =	vor.u32 v7, v10;
	_ =	sdelay $0x2  }
0x216: {  	v10 =	vmov s12;
	s12 =	sadd.s32 $0x1, s12  }
0x217: {  	_ =	sdelay $0x1  }
0x218: {  	v10 =	vand.u32 $0x1F, v10  }
0x219: {  	[tilespmem:s11+$0x20] =	vst v9;
	v9 =	vbroadcast v10, $0x0  }
0x21a: {  	v8 =	vld.idx.msk [tilespmem:v8+s15+$0x0], $0xffff  }
0x21b: {  	v10 =	vor.u32 v0, v9;
	_ =	sdelay $0x3  }
0x21c: {  	[tilespmem:s11+$0x30] =	vst v8  }
0x21d: {  	v8 =	vld.idx.msk [tilespmem:v10+s15+$0x0], $0xffff  }
0x21e: {  	v10 =	vor.u32 v1, v9;
	_ =	sdelay $0x2  }
0x21f: {  	s5 =	sadd.s32 $0x80, s11  }
0x220: {  	[tilespmem:s5+$0xFFFFFFC0] =	vst v8  }
0x221: {  	v8 =	vld.idx.msk [tilespmem:v10+s15+$0x0], $0xffff  }
0x222: {  	v10 =	vor.u32 v2, v9;
	_ =	sdelay $0x3  }
0x223: {  	[tilespmem:s5+$0xFFFFFFD0] =	vst v8  }
0x224: {  	v8 =	vld.idx.msk [tilespmem:v10+s15+$0x0], $0xffff  }
0x225: {  	v10 =	vor.u32 v3, v9;
	_ =	sdelay $0x3  }
0x226: {  	[tilespmem:s5+$0xFFFFFFE0] =	vst v8  }
0x227: {  	v8 =	vld.idx.msk [tilespmem:v10+s15+$0x0], $0xffff  }
0x228: {  	v10 =	vor.u32 v4, v9;
	_ =	sdelay $0x3  }
0x229: {  	[tilespmem:s5+$0xFFFFFFF0] =	vst v8  }
0x22a: {  	v8 =	vld.idx.msk [tilespmem:v10+s15+$0x0], $0xffff  }
0x22b: {  	v10 =	vor.u32 v5, v9;
	_ =	sdelay $0x3  }
0x22c: {  	[tilespmem:s5+$0x0] =	vst v8  }
0x22d: {  	v8 =	vld.idx.msk [tilespmem:v10+s15+$0x0], $0xffff  }
0x22e: {  	v10 =	vor.u32 v6, v9;
	_ =	sdelay $0x3  }
0x22f: {  	[tilespmem:s5+$0x10] =	vst v8  }
0x230: {  	v8 =	vld.idx.msk [tilespmem:v10+s15+$0x0], $0xffff  }
0x231: {  	v9 =	vor.u32 v7, v9;
	_ =	sdelay $0x1  }
0x232: {  	s7 =	sadd.s32 $0x8, s10  }
0x233: {  	s11 =	smulhi.u32 $0x51EB851F, s7  }
0x234: {  	[tilespmem:s5+$0x20] =	vst v8  }
0x235: {  	s12 =	sshrl.u32 s11, $0x4;
	v8 =	vld.idx.msk [tilespmem:v9+s15+$0x0], $0xffff  }
0x236: {  	s13 =	sadd.s32 $0x4, s10;
	s12 =	smul.u32 $0x32, s12  }
0x237: {  	s20 =	smulhi.u32 $0x51EB851F, s13  }
0x238: {  	s11 =	sshll.u32 s11, $0x3;
	s7 =	ssub.s32 s7, s12  }
0x239: {  	s11 =	sand.u32 $0x3FFFFF80, s11;
	s12 =	sshrl.u32 s20, $0x4;
	s7 =	sshll.u32 s7, $0x9  }
0x23a: {  	s20 =	smul.u32 $0x32, s12;
	s11 =	sadd.s32 s11, s7;
	[tilespmem:s5+$0x30] =	vst v8  }
0x23b: {  	[tilespmem:s15], [sflag:$0x1] =	stream.indirect.gather [hbm4b:s4+s14], $0x20, s11, s14, $0xb8;
	[tilespmem:$0xC400] =	vst v63  }
0x23c: {  	s11 =	ssub.s32 s13, s20;
	s13 =	sadd.s32 s6, s12  }
0x23d: {  	s5 =	sshll.u32 s11, $0x13;
	s7 =	sshll.u32 s13, $0xA  }
0x23e: {  	s5 =	sadd.s32 s5, s7  }
0x23f: {  	s5 =	sshrl.u32 s5, $0x3  }
0x240: {  	s20 =	simm.s32 $0xA400;
	s7 =	simm.s32 $0x0;
	s5 =	sadd.s32 s2, s5  }
0x241: {  	[hbm4b:s5+s7] =	stream.linear.scatter [tilespmem:s20], [sflag:$0x5], $0x400, $0x38;
	[tilespmem:$0xC400] =	vst v63  }
0x242: {  	s12 =	sadd.s32 $0x4000, s5  }
0x243: {  	[hbm4b:s12+s7] =	stream.linear.scatter [tilespmem:s21], [sflag:$0x5], $0x400, $0x38;
	[tilespmem:$0xC400] =	vst v63  }
0x244: {  	s13 =	sadd.s32 $0x8000, s5  }
0x245: {  	[hbm4b:s13+s7] =	stream.linear.scatter [tilespmem:s22], [sflag:$0x5], $0x400, $0x38;
	[tilespmem:$0xC400] =	vst v63  }
0x246: {  	s5 =	sadd.s32 $0xC000, s5  }
0x247: {  	[hbm4b:s5+s7] =	stream.linear.scatter [tilespmem:s23], [sflag:$0x5], $0x400, $0x38;
	[tilespmem:$0xC400] =	vst v63  }
0x248: {  	_ =	swait.ge [sflag:s24], $0x1000  }
0x249: {  	[sflag:s24] =	ssyncset.done $0x0  }
0x24a: {  	[sflag:s24] =	ssyncadd.s32 $0xFFFFF000  }
0x24b: {  	_ =	swait.ge [sflag:s1], $0x400  }
0x24c: {  	[sflag:s1] =	ssyncset.done $0x0  }
0x24d: {  	[sflag:s1] =	ssyncadd.s32 $0xFFFFFC00  }
0x24e: {  	v8 =	vmov s7;
	_ =	swait.ge [sflag:s1], $0x400  }
0x24f: {  	v8 =	vand.u32 $0x1F, v8;
	[sflag:s1] =	ssyncset.done $0x0  }
0x250: {  	v8 =	vbroadcast v8, $0x0;
	[sflag:s1] =	ssyncadd.s32 $0xFFFFFC00  }
0x251: {  	_ =	swait.ge [sflag:s1], $0x400  }
0x252: {  	v9 =	vor.u32 v0, v8;
	[sflag:s1] =	ssyncset.done $0x0  }
0x253: {  	[sflag:s1] =	ssyncadd.s32 $0xFFFFFC00  }
0x254: {  	_ =	swait.ge [sflag:s1], $0x400  }
0x255: {  	[sflag:s1] =	ssyncset.done $0x0  }
0x256: {  	[sflag:s1] =	ssyncadd.s32 $0xFFFFFC00  }
0x257: {  	v9 =	vld.idx.msk [tilespmem:v9+s16+$0x0], $0xffff  }
0x258: {  	v10 =	vor.u32 v1, v8;
	_ =	sdelay $0x2  }
0x259: {  	s11 =	simm.s32 $0xB440  }
0x25a: {  	[tilespmem:s11+$0xFFFFFFC0] =	vst v9  }
0x25b: {  	v9 =	vld.idx.msk [tilespmem:v10+s16+$0x0], $0xffff  }
0x25c: {  	v10 =	vor.u32 v2, v8;
	_ =	sdelay $0x3  }
0x25d: {  	[tilespmem:s11+$0xFFFFFFD0] =	vst v9  }
0x25e: {  	v9 =	vld.idx.msk [tilespmem:v10+s16+$0x0], $0xffff  }
0x25f: {  	v10 =	vor.u32 v3, v8;
	_ =	sdelay $0x3  }
0x260: {  	[tilespmem:s11+$0xFFFFFFE0] =	vst v9  }
0x261: {  	v9 =	vld.idx.msk [tilespmem:v10+s16+$0x0], $0xffff  }
0x262: {  	v10 =	vor.u32 v4, v8;
	_ =	sdelay $0x3  }
0x263: {  	[tilespmem:s11+$0xFFFFFFF0] =	vst v9  }
0x264: {  	v9 =	vld.idx.msk [tilespmem:v10+s16+$0x0], $0xffff  }
0x265: {  	v10 =	vor.u32 v5, v8;
	_ =	sdelay $0x3  }
0x266: {  	[tilespmem:s11+$0x0] =	vst v9  }
0x267: {  	v9 =	vld.idx.msk [tilespmem:v10+s16+$0x0], $0xffff  }
0x268: {  	v10 =	vor.u32 v6, v8;
	_ =	sdelay $0x3  }
0x269: {  	[tilespmem:s11+$0x10] =	vst v9  }
0x26a: {  	v9 =	vld.idx.msk [tilespmem:v10+s16+$0x0], $0xffff  }
0x26b: {  	v8 =	vor.u32 v7, v8;
	_ =	sdelay $0x1  }
0x26c: {  	s20 =	simm.s32 $0x1  }
0x26d: {  	s12 =	simm.s32 $0x2;
	v10 =	vmov s20  }
.LBB2_13:
0x26e: {  	p0 =	sne.s32 s12, $0x1F;
	v10 =	vand.u32 $0x1F, v10;
	[tilespmem:s11+$0x20] =	vst v9  }
0x26f: {  	v10 =	vbroadcast v10, $0x0;
	v8 =	vld.idx.msk [tilespmem:v8+s16+$0x0], $0xffff;
	_ =	sdelay $0x1  }
0x270: {  	v9 =	vor.u32 v0, v10;
	_ =	sdelay $0x3  }
0x271: {  	[tilespmem:s11+$0x30] =	vst v8  }
0x272: {  	v8 =	vld.idx.msk [tilespmem:v9+s16+$0x0], $0xffff;
	_ =	sdelay $0x1  }
0x273: {  	v9 =	vor.u32 v1, v10;
	_ =	sdelay $0x2  }
0x274: {  	s11 =	sadd.s32 $0x80, s11  }
0x275: {  	[tilespmem:s11+$0xFFFFFFC0] =	vst v8  }
0x276: {  	v8 =	vld.idx.msk [tilespmem:v9+s16+$0x0], $0xffff;
	_ =	sdelay $0x1  }
0x277: {  	v9 =	vor.u32 v2, v10;
	_ =	sdelay $0x3  }
0x278: {  	[tilespmem:s11+$0xFFFFFFD0] =	vst v8  }
0x279: {  	v8 =	vld.idx.msk [tilespmem:v9+s16+$0x0], $0xffff;
	_ =	sdelay $0x1  }
0x27a: {  	v9 =	vor.u32 v3, v10;
	_ =	sdelay $0x3  }
0x27b: {  	[tilespmem:s11+$0xFFFFFFE0] =	vst v8  }
0x27c: {  	v8 =	vld.idx.msk [tilespmem:v9+s16+$0x0], $0xffff;
	_ =	sdelay $0x1  }
0x27d: {  	v9 =	vor.u32 v4, v10;
	_ =	sdelay $0x3  }
0x27e: {  	[tilespmem:s11+$0xFFFFFFF0] =	vst v8  }
0x27f: {  	v8 =	vld.idx.msk [tilespmem:v9+s16+$0x0], $0xffff;
	_ =	sdelay $0x1  }
0x280: {  	v9 =	vor.u32 v5, v10;
	_ =	sdelay $0x3  }
0x281: {  	[tilespmem:s11+$0x0] =	vst v8  }
0x282: {  	v8 =	vld.idx.msk [tilespmem:v9+s16+$0x0], $0xffff;
	_ =	sdelay $0x1  }
0x283: {  	v9 =	vor.u32 v6, v10;
	_ =	sdelay $0x3  }
0x284: {  	[tilespmem:s11+$0x10] =	vst v8  }
0x285: {  	v9 =	vld.idx.msk [tilespmem:v9+s16+$0x0], $0xffff  }
.Ltmp5:
0x286: {  	(pc) =	sbr.rel @p0 .LBB2_13-.Ltmp5, $2  }
0x287: {  	v8 =	vor.u32 v7, v10;
	_ =	sdelay $0x2  }
0x288: {  	v10 =	vmov s12;
	s12 =	sadd.s32 $0x1, s12  }
0x289: {  	_ =	sdelay $0x1  }
0x28a: {  	v10 =	vand.u32 $0x1F, v10  }
0x28b: {  	[tilespmem:s11+$0x20] =	vst v9;
	v57 =	vbroadcast v10, $0x0  }
0x28c: {  	v8 =	vld.idx.msk [tilespmem:v8+s16+$0x0], $0xffff  }
0x28d: {  	v10 =	vor.u32 v0, v57;
	_ =	sdelay $0x3  }
0x28e: {  	[tilespmem:s11+$0x30] =	vst v8  }
0x28f: {  	v8 =	vld.idx.msk [tilespmem:v10+s16+$0x0], $0xffff  }
0x290: {  	v58 =	vor.u32 v1, v57;
	_ =	sdelay $0x2  }
0x291: {  	s5 =	sadd.s32 $0x80, s11  }
0x292: {  	[tilespmem:s5+$0xFFFFFFC0] =	vst v8  }
0x293: {  	v8 =	vld.idx.msk [tilespmem:v58+s16+$0x0], $0xffff  }
0x294: {  	v59 =	vor.u32 v2, v57;
	_ =	sdelay $0x3  }
0x295: {  	[tilespmem:s5+$0xFFFFFFD0] =	vst v8  }
0x296: {  	v8 =	vld.idx.msk [tilespmem:v59+s16+$0x0], $0xffff  }
0x297: {  	v60 =	vor.u32 v3, v57;
	_ =	sdelay $0x3  }
0x298: {  	[tilespmem:s5+$0xFFFFFFE0] =	vst v8  }
0x299: {  	v8 =	vld.idx.msk [tilespmem:v60+s16+$0x0], $0xffff  }
0x29a: {  	v61 =	vor.u32 v4, v57;
	_ =	sdelay $0x3  }
0x29b: {  	[tilespmem:s5+$0xFFFFFFF0] =	vst v8  }
0x29c: {  	v8 =	vld.idx.msk [tilespmem:v61+s16+$0x0], $0xffff  }
0x29d: {  	v62 =	vor.u32 v5, v57;
	_ =	sdelay $0x3  }
0x29e: {  	[tilespmem:s5+$0x0] =	vst v8  }
0x29f: {  	v8 =	vld.idx.msk [tilespmem:v62+s16+$0x0], $0xffff  }
0x2a0: {  	v63 =	vor.u32 v6, v57;
	_ =	sdelay $0x3  }
0x2a1: {  	[tilespmem:s5+$0x10] =	vst v8  }
0x2a2: {  	v8 =	vld.idx.msk [tilespmem:v63+s16+$0x0], $0xffff  }
0x2a3: {  	s7 =	sadd.s32 $0x9, s10;
	v9 =	vor.u32 v7, v57  }
0x2a4: {  	s20 =	smulhi.u32 $0x51EB851F, s7  }
0x2a5: {  	s10 =	sadd.s32 $0x5, s10  }
0x2a6: {  	s13 =	smulhi.u32 $0x51EB851F, s10;
	s12 =	sshrl.u32 s20, $0x4  }
0x2a7: {  	s12 =	smul.u32 $0x32, s12;
	[tilespmem:s5+$0x20] =	vst v8  }
0x2a8: {  	v8 =	vld.idx.msk [tilespmem:v9+s16+$0x0], $0xffff  }
0x2a9: {  	s7 =	ssub.s32 s7, s12;
	s12 =	sshrl.u32 s13, $0x4  }
0x2aa: {  	s11 =	sshll.u32 s20, $0x3;
	s20 =	smul.u32 $0x32, s12  }
0x2ab: {  	s7 =	sshll.u32 s7, $0x9;
	s11 =	sand.u32 $0x3FFFFF80, s11  }
0x2ac: {  	s12 =	sadd.s32 s6, s12;
	s13 =	sadd.s32 s11, s7;
	s11 =	ssub.s32 s10, s20  }
0x2ad: {  	s7 =	sshll.u32 s12, $0xA;
	[tilespmem:s5+$0x30] =	vst v8;
	s5 =	sshll.u32 s11, $0x13  }
0x2ae: {  	[tilespmem:s16], [sflag:$0x2] =	stream.indirect.gather [hbm4b:s4+s14], $0x20, s13, s14, $0xb8;
	[tilespmem:$0xC400] =	vst v63  }
0x2af: {  	s5 =	sadd.s32 s5, s7  }
0x2b0: {  	s5 =	sshrl.u32 s5, $0x3  }
0x2b1: {  	s9 =	sadd.s32 $0x1, s9;
	s5 =	sadd.s32 s2, s5  }
0x2b2: {  	[hbm4b:s5+s3] =	stream.linear.scatter [tilespmem:s25], [sflag:$0x6], $0x400, $0x38;
	[tilespmem:$0xC400] =	vst v63  }
0x2b3: {  	p0 =	sne.s32 s9, $0x30;
	s13 =	sadd.s32 $0x4000, s5  }
0x2b4: {  	[hbm4b:s13+s3] =	stream.linear.scatter [tilespmem:s26], [sflag:$0x6], $0x400, $0x38;
	[tilespmem:$0xC400] =	vst v63  }
.Ltmp6:
0x2b5: {  	_ = 	snop;
	(pc) =	sbr.rel @p0 .LBB2_6-.Ltmp6, $4  }
0x2b6: {  	s20 =	sadd.s32 $0x8000, s5  }
0x2b7: {  	[hbm4b:s20+s3] =	stream.linear.scatter [tilespmem:s28], [sflag:$0x6], $0x400, $0x38;
	[tilespmem:$0xC400] =	vst v63  }
0x2b8: {  	s5 =	sadd.s32 $0xC000, s5  }
0x2b9: {  	[hbm4b:s5+s3] =	stream.linear.scatter [tilespmem:s29], [sflag:$0x6], $0x400, $0x38;
	[tilespmem:$0xC400] =	vst v63  }
0x2ba: {  	_ =	swait.ge [sflag:s30], $0x1000  }
0x2bb: {  	[sflag:s30] =	ssyncset.done $0x0  }
0x2bc: {  	[sflag:s30] =	ssyncadd.s32 $0xFFFFF000  }
0x2bd: {  	_ =	swait.ge [sflag:s31], $0x400  }
0x2be: {  	[sflag:s31] =	ssyncset.done $0x0  }
0x2bf: {  	s5 =	simm.s32 $0x0;
	[sflag:s31] =	ssyncadd.s32 $0xFFFFFC00  }
0x2c0: {  	v8 =	vmov s5;
	_ =	swait.ge [sflag:s31], $0x400  }
0x2c1: {  	v8 =	vand.u32 $0x1F, v8;
	[sflag:s31] =	ssyncset.done $0x0  }
0x2c2: {  	v8 =	vbroadcast v8, $0x0;
	[sflag:s31] =	ssyncadd.s32 $0xFFFFFC00  }
0x2c3: {  	_ =	swait.ge [sflag:s31], $0x400  }
0x2c4: {  	v9 =	vor.u32 v0, v8;
	[sflag:s31] =	ssyncset.done $0x0  }
0x2c5: {  	[sflag:s31] =	ssyncadd.s32 $0xFFFFFC00  }
0x2c6: {  	_ =	swait.ge [sflag:s31], $0x400  }
0x2c7: {  	[sflag:s31] =	ssyncset.done $0x0  }
0x2c8: {  	[sflag:s31] =	ssyncadd.s32 $0xFFFFFC00  }
0x2c9: {  	v9 =	vld.idx.msk [tilespmem:v9+s17+$0x0], $0xffff  }
0x2ca: {  	v10 =	vor.u32 v1, v8;
	_ =	sdelay $0x2  }
0x2cb: {  	s8 =	simm.s32 $0xA440  }
0x2cc: {  	[tilespmem:s8+$0xFFFFFFC0] =	vst v9  }
0x2cd: {  	v9 =	vld.idx.msk [tilespmem:v10+s17+$0x0], $0xffff  }
0x2ce: {  	v10 =	vor.u32 v2, v8;
	_ =	sdelay $0x3  }
0x2cf: {  	[tilespmem:s8+$0xFFFFFFD0] =	vst v9  }
0x2d0: {  	v9 =	vld.idx.msk [tilespmem:v10+s17+$0x0], $0xffff  }
0x2d1: {  	v10 =	vor.u32 v3, v8;
	_ =	sdelay $0x3  }
0x2d2: {  	[tilespmem:s8+$0xFFFFFFE0] =	vst v9  }
0x2d3: {  	v9 =	vld.idx.msk [tilespmem:v10+s17+$0x0], $0xffff  }
0x2d4: {  	v10 =	vor.u32 v4, v8;
	_ =	sdelay $0x3  }
0x2d5: {  	[tilespmem:s8+$0xFFFFFFF0] =	vst v9  }
0x2d6: {  	v9 =	vld.idx.msk [tilespmem:v10+s17+$0x0], $0xffff  }
0x2d7: {  	v10 =	vor.u32 v5, v8;
	_ =	sdelay $0x3  }
0x2d8: {  	[tilespmem:s8+$0x0] =	vst v9  }
0x2d9: {  	v9 =	vld.idx.msk [tilespmem:v10+s17+$0x0], $0xffff  }
0x2da: {  	v10 =	vor.u32 v6, v8;
	_ =	sdelay $0x3  }
0x2db: {  	[tilespmem:s8+$0x10] =	vst v9  }
0x2dc: {  	v9 =	vld.idx.msk [tilespmem:v10+s17+$0x0], $0xffff  }
0x2dd: {  	v8 =	vor.u32 v7, v8;
	_ =	sdelay $0x1  }
0x2de: {  	s20 =	simm.s32 $0x1  }
0x2df: {  	s9 =	simm.s32 $0x2;
	v10 =	vmov s20  }
.LBB2_16:
0x2e0: {  	p0 =	sne.s32 s9, $0x1F;
	v10 =	vand.u32 $0x1F, v10;
	[tilespmem:s8+$0x20] =	vst v9  }
0x2e1: {  	v10 =	vbroadcast v10, $0x0;
	v8 =	vld.idx.msk [tilespmem:v8+s17+$0x0], $0xffff;
	_ =	sdelay $0x1  }
0x2e2: {  	v9 =	vor.u32 v0, v10;
	_ =	sdelay $0x3  }
0x2e3: {  	[tilespmem:s8+$0x30] =	vst v8  }
0x2e4: {  	v8 =	vld.idx.msk [tilespmem:v9+s17+$0x0], $0xffff;
	_ =	sdelay $0x1  }
0x2e5: {  	v9 =	vor.u32 v1, v10;
	_ =	sdelay $0x2  }
0x2e6: {  	s8 =	sadd.s32 $0x80, s8  }
0x2e7: {  	[tilespmem:s8+$0xFFFFFFC0] =	vst v8  }
0x2e8: {  	v8 =	vld.idx.msk [tilespmem:v9+s17+$0x0], $0xffff;
	_ =	sdelay $0x1  }
0x2e9: {  	v9 =	vor.u32 v2, v10;
	_ =	sdelay $0x3  }
0x2ea: {  	[tilespmem:s8+$0xFFFFFFD0] =	vst v8  }
0x2eb: {  	v8 =	vld.idx.msk [tilespmem:v9+s17+$0x0], $0xffff;
	_ =	sdelay $0x1  }
0x2ec: {  	v9 =	vor.u32 v3, v10;
	_ =	sdelay $0x3  }
0x2ed: {  	[tilespmem:s8+$0xFFFFFFE0] =	vst v8  }
0x2ee: {  	v8 =	vld.idx.msk [tilespmem:v9+s17+$0x0], $0xffff;
	_ =	sdelay $0x1  }
0x2ef: {  	v9 =	vor.u32 v4, v10;
	_ =	sdelay $0x3  }
0x2f0: {  	[tilespmem:s8+$0xFFFFFFF0] =	vst v8  }
0x2f1: {  	v8 =	vld.idx.msk [tilespmem:v9+s17+$0x0], $0xffff;
	_ =	sdelay $0x1  }
0x2f2: {  	v9 =	vor.u32 v5, v10;
	_ =	sdelay $0x3  }
0x2f3: {  	[tilespmem:s8+$0x0] =	vst v8  }
0x2f4: {  	v8 =	vld.idx.msk [tilespmem:v9+s17+$0x0], $0xffff;
	_ =	sdelay $0x1  }
0x2f5: {  	v9 =	vor.u32 v6, v10;
	_ =	sdelay $0x3  }
0x2f6: {  	[tilespmem:s8+$0x10] =	vst v8  }
0x2f7: {  	v9 =	vld.idx.msk [tilespmem:v9+s17+$0x0], $0xffff  }
.Ltmp7:
0x2f8: {  	(pc) =	sbr.rel @p0 .LBB2_16-.Ltmp7, $2  }
0x2f9: {  	v8 =	vor.u32 v7, v10;
	_ =	sdelay $0x2  }
0x2fa: {  	v10 =	vmov s9;
	s9 =	sadd.s32 $0x1, s9  }
0x2fb: {  	_ =	sdelay $0x1  }
0x2fc: {  	v10 =	vand.u32 $0x1F, v10  }
0x2fd: {  	[tilespmem:s8+$0x20] =	vst v9;
	v9 =	vbroadcast v10, $0x0  }
0x2fe: {  	v8 =	vld.idx.msk [tilespmem:v8+s17+$0x0], $0xffff  }
0x2ff: {  	v10 =	vor.u32 v0, v9;
	_ =	sdelay $0x3  }
0x300: {  	[tilespmem:s8+$0x30] =	vst v8  }
0x301: {  	v8 =	vld.idx.msk [tilespmem:v10+s17+$0x0], $0xffff  }
0x302: {  	v10 =	vor.u32 v1, v9;
	_ =	sdelay $0x2  }
0x303: {  	s5 =	sadd.s32 $0x80, s8  }
0x304: {  	[tilespmem:s5+$0xFFFFFFC0] =	vst v8  }
0x305: {  	v8 =	vld.idx.msk [tilespmem:v10+s17+$0x0], $0xffff  }
0x306: {  	v10 =	vor.u32 v2, v9;
	_ =	sdelay $0x3  }
0x307: {  	[tilespmem:s5+$0xFFFFFFD0] =	vst v8  }
0x308: {  	v8 =	vld.idx.msk [tilespmem:v10+s17+$0x0], $0xffff  }
0x309: {  	v10 =	vor.u32 v3, v9;
	_ =	sdelay $0x3  }
0x30a: {  	[tilespmem:s5+$0xFFFFFFE0] =	vst v8  }
0x30b: {  	v8 =	vld.idx.msk [tilespmem:v10+s17+$0x0], $0xffff  }
0x30c: {  	v10 =	vor.u32 v4, v9;
	_ =	sdelay $0x3  }
0x30d: {  	[tilespmem:s5+$0xFFFFFFF0] =	vst v8  }
0x30e: {  	v8 =	vld.idx.msk [tilespmem:v10+s17+$0x0], $0xffff  }
0x30f: {  	v10 =	vor.u32 v5, v9;
	_ =	sdelay $0x3  }
0x310: {  	[tilespmem:s5+$0x0] =	vst v8  }
0x311: {  	v8 =	vld.idx.msk [tilespmem:v10+s17+$0x0], $0xffff  }
0x312: {  	v10 =	vor.u32 v6, v9;
	_ =	sdelay $0x3  }
0x313: {  	[tilespmem:s5+$0x10] =	vst v8  }
0x314: {  	v8 =	vld.idx.msk [tilespmem:v10+s17+$0x0], $0xffff  }
0x315: {  	v9 =	vor.u32 v7, v9;
	_ =	sdelay $0x3  }
0x316: {  	[tilespmem:s5+$0x20] =	vst v8  }
0x317: {  	v8 =	vld.idx.msk [tilespmem:v9+s17+$0x0], $0xffff;
	_ =	sdelay $0x4  }
0x318: {  	s8 =	simm.s32 $0x6180;
	[tilespmem:s5+$0x30] =	vst v8  }
0x319: {  	[tilespmem:s17], [sflag:$0x3] =	stream.indirect.gather [hbm4b:s4+s14], $0x20, s8, s14, $0xb8;
	[tilespmem:$0xC400] =	vst v63  }
0x31a: {  	s9 =	simm.s32 $0x0;
	s7 =	rddreg [dreg:$0xc];
	s10 =	simm.s32 $0xA400  }
0x31b: {  	[hbm4b:s7+s9] =	stream.linear.scatter [tilespmem:s10], [sflag:$0x5], $0x400, $0x38;
	[tilespmem:$0xC400] =	vst v63  }
0x31c: {  	s11 =	rddreg [dreg:$0xd]  }
0x31d: {  	[hbm4b:s11+s9] =	stream.linear.scatter [tilespmem:s21], [sflag:$0x5], $0x400, $0x38;
	[tilespmem:$0xC400] =	vst v63  }
0x31e: {  	s12 =	rddreg [dreg:$0xe]  }
0x31f: {  	[hbm4b:s12+s9] =	stream.linear.scatter [tilespmem:s22], [sflag:$0x5], $0x400, $0x38;
	[tilespmem:$0xC400] =	vst v63  }
0x320: {  	s13 =	rddreg [dreg:$0xf]  }
0x321: {  	[hbm4b:s13+s9] =	stream.linear.scatter [tilespmem:s23], [sflag:$0x5], $0x400, $0x38;
	[tilespmem:$0xC400] =	vst v63  }
0x322: {  	_ =	swait.ge [sflag:s0], $0x1000  }
0x323: {  	[sflag:s0] =	ssyncset.done $0x0  }
0x324: {  	[sflag:s0] =	ssyncadd.s32 $0xFFFFF000  }
0x325: {  	_ =	swait.ge [sflag:s1], $0x400  }
0x326: {  	[sflag:s1] =	ssyncset.done $0x0  }
0x327: {  	[sflag:s1] =	ssyncadd.s32 $0xFFFFFC00  }
0x328: {  	v8 =	vmov s9;
	_ =	swait.ge [sflag:s1], $0x400  }
0x329: {  	v8 =	vand.u32 $0x1F, v8;
	[sflag:s1] =	ssyncset.done $0x0  }
0x32a: {  	v8 =	vbroadcast v8, $0x0;
	[sflag:s1] =	ssyncadd.s32 $0xFFFFFC00  }
0x32b: {  	_ =	swait.ge [sflag:s1], $0x400  }
0x32c: {  	v9 =	vor.u32 v0, v8;
	[sflag:s1] =	ssyncset.done $0x0  }
0x32d: {  	[sflag:s1] =	ssyncadd.s32 $0xFFFFFC00  }
0x32e: {  	_ =	swait.ge [sflag:s1], $0x400  }
0x32f: {  	[sflag:s1] =	ssyncset.done $0x0  }
0x330: {  	[sflag:s1] =	ssyncadd.s32 $0xFFFFFC00  }
0x331: {  	v9 =	vld.idx.msk [tilespmem:v9+s18+$0x0], $0xffff  }
0x332: {  	v10 =	vor.u32 v1, v8;
	_ =	sdelay $0x2  }
0x333: {  	s8 =	simm.s32 $0xB440  }
0x334: {  	[tilespmem:s8+$0xFFFFFFC0] =	vst v9  }
0x335: {  	v9 =	vld.idx.msk [tilespmem:v10+s18+$0x0], $0xffff  }
0x336: {  	v10 =	vor.u32 v2, v8;
	_ =	sdelay $0x3  }
0x337: {  	[tilespmem:s8+$0xFFFFFFD0] =	vst v9  }
0x338: {  	v9 =	vld.idx.msk [tilespmem:v10+s18+$0x0], $0xffff  }
0x339: {  	v10 =	vor.u32 v3, v8;
	_ =	sdelay $0x3  }
0x33a: {  	[tilespmem:s8+$0xFFFFFFE0] =	vst v9  }
0x33b: {  	v9 =	vld.idx.msk [tilespmem:v10+s18+$0x0], $0xffff  }
0x33c: {  	v10 =	vor.u32 v4, v8;
	_ =	sdelay $0x3  }
0x33d: {  	[tilespmem:s8+$0xFFFFFFF0] =	vst v9  }
0x33e: {  	v9 =	vld.idx.msk [tilespmem:v10+s18+$0x0], $0xffff  }
0x33f: {  	v10 =	vor.u32 v5, v8;
	_ =	sdelay $0x3  }
0x340: {  	[tilespmem:s8+$0x0] =	vst v9  }
0x341: {  	v9 =	vld.idx.msk [tilespmem:v10+s18+$0x0], $0xffff  }
0x342: {  	v10 =	vor.u32 v6, v8;
	_ =	sdelay $0x3  }
0x343: {  	[tilespmem:s8+$0x10] =	vst v9  }
0x344: {  	v9 =	vld.idx.msk [tilespmem:v10+s18+$0x0], $0xffff  }
0x345: {  	v8 =	vor.u32 v7, v8;
	_ =	sdelay $0x1  }
0x346: {  	s20 =	simm.s32 $0x1  }
0x347: {  	s9 =	simm.s32 $0x2;
	v10 =	vmov s20  }
.LBB2_18:
0x348: {  	p0 =	sne.s32 s9, $0x1F;
	v10 =	vand.u32 $0x1F, v10;
	[tilespmem:s8+$0x20] =	vst v9  }
0x349: {  	v10 =	vbroadcast v10, $0x0;
	v8 =	vld.idx.msk [tilespmem:v8+s18+$0x0], $0xffff;
	_ =	sdelay $0x1  }
0x34a: {  	v9 =	vor.u32 v0, v10;
	_ =	sdelay $0x3  }
0x34b: {  	[tilespmem:s8+$0x30] =	vst v8  }
0x34c: {  	v8 =	vld.idx.msk [tilespmem:v9+s18+$0x0], $0xffff;
	_ =	sdelay $0x1  }
0x34d: {  	v9 =	vor.u32 v1, v10;
	_ =	sdelay $0x2  }
0x34e: {  	s8 =	sadd.s32 $0x80, s8  }
0x34f: {  	[tilespmem:s8+$0xFFFFFFC0] =	vst v8  }
0x350: {  	v8 =	vld.idx.msk [tilespmem:v9+s18+$0x0], $0xffff;
	_ =	sdelay $0x1  }
0x351: {  	v9 =	vor.u32 v2, v10;
	_ =	sdelay $0x3  }
0x352: {  	[tilespmem:s8+$0xFFFFFFD0] =	vst v8  }
0x353: {  	v8 =	vld.idx.msk [tilespmem:v9+s18+$0x0], $0xffff;
	_ =	sdelay $0x1  }
0x354: {  	v9 =	vor.u32 v3, v10;
	_ =	sdelay $0x3  }
0x355: {  	[tilespmem:s8+$0xFFFFFFE0] =	vst v8  }
0x356: {  	v8 =	vld.idx.msk [tilespmem:v9+s18+$0x0], $0xffff;
	_ =	sdelay $0x1  }
0x357: {  	v9 =	vor.u32 v4, v10;
	_ =	sdelay $0x3  }
0x358: {  	[tilespmem:s8+$0xFFFFFFF0] =	vst v8  }
0x359: {  	v8 =	vld.idx.msk [tilespmem:v9+s18+$0x0], $0xffff;
	_ =	sdelay $0x1  }
0x35a: {  	v9 =	vor.u32 v5, v10;
	_ =	sdelay $0x3  }
0x35b: {  	[tilespmem:s8+$0x0] =	vst v8  }
0x35c: {  	v8 =	vld.idx.msk [tilespmem:v9+s18+$0x0], $0xffff;
	_ =	sdelay $0x1  }
0x35d: {  	v9 =	vor.u32 v6, v10;
	_ =	sdelay $0x3  }
0x35e: {  	[tilespmem:s8+$0x10] =	vst v8  }
0x35f: {  	v9 =	vld.idx.msk [tilespmem:v9+s18+$0x0], $0xffff  }
.Ltmp8:
0x360: {  	(pc) =	sbr.rel @p0 .LBB2_18-.Ltmp8, $2  }
0x361: {  	v8 =	vor.u32 v7, v10;
	_ =	sdelay $0x2  }
0x362: {  	v10 =	vmov s9;
	s9 =	sadd.s32 $0x1, s9  }
0x363: {  	_ =	sdelay $0x1  }
0x364: {  	v10 =	vand.u32 $0x1F, v10  }
0x365: {  	[tilespmem:s8+$0x20] =	vst v9;
	v9 =	vbroadcast v10, $0x0  }
0x366: {  	v8 =	vld.idx.msk [tilespmem:v8+s18+$0x0], $0xffff  }
0x367: {  	v10 =	vor.u32 v0, v9;
	_ =	sdelay $0x3  }
0x368: {  	[tilespmem:s8+$0x30] =	vst v8  }
0x369: {  	v8 =	vld.idx.msk [tilespmem:v10+s18+$0x0], $0xffff  }
0x36a: {  	v10 =	vor.u32 v1, v9;
	_ =	sdelay $0x2  }
0x36b: {  	s5 =	sadd.s32 $0x80, s8  }
0x36c: {  	[tilespmem:s5+$0xFFFFFFC0] =	vst v8  }
0x36d: {  	v8 =	vld.idx.msk [tilespmem:v10+s18+$0x0], $0xffff  }
0x36e: {  	v10 =	vor.u32 v2, v9;
	_ =	sdelay $0x3  }
0x36f: {  	[tilespmem:s5+$0xFFFFFFD0] =	vst v8  }
0x370: {  	v8 =	vld.idx.msk [tilespmem:v10+s18+$0x0], $0xffff  }
0x371: {  	v10 =	vor.u32 v3, v9;
	_ =	sdelay $0x3  }
0x372: {  	[tilespmem:s5+$0xFFFFFFE0] =	vst v8  }
0x373: {  	v8 =	vld.idx.msk [tilespmem:v10+s18+$0x0], $0xffff  }
0x374: {  	v10 =	vor.u32 v4, v9;
	_ =	sdelay $0x3  }
0x375: {  	[tilespmem:s5+$0xFFFFFFF0] =	vst v8  }
0x376: {  	v8 =	vld.idx.msk [tilespmem:v10+s18+$0x0], $0xffff  }
0x377: {  	v10 =	vor.u32 v5, v9;
	_ =	sdelay $0x3  }
0x378: {  	[tilespmem:s5+$0x0] =	vst v8  }
0x379: {  	v8 =	vld.idx.msk [tilespmem:v10+s18+$0x0], $0xffff  }
0x37a: {  	v10 =	vor.u32 v6, v9;
	_ =	sdelay $0x3  }
0x37b: {  	[tilespmem:s5+$0x10] =	vst v8  }
0x37c: {  	v8 =	vld.idx.msk [tilespmem:v10+s18+$0x0], $0xffff  }
0x37d: {  	v9 =	vor.u32 v7, v9;
	_ =	sdelay $0x3  }
0x37e: {  	[tilespmem:s5+$0x20] =	vst v8  }
0x37f: {  	v8 =	vld.idx.msk [tilespmem:v9+s18+$0x0], $0xffff;
	_ =	sdelay $0x4  }
0x380: {  	s9 =	simm.s32 $0x6380;
	[tilespmem:s5+$0x30] =	vst v8  }
0x381: {  	[tilespmem:s18], [sflag:$0x4] =	stream.indirect.gather [hbm4b:s4+s14], $0x20, s9, s14, $0xb8;
	[tilespmem:$0xC400] =	vst v63  }
0x382: {  	s10 =	simm.s32 $0x0;
	s7 =	rddreg [dreg:$0x10]  }
0x383: {  	[hbm4b:s7+s10] =	stream.linear.scatter [tilespmem:s25], [sflag:$0x6], $0x400, $0x38;
	[tilespmem:$0xC400] =	vst v63  }
0x384: {  	s11 =	rddreg [dreg:$0x11]  }
0x385: {  	[hbm4b:s11+s10] =	stream.linear.scatter [tilespmem:s26], [sflag:$0x6], $0x400, $0x38;
	[tilespmem:$0xC400] =	vst v63  }
0x386: {  	s12 =	rddreg [dreg:$0x12]  }
0x387: {  	[hbm4b:s12+s10] =	stream.linear.scatter [tilespmem:s28], [sflag:$0x6], $0x400, $0x38;
	[tilespmem:$0xC400] =	vst v63  }
0x388: {  	s13 =	rddreg [dreg:$0x13]  }
0x389: {  	[hbm4b:s13+s10] =	stream.linear.scatter [tilespmem:s29], [sflag:$0x6], $0x400, $0x38;
	[tilespmem:$0xC400] =	vst v63  }
0x38a: {  	_ =	swait.ge [sflag:s19], $0x1000  }
0x38b: {  	[sflag:s19] =	ssyncset.done $0x0  }
0x38c: {  	[sflag:s19] =	ssyncadd.s32 $0xFFFFF000  }
0x38d: {  	_ =	swait.ge [sflag:s31], $0x400  }
0x38e: {  	[sflag:s31] =	ssyncset.done $0x0  }
0x38f: {  	[sflag:s31] =	ssyncadd.s32 $0xFFFFFC00  }
0x390: {  	v8 =	vmov s10;
	_ =	swait.ge [sflag:s31], $0x400  }
0x391: {  	v8 =	vand.u32 $0x1F, v8;
	[sflag:s31] =	ssyncset.done $0x0  }
0x392: {  	v8 =	vbroadcast v8, $0x0;
	[sflag:s31] =	ssyncadd.s32 $0xFFFFFC00  }
0x393: {  	_ =	swait.ge [sflag:s31], $0x400  }
0x394: {  	v9 =	vor.u32 v0, v8;
	[sflag:s31] =	ssyncset.done $0x0  }
0x395: {  	[sflag:s31] =	ssyncadd.s32 $0xFFFFFC00  }
0x396: {  	_ =	swait.ge [sflag:s31], $0x400  }
0x397: {  	[sflag:s31] =	ssyncset.done $0x0  }
0x398: {  	[sflag:s31] =	ssyncadd.s32 $0xFFFFFC00  }
0x399: {  	v9 =	vld.idx.msk [tilespmem:v9+s15+$0x0], $0xffff  }
0x39a: {  	v10 =	vor.u32 v1, v8;
	_ =	sdelay $0x2  }
0x39b: {  	s8 =	simm.s32 $0xA440  }
0x39c: {  	[tilespmem:s8+$0xFFFFFFC0] =	vst v9  }
0x39d: {  	v9 =	vld.idx.msk [tilespmem:v10+s15+$0x0], $0xffff  }
0x39e: {  	v10 =	vor.u32 v2, v8;
	_ =	sdelay $0x3  }
0x39f: {  	[tilespmem:s8+$0xFFFFFFD0] =	vst v9  }
0x3a0: {  	v9 =	vld.idx.msk [tilespmem:v10+s15+$0x0], $0xffff  }
0x3a1: {  	v10 =	vor.u32 v3, v8;
	_ =	sdelay $0x3  }
0x3a2: {  	[tilespmem:s8+$0xFFFFFFE0] =	vst v9  }
0x3a3: {  	v9 =	vld.idx.msk [tilespmem:v10+s15+$0x0], $0xffff  }
0x3a4: {  	v10 =	vor.u32 v4, v8;
	_ =	sdelay $0x3  }
0x3a5: {  	[tilespmem:s8+$0xFFFFFFF0] =	vst v9  }
0x3a6: {  	v9 =	vld.idx.msk [tilespmem:v10+s15+$0x0], $0xffff  }
0x3a7: {  	v10 =	vor.u32 v5, v8;
	_ =	sdelay $0x3  }
0x3a8: {  	[tilespmem:s8+$0x0] =	vst v9  }
0x3a9: {  	v9 =	vld.idx.msk [tilespmem:v10+s15+$0x0], $0xffff  }
0x3aa: {  	v10 =	vor.u32 v6, v8;
	_ =	sdelay $0x3  }
0x3ab: {  	[tilespmem:s8+$0x10] =	vst v9  }
0x3ac: {  	v9 =	vld.idx.msk [tilespmem:v10+s15+$0x0], $0xffff  }
0x3ad: {  	v8 =	vor.u32 v7, v8;
	_ =	sdelay $0x1  }
0x3ae: {  	s20 =	simm.s32 $0x1  }
0x3af: {  	s9 =	simm.s32 $0x2;
	v10 =	vmov s20  }
.LBB2_20:
0x3b0: {  	p0 =	sne.s32 s9, $0x1F;
	v10 =	vand.u32 $0x1F, v10;
	[tilespmem:s8+$0x20] =	vst v9  }
0x3b1: {  	v10 =	vbroadcast v10, $0x0;
	v8 =	vld.idx.msk [tilespmem:v8+s15+$0x0], $0xffff;
	_ =	sdelay $0x1  }
0x3b2: {  	v9 =	vor.u32 v0, v10;
	_ =	sdelay $0x3  }
0x3b3: {  	[tilespmem:s8+$0x30] =	vst v8  }
0x3b4: {  	v8 =	vld.idx.msk [tilespmem:v9+s15+$0x0], $0xffff;
	_ =	sdelay $0x1  }
0x3b5: {  	v9 =	vor.u32 v1, v10;
	_ =	sdelay $0x2  }
0x3b6: {  	s8 =	sadd.s32 $0x80, s8  }
0x3b7: {  	[tilespmem:s8+$0xFFFFFFC0] =	vst v8  }
0x3b8: {  	v8 =	vld.idx.msk [tilespmem:v9+s15+$0x0], $0xffff;
	_ =	sdelay $0x1  }
0x3b9: {  	v9 =	vor.u32 v2, v10;
	_ =	sdelay $0x3  }
0x3ba: {  	[tilespmem:s8+$0xFFFFFFD0] =	vst v8  }
0x3bb: {  	v8 =	vld.idx.msk [tilespmem:v9+s15+$0x0], $0xffff;
	_ =	sdelay $0x1  }
0x3bc: {  	v9 =	vor.u32 v3, v10;
	_ =	sdelay $0x3  }
0x3bd: {  	[tilespmem:s8+$0xFFFFFFE0] =	vst v8  }
0x3be: {  	v8 =	vld.idx.msk [tilespmem:v9+s15+$0x0], $0xffff;
	_ =	sdelay $0x1  }
0x3bf: {  	v9 =	vor.u32 v4, v10;
	_ =	sdelay $0x3  }
0x3c0: {  	[tilespmem:s8+$0xFFFFFFF0] =	vst v8  }
0x3c1: {  	v8 =	vld.idx.msk [tilespmem:v9+s15+$0x0], $0xffff;
	_ =	sdelay $0x1  }
0x3c2: {  	v9 =	vor.u32 v5, v10;
	_ =	sdelay $0x3  }
0x3c3: {  	[tilespmem:s8+$0x0] =	vst v8  }
0x3c4: {  	v8 =	vld.idx.msk [tilespmem:v9+s15+$0x0], $0xffff;
	_ =	sdelay $0x1  }
0x3c5: {  	v9 =	vor.u32 v6, v10;
	_ =	sdelay $0x3  }
0x3c6: {  	[tilespmem:s8+$0x10] =	vst v8  }
0x3c7: {  	v9 =	vld.idx.msk [tilespmem:v9+s15+$0x0], $0xffff  }
.Ltmp9:
0x3c8: {  	(pc) =	sbr.rel @p0 .LBB2_20-.Ltmp9, $2  }
0x3c9: {  	v8 =	vor.u32 v7, v10;
	_ =	sdelay $0x2  }
0x3ca: {  	v10 =	vmov s9;
	s9 =	sadd.s32 $0x1, s9  }
0x3cb: {  	_ =	sdelay $0x1  }
0x3cc: {  	v10 =	vand.u32 $0x1F, v10  }
0x3cd: {  	[tilespmem:s8+$0x20] =	vst v9;
	v9 =	vbroadcast v10, $0x0  }
0x3ce: {  	v8 =	vld.idx.msk [tilespmem:v8+s15+$0x0], $0xffff  }
0x3cf: {  	v10 =	vor.u32 v0, v9;
	_ =	sdelay $0x3  }
0x3d0: {  	[tilespmem:s8+$0x30] =	vst v8  }
0x3d1: {  	v8 =	vld.idx.msk [tilespmem:v10+s15+$0x0], $0xffff  }
0x3d2: {  	v10 =	vor.u32 v1, v9;
	_ =	sdelay $0x2  }
0x3d3: {  	s5 =	sadd.s32 $0x80, s8  }
0x3d4: {  	[tilespmem:s5+$0xFFFFFFC0] =	vst v8  }
0x3d5: {  	v8 =	vld.idx.msk [tilespmem:v10+s15+$0x0], $0xffff  }
0x3d6: {  	v10 =	vor.u32 v2, v9;
	_ =	sdelay $0x3  }
0x3d7: {  	[tilespmem:s5+$0xFFFFFFD0] =	vst v8  }
0x3d8: {  	v8 =	vld.idx.msk [tilespmem:v10+s15+$0x0], $0xffff  }
0x3d9: {  	v10 =	vor.u32 v3, v9;
	_ =	sdelay $0x3  }
0x3da: {  	[tilespmem:s5+$0xFFFFFFE0] =	vst v8  }
0x3db: {  	v8 =	vld.idx.msk [tilespmem:v10+s15+$0x0], $0xffff  }
0x3dc: {  	v10 =	vor.u32 v4, v9;
	_ =	sdelay $0x3  }
0x3dd: {  	[tilespmem:s5+$0xFFFFFFF0] =	vst v8  }
0x3de: {  	v8 =	vld.idx.msk [tilespmem:v10+s15+$0x0], $0xffff  }
0x3df: {  	v10 =	vor.u32 v5, v9;
	_ =	sdelay $0x3  }
0x3e0: {  	[tilespmem:s5+$0x0] =	vst v8  }
0x3e1: {  	v8 =	vld.idx.msk [tilespmem:v10+s15+$0x0], $0xffff  }
0x3e2: {  	v10 =	vor.u32 v6, v9;
	_ =	sdelay $0x3  }
0x3e3: {  	[tilespmem:s5+$0x10] =	vst v8  }
0x3e4: {  	v8 =	vld.idx.msk [tilespmem:v10+s15+$0x0], $0xffff  }
0x3e5: {  	v9 =	vor.u32 v7, v9;
	_ =	sdelay $0x3  }
0x3e6: {  	[tilespmem:s5+$0x20] =	vst v8  }
0x3e7: {  	v8 =	vld.idx.msk [tilespmem:v9+s15+$0x0], $0xffff;
	_ =	sdelay $0x4  }
0x3e8: {  	s9 =	simm.s32 $0x0;
	s7 =	rddreg [dreg:$0x14];
	s10 =	simm.s32 $0xA400;
	[tilespmem:s5+$0x30] =	vst v8  }
0x3e9: {  	[hbm4b:s7+s9] =	stream.linear.scatter [tilespmem:s10], [sflag:$0x5], $0x400, $0x38;
	[tilespmem:$0xC400] =	vst v63  }
0x3ea: {  	s11 =	rddreg [dreg:$0x15]  }
0x3eb: {  	[hbm4b:s11+s9] =	stream.linear.scatter [tilespmem:s21], [sflag:$0x5], $0x400, $0x38;
	[tilespmem:$0xC400] =	vst v63  }
0x3ec: {  	s12 =	rddreg [dreg:$0x16]  }
0x3ed: {  	[hbm4b:s12+s9] =	stream.linear.scatter [tilespmem:s22], [sflag:$0x5], $0x400, $0x38;
	[tilespmem:$0xC400] =	vst v63  }
0x3ee: {  	s13 =	rddreg [dreg:$0x17]  }
0x3ef: {  	[hbm4b:s13+s9] =	stream.linear.scatter [tilespmem:s23], [sflag:$0x5], $0x400, $0x38;
	[tilespmem:$0xC400] =	vst v63  }
0x3f0: {  	_ =	swait.ge [sflag:s24], $0x1000  }
0x3f1: {  	[sflag:s24] =	ssyncset.done $0x0  }
0x3f2: {  	[sflag:s24] =	ssyncadd.s32 $0xFFFFF000  }
0x3f3: {  	_ =	swait.ge [sflag:s1], $0x400  }
0x3f4: {  	[sflag:s1] =	ssyncset.done $0x0  }
0x3f5: {  	[sflag:s1] =	ssyncadd.s32 $0xFFFFFC00  }
0x3f6: {  	v8 =	vmov s9;
	_ =	swait.ge [sflag:s1], $0x400  }
0x3f7: {  	v8 =	vand.u32 $0x1F, v8;
	[sflag:s1] =	ssyncset.done $0x0  }
0x3f8: {  	v8 =	vbroadcast v8, $0x0;
	[sflag:s1] =	ssyncadd.s32 $0xFFFFFC00  }
0x3f9: {  	_ =	swait.ge [sflag:s1], $0x400  }
0x3fa: {  	v9 =	vor.u32 v0, v8;
	[sflag:s1] =	ssyncset.done $0x0  }
0x3fb: {  	[sflag:s1] =	ssyncadd.s32 $0xFFFFFC00  }
0x3fc: {  	_ =	swait.ge [sflag:s1], $0x400  }
0x3fd: {  	[sflag:s1] =	ssyncset.done $0x0  }
0x3fe: {  	[sflag:s1] =	ssyncadd.s32 $0xFFFFFC00  }
0x3ff: {  	v9 =	vld.idx.msk [tilespmem:v9+s16+$0x0], $0xffff  }
0x400: {  	v10 =	vor.u32 v1, v8;
	_ =	sdelay $0x2  }
0x401: {  	s8 =	simm.s32 $0xB440  }
0x402: {  	[tilespmem:s8+$0xFFFFFFC0] =	vst v9  }
0x403: {  	v9 =	vld.idx.msk [tilespmem:v10+s16+$0x0], $0xffff  }
0x404: {  	v10 =	vor.u32 v2, v8;
	_ =	sdelay $0x3  }
0x405: {  	[tilespmem:s8+$0xFFFFFFD0] =	vst v9  }
0x406: {  	v9 =	vld.idx.msk [tilespmem:v10+s16+$0x0], $0xffff  }
0x407: {  	v10 =	vor.u32 v3, v8;
	_ =	sdelay $0x3  }
0x408: {  	[tilespmem:s8+$0xFFFFFFE0] =	vst v9  }
0x409: {  	v9 =	vld.idx.msk [tilespmem:v10+s16+$0x0], $0xffff  }
0x40a: {  	v10 =	vor.u32 v4, v8;
	_ =	sdelay $0x3  }
0x40b: {  	[tilespmem:s8+$0xFFFFFFF0] =	vst v9  }
0x40c: {  	v9 =	vld.idx.msk [tilespmem:v10+s16+$0x0], $0xffff  }
0x40d: {  	v10 =	vor.u32 v5, v8;
	_ =	sdelay $0x3  }
0x40e: {  	[tilespmem:s8+$0x0] =	vst v9  }
0x40f: {  	v9 =	vld.idx.msk [tilespmem:v10+s16+$0x0], $0xffff  }
0x410: {  	v10 =	vor.u32 v6, v8;
	_ =	sdelay $0x3  }
0x411: {  	[tilespmem:s8+$0x10] =	vst v9  }
0x412: {  	v9 =	vld.idx.msk [tilespmem:v10+s16+$0x0], $0xffff  }
0x413: {  	v8 =	vor.u32 v7, v8;
	_ =	sdelay $0x1  }
0x414: {  	s20 =	simm.s32 $0x1  }
0x415: {  	s9 =	simm.s32 $0x2;
	v10 =	vmov s20  }
.LBB2_22:
0x416: {  	p0 =	sne.s32 s9, $0x1F;
	v10 =	vand.u32 $0x1F, v10;
	[tilespmem:s8+$0x20] =	vst v9  }
0x417: {  	v10 =	vbroadcast v10, $0x0;
	v8 =	vld.idx.msk [tilespmem:v8+s16+$0x0], $0xffff;
	_ =	sdelay $0x1  }
0x418: {  	v9 =	vor.u32 v0, v10;
	_ =	sdelay $0x3  }
0x419: {  	[tilespmem:s8+$0x30] =	vst v8  }
0x41a: {  	v8 =	vld.idx.msk [tilespmem:v9+s16+$0x0], $0xffff;
	_ =	sdelay $0x1  }
0x41b: {  	v9 =	vor.u32 v1, v10;
	_ =	sdelay $0x2  }
0x41c: {  	s8 =	sadd.s32 $0x80, s8  }
0x41d: {  	[tilespmem:s8+$0xFFFFFFC0] =	vst v8  }
0x41e: {  	v8 =	vld.idx.msk [tilespmem:v9+s16+$0x0], $0xffff;
	_ =	sdelay $0x1  }
0x41f: {  	v9 =	vor.u32 v2, v10;
	_ =	sdelay $0x3  }
0x420: {  	[tilespmem:s8+$0xFFFFFFD0] =	vst v8  }
0x421: {  	v8 =	vld.idx.msk [tilespmem:v9+s16+$0x0], $0xffff;
	_ =	sdelay $0x1  }
0x422: {  	v9 =	vor.u32 v3, v10;
	_ =	sdelay $0x3  }
0x423: {  	[tilespmem:s8+$0xFFFFFFE0] =	vst v8  }
0x424: {  	v8 =	vld.idx.msk [tilespmem:v9+s16+$0x0], $0xffff;
	_ =	sdelay $0x1  }
0x425: {  	v9 =	vor.u32 v4, v10;
	_ =	sdelay $0x3  }
0x426: {  	[tilespmem:s8+$0xFFFFFFF0] =	vst v8  }
0x427: {  	v8 =	vld.idx.msk [tilespmem:v9+s16+$0x0], $0xffff;
	_ =	sdelay $0x1  }
0x428: {  	v9 =	vor.u32 v5, v10;
	_ =	sdelay $0x3  }
0x429: {  	[tilespmem:s8+$0x0] =	vst v8  }
0x42a: {  	v8 =	vld.idx.msk [tilespmem:v9+s16+$0x0], $0xffff;
	_ =	sdelay $0x1  }
0x42b: {  	v9 =	vor.u32 v6, v10;
	_ =	sdelay $0x3  }
0x42c: {  	[tilespmem:s8+$0x10] =	vst v8  }
0x42d: {  	v9 =	vld.idx.msk [tilespmem:v9+s16+$0x0], $0xffff  }
.Ltmp10:
0x42e: {  	(pc) =	sbr.rel @p0 .LBB2_22-.Ltmp10, $2  }
0x42f: {  	v8 =	vor.u32 v7, v10;
	_ =	sdelay $0x2  }
0x430: {  	v10 =	vmov s9;
	s9 =	sadd.s32 $0x1, s9  }
0x431: {  	_ =	sdelay $0x1  }
0x432: {  	v10 =	vand.u32 $0x1F, v10  }
0x433: {  	[tilespmem:s8+$0x20] =	vst v9;
	v9 =	vbroadcast v10, $0x0  }
0x434: {  	v8 =	vld.idx.msk [tilespmem:v8+s16+$0x0], $0xffff  }
0x435: {  	v10 =	vor.u32 v0, v9;
	_ =	sdelay $0x3  }
0x436: {  	[tilespmem:s8+$0x30] =	vst v8  }
0x437: {  	v8 =	vld.idx.msk [tilespmem:v10+s16+$0x0], $0xffff  }
0x438: {  	v10 =	vor.u32 v1, v9;
	_ =	sdelay $0x2  }
0x439: {  	s5 =	sadd.s32 $0x80, s8  }
0x43a: {  	[tilespmem:s5+$0xFFFFFFC0] =	vst v8  }
0x43b: {  	v8 =	vld.idx.msk [tilespmem:v10+s16+$0x0], $0xffff  }
0x43c: {  	v10 =	vor.u32 v2, v9;
	_ =	sdelay $0x3  }
0x43d: {  	[tilespmem:s5+$0xFFFFFFD0] =	vst v8  }
0x43e: {  	v8 =	vld.idx.msk [tilespmem:v10+s16+$0x0], $0xffff  }
0x43f: {  	v10 =	vor.u32 v3, v9;
	_ =	sdelay $0x3  }
0x440: {  	[tilespmem:s5+$0xFFFFFFE0] =	vst v8  }
0x441: {  	v8 =	vld.idx.msk [tilespmem:v10+s16+$0x0], $0xffff  }
0x442: {  	v10 =	vor.u32 v4, v9;
	_ =	sdelay $0x3  }
0x443: {  	[tilespmem:s5+$0xFFFFFFF0] =	vst v8  }
0x444: {  	v8 =	vld.idx.msk [tilespmem:v10+s16+$0x0], $0xffff  }
0x445: {  	v10 =	vor.u32 v5, v9;
	_ =	sdelay $0x3  }
0x446: {  	[tilespmem:s5+$0x0] =	vst v8  }
0x447: {  	v8 =	vld.idx.msk [tilespmem:v10+s16+$0x0], $0xffff  }
0x448: {  	v10 =	vor.u32 v6, v9;
	_ =	sdelay $0x3  }
0x449: {  	[tilespmem:s5+$0x10] =	vst v8  }
0x44a: {  	v8 =	vld.idx.msk [tilespmem:v10+s16+$0x0], $0xffff  }
0x44b: {  	v9 =	vor.u32 v7, v9;
	_ =	sdelay $0x3  }
0x44c: {  	[tilespmem:s5+$0x20] =	vst v8  }
0x44d: {  	v8 =	vld.idx.msk [tilespmem:v9+s16+$0x0], $0xffff;
	_ =	sdelay $0x4  }
0x44e: {  	s10 =	simm.s32 $0x0;
	s7 =	rddreg [dreg:$0x18];
	[tilespmem:s5+$0x30] =	vst v8  }
0x44f: {  	[hbm4b:s7+s10] =	stream.linear.scatter [tilespmem:s25], [sflag:$0x6], $0x400, $0x38;
	[tilespmem:$0xC400] =	vst v63  }
0x450: {  	s11 =	rddreg [dreg:$0x19]  }
0x451: {  	[hbm4b:s11+s10] =	stream.linear.scatter [tilespmem:s26], [sflag:$0x6], $0x400, $0x38;
	[tilespmem:$0xC400] =	vst v63  }
0x452: {  	s12 =	rddreg [dreg:$0x1a]  }
0x453: {  	[hbm4b:s12+s10] =	stream.linear.scatter [tilespmem:s28], [sflag:$0x6], $0x400, $0x38;
	[tilespmem:$0xC400] =	vst v63  }
0x454: {  	s13 =	rddreg [dreg:$0x1b]  }
0x455: {  	[hbm4b:s13+s10] =	stream.linear.scatter [tilespmem:s29], [sflag:$0x6], $0x400, $0x38;
	[tilespmem:$0xC400] =	vst v63  }
0x456: {  	_ =	swait.ge [sflag:s30], $0x1000  }
0x457: {  	[sflag:s30] =	ssyncset.done $0x0  }
0x458: {  	[sflag:s30] =	ssyncadd.s32 $0xFFFFF000  }
0x459: {  	_ =	swait.ge [sflag:s31], $0x400  }
0x45a: {  	[sflag:s31] =	ssyncset.done $0x0  }
0x45b: {  	[sflag:s31] =	ssyncadd.s32 $0xFFFFFC00  }
0x45c: {  	v8 =	vmov s10;
	_ =	swait.ge [sflag:s31], $0x400  }
0x45d: {  	v8 =	vand.u32 $0x1F, v8;
	[sflag:s31] =	ssyncset.done $0x0  }
0x45e: {  	v8 =	vbroadcast v8, $0x0;
	[sflag:s31] =	ssyncadd.s32 $0xFFFFFC00  }
0x45f: {  	_ =	swait.ge [sflag:s31], $0x400  }
0x460: {  	v9 =	vor.u32 v0, v8;
	[sflag:s31] =	ssyncset.done $0x0  }
0x461: {  	[sflag:s31] =	ssyncadd.s32 $0xFFFFFC00  }
0x462: {  	_ =	swait.ge [sflag:s31], $0x400  }
0x463: {  	[sflag:s31] =	ssyncset.done $0x0  }
0x464: {  	[sflag:s31] =	ssyncadd.s32 $0xFFFFFC00  }
0x465: {  	v9 =	vld.idx.msk [tilespmem:v9+s17+$0x0], $0xffff  }
0x466: {  	v10 =	vor.u32 v1, v8;
	_ =	sdelay $0x2  }
0x467: {  	s8 =	simm.s32 $0xA440  }
0x468: {  	[tilespmem:s8+$0xFFFFFFC0] =	vst v9  }
0x469: {  	v9 =	vld.idx.msk [tilespmem:v10+s17+$0x0], $0xffff  }
0x46a: {  	v10 =	vor.u32 v2, v8;
	_ =	sdelay $0x3  }
0x46b: {  	[tilespmem:s8+$0xFFFFFFD0] =	vst v9  }
0x46c: {  	v9 =	vld.idx.msk [tilespmem:v10+s17+$0x0], $0xffff  }
0x46d: {  	v10 =	vor.u32 v3, v8;
	_ =	sdelay $0x3  }
0x46e: {  	[tilespmem:s8+$0xFFFFFFE0] =	vst v9  }
0x46f: {  	v9 =	vld.idx.msk [tilespmem:v10+s17+$0x0], $0xffff  }
0x470: {  	v10 =	vor.u32 v4, v8;
	_ =	sdelay $0x3  }
0x471: {  	[tilespmem:s8+$0xFFFFFFF0] =	vst v9  }
0x472: {  	v9 =	vld.idx.msk [tilespmem:v10+s17+$0x0], $0xffff  }
0x473: {  	v10 =	vor.u32 v5, v8;
	_ =	sdelay $0x3  }
0x474: {  	[tilespmem:s8+$0x0] =	vst v9  }
0x475: {  	v9 =	vld.idx.msk [tilespmem:v10+s17+$0x0], $0xffff  }
0x476: {  	v10 =	vor.u32 v6, v8;
	_ =	sdelay $0x3  }
0x477: {  	[tilespmem:s8+$0x10] =	vst v9  }
0x478: {  	v9 =	vld.idx.msk [tilespmem:v10+s17+$0x0], $0xffff  }
0x479: {  	v8 =	vor.u32 v7, v8;
	_ =	sdelay $0x1  }
0x47a: {  	s20 =	simm.s32 $0x1  }
0x47b: {  	s9 =	simm.s32 $0x2;
	v10 =	vmov s20  }
.LBB2_24:
0x47c: {  	p0 =	sne.s32 s9, $0x1F;
	v10 =	vand.u32 $0x1F, v10;
	[tilespmem:s8+$0x20] =	vst v9  }
0x47d: {  	v10 =	vbroadcast v10, $0x0;
	v8 =	vld.idx.msk [tilespmem:v8+s17+$0x0], $0xffff;
	_ =	sdelay $0x1  }
0x47e: {  	v9 =	vor.u32 v0, v10;
	_ =	sdelay $0x3  }
0x47f: {  	[tilespmem:s8+$0x30] =	vst v8  }
0x480: {  	v8 =	vld.idx.msk [tilespmem:v9+s17+$0x0], $0xffff;
	_ =	sdelay $0x1  }
0x481: {  	v9 =	vor.u32 v1, v10;
	_ =	sdelay $0x2  }
0x482: {  	s8 =	sadd.s32 $0x80, s8  }
0x483: {  	[tilespmem:s8+$0xFFFFFFC0] =	vst v8  }
0x484: {  	v8 =	vld.idx.msk [tilespmem:v9+s17+$0x0], $0xffff;
	_ =	sdelay $0x1  }
0x485: {  	v9 =	vor.u32 v2, v10;
	_ =	sdelay $0x3  }
0x486: {  	[tilespmem:s8+$0xFFFFFFD0] =	vst v8  }
0x487: {  	v8 =	vld.idx.msk [tilespmem:v9+s17+$0x0], $0xffff;
	_ =	sdelay $0x1  }
0x488: {  	v9 =	vor.u32 v3, v10;
	_ =	sdelay $0x3  }
0x489: {  	[tilespmem:s8+$0xFFFFFFE0] =	vst v8  }
0x48a: {  	v8 =	vld.idx.msk [tilespmem:v9+s17+$0x0], $0xffff;
	_ =	sdelay $0x1  }
0x48b: {  	v9 =	vor.u32 v4, v10;
	_ =	sdelay $0x3  }
0x48c: {  	[tilespmem:s8+$0xFFFFFFF0] =	vst v8  }
0x48d: {  	v8 =	vld.idx.msk [tilespmem:v9+s17+$0x0], $0xffff;
	_ =	sdelay $0x1  }
0x48e: {  	v9 =	vor.u32 v5, v10;
	_ =	sdelay $0x3  }
0x48f: {  	[tilespmem:s8+$0x0] =	vst v8  }
0x490: {  	v8 =	vld.idx.msk [tilespmem:v9+s17+$0x0], $0xffff;
	_ =	sdelay $0x1  }
0x491: {  	v9 =	vor.u32 v6, v10;
	_ =	sdelay $0x3  }
0x492: {  	[tilespmem:s8+$0x10] =	vst v8  }
0x493: {  	v9 =	vld.idx.msk [tilespmem:v9+s17+$0x0], $0xffff  }
.Ltmp11:
0x494: {  	(pc) =	sbr.rel @p0 .LBB2_24-.Ltmp11, $2  }
0x495: {  	v8 =	vor.u32 v7, v10;
	_ =	sdelay $0x2  }
0x496: {  	v10 =	vmov s9;
	s9 =	sadd.s32 $0x1, s9  }
0x497: {  	_ =	sdelay $0x1  }
0x498: {  	v10 =	vand.u32 $0x1F, v10  }
0x499: {  	[tilespmem:s8+$0x20] =	vst v9;
	v9 =	vbroadcast v10, $0x0  }
0x49a: {  	v8 =	vld.idx.msk [tilespmem:v8+s17+$0x0], $0xffff  }
0x49b: {  	v10 =	vor.u32 v0, v9;
	_ =	sdelay $0x3  }
0x49c: {  	[tilespmem:s8+$0x30] =	vst v8  }
0x49d: {  	v8 =	vld.idx.msk [tilespmem:v10+s17+$0x0], $0xffff  }
0x49e: {  	v10 =	vor.u32 v1, v9;
	_ =	sdelay $0x2  }
0x49f: {  	s5 =	sadd.s32 $0x80, s8  }
0x4a0: {  	[tilespmem:s5+$0xFFFFFFC0] =	vst v8  }
0x4a1: {  	v8 =	vld.idx.msk [tilespmem:v10+s17+$0x0], $0xffff  }
0x4a2: {  	v10 =	vor.u32 v2, v9;
	_ =	sdelay $0x3  }
0x4a3: {  	[tilespmem:s5+$0xFFFFFFD0] =	vst v8  }
0x4a4: {  	v8 =	vld.idx.msk [tilespmem:v10+s17+$0x0], $0xffff  }
0x4a5: {  	v10 =	vor.u32 v3, v9;
	_ =	sdelay $0x3  }
0x4a6: {  	[tilespmem:s5+$0xFFFFFFE0] =	vst v8  }
0x4a7: {  	v8 =	vld.idx.msk [tilespmem:v10+s17+$0x0], $0xffff  }
0x4a8: {  	v10 =	vor.u32 v4, v9;
	_ =	sdelay $0x3  }
0x4a9: {  	[tilespmem:s5+$0xFFFFFFF0] =	vst v8  }
0x4aa: {  	v8 =	vld.idx.msk [tilespmem:v10+s17+$0x0], $0xffff  }
0x4ab: {  	v10 =	vor.u32 v5, v9;
	_ =	sdelay $0x3  }
0x4ac: {  	[tilespmem:s5+$0x0] =	vst v8  }
0x4ad: {  	v8 =	vld.idx.msk [tilespmem:v10+s17+$0x0], $0xffff  }
0x4ae: {  	v10 =	vor.u32 v6, v9;
	_ =	sdelay $0x3  }
0x4af: {  	[tilespmem:s5+$0x10] =	vst v8  }
0x4b0: {  	v8 =	vld.idx.msk [tilespmem:v10+s17+$0x0], $0xffff  }
0x4b1: {  	v9 =	vor.u32 v7, v9;
	_ =	sdelay $0x3  }
0x4b2: {  	[tilespmem:s5+$0x20] =	vst v8  }
0x4b3: {  	v8 =	vld.idx.msk [tilespmem:v9+s17+$0x0], $0xffff;
	_ =	sdelay $0x4  }
0x4b4: {  	s9 =	simm.s32 $0x0;
	s7 =	rddreg [dreg:$0x1c];
	s10 =	simm.s32 $0xA400;
	[tilespmem:s5+$0x30] =	vst v8  }
0x4b5: {  	[hbm4b:s7+s9] =	stream.linear.scatter [tilespmem:s10], [sflag:$0x5], $0x400, $0x38;
	[tilespmem:$0xC400] =	vst v63  }
0x4b6: {  	s11 =	rddreg [dreg:$0x1d]  }
0x4b7: {  	[hbm4b:s11+s9] =	stream.linear.scatter [tilespmem:s21], [sflag:$0x5], $0x400, $0x38;
	[tilespmem:$0xC400] =	vst v63  }
0x4b8: {  	s12 =	rddreg [dreg:$0x1e]  }
0x4b9: {  	[hbm4b:s12+s9] =	stream.linear.scatter [tilespmem:s22], [sflag:$0x5], $0x400, $0x38;
	[tilespmem:$0xC400] =	vst v63  }
0x4ba: {  	s13 =	rddreg [dreg:$0x1f]  }
0x4bb: {  	[hbm4b:s13+s9] =	stream.linear.scatter [tilespmem:s23], [sflag:$0x5], $0x400, $0x38;
	[tilespmem:$0xC400] =	vst v63  }
0x4bc: {  	_ =	swait.ge [sflag:s0], $0x1000  }
0x4bd: {  	[sflag:s0] =	ssyncset.done $0x0  }
0x4be: {  	[sflag:s0] =	ssyncadd.s32 $0xFFFFF000  }
0x4bf: {  	_ =	swait.ge [sflag:s1], $0x400  }
0x4c0: {  	[sflag:s1] =	ssyncset.done $0x0  }
0x4c1: {  	[sflag:s1] =	ssyncadd.s32 $0xFFFFFC00  }
0x4c2: {  	v8 =	vmov s9;
	_ =	swait.ge [sflag:s1], $0x400  }
0x4c3: {  	v8 =	vand.u32 $0x1F, v8;
	[sflag:s1] =	ssyncset.done $0x0  }
0x4c4: {  	v8 =	vbroadcast v8, $0x0;
	[sflag:s1] =	ssyncadd.s32 $0xFFFFFC00  }
0x4c5: {  	_ =	swait.ge [sflag:s1], $0x400  }
0x4c6: {  	v9 =	vor.u32 v0, v8;
	[sflag:s1] =	ssyncset.done $0x0  }
0x4c7: {  	[sflag:s1] =	ssyncadd.s32 $0xFFFFFC00  }
0x4c8: {  	_ =	swait.ge [sflag:s1], $0x400  }
0x4c9: {  	[sflag:s1] =	ssyncset.done $0x0  }
0x4ca: {  	[sflag:s1] =	ssyncadd.s32 $0xFFFFFC00  }
0x4cb: {  	v9 =	vld.idx.msk [tilespmem:v9+s18+$0x0], $0xffff  }
0x4cc: {  	v10 =	vor.u32 v1, v8;
	_ =	sdelay $0x2  }
0x4cd: {  	s8 =	simm.s32 $0xB440  }
0x4ce: {  	[tilespmem:s8+$0xFFFFFFC0] =	vst v9  }
0x4cf: {  	v9 =	vld.idx.msk [tilespmem:v10+s18+$0x0], $0xffff  }
0x4d0: {  	v10 =	vor.u32 v2, v8;
	_ =	sdelay $0x3  }
0x4d1: {  	[tilespmem:s8+$0xFFFFFFD0] =	vst v9  }
0x4d2: {  	v9 =	vld.idx.msk [tilespmem:v10+s18+$0x0], $0xffff  }
0x4d3: {  	v10 =	vor.u32 v3, v8;
	_ =	sdelay $0x3  }
0x4d4: {  	[tilespmem:s8+$0xFFFFFFE0] =	vst v9  }
0x4d5: {  	v9 =	vld.idx.msk [tilespmem:v10+s18+$0x0], $0xffff  }
0x4d6: {  	v10 =	vor.u32 v4, v8;
	_ =	sdelay $0x3  }
0x4d7: {  	[tilespmem:s8+$0xFFFFFFF0] =	vst v9  }
0x4d8: {  	v9 =	vld.idx.msk [tilespmem:v10+s18+$0x0], $0xffff  }
0x4d9: {  	v10 =	vor.u32 v5, v8;
	_ =	sdelay $0x3  }
0x4da: {  	[tilespmem:s8+$0x0] =	vst v9  }
0x4db: {  	v9 =	vld.idx.msk [tilespmem:v10+s18+$0x0], $0xffff  }
0x4dc: {  	v10 =	vor.u32 v6, v8;
	_ =	sdelay $0x3  }
0x4dd: {  	[tilespmem:s8+$0x10] =	vst v9  }
0x4de: {  	v9 =	vld.idx.msk [tilespmem:v10+s18+$0x0], $0xffff  }
0x4df: {  	v8 =	vor.u32 v7, v8;
	_ =	sdelay $0x1  }
0x4e0: {  	s20 =	simm.s32 $0x1  }
0x4e1: {  	s9 =	simm.s32 $0x2;
	v10 =	vmov s20  }
.LBB2_26:
0x4e2: {  	p0 =	sne.s32 s9, $0x1F;
	v10 =	vand.u32 $0x1F, v10;
	[tilespmem:s8+$0x20] =	vst v9  }
0x4e3: {  	v10 =	vbroadcast v10, $0x0;
	v8 =	vld.idx.msk [tilespmem:v8+s18+$0x0], $0xffff;
	_ =	sdelay $0x1  }
0x4e4: {  	v9 =	vor.u32 v0, v10;
	_ =	sdelay $0x3  }
0x4e5: {  	[tilespmem:s8+$0x30] =	vst v8  }
0x4e6: {  	v8 =	vld.idx.msk [tilespmem:v9+s18+$0x0], $0xffff;
	_ =	sdelay $0x1  }
0x4e7: {  	v9 =	vor.u32 v1, v10;
	_ =	sdelay $0x2  }
0x4e8: {  	s8 =	sadd.s32 $0x80, s8  }
0x4e9: {  	[tilespmem:s8+$0xFFFFFFC0] =	vst v8  }
0x4ea: {  	v8 =	vld.idx.msk [tilespmem:v9+s18+$0x0], $0xffff;
	_ =	sdelay $0x1  }
0x4eb: {  	v9 =	vor.u32 v2, v10;
	_ =	sdelay $0x3  }
0x4ec: {  	[tilespmem:s8+$0xFFFFFFD0] =	vst v8  }
0x4ed: {  	v8 =	vld.idx.msk [tilespmem:v9+s18+$0x0], $0xffff;
	_ =	sdelay $0x1  }
0x4ee: {  	v9 =	vor.u32 v3, v10;
	_ =	sdelay $0x3  }
0x4ef: {  	[tilespmem:s8+$0xFFFFFFE0] =	vst v8  }
0x4f0: {  	v8 =	vld.idx.msk [tilespmem:v9+s18+$0x0], $0xffff;
	_ =	sdelay $0x1  }
0x4f1: {  	v9 =	vor.u32 v4, v10;
	_ =	sdelay $0x3  }
0x4f2: {  	[tilespmem:s8+$0xFFFFFFF0] =	vst v8  }
0x4f3: {  	v8 =	vld.idx.msk [tilespmem:v9+s18+$0x0], $0xffff;
	_ =	sdelay $0x1  }
0x4f4: {  	v9 =	vor.u32 v5, v10;
	_ =	sdelay $0x3  }
0x4f5: {  	[tilespmem:s8+$0x0] =	vst v8  }
0x4f6: {  	v8 =	vld.idx.msk [tilespmem:v9+s18+$0x0], $0xffff;
	_ =	sdelay $0x1  }
0x4f7: {  	v9 =	vor.u32 v6, v10;
	_ =	sdelay $0x3  }
0x4f8: {  	[tilespmem:s8+$0x10] =	vst v8  }
0x4f9: {  	v9 =	vld.idx.msk [tilespmem:v9+s18+$0x0], $0xffff  }
.Ltmp12:
0x4fa: {  	(pc) =	sbr.rel @p0 .LBB2_26-.Ltmp12, $2  }
0x4fb: {  	v8 =	vor.u32 v7, v10;
	_ =	sdelay $0x2  }
0x4fc: {  	v10 =	vmov s9;
	s9 =	sadd.s32 $0x1, s9  }
0x4fd: {  	_ =	sdelay $0x1  }
0x4fe: {  	v10 =	vand.u32 $0x1F, v10  }
0x4ff: {  	[tilespmem:s8+$0x20] =	vst v9;
	v57 =	vbroadcast v10, $0x0  }
0x500: {  	v8 =	vld.idx.msk [tilespmem:v8+s18+$0x0], $0xffff  }
0x501: {  	v10 =	vor.u32 v0, v57;
	_ =	sdelay $0x3  }
0x502: {  	[tilespmem:s8+$0x30] =	vst v8  }
0x503: {  	v8 =	vld.idx.msk [tilespmem:v10+s18+$0x0], $0xffff  }
0x504: {  	v58 =	vor.u32 v1, v57;
	_ =	sdelay $0x2  }
0x505: {  	s5 =	sadd.s32 $0x80, s8  }
0x506: {  	[tilespmem:s5+$0xFFFFFFC0] =	vst v8  }
0x507: {  	v8 =	vld.idx.msk [tilespmem:v58+s18+$0x0], $0xffff  }
0x508: {  	v59 =	vor.u32 v2, v57;
	_ =	sdelay $0x3  }
0x509: {  	[tilespmem:s5+$0xFFFFFFD0] =	vst v8  }
0x50a: {  	v8 =	vld.idx.msk [tilespmem:v59+s18+$0x0], $0xffff  }
0x50b: {  	v60 =	vor.u32 v3, v57;
	_ =	sdelay $0x3  }
0x50c: {  	[tilespmem:s5+$0xFFFFFFE0] =	vst v8  }
0x50d: {  	v8 =	vld.idx.msk [tilespmem:v60+s18+$0x0], $0xffff  }
0x50e: {  	v61 =	vor.u32 v4, v57;
	_ =	sdelay $0x3  }
0x50f: {  	[tilespmem:s5+$0xFFFFFFF0] =	vst v8  }
0x510: {  	v8 =	vld.idx.msk [tilespmem:v61+s18+$0x0], $0xffff  }
0x511: {  	v62 =	vor.u32 v5, v57;
	_ =	sdelay $0x3  }
0x512: {  	[tilespmem:s5+$0x0] =	vst v8  }
0x513: {  	v8 =	vld.idx.msk [tilespmem:v62+s18+$0x0], $0xffff  }
0x514: {  	v63 =	vor.u32 v6, v57;
	_ =	sdelay $0x3  }
0x515: {  	[tilespmem:s5+$0x10] =	vst v8  }
0x516: {  	v8 =	vld.idx.msk [tilespmem:v63+s18+$0x0], $0xffff  }
0x517: {  	v9 =	vor.u32 v7, v57;
	_ =	sdelay $0x3  }
0x518: {  	[tilespmem:s5+$0x20] =	vst v8  }
0x519: {  	v8 =	vld.idx.msk [tilespmem:v9+s18+$0x0], $0xffff;
	_ =	sdelay $0x2  }
0x51a: {  	s10 =	sld [smem:$0x7F9];
	_ =	sdelay $0x1  }
0x51b: {  	s11 =	sld [smem:$0x7FB];
	[tilespmem:s5+$0x30] =	vst v8  }
0x51c: {  	[hbm4b:s10+s3] =	stream.linear.scatter [tilespmem:s25], [sflag:$0x6], $0x400, $0x38;
	[tilespmem:$0xC400] =	vst v63  }
0x51d: {  	s12 =	sld [smem:$0x7FC]  }
0x51e: {  	[hbm4b:s11+s3] =	stream.linear.scatter [tilespmem:s26], [sflag:$0x6], $0x400, $0x38;
	[tilespmem:$0xC400] =	vst v63  }
0x51f: {  	s13 =	sld [smem:$0x7FD]  }
0x520: {  	[hbm4b:s12+s3] =	stream.linear.scatter [tilespmem:s28], [sflag:$0x6], $0x400, $0x38;
	[tilespmem:$0xC400] =	vst v63  }
0x521: {  	_ = 	snop  }
0x522: {  	[hbm4b:s13+s3] =	stream.linear.scatter [tilespmem:s29], [sflag:$0x6], $0x400, $0x38;
	[tilespmem:$0xC400] =	vst v63  }
0x523: {  	_ =	swait.ge [sflag:s31], $0x400  }
0x524: {  	[sflag:s31] =	ssyncset.done $0x0  }
0x525: {  	[sflag:s31] =	ssyncadd.s32 $0xFFFFFC00  }
0x526: {  	_ =	swait.ge [sflag:s31], $0x400  }
0x527: {  	[sflag:s31] =	ssyncset.done $0x0  }
0x528: {  	[sflag:s31] =	ssyncadd.s32 $0xFFFFFC00  }
0x529: {  	_ =	swait.ge [sflag:s31], $0x400  }
0x52a: {  	[sflag:s31] =	ssyncset.done $0x0  }
0x52b: {  	[sflag:s31] =	ssyncadd.s32 $0xFFFFFC00  }
0x52c: {  	_ =	swait.ge [sflag:s31], $0x400  }
0x52d: {  	[sflag:s31] =	ssyncset.done $0x0  }
0x52e: {  	[sflag:s31] =	ssyncadd.s32 $0xFFFFFC00  }
0x52f: {  	_ =	swait.ge [sflag:s1], $0x400  }
0x530: {  	[sflag:s1] =	ssyncset.done $0x0  }
0x531: {  	[sflag:s1] =	ssyncadd.s32 $0xFFFFFC00  }
0x532: {  	_ =	swait.ge [sflag:s1], $0x400  }
0x533: {  	[sflag:s1] =	ssyncset.done $0x0  }
0x534: {  	[sflag:s1] =	ssyncadd.s32 $0xFFFFFC00  }
0x535: {  	_ =	swait.ge [sflag:s1], $0x400  }
0x536: {  	[sflag:s1] =	ssyncset.done $0x0  }
0x537: {  	[sflag:s1] =	ssyncadd.s32 $0xFFFFFC00  }
0x538: {  	_ =	swait.ge [sflag:s1], $0x400  }
0x539: {  	s7 =	sld [smem:$0x7F8]  }
0x53a: {  	s20 =	sld [smem:$0x7FA];
	_ =	sdelay $0x1  }
0x53b: {  	s7 =	sadd.s32 $0x1, s7  }
0x53c: {  	p0 =	sne.s32 s7, s20  }
.Ltmp13:
0x53d: {  	_ = 	snop;
	(pc) =	sbr.rel @p0 .LBB2_1-.Ltmp13, $3  }
0x53e: {  	_ =	sdelay $0x1  }
0x53f: {  	[sflag:s1] =	ssyncset.done $0x0  }
0x540: {  	[sflag:s1] =	ssyncadd.s32 $0xFFFFFC00  }
0x541: {  	_ =	sfence.sel $0x180000  }
0x542: {  	[bflag:$0x0] =	sbarrier.arrive $0xFFFF  }
0x543: {  	_ =	strace $0x90000047  }
0x544: {  	s0 =	stileid.u32;
	[bflag:$0x2] =	sbarrier.arrive $0xFFFF  }
0x545: {  	p0 =	sne.s32 s0, $0x0;
	s0 =	rddreg [dreg:$0x2]  }
0x546: {  	s0 =	sadd.s32 @!p0 $0x100000, s0  }
0x547: {  	[sflag:s0] =	ssyncadd.tile.s32 @!p0 $0x1;
	_ =	shalt  }
.Lfunc_end2:
_tile_overlayer_lowered:
.L_overlay_start_2:
0x548: {  	(tag) =	ssettag $0x2  }
0x549: {  	s0 =	rddreg [dreg:$0x0];
	s2 =	stileid.u32  }
0x54a: {  	s1 =	rddreg [dreg:$0x1];
	p0 =	sne.s32 s2, $0x0  }
0x54b: {  	s3 =	rddreg [dreg:$0x2];
	[bflag:$0x3] =	sbarrier.arrive $0xFFFF;
	s2 =	simm.s32 @!p0 $0x1C07  }
0x54c: {  	[timem:s3], [sflag:s2] =	dma.local @!p0 [hbm:s0], s1  }
0x54d: {  	s0 =	simm.s32 @!p0 $0x7  }
0x54e: {  	_ =	swait.ge @!p0 [sflag:s0], s1  }
0x54f: {  	s1 =	ssub.s32 @!p0 $0x0, s1;
	[sflag:s0] =	ssyncset.done @!p0 $0x0  }
0x550: {  	[sflag:s0] =	ssyncadd.s32 @!p0 s1  }
0x551: {  	[bflag:$0x3] =	sbarrier.arrive $0xFFFF  }
0x552: {  	_ =	shalt  }

</sc_bundles>
